<compile_context>
chip_gen: v7x
topology: tpu7x:2x2x1
jax: 0.10.2.dev20260603
libtpu: 0.0.44.dev20260713+nightly
codegen_flags: <defaults>
</compile_context>

<pallas_src>
import functools

import jax
import jax.numpy as jnp
from jax import lax
from jax.experimental import pallas as pl
from jax.experimental.pallas import tpu as pltpu
from jax.experimental.pallas import tpu_sc as plsc

NC, NS = 2, 16
NW = NC * NS
D = 32
NB = 16384
NSQ = 50
CB = 1024
NBC = NB // CB
UNITS = NSQ * NBC
UPW = UNITS // NW
NG = CB // 128
DBLK = D // 8
BLK = CB // 128
TP = 133
TR = DBLK * BLK * 8


def _emb_body(xt_hbm, w_hbm, out_hbm, idx_v, rows_v, t_v, sem_a, sem_b, sem_o):
    wid = lax.axis_index("s") * NC + lax.axis_index("c")
    u0 = wid * UPW
    iota16 = lax.broadcasted_iota(jnp.int32, (16,), 0)
    pat_lo = (iota16 // 8) * (BLK * 8) + (iota16 % 8)

    def fire(u, buf, sem):
        s_idx = u // NBC
        b0 = (u % NBC) * CB
        pltpu.sync_copy(xt_hbm.at[s_idx, pl.ds(b0, CB)], idx_v.at[buf])
        for k in range(NG):
            pltpu.async_copy(
                w_hbm.at[idx_v.at[buf, pl.ds(k * 128, 128)]],
                rows_v.at[buf, pl.ds(k * 128, 128)],
                sem,
            )

    def drain(buf, sem):
        for k in range(NG):
            pltpu.make_async_copy(
                w_hbm.at[pl.ds(0, 128)],
                rows_v.at[buf, pl.ds(k * 128, 128)],
                sem,
            ).wait()

    def drain_out(u):
        s_idx = u // NBC
        bc = u % NBC
        for dblk in range(DBLK):
            for bl in range(BLK):
                pltpu.make_async_copy(
                    t_v.at[pl.ds((dblk * BLK + bl) * 8, 8), pl.ds(0, 128)],
                    out_hbm.at[s_idx, dblk, bc * BLK + bl],
                    sem_o,
                ).wait()

    fire(u0, 0, sem_a)

    def body(i, carry):
        u = u0 + i
        cbuf = lax.rem(i, 2)
        nbuf = lax.rem(i + 1, 2)

        @pl.when(i < UPW - 1)
        def _():
            @pl.when(nbuf == 0)
            def _():
                fire(u + 1, 0, sem_a)

            @pl.when(nbuf == 1)
            def _():
                fire(u + 1, 1, sem_b)

        @pl.when(cbuf == 0)
        def _():
            drain(0, sem_a)

        @pl.when(cbuf == 1)
        def _():
            drain(1, sem_b)

        @pl.when(i > 0)
        def _():
            drain_out(u - 1)

        def bl_body(bl, c2):
            row_lo = pat_lo + bl * 8
            row_hi = row_lo + 2 * (BLK * 8)

            def j_body(jg, c3):
                for jj in range(16):
                    j = jg * 16 + jj
                    r = bl * 128 + j
                    colj = jnp.full((16,), j, jnp.int32)
                    v_lo = rows_v[cbuf, r, pl.ds(0, 16)]
                    v_hi = rows_v[cbuf, r, pl.ds(16, 16)]
                    plsc.store_scatter(t_v, [row_lo, colj], v_lo)
                    plsc.store_scatter(t_v, [row_hi, colj], v_hi)
                return c3

            lax.fori_loop(0, 8, j_body, 0)
            return c2

        lax.fori_loop(0, BLK, bl_body, 0)

        s_idx = u // NBC
        bc = u % NBC
        for dblk in range(DBLK):
            for bl in range(BLK):
                pltpu.async_copy(
                    t_v.at[pl.ds((dblk * BLK + bl) * 8, 8), pl.ds(0, 128)],
                    out_hbm.at[s_idx, dblk, bc * BLK + bl],
                    sem_o,
                )
        return carry

    lax.fori_loop(0, UPW, body, 0)
    drain_out(u0 + UPW - 1)


@functools.partial(
    pl.kernel,
    out_type=jax.ShapeDtypeStruct((NSQ, DBLK, NB // 128, 8, 128), jnp.float32),
    mesh=plsc.VectorSubcoreMesh(
        core_axis_name="c", subcore_axis_name="s", num_cores=NC, num_subcores=NS
    ),
    scratch_types=[
        pltpu.VMEM((2, CB), jnp.int32),
        pltpu.VMEM((2, CB, D), jnp.float32),
        pltpu.VMEM((TR, TP), jnp.float32),
        pltpu.SemaphoreType.DMA,
        pltpu.SemaphoreType.DMA,
        pltpu.SemaphoreType.DMA,
    ],
    compiler_params=pltpu.CompilerParams(
        use_tc_tiling_on_sc=False, needs_layout_passes=False
    ),
)
def _emb_lookup(xt_hbm, w_hbm, out_hbm, idx_v, rows_v, t_v, sem_a, sem_b, sem_o):
    _emb_body(xt_hbm, w_hbm, out_hbm, idx_v, rows_v, t_v, sem_a, sem_b, sem_o)


def kernel(x, weight):
    xt = x.T.astype(jnp.int32)
    o5 = _emb_lookup(xt, weight)
    return o5.transpose(2, 4, 0, 1, 3).reshape(NB, NSQ, D)

# --- scband reference (transcript-rebuilt; emitter-appended) ---
"""Pipeline reference for scband-embedding-12060268167781 (READ-ONLY COPY).

The authoritative reference and input builder live on the scoring server;
editing this copy changes nothing except your own understanding.
"""

import jax, jax.numpy as jnp
import numpy as np

NUM_EMBEDDINGS = 1000000
EMBEDDING_DIM = 32


def setup_inputs(seed: int = 0) -> dict:
    key = jax.random.key(seed)
    k_idx, k_w = jax.random.split(key)
    x = jax.random.randint(k_idx, (16384, 50), 0, NUM_EMBEDDINGS, dtype=jnp.int64 if jax.config.jax_enable_x64 else jnp.int32)
    weight = jax.random.normal(k_w, (NUM_EMBEDDINGS, EMBEDDING_DIM), dtype=jnp.float32) * (EMBEDDING_DIM ** -0.5)
    return {"x": x, "weight": weight}


def reference(x, weight):
    # weight[x]: gather rows of the embedding table
    return jnp.take(weight, x, axis=0)

if __name__ == "__main__":
    import jax
    _d = setup_inputs()
    print(jax.jit(kernel)(*tuple(_d.values())))

</pallas_src>

<mosaic_0001>
#map = affine_map<(d0, d1) -> (0, 0)>
#map1 = affine_map<(d0, d1) -> (0, 0, 0, 0, 0)>
module attributes {stable_mosaic.version = 14 : i64} {
  func.func @_emb_lookup(%arg0: i32, %arg1: i32, %arg2: memref<50x16384xi32, #tpu.memory_space<hbm>>, %arg3: memref<1000000x32xf32, #tpu.memory_space<hbm>>, %arg4: memref<50x4x128x8x128xf32, #tpu.memory_space<hbm>>, %arg5: memref<2x1024xi32, #tpu.memory_space<vmem>>, %arg6: memref<2x1024x32xf32, #tpu.memory_space<vmem>>, %arg7: memref<256x133xf32, #tpu.memory_space<vmem>>, %arg8: memref<!tpu.dma_semaphore, #tpu.memory_space<semaphore_mem>>, %arg9: memref<!tpu.dma_semaphore, #tpu.memory_space<semaphore_mem>>, %arg10: memref<!tpu.dma_semaphore, #tpu.memory_space<semaphore_mem>>) attributes {dimension_semantics = [#tpu.dimension_semantics<core_parallel>, #tpu.dimension_semantics<subcore_parallel>], iteration_bounds = array<i64: 2, 16>, scalar_prefetch = 0 : i64, scratch_operands = 6 : i64, tpu.core_type = #tpu.core_type<sc_vector_subcore>, window_params = [{transform_indices = #map}, {transform_indices = #map}, {transform_indices = #map1}]} {
    %mul3A = arith.constant 2 : i32
    %mul3A_0 = arith.muli %arg1, %mul3A : i32
    %add3A = arith.addi %mul3A_0, %arg0 : i32
    %mul3A_1 = arith.constant 25 : i32
    %mul3A_2 = arith.muli %add3A, %mul3A_1 : i32
    %iota3A = tpu.iota {dimensions = array<i32: 0>} : vector<16xi32>
    %jit3A = arith.constant 8 : i32
    %div3A = vector.broadcast %jit3A : i32 to vector<16xi32>
    %div3A_3 = arith.divsi %iota3A, %div3A : vector<16xi32>
    %sign3A = arith.constant 0 : i32
    %sign3A_4 = vector.broadcast %sign3A : i32 to vector<16xi32>
    %sign3A_5 = arith.cmpi sgt, %iota3A, %sign3A_4 : vector<16xi32>
    %sign3A_6 = arith.extui %sign3A_5 : vector<16xi1> to vector<16xi32>
    %sign3A_7 = arith.constant 0 : i32
    %sign3A_8 = vector.broadcast %sign3A_7 : i32 to vector<16xi32>
    %sign3A_9 = arith.cmpi slt, %iota3A, %sign3A_8 : vector<16xi32>
    %sign3A_10 = arith.extui %sign3A_9 : vector<16xi1> to vector<16xi32>
    %sign3A_11 = arith.subi %sign3A_6, %sign3A_10 : vector<16xi32>
    %sign3A_12 = arith.constant 0 : i32
    %sign3A_13 = arith.cmpi sgt, %jit3A, %sign3A_12 : i32
    %sign3A_14 = arith.extui %sign3A_13 : i1 to i32
    %sign3A_15 = arith.constant 0 : i32
    %sign3A_16 = arith.cmpi slt, %jit3A, %sign3A_15 : i32
    %sign3A_17 = arith.extui %sign3A_16 : i1 to i32
    %sign3A_18 = arith.subi %sign3A_14, %sign3A_17 : i32
    %ne3A = vector.broadcast %sign3A_18 : i32 to vector<16xi32>
    %ne3A_19 = arith.cmpi ne, %sign3A_11, %ne3A : vector<16xi32>
    %rem3A = vector.broadcast %jit3A : i32 to vector<16xi32>
    %rem3A_20 = arith.remsi %iota3A, %rem3A : vector<16xi32>
    %ne3A_21 = arith.constant 0 : i32
    %ne3A_22 = vector.broadcast %ne3A_21 : i32 to vector<16xi32>
    %ne3A_23 = arith.cmpi ne, %rem3A_20, %ne3A_22 : vector<16xi32>
    %and3A = arith.andi %ne3A_19, %ne3A_23 : vector<16xi1>
    %sub3A = arith.constant 1 : i32
    %sub3A_24 = vector.broadcast %sub3A : i32 to vector<16xi32>
    %sub3A_25 = arith.subi %div3A_3, %sub3A_24 : vector<16xi32>
    %select_n3A = arith.select %and3A, %sub3A_25, %div3A_3 : vector<16xi1>, vector<16xi32>
    %mul3A_26 = arith.constant 64 : i32
    %mul3A_27 = vector.broadcast %mul3A_26 : i32 to vector<16xi32>
    %mul3A_28 = arith.muli %select_n3A, %mul3A_27 : vector<16xi32>
    %jit3A_29 = arith.constant 8 : i32
    %eq3A = arith.constant 0 : i32
    %eq3A_30 = arith.cmpi eq, %jit3A_29, %eq3A : i32
    %jit3A_31 = arith.constant 1 : i32
    %select_n3A_32 = arith.select %eq3A_30, %jit3A_31, %jit3A_29 : i32
    %rem3A_33 = vector.broadcast %select_n3A_32 : i32 to vector<16xi32>
    %rem3A_34 = arith.remsi %iota3A, %rem3A_33 : vector<16xi32>
    %ne3A_35 = arith.constant 0 : i32
    %ne3A_36 = vector.broadcast %ne3A_35 : i32 to vector<16xi32>
    %ne3A_37 = arith.cmpi ne, %rem3A_34, %ne3A_36 : vector<16xi32>
    %lt3A = arith.constant 0 : i32
    %lt3A_38 = vector.broadcast %lt3A : i32 to vector<16xi32>
    %lt3A_39 = arith.cmpi slt, %rem3A_34, %lt3A_38 : vector<16xi32>
    %lt3A_40 = arith.constant 0 : i32
    %lt3A_41 = arith.cmpi slt, %select_n3A_32, %lt3A_40 : i32
    %ne3A_42 = vector.broadcast %lt3A_41 : i1 to vector<16xi1>
    %ne3A_43 = vector.broadcast %ne3A_42 : vector<16xi1> to vector<16xi1>
    %ne3A_44 = arith.xori %lt3A_39, %ne3A_43 : vector<16xi1>
    %and3A_45 = arith.andi %ne3A_44, %ne3A_37 : vector<16xi1>
    %add3A_46 = vector.broadcast %select_n3A_32 : i32 to vector<16xi32>
    %add3A_47 = arith.addi %rem3A_34, %add3A_46 : vector<16xi32>
    %select_n3A_48 = arith.select %and3A_45, %add3A_47, %rem3A_34 : vector<16xi1>, vector<16xi32>
    %add3A_49 = arith.addi %mul3A_28, %select_n3A_48 : vector<16xi32>
    %jit3A_50 = arith.constant 16 : i32
    %div3A_51 = arith.divsi %mul3A_2, %jit3A_50 : i32
    %sign3A_52 = arith.constant 0 : i32
    %sign3A_53 = arith.cmpi sgt, %mul3A_2, %sign3A_52 : i32
    %sign3A_54 = arith.extui %sign3A_53 : i1 to i32
    %sign3A_55 = arith.constant 0 : i32
    %sign3A_56 = arith.cmpi slt, %mul3A_2, %sign3A_55 : i32
    %sign3A_57 = arith.extui %sign3A_56 : i1 to i32
    %sign3A_58 = arith.subi %sign3A_54, %sign3A_57 : i32
    %sign3A_59 = arith.constant 0 : i32
    %sign3A_60 = arith.cmpi sgt, %jit3A_50, %sign3A_59 : i32
    %sign3A_61 = arith.extui %sign3A_60 : i1 to i32
    %sign3A_62 = arith.constant 0 : i32
    %sign3A_63 = arith.cmpi slt, %jit3A_50, %sign3A_62 : i32
    %sign3A_64 = arith.extui %sign3A_63 : i1 to i32
    %sign3A_65 = arith.subi %sign3A_61, %sign3A_64 : i32
    %ne3A_66 = arith.cmpi ne, %sign3A_58, %sign3A_65 : i32
    %rem3A_67 = arith.remsi %mul3A_2, %jit3A_50 : i32
    %ne3A_68 = arith.constant 0 : i32
    %ne3A_69 = arith.cmpi ne, %rem3A_67, %ne3A_68 : i32
    %and3A_70 = arith.andi %ne3A_66, %ne3A_69 : i1
    %sub3A_71 = arith.constant 1 : i32
    %sub3A_72 = arith.subi %div3A_51, %sub3A_71 : i32
    %select_n3A_73 = arith.select %and3A_70, %sub3A_72, %div3A_51 : i32
    %jit3A_74 = arith.constant 16 : i32
    %eq3A_75 = arith.constant 0 : i32
    %eq3A_76 = arith.cmpi eq, %jit3A_74, %eq3A_75 : i32
    %jit3A_77 = arith.constant 1 : i32
    %select_n3A_78 = arith.select %eq3A_76, %jit3A_77, %jit3A_74 : i32
    %rem3A_79 = arith.remsi %mul3A_2, %select_n3A_78 : i32
    %ne3A_80 = arith.constant 0 : i32
    %ne3A_81 = arith.cmpi ne, %rem3A_79, %ne3A_80 : i32
    %lt3A_82 = arith.constant 0 : i32
    %lt3A_83 = arith.cmpi slt, %rem3A_79, %lt3A_82 : i32
    %lt3A_84 = arith.constant 0 : i32
    %lt3A_85 = arith.cmpi slt, %select_n3A_78, %lt3A_84 : i32
    %ne3A_86 = arith.xori %lt3A_83, %lt3A_85 : i1
    %and3A_87 = arith.andi %ne3A_86, %ne3A_81 : i1
    %add3A_88 = arith.addi %rem3A_79, %select_n3A_78 : i32
    %select_n3A_89 = arith.select %and3A_87, %add3A_88, %rem3A_79 : i32
    %mul3A_90 = arith.constant 1024 : i32
    %mul3A_91 = arith.muli %select_n3A_89, %mul3A_90 : i32
    %run_scoped3A = arith.constant 0 : i32
    "tpu.region"() ({
      %run_scoped3A_843 = tpu.sem_alloc : memref<!tpu.dma_semaphore, #tpu.memory_space<semaphore_mem>>
      %dma_start3A_844 = arith.constant 0 : i32
      %dma_start3A_845 = tpu.memref_slice %arg5[%run_scoped3A, %dma_start3A_844] : memref<2x1024xi32, #tpu.memory_space<vmem>> -> memref<1x1024xi32, #tpu.memory_space<vmem>>
      %dma_start3A_846 = tpu.memref_squeeze %dma_start3A_845 : memref<1x1024xi32, #tpu.memory_space<vmem>> -> memref<1024xi32, #tpu.memory_space<vmem>>
      %dma_start3A_847 = tpu.memref_slice %arg2[%select_n3A_73, %mul3A_91] : memref<50x16384xi32, #tpu.memory_space<hbm>> -> memref<1x1024xi32, #tpu.memory_space<hbm>>
      %dma_start3A_848 = tpu.memref_squeeze %dma_start3A_847 : memref<1x1024xi32, #tpu.memory_space<hbm>> -> memref<1024xi32, #tpu.memory_space<hbm>>
      %dma_start3A_849 = arith.constant 0 : i32
      %dma_start3A_850 = tpu.memref_slice %arg5[%run_scoped3A, %dma_start3A_849] : memref<2x1024xi32, #tpu.memory_space<vmem>> -> memref<1x1024xi32, #tpu.memory_space<vmem>>
      %dma_start3A_851 = tpu.memref_squeeze %dma_start3A_850 : memref<1x1024xi32, #tpu.memory_space<vmem>> -> memref<1024xi32, #tpu.memory_space<vmem>>
      %dma_start3A_852 = tpu.memref_slice %arg2[%select_n3A_73, %mul3A_91] : memref<50x16384xi32, #tpu.memory_space<hbm>> -> memref<1x1024xi32, #tpu.memory_space<hbm>>
      %dma_start3A_853 = tpu.memref_squeeze %dma_start3A_852 : memref<1x1024xi32, #tpu.memory_space<hbm>> -> memref<1024xi32, #tpu.memory_space<hbm>>
      tpu.enqueue_dma source(%dma_start3A_853 : memref<1024xi32, #tpu.memory_space<hbm>>) target(%dma_start3A_851 : memref<1024xi32, #tpu.memory_space<vmem>>) target_semaphore(%run_scoped3A_843 : memref<!tpu.dma_semaphore, #tpu.memory_space<semaphore_mem>>)
      %dma_wait3A_854 = arith.constant 0 : i32
      %dma_wait3A_855 = tpu.memref_slice %arg5[%run_scoped3A, %dma_wait3A_854] : memref<2x1024xi32, #tpu.memory_space<vmem>> -> memref<1x1024xi32, #tpu.memory_space<vmem>>
      %dma_wait3A_856 = tpu.memref_squeeze %dma_wait3A_855 : memref<1x1024xi32, #tpu.memory_space<vmem>> -> memref<1024xi32, #tpu.memory_space<vmem>>
      %dma_wait3A_857 = tpu.memref_slice %arg2[%select_n3A_73, %mul3A_91] : memref<50x16384xi32, #tpu.memory_space<hbm>> -> memref<1x1024xi32, #tpu.memory_space<hbm>>
      %dma_wait3A_858 = tpu.memref_squeeze %dma_wait3A_857 : memref<1x1024xi32, #tpu.memory_space<hbm>> -> memref<1024xi32, #tpu.memory_space<hbm>>
      %dma_wait3A_859 = arith.constant 0 : i32
      %dma_wait3A_860 = tpu.memref_slice %arg5[%run_scoped3A, %dma_wait3A_859] : memref<2x1024xi32, #tpu.memory_space<vmem>> -> memref<1x1024xi32, #tpu.memory_space<vmem>>
      %dma_wait3A_861 = tpu.memref_squeeze %dma_wait3A_860 : memref<1x1024xi32, #tpu.memory_space<vmem>> -> memref<1024xi32, #tpu.memory_space<vmem>>
      %dma_wait3A_862 = tpu.memref_slice %arg2[%select_n3A_73, %mul3A_91] : memref<50x16384xi32, #tpu.memory_space<hbm>> -> memref<1x1024xi32, #tpu.memory_space<hbm>>
      %dma_wait3A_863 = tpu.memref_squeeze %dma_wait3A_862 : memref<1x1024xi32, #tpu.memory_space<hbm>> -> memref<1024xi32, #tpu.memory_space<hbm>>
      tpu.wait_dma2 semaphore(%run_scoped3A_843 : memref<!tpu.dma_semaphore, #tpu.memory_space<semaphore_mem>>) src(%dma_wait3A_863 : memref<1024xi32, #tpu.memory_space<hbm>>) dst(%dma_wait3A_861 : memref<1024xi32, #tpu.memory_space<vmem>>)
      tpu.yield
    }) : () -> ()
    %dma_start3A = arith.constant 0 : i32
    %dma_start3A_92 = arith.constant 0 : i32
    %dma_start3A_93 = arith.constant 0 : i32
    %dma_start3A_94 = arith.constant 0 : i32
    %dma_start3A_95 = tpu.memref_slice %arg6[%dma_start3A_92, %dma_start3A_93, %dma_start3A_94] : memref<2x1024x32xf32, #tpu.memory_space<vmem>> -> memref<1x128x32xf32, #tpu.memory_space<vmem>>
    %dma_start3A_96 = tpu.memref_squeeze %dma_start3A_95 : memref<1x128x32xf32, #tpu.memory_space<vmem>> -> memref<128x32xf32, #tpu.memory_space<vmem>>
    %dma_start3A_97 = arith.constant 0 : i32
    %dma_start3A_98 = tpu.memref_slice %arg5[%dma_start3A, %dma_start3A_97] : memref<2x1024xi32, #tpu.memory_space<vmem>> -> memref<1x128xi32, #tpu.memory_space<vmem>>
    %dma_start3A_99 = tpu.memref_squeeze %dma_start3A_98 : memref<1x128xi32, #tpu.memory_space<vmem>> -> memref<128xi32, #tpu.memory_space<vmem>>
    %dma_start3A_100 = arith.constant 0 : i32
    %dma_start3A_101 = arith.constant 0 : i32
    %dma_start3A_102 = tpu.memref_slice %arg3[%dma_start3A_100, %dma_start3A_101] : memref<1000000x32xf32, #tpu.memory_space<hbm>> -> memref<1000000x32xf32, #tpu.memory_space<hbm>>
    tpu.enqueue_indirect_dma source(%dma_start3A_102 : memref<1000000x32xf32, #tpu.memory_space<hbm>>) target(%dma_start3A_96 : memref<128x32xf32, #tpu.memory_space<vmem>>) offsets(%dma_start3A_99 : memref<128xi32, #tpu.memory_space<vmem>>) semaphore(%arg8 : memref<!tpu.dma_semaphore, #tpu.memory_space<semaphore_mem>>)
    %dma_start3A_103 = arith.constant 0 : i32
    %dma_start3A_104 = arith.constant 0 : i32
    %dma_start3A_105 = arith.constant 128 : i32
    %dma_start3A_106 = arith.constant 0 : i32
    %dma_start3A_107 = tpu.memref_slice %arg6[%dma_start3A_104, %dma_start3A_105, %dma_start3A_106] : memref<2x1024x32xf32, #tpu.memory_space<vmem>> -> memref<1x128x32xf32, #tpu.memory_space<vmem>>
    %dma_start3A_108 = tpu.memref_squeeze %dma_start3A_107 : memref<1x128x32xf32, #tpu.memory_space<vmem>> -> memref<128x32xf32, #tpu.memory_space<vmem>>
    %dma_start3A_109 = arith.constant 128 : i32
    %dma_start3A_110 = tpu.memref_slice %arg5[%dma_start3A_103, %dma_start3A_109] : memref<2x1024xi32, #tpu.memory_space<vmem>> -> memref<1x128xi32, #tpu.memory_space<vmem>>
    %dma_start3A_111 = tpu.memref_squeeze %dma_start3A_110 : memref<1x128xi32, #tpu.memory_space<vmem>> -> memref<128xi32, #tpu.memory_space<vmem>>
    %dma_start3A_112 = arith.constant 0 : i32
    %dma_start3A_113 = arith.constant 0 : i32
    %dma_start3A_114 = tpu.memref_slice %arg3[%dma_start3A_112, %dma_start3A_113] : memref<1000000x32xf32, #tpu.memory_space<hbm>> -> memref<1000000x32xf32, #tpu.memory_space<hbm>>
    tpu.enqueue_indirect_dma source(%dma_start3A_114 : memref<1000000x32xf32, #tpu.memory_space<hbm>>) target(%dma_start3A_108 : memref<128x32xf32, #tpu.memory_space<vmem>>) offsets(%dma_start3A_111 : memref<128xi32, #tpu.memory_space<vmem>>) semaphore(%arg8 : memref<!tpu.dma_semaphore, #tpu.memory_space<semaphore_mem>>)
    %dma_start3A_115 = arith.constant 0 : i32
    %dma_start3A_116 = arith.constant 0 : i32
    %dma_start3A_117 = arith.constant 256 : i32
    %dma_start3A_118 = arith.constant 0 : i32
    %dma_start3A_119 = tpu.memref_slice %arg6[%dma_start3A_116, %dma_start3A_117, %dma_start3A_118] : memref<2x1024x32xf32, #tpu.memory_space<vmem>> -> memref<1x128x32xf32, #tpu.memory_space<vmem>>
    %dma_start3A_120 = tpu.memref_squeeze %dma_start3A_119 : memref<1x128x32xf32, #tpu.memory_space<vmem>> -> memref<128x32xf32, #tpu.memory_space<vmem>>
    %dma_start3A_121 = arith.constant 256 : i32
    %dma_start3A_122 = tpu.memref_slice %arg5[%dma_start3A_115, %dma_start3A_121] : memref<2x1024xi32, #tpu.memory_space<vmem>> -> memref<1x128xi32, #tpu.memory_space<vmem>>
    %dma_start3A_123 = tpu.memref_squeeze %dma_start3A_122 : memref<1x128xi32, #tpu.memory_space<vmem>> -> memref<128xi32, #tpu.memory_space<vmem>>
    %dma_start3A_124 = arith.constant 0 : i32
    %dma_start3A_125 = arith.constant 0 : i32
    %dma_start3A_126 = tpu.memref_slice %arg3[%dma_start3A_124, %dma_start3A_125] : memref<1000000x32xf32, #tpu.memory_space<hbm>> -> memref<1000000x32xf32, #tpu.memory_space<hbm>>
    tpu.enqueue_indirect_dma source(%dma_start3A_126 : memref<1000000x32xf32, #tpu.memory_space<hbm>>) target(%dma_start3A_120 : memref<128x32xf32, #tpu.memory_space<vmem>>) offsets(%dma_start3A_123 : memref<128xi32, #tpu.memory_space<vmem>>) semaphore(%arg8 : memref<!tpu.dma_semaphore, #tpu.memory_space<semaphore_mem>>)
    %dma_start3A_127 = arith.constant 0 : i32
    %dma_start3A_128 = arith.constant 0 : i32
    %dma_start3A_129 = arith.constant 384 : i32
    %dma_start3A_130 = arith.constant 0 : i32
    %dma_start3A_131 = tpu.memref_slice %arg6[%dma_start3A_128, %dma_start3A_129, %dma_start3A_130] : memref<2x1024x32xf32, #tpu.memory_space<vmem>> -> memref<1x128x32xf32, #tpu.memory_space<vmem>>
    %dma_start3A_132 = tpu.memref_squeeze %dma_start3A_131 : memref<1x128x32xf32, #tpu.memory_space<vmem>> -> memref<128x32xf32, #tpu.memory_space<vmem>>
    %dma_start3A_133 = arith.constant 384 : i32
    %dma_start3A_134 = tpu.memref_slice %arg5[%dma_start3A_127, %dma_start3A_133] : memref<2x1024xi32, #tpu.memory_space<vmem>> -> memref<1x128xi32, #tpu.memory_space<vmem>>
    %dma_start3A_135 = tpu.memref_squeeze %dma_start3A_134 : memref<1x128xi32, #tpu.memory_space<vmem>> -> memref<128xi32, #tpu.memory_space<vmem>>
    %dma_start3A_136 = arith.constant 0 : i32
    %dma_start3A_137 = arith.constant 0 : i32
    %dma_start3A_138 = tpu.memref_slice %arg3[%dma_start3A_136, %dma_start3A_137] : memref<1000000x32xf32, #tpu.memory_space<hbm>> -> memref<1000000x32xf32, #tpu.memory_space<hbm>>
    tpu.enqueue_indirect_dma source(%dma_start3A_138 : memref<1000000x32xf32, #tpu.memory_space<hbm>>) target(%dma_start3A_132 : memref<128x32xf32, #tpu.memory_space<vmem>>) offsets(%dma_start3A_135 : memref<128xi32, #tpu.memory_space<vmem>>) semaphore(%arg8 : memref<!tpu.dma_semaphore, #tpu.memory_space<semaphore_mem>>)
    %dma_start3A_139 = arith.constant 0 : i32
    %dma_start3A_140 = arith.constant 0 : i32
    %dma_start3A_141 = arith.constant 512 : i32
    %dma_start3A_142 = arith.constant 0 : i32
    %dma_start3A_143 = tpu.memref_slice %arg6[%dma_start3A_140, %dma_start3A_141, %dma_start3A_142] : memref<2x1024x32xf32, #tpu.memory_space<vmem>> -> memref<1x128x32xf32, #tpu.memory_space<vmem>>
    %dma_start3A_144 = tpu.memref_squeeze %dma_start3A_143 : memref<1x128x32xf32, #tpu.memory_space<vmem>> -> memref<128x32xf32, #tpu.memory_space<vmem>>
    %dma_start3A_145 = arith.constant 512 : i32
    %dma_start3A_146 = tpu.memref_slice %arg5[%dma_start3A_139, %dma_start3A_145] : memref<2x1024xi32, #tpu.memory_space<vmem>> -> memref<1x128xi32, #tpu.memory_space<vmem>>
    %dma_start3A_147 = tpu.memref_squeeze %dma_start3A_146 : memref<1x128xi32, #tpu.memory_space<vmem>> -> memref<128xi32, #tpu.memory_space<vmem>>
    %dma_start3A_148 = arith.constant 0 : i32
    %dma_start3A_149 = arith.constant 0 : i32
    %dma_start3A_150 = tpu.memref_slice %arg3[%dma_start3A_148, %dma_start3A_149] : memref<1000000x32xf32, #tpu.memory_space<hbm>> -> memref<1000000x32xf32, #tpu.memory_space<hbm>>
    tpu.enqueue_indirect_dma source(%dma_start3A_150 : memref<1000000x32xf32, #tpu.memory_space<hbm>>) target(%dma_start3A_144 : memref<128x32xf32, #tpu.memory_space<vmem>>) offsets(%dma_start3A_147 : memref<128xi32, #tpu.memory_space<vmem>>) semaphore(%arg8 : memref<!tpu.dma_semaphore, #tpu.memory_space<semaphore_mem>>)
    %dma_start3A_151 = arith.constant 0 : i32
    %dma_start3A_152 = arith.constant 0 : i32
    %dma_start3A_153 = arith.constant 640 : i32
    %dma_start3A_154 = arith.constant 0 : i32
    %dma_start3A_155 = tpu.memref_slice %arg6[%dma_start3A_152, %dma_start3A_153, %dma_start3A_154] : memref<2x1024x32xf32, #tpu.memory_space<vmem>> -> memref<1x128x32xf32, #tpu.memory_space<vmem>>
    %dma_start3A_156 = tpu.memref_squeeze %dma_start3A_155 : memref<1x128x32xf32, #tpu.memory_space<vmem>> -> memref<128x32xf32, #tpu.memory_space<vmem>>
    %dma_start3A_157 = arith.constant 640 : i32
    %dma_start3A_158 = tpu.memref_slice %arg5[%dma_start3A_151, %dma_start3A_157] : memref<2x1024xi32, #tpu.memory_space<vmem>> -> memref<1x128xi32, #tpu.memory_space<vmem>>
    %dma_start3A_159 = tpu.memref_squeeze %dma_start3A_158 : memref<1x128xi32, #tpu.memory_space<vmem>> -> memref<128xi32, #tpu.memory_space<vmem>>
    %dma_start3A_160 = arith.constant 0 : i32
    %dma_start3A_161 = arith.constant 0 : i32
    %dma_start3A_162 = tpu.memref_slice %arg3[%dma_start3A_160, %dma_start3A_161] : memref<1000000x32xf32, #tpu.memory_space<hbm>> -> memref<1000000x32xf32, #tpu.memory_space<hbm>>
    tpu.enqueue_indirect_dma source(%dma_start3A_162 : memref<1000000x32xf32, #tpu.memory_space<hbm>>) target(%dma_start3A_156 : memref<128x32xf32, #tpu.memory_space<vmem>>) offsets(%dma_start3A_159 : memref<128xi32, #tpu.memory_space<vmem>>) semaphore(%arg8 : memref<!tpu.dma_semaphore, #tpu.memory_space<semaphore_mem>>)
    %dma_start3A_163 = arith.constant 0 : i32
    %dma_start3A_164 = arith.constant 0 : i32
    %dma_start3A_165 = arith.constant 768 : i32
    %dma_start3A_166 = arith.constant 0 : i32
    %dma_start3A_167 = tpu.memref_slice %arg6[%dma_start3A_164, %dma_start3A_165, %dma_start3A_166] : memref<2x1024x32xf32, #tpu.memory_space<vmem>> -> memref<1x128x32xf32, #tpu.memory_space<vmem>>
    %dma_start3A_168 = tpu.memref_squeeze %dma_start3A_167 : memref<1x128x32xf32, #tpu.memory_space<vmem>> -> memref<128x32xf32, #tpu.memory_space<vmem>>
    %dma_start3A_169 = arith.constant 768 : i32
    %dma_start3A_170 = tpu.memref_slice %arg5[%dma_start3A_163, %dma_start3A_169] : memref<2x1024xi32, #tpu.memory_space<vmem>> -> memref<1x128xi32, #tpu.memory_space<vmem>>
    %dma_start3A_171 = tpu.memref_squeeze %dma_start3A_170 : memref<1x128xi32, #tpu.memory_space<vmem>> -> memref<128xi32, #tpu.memory_space<vmem>>
    %dma_start3A_172 = arith.constant 0 : i32
    %dma_start3A_173 = arith.constant 0 : i32
    %dma_start3A_174 = tpu.memref_slice %arg3[%dma_start3A_172, %dma_start3A_173] : memref<1000000x32xf32, #tpu.memory_space<hbm>> -> memref<1000000x32xf32, #tpu.memory_space<hbm>>
    tpu.enqueue_indirect_dma source(%dma_start3A_174 : memref<1000000x32xf32, #tpu.memory_space<hbm>>) target(%dma_start3A_168 : memref<128x32xf32, #tpu.memory_space<vmem>>) offsets(%dma_start3A_171 : memref<128xi32, #tpu.memory_space<vmem>>) semaphore(%arg8 : memref<!tpu.dma_semaphore, #tpu.memory_space<semaphore_mem>>)
    %dma_start3A_175 = arith.constant 0 : i32
    %dma_start3A_176 = arith.constant 0 : i32
    %dma_start3A_177 = arith.constant 896 : i32
    %dma_start3A_178 = arith.constant 0 : i32
    %dma_start3A_179 = tpu.memref_slice %arg6[%dma_start3A_176, %dma_start3A_177, %dma_start3A_178] : memref<2x1024x32xf32, #tpu.memory_space<vmem>> -> memref<1x128x32xf32, #tpu.memory_space<vmem>>
    %dma_start3A_180 = tpu.memref_squeeze %dma_start3A_179 : memref<1x128x32xf32, #tpu.memory_space<vmem>> -> memref<128x32xf32, #tpu.memory_space<vmem>>
    %dma_start3A_181 = arith.constant 896 : i32
    %dma_start3A_182 = tpu.memref_slice %arg5[%dma_start3A_175, %dma_start3A_181] : memref<2x1024xi32, #tpu.memory_space<vmem>> -> memref<1x128xi32, #tpu.memory_space<vmem>>
    %dma_start3A_183 = tpu.memref_squeeze %dma_start3A_182 : memref<1x128xi32, #tpu.memory_space<vmem>> -> memref<128xi32, #tpu.memory_space<vmem>>
    %dma_start3A_184 = arith.constant 0 : i32
    %dma_start3A_185 = arith.constant 0 : i32
    %dma_start3A_186 = tpu.memref_slice %arg3[%dma_start3A_184, %dma_start3A_185] : memref<1000000x32xf32, #tpu.memory_space<hbm>> -> memref<1000000x32xf32, #tpu.memory_space<hbm>>
    tpu.enqueue_indirect_dma source(%dma_start3A_186 : memref<1000000x32xf32, #tpu.memory_space<hbm>>) target(%dma_start3A_180 : memref<128x32xf32, #tpu.memory_space<vmem>>) offsets(%dma_start3A_183 : memref<128xi32, #tpu.memory_space<vmem>>) semaphore(%arg8 : memref<!tpu.dma_semaphore, #tpu.memory_space<semaphore_mem>>)
    %scan3A = arith.constant 0 : i32
    %scan3A_187 = arith.constant 0 : i32
    %scan3A_188 = arith.constant 25 : i32
    %scan3A_189 = arith.addi %scan3A_187, %scan3A_188 : i32
    %scan3A_190 = arith.constant 1 : i32
    scf.for %scan3A_843 = %scan3A_187 to %scan3A_189 step %scan3A_190  : i32 {
      %add3A_844 = arith.addi %mul3A_2, %scan3A_843 : i32
      %rem3A_845 = arith.constant 2 : i32
      %rem3A_846 = arith.remsi %scan3A_843, %rem3A_845 : i32
      %add3A_847 = arith.constant 1 : i32
      %add3A_848 = arith.addi %scan3A_843, %add3A_847 : i32
      %rem3A_849 = arith.constant 2 : i32
      %rem3A_850 = arith.remsi %add3A_848, %rem3A_849 : i32
      %lt3A_851 = arith.constant 24 : i32
      %lt3A_852 = arith.cmpi slt, %scan3A_843, %lt3A_851 : i32
      %convert_element_type3A = arith.extui %lt3A_852 : i1 to i32
      %cond3A = arith.constant 0 : i32
      %cond3A_853 = arith.cmpi ne, %convert_element_type3A, %cond3A : i32
      scf.if %cond3A_853 {
        %eq3A_1522 = arith.constant 0 : i32
        %eq3A_1523 = arith.cmpi eq, %rem3A_850, %eq3A_1522 : i32
        %convert_element_type3A_1524 = arith.extui %eq3A_1523 : i1 to i32
        %cond3A_1525 = arith.constant 0 : i32
        %cond3A_1526 = arith.cmpi ne, %convert_element_type3A_1524, %cond3A_1525 : i32
        scf.if %cond3A_1526 {
          %add3A_1532 = arith.constant 1 : i32
          %add3A_1533 = arith.addi %add3A_844, %add3A_1532 : i32
          %jit3A_1534 = arith.constant 16 : i32
          %div3A_1535 = arith.divsi %add3A_1533, %jit3A_1534 : i32
          %sign3A_1536 = arith.constant 0 : i32
          %sign3A_1537 = arith.cmpi sgt, %add3A_1533, %sign3A_1536 : i32
          %sign3A_1538 = arith.extui %sign3A_1537 : i1 to i32
          %sign3A_1539 = arith.constant 0 : i32
          %sign3A_1540 = arith.cmpi slt, %add3A_1533, %sign3A_1539 : i32
          %sign3A_1541 = arith.extui %sign3A_1540 : i1 to i32
          %sign3A_1542 = arith.subi %sign3A_1538, %sign3A_1541 : i32
          %sign3A_1543 = arith.constant 0 : i32
          %sign3A_1544 = arith.cmpi sgt, %jit3A_1534, %sign3A_1543 : i32
          %sign3A_1545 = arith.extui %sign3A_1544 : i1 to i32
          %sign3A_1546 = arith.constant 0 : i32
          %sign3A_1547 = arith.cmpi slt, %jit3A_1534, %sign3A_1546 : i32
          %sign3A_1548 = arith.extui %sign3A_1547 : i1 to i32
          %sign3A_1549 = arith.subi %sign3A_1545, %sign3A_1548 : i32
          %ne3A_1550 = arith.cmpi ne, %sign3A_1542, %sign3A_1549 : i32
          %rem3A_1551 = arith.remsi %add3A_1533, %jit3A_1534 : i32
          %ne3A_1552 = arith.constant 0 : i32
          %ne3A_1553 = arith.cmpi ne, %rem3A_1551, %ne3A_1552 : i32
          %and3A_1554 = arith.andi %ne3A_1550, %ne3A_1553 : i1
          %sub3A_1555 = arith.constant 1 : i32
          %sub3A_1556 = arith.subi %div3A_1535, %sub3A_1555 : i32
          %select_n3A_1557 = arith.select %and3A_1554, %sub3A_1556, %div3A_1535 : i32
          %jit3A_1558 = arith.constant 16 : i32
          %eq3A_1559 = arith.constant 0 : i32
          %eq3A_1560 = arith.cmpi eq, %jit3A_1558, %eq3A_1559 : i32
          %jit3A_1561 = arith.constant 1 : i32
          %select_n3A_1562 = arith.select %eq3A_1560, %jit3A_1561, %jit3A_1558 : i32
          %rem3A_1563 = arith.remsi %add3A_1533, %select_n3A_1562 : i32
          %ne3A_1564 = arith.constant 0 : i32
          %ne3A_1565 = arith.cmpi ne, %rem3A_1563, %ne3A_1564 : i32
          %lt3A_1566 = arith.constant 0 : i32
          %lt3A_1567 = arith.cmpi slt, %rem3A_1563, %lt3A_1566 : i32
          %lt3A_1568 = arith.constant 0 : i32
          %lt3A_1569 = arith.cmpi slt, %select_n3A_1562, %lt3A_1568 : i32
          %ne3A_1570 = arith.xori %lt3A_1567, %lt3A_1569 : i1
          %and3A_1571 = arith.andi %ne3A_1570, %ne3A_1565 : i1
          %add3A_1572 = arith.addi %rem3A_1563, %select_n3A_1562 : i32
          %select_n3A_1573 = arith.select %and3A_1571, %add3A_1572, %rem3A_1563 : i32
          %mul3A_1574 = arith.constant 1024 : i32
          %mul3A_1575 = arith.muli %select_n3A_1573, %mul3A_1574 : i32
          %run_scoped3A_1576 = arith.constant 0 : i32
          "tpu.region"() ({
            %run_scoped3A_1673 = tpu.sem_alloc : memref<!tpu.dma_semaphore, #tpu.memory_space<semaphore_mem>>
            %dma_start3A_1674 = arith.constant 0 : i32
            %dma_start3A_1675 = tpu.memref_slice %arg5[%run_scoped3A_1576, %dma_start3A_1674] : memref<2x1024xi32, #tpu.memory_space<vmem>> -> memref<1x1024xi32, #tpu.memory_space<vmem>>
            %dma_start3A_1676 = tpu.memref_squeeze %dma_start3A_1675 : memref<1x1024xi32, #tpu.memory_space<vmem>> -> memref<1024xi32, #tpu.memory_space<vmem>>
            %dma_start3A_1677 = tpu.memref_slice %arg2[%select_n3A_1557, %mul3A_1575] : memref<50x16384xi32, #tpu.memory_space<hbm>> -> memref<1x1024xi32, #tpu.memory_space<hbm>>
            %dma_start3A_1678 = tpu.memref_squeeze %dma_start3A_1677 : memref<1x1024xi32, #tpu.memory_space<hbm>> -> memref<1024xi32, #tpu.memory_space<hbm>>
            %dma_start3A_1679 = arith.constant 0 : i32
            %dma_start3A_1680 = tpu.memref_slice %arg5[%run_scoped3A_1576, %dma_start3A_1679] : memref<2x1024xi32, #tpu.memory_space<vmem>> -> memref<1x1024xi32, #tpu.memory_space<vmem>>
            %dma_start3A_1681 = tpu.memref_squeeze %dma_start3A_1680 : memref<1x1024xi32, #tpu.memory_space<vmem>> -> memref<1024xi32, #tpu.memory_space<vmem>>
            %dma_start3A_1682 = tpu.memref_slice %arg2[%select_n3A_1557, %mul3A_1575] : memref<50x16384xi32, #tpu.memory_space<hbm>> -> memref<1x1024xi32, #tpu.memory_space<hbm>>
            %dma_start3A_1683 = tpu.memref_squeeze %dma_start3A_1682 : memref<1x1024xi32, #tpu.memory_space<hbm>> -> memref<1024xi32, #tpu.memory_space<hbm>>
            tpu.enqueue_dma source(%dma_start3A_1683 : memref<1024xi32, #tpu.memory_space<hbm>>) target(%dma_start3A_1681 : memref<1024xi32, #tpu.memory_space<vmem>>) target_semaphore(%run_scoped3A_1673 : memref<!tpu.dma_semaphore, #tpu.memory_space<semaphore_mem>>)
            %dma_wait3A_1684 = arith.constant 0 : i32
            %dma_wait3A_1685 = tpu.memref_slice %arg5[%run_scoped3A_1576, %dma_wait3A_1684] : memref<2x1024xi32, #tpu.memory_space<vmem>> -> memref<1x1024xi32, #tpu.memory_space<vmem>>
            %dma_wait3A_1686 = tpu.memref_squeeze %dma_wait3A_1685 : memref<1x1024xi32, #tpu.memory_space<vmem>> -> memref<1024xi32, #tpu.memory_space<vmem>>
            %dma_wait3A_1687 = tpu.memref_slice %arg2[%select_n3A_1557, %mul3A_1575] : memref<50x16384xi32, #tpu.memory_space<hbm>> -> memref<1x1024xi32, #tpu.memory_space<hbm>>
            %dma_wait3A_1688 = tpu.memref_squeeze %dma_wait3A_1687 : memref<1x1024xi32, #tpu.memory_space<hbm>> -> memref<1024xi32, #tpu.memory_space<hbm>>
            %dma_wait3A_1689 = arith.constant 0 : i32
            %dma_wait3A_1690 = tpu.memref_slice %arg5[%run_scoped3A_1576, %dma_wait3A_1689] : memref<2x1024xi32, #tpu.memory_space<vmem>> -> memref<1x1024xi32, #tpu.memory_space<vmem>>
            %dma_wait3A_1691 = tpu.memref_squeeze %dma_wait3A_1690 : memref<1x1024xi32, #tpu.memory_space<vmem>> -> memref<1024xi32, #tpu.memory_space<vmem>>
            %dma_wait3A_1692 = tpu.memref_slice %arg2[%select_n3A_1557, %mul3A_1575] : memref<50x16384xi32, #tpu.memory_space<hbm>> -> memref<1x1024xi32, #tpu.memory_space<hbm>>
            %dma_wait3A_1693 = tpu.memref_squeeze %dma_wait3A_1692 : memref<1x1024xi32, #tpu.memory_space<hbm>> -> memref<1024xi32, #tpu.memory_space<hbm>>
            tpu.wait_dma2 semaphore(%run_scoped3A_1673 : memref<!tpu.dma_semaphore, #tpu.memory_space<semaphore_mem>>) src(%dma_wait3A_1693 : memref<1024xi32, #tpu.memory_space<hbm>>) dst(%dma_wait3A_1691 : memref<1024xi32, #tpu.memory_space<vmem>>)
            tpu.yield
          }) : () -> ()
          %dma_start3A_1577 = arith.constant 0 : i32
          %dma_start3A_1578 = arith.constant 0 : i32
          %dma_start3A_1579 = arith.constant 0 : i32
          %dma_start3A_1580 = arith.constant 0 : i32
          %dma_start3A_1581 = tpu.memref_slice %arg6[%dma_start3A_1578, %dma_start3A_1579, %dma_start3A_1580] : memref<2x1024x32xf32, #tpu.memory_space<vmem>> -> memref<1x128x32xf32, #tpu.memory_space<vmem>>
          %dma_start3A_1582 = tpu.memref_squeeze %dma_start3A_1581 : memref<1x128x32xf32, #tpu.memory_space<vmem>> -> memref<128x32xf32, #tpu.memory_space<vmem>>
          %dma_start3A_1583 = arith.constant 0 : i32
          %dma_start3A_1584 = tpu.memref_slice %arg5[%dma_start3A_1577, %dma_start3A_1583] : memref<2x1024xi32, #tpu.memory_space<vmem>> -> memref<1x128xi32, #tpu.memory_space<vmem>>
          %dma_start3A_1585 = tpu.memref_squeeze %dma_start3A_1584 : memref<1x128xi32, #tpu.memory_space<vmem>> -> memref<128xi32, #tpu.memory_space<vmem>>
          %dma_start3A_1586 = arith.constant 0 : i32
          %dma_start3A_1587 = arith.constant 0 : i32
          %dma_start3A_1588 = tpu.memref_slice %arg3[%dma_start3A_1586, %dma_start3A_1587] : memref<1000000x32xf32, #tpu.memory_space<hbm>> -> memref<1000000x32xf32, #tpu.memory_space<hbm>>
          tpu.enqueue_indirect_dma source(%dma_start3A_1588 : memref<1000000x32xf32, #tpu.memory_space<hbm>>) target(%dma_start3A_1582 : memref<128x32xf32, #tpu.memory_space<vmem>>) offsets(%dma_start3A_1585 : memref<128xi32, #tpu.memory_space<vmem>>) semaphore(%arg8 : memref<!tpu.dma_semaphore, #tpu.memory_space<semaphore_mem>>)
          %dma_start3A_1589 = arith.constant 0 : i32
          %dma_start3A_1590 = arith.constant 0 : i32
          %dma_start3A_1591 = arith.constant 128 : i32
          %dma_start3A_1592 = arith.constant 0 : i32
          %dma_start3A_1593 = tpu.memref_slice %arg6[%dma_start3A_1590, %dma_start3A_1591, %dma_start3A_1592] : memref<2x1024x32xf32, #tpu.memory_space<vmem>> -> memref<1x128x32xf32, #tpu.memory_space<vmem>>
          %dma_start3A_1594 = tpu.memref_squeeze %dma_start3A_1593 : memref<1x128x32xf32, #tpu.memory_space<vmem>> -> memref<128x32xf32, #tpu.memory_space<vmem>>
          %dma_start3A_1595 = arith.constant 128 : i32
          %dma_start3A_1596 = tpu.memref_slice %arg5[%dma_start3A_1589, %dma_start3A_1595] : memref<2x1024xi32, #tpu.memory_space<vmem>> -> memref<1x128xi32, #tpu.memory_space<vmem>>
          %dma_start3A_1597 = tpu.memref_squeeze %dma_start3A_1596 : memref<1x128xi32, #tpu.memory_space<vmem>> -> memref<128xi32, #tpu.memory_space<vmem>>
          %dma_start3A_1598 = arith.constant 0 : i32
          %dma_start3A_1599 = arith.constant 0 : i32
          %dma_start3A_1600 = tpu.memref_slice %arg3[%dma_start3A_1598, %dma_start3A_1599] : memref<1000000x32xf32, #tpu.memory_space<hbm>> -> memref<1000000x32xf32, #tpu.memory_space<hbm>>
          tpu.enqueue_indirect_dma source(%dma_start3A_1600 : memref<1000000x32xf32, #tpu.memory_space<hbm>>) target(%dma_start3A_1594 : memref<128x32xf32, #tpu.memory_space<vmem>>) offsets(%dma_start3A_1597 : memref<128xi32, #tpu.memory_space<vmem>>) semaphore(%arg8 : memref<!tpu.dma_semaphore, #tpu.memory_space<semaphore_mem>>)
          %dma_start3A_1601 = arith.constant 0 : i32
          %dma_start3A_1602 = arith.constant 0 : i32
          %dma_start3A_1603 = arith.constant 256 : i32
          %dma_start3A_1604 = arith.constant 0 : i32
          %dma_start3A_1605 = tpu.memref_slice %arg6[%dma_start3A_1602, %dma_start3A_1603, %dma_start3A_1604] : memref<2x1024x32xf32, #tpu.memory_space<vmem>> -> memref<1x128x32xf32, #tpu.memory_space<vmem>>
          %dma_start3A_1606 = tpu.memref_squeeze %dma_start3A_1605 : memref<1x128x32xf32, #tpu.memory_space<vmem>> -> memref<128x32xf32, #tpu.memory_space<vmem>>
          %dma_start3A_1607 = arith.constant 256 : i32
          %dma_start3A_1608 = tpu.memref_slice %arg5[%dma_start3A_1601, %dma_start3A_1607] : memref<2x1024xi32, #tpu.memory_space<vmem>> -> memref<1x128xi32, #tpu.memory_space<vmem>>
          %dma_start3A_1609 = tpu.memref_squeeze %dma_start3A_1608 : memref<1x128xi32, #tpu.memory_space<vmem>> -> memref<128xi32, #tpu.memory_space<vmem>>
          %dma_start3A_1610 = arith.constant 0 : i32
          %dma_start3A_1611 = arith.constant 0 : i32
          %dma_start3A_1612 = tpu.memref_slice %arg3[%dma_start3A_1610, %dma_start3A_1611] : memref<1000000x32xf32, #tpu.memory_space<hbm>> -> memref<1000000x32xf32, #tpu.memory_space<hbm>>
          tpu.enqueue_indirect_dma source(%dma_start3A_1612 : memref<1000000x32xf32, #tpu.memory_space<hbm>>) target(%dma_start3A_1606 : memref<128x32xf32, #tpu.memory_space<vmem>>) offsets(%dma_start3A_1609 : memref<128xi32, #tpu.memory_space<vmem>>) semaphore(%arg8 : memref<!tpu.dma_semaphore, #tpu.memory_space<semaphore_mem>>)
          %dma_start3A_1613 = arith.constant 0 : i32
          %dma_start3A_1614 = arith.constant 0 : i32
          %dma_start3A_1615 = arith.constant 384 : i32
          %dma_start3A_1616 = arith.constant 0 : i32
          %dma_start3A_1617 = tpu.memref_slice %arg6[%dma_start3A_1614, %dma_start3A_1615, %dma_start3A_1616] : memref<2x1024x32xf32, #tpu.memory_space<vmem>> -> memref<1x128x32xf32, #tpu.memory_space<vmem>>
          %dma_start3A_1618 = tpu.memref_squeeze %dma_start3A_1617 : memref<1x128x32xf32, #tpu.memory_space<vmem>> -> memref<128x32xf32, #tpu.memory_space<vmem>>
          %dma_start3A_1619 = arith.constant 384 : i32
          %dma_start3A_1620 = tpu.memref_slice %arg5[%dma_start3A_1613, %dma_start3A_1619] : memref<2x1024xi32, #tpu.memory_space<vmem>> -> memref<1x128xi32, #tpu.memory_space<vmem>>
          %dma_start3A_1621 = tpu.memref_squeeze %dma_start3A_1620 : memref<1x128xi32, #tpu.memory_space<vmem>> -> memref<128xi32, #tpu.memory_space<vmem>>
          %dma_start3A_1622 = arith.constant 0 : i32
          %dma_start3A_1623 = arith.constant 0 : i32
          %dma_start3A_1624 = tpu.memref_slice %arg3[%dma_start3A_1622, %dma_start3A_1623] : memref<1000000x32xf32, #tpu.memory_space<hbm>> -> memref<1000000x32xf32, #tpu.memory_space<hbm>>
          tpu.enqueue_indirect_dma source(%dma_start3A_1624 : memref<1000000x32xf32, #tpu.memory_space<hbm>>) target(%dma_start3A_1618 : memref<128x32xf32, #tpu.memory_space<vmem>>) offsets(%dma_start3A_1621 : memref<128xi32, #tpu.memory_space<vmem>>) semaphore(%arg8 : memref<!tpu.dma_semaphore, #tpu.memory_space<semaphore_mem>>)
          %dma_start3A_1625 = arith.constant 0 : i32
          %dma_start3A_1626 = arith.constant 0 : i32
          %dma_start3A_1627 = arith.constant 512 : i32
          %dma_start3A_1628 = arith.constant 0 : i32
          %dma_start3A_1629 = tpu.memref_slice %arg6[%dma_start3A_1626, %dma_start3A_1627, %dma_start3A_1628] : memref<2x1024x32xf32, #tpu.memory_space<vmem>> -> memref<1x128x32xf32, #tpu.memory_space<vmem>>
          %dma_start3A_1630 = tpu.memref_squeeze %dma_start3A_1629 : memref<1x128x32xf32, #tpu.memory_space<vmem>> -> memref<128x32xf32, #tpu.memory_space<vmem>>
          %dma_start3A_1631 = arith.constant 512 : i32
          %dma_start3A_1632 = tpu.memref_slice %arg5[%dma_start3A_1625, %dma_start3A_1631] : memref<2x1024xi32, #tpu.memory_space<vmem>> -> memref<1x128xi32, #tpu.memory_space<vmem>>
          %dma_start3A_1633 = tpu.memref_squeeze %dma_start3A_1632 : memref<1x128xi32, #tpu.memory_space<vmem>> -> memref<128xi32, #tpu.memory_space<vmem>>
          %dma_start3A_1634 = arith.constant 0 : i32
          %dma_start3A_1635 = arith.constant 0 : i32
          %dma_start3A_1636 = tpu.memref_slice %arg3[%dma_start3A_1634, %dma_start3A_1635] : memref<1000000x32xf32, #tpu.memory_space<hbm>> -> memref<1000000x32xf32, #tpu.memory_space<hbm>>
          tpu.enqueue_indirect_dma source(%dma_start3A_1636 : memref<1000000x32xf32, #tpu.memory_space<hbm>>) target(%dma_start3A_1630 : memref<128x32xf32, #tpu.memory_space<vmem>>) offsets(%dma_start3A_1633 : memref<128xi32, #tpu.memory_space<vmem>>) semaphore(%arg8 : memref<!tpu.dma_semaphore, #tpu.memory_space<semaphore_mem>>)
          %dma_start3A_1637 = arith.constant 0 : i32
          %dma_start3A_1638 = arith.constant 0 : i32
          %dma_start3A_1639 = arith.constant 640 : i32
          %dma_start3A_1640 = arith.constant 0 : i32
          %dma_start3A_1641 = tpu.memref_slice %arg6[%dma_start3A_1638, %dma_start3A_1639, %dma_start3A_1640] : memref<2x1024x32xf32, #tpu.memory_space<vmem>> -> memref<1x128x32xf32, #tpu.memory_space<vmem>>
          %dma_start3A_1642 = tpu.memref_squeeze %dma_start3A_1641 : memref<1x128x32xf32, #tpu.memory_space<vmem>> -> memref<128x32xf32, #tpu.memory_space<vmem>>
          %dma_start3A_1643 = arith.constant 640 : i32
          %dma_start3A_1644 = tpu.memref_slice %arg5[%dma_start3A_1637, %dma_start3A_1643] : memref<2x1024xi32, #tpu.memory_space<vmem>> -> memref<1x128xi32, #tpu.memory_space<vmem>>
          %dma_start3A_1645 = tpu.memref_squeeze %dma_start3A_1644 : memref<1x128xi32, #tpu.memory_space<vmem>> -> memref<128xi32, #tpu.memory_space<vmem>>
          %dma_start3A_1646 = arith.constant 0 : i32
          %dma_start3A_1647 = arith.constant 0 : i32
          %dma_start3A_1648 = tpu.memref_slice %arg3[%dma_start3A_1646, %dma_start3A_1647] : memref<1000000x32xf32, #tpu.memory_space<hbm>> -> memref<1000000x32xf32, #tpu.memory_space<hbm>>
          tpu.enqueue_indirect_dma source(%dma_start3A_1648 : memref<1000000x32xf32, #tpu.memory_space<hbm>>) target(%dma_start3A_1642 : memref<128x32xf32, #tpu.memory_space<vmem>>) offsets(%dma_start3A_1645 : memref<128xi32, #tpu.memory_space<vmem>>) semaphore(%arg8 : memref<!tpu.dma_semaphore, #tpu.memory_space<semaphore_mem>>)
          %dma_start3A_1649 = arith.constant 0 : i32
          %dma_start3A_1650 = arith.constant 0 : i32
          %dma_start3A_1651 = arith.constant 768 : i32
          %dma_start3A_1652 = arith.constant 0 : i32
          %dma_start3A_1653 = tpu.memref_slice %arg6[%dma_start3A_1650, %dma_start3A_1651, %dma_start3A_1652] : memref<2x1024x32xf32, #tpu.memory_space<vmem>> -> memref<1x128x32xf32, #tpu.memory_space<vmem>>
          %dma_start3A_1654 = tpu.memref_squeeze %dma_start3A_1653 : memref<1x128x32xf32, #tpu.memory_space<vmem>> -> memref<128x32xf32, #tpu.memory_space<vmem>>
          %dma_start3A_1655 = arith.constant 768 : i32
          %dma_start3A_1656 = tpu.memref_slice %arg5[%dma_start3A_1649, %dma_start3A_1655] : memref<2x1024xi32, #tpu.memory_space<vmem>> -> memref<1x128xi32, #tpu.memory_space<vmem>>
          %dma_start3A_1657 = tpu.memref_squeeze %dma_start3A_1656 : memref<1x128xi32, #tpu.memory_space<vmem>> -> memref<128xi32, #tpu.memory_space<vmem>>
          %dma_start3A_1658 = arith.constant 0 : i32
          %dma_start3A_1659 = arith.constant 0 : i32
          %dma_start3A_1660 = tpu.memref_slice %arg3[%dma_start3A_1658, %dma_start3A_1659] : memref<1000000x32xf32, #tpu.memory_space<hbm>> -> memref<1000000x32xf32, #tpu.memory_space<hbm>>
          tpu.enqueue_indirect_dma source(%dma_start3A_1660 : memref<1000000x32xf32, #tpu.memory_space<hbm>>) target(%dma_start3A_1654 : memref<128x32xf32, #tpu.memory_space<vmem>>) offsets(%dma_start3A_1657 : memref<128xi32, #tpu.memory_space<vmem>>) semaphore(%arg8 : memref<!tpu.dma_semaphore, #tpu.memory_space<semaphore_mem>>)
          %dma_start3A_1661 = arith.constant 0 : i32
          %dma_start3A_1662 = arith.constant 0 : i32
          %dma_start3A_1663 = arith.constant 896 : i32
          %dma_start3A_1664 = arith.constant 0 : i32
          %dma_start3A_1665 = tpu.memref_slice %arg6[%dma_start3A_1662, %dma_start3A_1663, %dma_start3A_1664] : memref<2x1024x32xf32, #tpu.memory_space<vmem>> -> memref<1x128x32xf32, #tpu.memory_space<vmem>>
          %dma_start3A_1666 = tpu.memref_squeeze %dma_start3A_1665 : memref<1x128x32xf32, #tpu.memory_space<vmem>> -> memref<128x32xf32, #tpu.memory_space<vmem>>
          %dma_start3A_1667 = arith.constant 896 : i32
          %dma_start3A_1668 = tpu.memref_slice %arg5[%dma_start3A_1661, %dma_start3A_1667] : memref<2x1024xi32, #tpu.memory_space<vmem>> -> memref<1x128xi32, #tpu.memory_space<vmem>>
          %dma_start3A_1669 = tpu.memref_squeeze %dma_start3A_1668 : memref<1x128xi32, #tpu.memory_space<vmem>> -> memref<128xi32, #tpu.memory_space<vmem>>
          %dma_start3A_1670 = arith.constant 0 : i32
          %dma_start3A_1671 = arith.constant 0 : i32
          %dma_start3A_1672 = tpu.memref_slice %arg3[%dma_start3A_1670, %dma_start3A_1671] : memref<1000000x32xf32, #tpu.memory_space<hbm>> -> memref<1000000x32xf32, #tpu.memory_space<hbm>>
          tpu.enqueue_indirect_dma source(%dma_start3A_1672 : memref<1000000x32xf32, #tpu.memory_space<hbm>>) target(%dma_start3A_1666 : memref<128x32xf32, #tpu.memory_space<vmem>>) offsets(%dma_start3A_1669 : memref<128xi32, #tpu.memory_space<vmem>>) semaphore(%arg8 : memref<!tpu.dma_semaphore, #tpu.memory_space<semaphore_mem>>)
        } else {
        }
        %eq3A_1527 = arith.constant 1 : i32
        %eq3A_1528 = arith.cmpi eq, %rem3A_850, %eq3A_1527 : i32
        %convert_element_type3A_1529 = arith.extui %eq3A_1528 : i1 to i32
        %cond3A_1530 = arith.constant 0 : i32
        %cond3A_1531 = arith.cmpi ne, %convert_element_type3A_1529, %cond3A_1530 : i32
        scf.if %cond3A_1531 {
          %add3A_1532 = arith.constant 1 : i32
          %add3A_1533 = arith.addi %add3A_844, %add3A_1532 : i32
          %jit3A_1534 = arith.constant 16 : i32
          %div3A_1535 = arith.divsi %add3A_1533, %jit3A_1534 : i32
          %sign3A_1536 = arith.constant 0 : i32
          %sign3A_1537 = arith.cmpi sgt, %add3A_1533, %sign3A_1536 : i32
          %sign3A_1538 = arith.extui %sign3A_1537 : i1 to i32
          %sign3A_1539 = arith.constant 0 : i32
          %sign3A_1540 = arith.cmpi slt, %add3A_1533, %sign3A_1539 : i32
          %sign3A_1541 = arith.extui %sign3A_1540 : i1 to i32
          %sign3A_1542 = arith.subi %sign3A_1538, %sign3A_1541 : i32
          %sign3A_1543 = arith.constant 0 : i32
          %sign3A_1544 = arith.cmpi sgt, %jit3A_1534, %sign3A_1543 : i32
          %sign3A_1545 = arith.extui %sign3A_1544 : i1 to i32
          %sign3A_1546 = arith.constant 0 : i32
          %sign3A_1547 = arith.cmpi slt, %jit3A_1534, %sign3A_1546 : i32
          %sign3A_1548 = arith.extui %sign3A_1547 : i1 to i32
          %sign3A_1549 = arith.subi %sign3A_1545, %sign3A_1548 : i32
          %ne3A_1550 = arith.cmpi ne, %sign3A_1542, %sign3A_1549 : i32
          %rem3A_1551 = arith.remsi %add3A_1533, %jit3A_1534 : i32
          %ne3A_1552 = arith.constant 0 : i32
          %ne3A_1553 = arith.cmpi ne, %rem3A_1551, %ne3A_1552 : i32
          %and3A_1554 = arith.andi %ne3A_1550, %ne3A_1553 : i1
          %sub3A_1555 = arith.constant 1 : i32
          %sub3A_1556 = arith.subi %div3A_1535, %sub3A_1555 : i32
          %select_n3A_1557 = arith.select %and3A_1554, %sub3A_1556, %div3A_1535 : i32
          %jit3A_1558 = arith.constant 16 : i32
          %eq3A_1559 = arith.constant 0 : i32
          %eq3A_1560 = arith.cmpi eq, %jit3A_1558, %eq3A_1559 : i32
          %jit3A_1561 = arith.constant 1 : i32
          %select_n3A_1562 = arith.select %eq3A_1560, %jit3A_1561, %jit3A_1558 : i32
          %rem3A_1563 = arith.remsi %add3A_1533, %select_n3A_1562 : i32
          %ne3A_1564 = arith.constant 0 : i32
          %ne3A_1565 = arith.cmpi ne, %rem3A_1563, %ne3A_1564 : i32
          %lt3A_1566 = arith.constant 0 : i32
          %lt3A_1567 = arith.cmpi slt, %rem3A_1563, %lt3A_1566 : i32
          %lt3A_1568 = arith.constant 0 : i32
          %lt3A_1569 = arith.cmpi slt, %select_n3A_1562, %lt3A_1568 : i32
          %ne3A_1570 = arith.xori %lt3A_1567, %lt3A_1569 : i1
          %and3A_1571 = arith.andi %ne3A_1570, %ne3A_1565 : i1
          %add3A_1572 = arith.addi %rem3A_1563, %select_n3A_1562 : i32
          %select_n3A_1573 = arith.select %and3A_1571, %add3A_1572, %rem3A_1563 : i32
          %mul3A_1574 = arith.constant 1024 : i32
          %mul3A_1575 = arith.muli %select_n3A_1573, %mul3A_1574 : i32
          %run_scoped3A_1576 = arith.constant 1 : i32
          "tpu.region"() ({
            %run_scoped3A_1673 = tpu.sem_alloc : memref<!tpu.dma_semaphore, #tpu.memory_space<semaphore_mem>>
            %dma_start3A_1674 = arith.constant 0 : i32
            %dma_start3A_1675 = tpu.memref_slice %arg5[%run_scoped3A_1576, %dma_start3A_1674] : memref<2x1024xi32, #tpu.memory_space<vmem>> -> memref<1x1024xi32, #tpu.memory_space<vmem>>
            %dma_start3A_1676 = tpu.memref_squeeze %dma_start3A_1675 : memref<1x1024xi32, #tpu.memory_space<vmem>> -> memref<1024xi32, #tpu.memory_space<vmem>>
            %dma_start3A_1677 = tpu.memref_slice %arg2[%select_n3A_1557, %mul3A_1575] : memref<50x16384xi32, #tpu.memory_space<hbm>> -> memref<1x1024xi32, #tpu.memory_space<hbm>>
            %dma_start3A_1678 = tpu.memref_squeeze %dma_start3A_1677 : memref<1x1024xi32, #tpu.memory_space<hbm>> -> memref<1024xi32, #tpu.memory_space<hbm>>
            %dma_start3A_1679 = arith.constant 0 : i32
            %dma_start3A_1680 = tpu.memref_slice %arg5[%run_scoped3A_1576, %dma_start3A_1679] : memref<2x1024xi32, #tpu.memory_space<vmem>> -> memref<1x1024xi32, #tpu.memory_space<vmem>>
            %dma_start3A_1681 = tpu.memref_squeeze %dma_start3A_1680 : memref<1x1024xi32, #tpu.memory_space<vmem>> -> memref<1024xi32, #tpu.memory_space<vmem>>
            %dma_start3A_1682 = tpu.memref_slice %arg2[%select_n3A_1557, %mul3A_1575] : memref<50x16384xi32, #tpu.memory_space<hbm>> -> memref<1x1024xi32, #tpu.memory_space<hbm>>
            %dma_start3A_1683 = tpu.memref_squeeze %dma_start3A_1682 : memref<1x1024xi32, #tpu.memory_space<hbm>> -> memref<1024xi32, #tpu.memory_space<hbm>>
            tpu.enqueue_dma source(%dma_start3A_1683 : memref<1024xi32, #tpu.memory_space<hbm>>) target(%dma_start3A_1681 : memref<1024xi32, #tpu.memory_space<vmem>>) target_semaphore(%run_scoped3A_1673 : memref<!tpu.dma_semaphore, #tpu.memory_space<semaphore_mem>>)
            %dma_wait3A_1684 = arith.constant 0 : i32
            %dma_wait3A_1685 = tpu.memref_slice %arg5[%run_scoped3A_1576, %dma_wait3A_1684] : memref<2x1024xi32, #tpu.memory_space<vmem>> -> memref<1x1024xi32, #tpu.memory_space<vmem>>
            %dma_wait3A_1686 = tpu.memref_squeeze %dma_wait3A_1685 : memref<1x1024xi32, #tpu.memory_space<vmem>> -> memref<1024xi32, #tpu.memory_space<vmem>>
            %dma_wait3A_1687 = tpu.memref_slice %arg2[%select_n3A_1557, %mul3A_1575] : memref<50x16384xi32, #tpu.memory_space<hbm>> -> memref<1x1024xi32, #tpu.memory_space<hbm>>
            %dma_wait3A_1688 = tpu.memref_squeeze %dma_wait3A_1687 : memref<1x1024xi32, #tpu.memory_space<hbm>> -> memref<1024xi32, #tpu.memory_space<hbm>>
            %dma_wait3A_1689 = arith.constant 0 : i32
            %dma_wait3A_1690 = tpu.memref_slice %arg5[%run_scoped3A_1576, %dma_wait3A_1689] : memref<2x1024xi32, #tpu.memory_space<vmem>> -> memref<1x1024xi32, #tpu.memory_space<vmem>>
            %dma_wait3A_1691 = tpu.memref_squeeze %dma_wait3A_1690 : memref<1x1024xi32, #tpu.memory_space<vmem>> -> memref<1024xi32, #tpu.memory_space<vmem>>
            %dma_wait3A_1692 = tpu.memref_slice %arg2[%select_n3A_1557, %mul3A_1575] : memref<50x16384xi32, #tpu.memory_space<hbm>> -> memref<1x1024xi32, #tpu.memory_space<hbm>>
            %dma_wait3A_1693 = tpu.memref_squeeze %dma_wait3A_1692 : memref<1x1024xi32, #tpu.memory_space<hbm>> -> memref<1024xi32, #tpu.memory_space<hbm>>
            tpu.wait_dma2 semaphore(%run_scoped3A_1673 : memref<!tpu.dma_semaphore, #tpu.memory_space<semaphore_mem>>) src(%dma_wait3A_1693 : memref<1024xi32, #tpu.memory_space<hbm>>) dst(%dma_wait3A_1691 : memref<1024xi32, #tpu.memory_space<vmem>>)
            tpu.yield
          }) : () -> ()
          %dma_start3A_1577 = arith.constant 1 : i32
          %dma_start3A_1578 = arith.constant 1 : i32
          %dma_start3A_1579 = arith.constant 0 : i32
          %dma_start3A_1580 = arith.constant 0 : i32
          %dma_start3A_1581 = tpu.memref_slice %arg6[%dma_start3A_1578, %dma_start3A_1579, %dma_start3A_1580] : memref<2x1024x32xf32, #tpu.memory_space<vmem>> -> memref<1x128x32xf32, #tpu.memory_space<vmem>>
          %dma_start3A_1582 = tpu.memref_squeeze %dma_start3A_1581 : memref<1x128x32xf32, #tpu.memory_space<vmem>> -> memref<128x32xf32, #tpu.memory_space<vmem>>
          %dma_start3A_1583 = arith.constant 0 : i32
          %dma_start3A_1584 = tpu.memref_slice %arg5[%dma_start3A_1577, %dma_start3A_1583] : memref<2x1024xi32, #tpu.memory_space<vmem>> -> memref<1x128xi32, #tpu.memory_space<vmem>>
          %dma_start3A_1585 = tpu.memref_squeeze %dma_start3A_1584 : memref<1x128xi32, #tpu.memory_space<vmem>> -> memref<128xi32, #tpu.memory_space<vmem>>
          %dma_start3A_1586 = arith.constant 0 : i32
          %dma_start3A_1587 = arith.constant 0 : i32
          %dma_start3A_1588 = tpu.memref_slice %arg3[%dma_start3A_1586, %dma_start3A_1587] : memref<1000000x32xf32, #tpu.memory_space<hbm>> -> memref<1000000x32xf32, #tpu.memory_space<hbm>>
          tpu.enqueue_indirect_dma source(%dma_start3A_1588 : memref<1000000x32xf32, #tpu.memory_space<hbm>>) target(%dma_start3A_1582 : memref<128x32xf32, #tpu.memory_space<vmem>>) offsets(%dma_start3A_1585 : memref<128xi32, #tpu.memory_space<vmem>>) semaphore(%arg9 : memref<!tpu.dma_semaphore, #tpu.memory_space<semaphore_mem>>)
          %dma_start3A_1589 = arith.constant 1 : i32
          %dma_start3A_1590 = arith.constant 1 : i32
          %dma_start3A_1591 = arith.constant 128 : i32
          %dma_start3A_1592 = arith.constant 0 : i32
          %dma_start3A_1593 = tpu.memref_slice %arg6[%dma_start3A_1590, %dma_start3A_1591, %dma_start3A_1592] : memref<2x1024x32xf32, #tpu.memory_space<vmem>> -> memref<1x128x32xf32, #tpu.memory_space<vmem>>
          %dma_start3A_1594 = tpu.memref_squeeze %dma_start3A_1593 : memref<1x128x32xf32, #tpu.memory_space<vmem>> -> memref<128x32xf32, #tpu.memory_space<vmem>>
          %dma_start3A_1595 = arith.constant 128 : i32
          %dma_start3A_1596 = tpu.memref_slice %arg5[%dma_start3A_1589, %dma_start3A_1595] : memref<2x1024xi32, #tpu.memory_space<vmem>> -> memref<1x128xi32, #tpu.memory_space<vmem>>
          %dma_start3A_1597 = tpu.memref_squeeze %dma_start3A_1596 : memref<1x128xi32, #tpu.memory_space<vmem>> -> memref<128xi32, #tpu.memory_space<vmem>>
          %dma_start3A_1598 = arith.constant 0 : i32
          %dma_start3A_1599 = arith.constant 0 : i32
          %dma_start3A_1600 = tpu.memref_slice %arg3[%dma_start3A_1598, %dma_start3A_1599] : memref<1000000x32xf32, #tpu.memory_space<hbm>> -> memref<1000000x32xf32, #tpu.memory_space<hbm>>
          tpu.enqueue_indirect_dma source(%dma_start3A_1600 : memref<1000000x32xf32, #tpu.memory_space<hbm>>) target(%dma_start3A_1594 : memref<128x32xf32, #tpu.memory_space<vmem>>) offsets(%dma_start3A_1597 : memref<128xi32, #tpu.memory_space<vmem>>) semaphore(%arg9 : memref<!tpu.dma_semaphore, #tpu.memory_space<semaphore_mem>>)
          %dma_start3A_1601 = arith.constant 1 : i32
          %dma_start3A_1602 = arith.constant 1 : i32
          %dma_start3A_1603 = arith.constant 256 : i32
          %dma_start3A_1604 = arith.constant 0 : i32
          %dma_start3A_1605 = tpu.memref_slice %arg6[%dma_start3A_1602, %dma_start3A_1603, %dma_start3A_1604] : memref<2x1024x32xf32, #tpu.memory_space<vmem>> -> memref<1x128x32xf32, #tpu.memory_space<vmem>>
          %dma_start3A_1606 = tpu.memref_squeeze %dma_start3A_1605 : memref<1x128x32xf32, #tpu.memory_space<vmem>> -> memref<128x32xf32, #tpu.memory_space<vmem>>
          %dma_start3A_1607 = arith.constant 256 : i32
          %dma_start3A_1608 = tpu.memref_slice %arg5[%dma_start3A_1601, %dma_start3A_1607] : memref<2x1024xi32, #tpu.memory_space<vmem>> -> memref<1x128xi32, #tpu.memory_space<vmem>>
          %dma_start3A_1609 = tpu.memref_squeeze %dma_start3A_1608 : memref<1x128xi32, #tpu.memory_space<vmem>> -> memref<128xi32, #tpu.memory_space<vmem>>
          %dma_start3A_1610 = arith.constant 0 : i32
          %dma_start3A_1611 = arith.constant 0 : i32
          %dma_start3A_1612 = tpu.memref_slice %arg3[%dma_start3A_1610, %dma_start3A_1611] : memref<1000000x32xf32, #tpu.memory_space<hbm>> -> memref<1000000x32xf32, #tpu.memory_space<hbm>>
          tpu.enqueue_indirect_dma source(%dma_start3A_1612 : memref<1000000x32xf32, #tpu.memory_space<hbm>>) target(%dma_start3A_1606 : memref<128x32xf32, #tpu.memory_space<vmem>>) offsets(%dma_start3A_1609 : memref<128xi32, #tpu.memory_space<vmem>>) semaphore(%arg9 : memref<!tpu.dma_semaphore, #tpu.memory_space<semaphore_mem>>)
          %dma_start3A_1613 = arith.constant 1 : i32
          %dma_start3A_1614 = arith.constant 1 : i32
          %dma_start3A_1615 = arith.constant 384 : i32
          %dma_start3A_1616 = arith.constant 0 : i32
          %dma_start3A_1617 = tpu.memref_slice %arg6[%dma_start3A_1614, %dma_start3A_1615, %dma_start3A_1616] : memref<2x1024x32xf32, #tpu.memory_space<vmem>> -> memref<1x128x32xf32, #tpu.memory_space<vmem>>
          %dma_start3A_1618 = tpu.memref_squeeze %dma_start3A_1617 : memref<1x128x32xf32, #tpu.memory_space<vmem>> -> memref<128x32xf32, #tpu.memory_space<vmem>>
          %dma_start3A_1619 = arith.constant 384 : i32
          %dma_start3A_1620 = tpu.memref_slice %arg5[%dma_start3A_1613, %dma_start3A_1619] : memref<2x1024xi32, #tpu.memory_space<vmem>> -> memref<1x128xi32, #tpu.memory_space<vmem>>
          %dma_start3A_1621 = tpu.memref_squeeze %dma_start3A_1620 : memref<1x128xi32, #tpu.memory_space<vmem>> -> memref<128xi32, #tpu.memory_space<vmem>>
          %dma_start3A_1622 = arith.constant 0 : i32
          %dma_start3A_1623 = arith.constant 0 : i32
          %dma_start3A_1624 = tpu.memref_slice %arg3[%dma_start3A_1622, %dma_start3A_1623] : memref<1000000x32xf32, #tpu.memory_space<hbm>> -> memref<1000000x32xf32, #tpu.memory_space<hbm>>
          tpu.enqueue_indirect_dma source(%dma_start3A_1624 : memref<1000000x32xf32, #tpu.memory_space<hbm>>) target(%dma_start3A_1618 : memref<128x32xf32, #tpu.memory_space<vmem>>) offsets(%dma_start3A_1621 : memref<128xi32, #tpu.memory_space<vmem>>) semaphore(%arg9 : memref<!tpu.dma_semaphore, #tpu.memory_space<semaphore_mem>>)
          %dma_start3A_1625 = arith.constant 1 : i32
          %dma_start3A_1626 = arith.constant 1 : i32
          %dma_start3A_1627 = arith.constant 512 : i32
          %dma_start3A_1628 = arith.constant 0 : i32
          %dma_start3A_1629 = tpu.memref_slice %arg6[%dma_start3A_1626, %dma_start3A_1627, %dma_start3A_1628] : memref<2x1024x32xf32, #tpu.memory_space<vmem>> -> memref<1x128x32xf32, #tpu.memory_space<vmem>>
          %dma_start3A_1630 = tpu.memref_squeeze %dma_start3A_1629 : memref<1x128x32xf32, #tpu.memory_space<vmem>> -> memref<128x32xf32, #tpu.memory_space<vmem>>
          %dma_start3A_1631 = arith.constant 512 : i32
          %dma_start3A_1632 = tpu.memref_slice %arg5[%dma_start3A_1625, %dma_start3A_1631] : memref<2x1024xi32, #tpu.memory_space<vmem>> -> memref<1x128xi32, #tpu.memory_space<vmem>>
          %dma_start3A_1633 = tpu.memref_squeeze %dma_start3A_1632 : memref<1x128xi32, #tpu.memory_space<vmem>> -> memref<128xi32, #tpu.memory_space<vmem>>
          %dma_start3A_1634 = arith.constant 0 : i32
          %dma_start3A_1635 = arith.constant 0 : i32
          %dma_start3A_1636 = tpu.memref_slice %arg3[%dma_start3A_1634, %dma_start3A_1635] : memref<1000000x32xf32, #tpu.memory_space<hbm>> -> memref<1000000x32xf32, #tpu.memory_space<hbm>>
          tpu.enqueue_indirect_dma source(%dma_start3A_1636 : memref<1000000x32xf32, #tpu.memory_space<hbm>>) target(%dma_start3A_1630 : memref<128x32xf32, #tpu.memory_space<vmem>>) offsets(%dma_start3A_1633 : memref<128xi32, #tpu.memory_space<vmem>>) semaphore(%arg9 : memref<!tpu.dma_semaphore, #tpu.memory_space<semaphore_mem>>)
          %dma_start3A_1637 = arith.constant 1 : i32
          %dma_start3A_1638 = arith.constant 1 : i32
          %dma_start3A_1639 = arith.constant 640 : i32
          %dma_start3A_1640 = arith.constant 0 : i32
          %dma_start3A_1641 = tpu.memref_slice %arg6[%dma_start3A_1638, %dma_start3A_1639, %dma_start3A_1640] : memref<2x1024x32xf32, #tpu.memory_space<vmem>> -> memref<1x128x32xf32, #tpu.memory_space<vmem>>
          %dma_start3A_1642 = tpu.memref_squeeze %dma_start3A_1641 : memref<1x128x32xf32, #tpu.memory_space<vmem>> -> memref<128x32xf32, #tpu.memory_space<vmem>>
          %dma_start3A_1643 = arith.constant 640 : i32
          %dma_start3A_1644 = tpu.memref_slice %arg5[%dma_start3A_1637, %dma_start3A_1643] : memref<2x1024xi32, #tpu.memory_space<vmem>> -> memref<1x128xi32, #tpu.memory_space<vmem>>
          %dma_start3A_1645 = tpu.memref_squeeze %dma_start3A_1644 : memref<1x128xi32, #tpu.memory_space<vmem>> -> memref<128xi32, #tpu.memory_space<vmem>>
          %dma_start3A_1646 = arith.constant 0 : i32
          %dma_start3A_1647 = arith.constant 0 : i32
          %dma_start3A_1648 = tpu.memref_slice %arg3[%dma_start3A_1646, %dma_start3A_1647] : memref<1000000x32xf32, #tpu.memory_space<hbm>> -> memref<1000000x32xf32, #tpu.memory_space<hbm>>
          tpu.enqueue_indirect_dma source(%dma_start3A_1648 : memref<1000000x32xf32, #tpu.memory_space<hbm>>) target(%dma_start3A_1642 : memref<128x32xf32, #tpu.memory_space<vmem>>) offsets(%dma_start3A_1645 : memref<128xi32, #tpu.memory_space<vmem>>) semaphore(%arg9 : memref<!tpu.dma_semaphore, #tpu.memory_space<semaphore_mem>>)
          %dma_start3A_1649 = arith.constant 1 : i32
          %dma_start3A_1650 = arith.constant 1 : i32
          %dma_start3A_1651 = arith.constant 768 : i32
          %dma_start3A_1652 = arith.constant 0 : i32
          %dma_start3A_1653 = tpu.memref_slice %arg6[%dma_start3A_1650, %dma_start3A_1651, %dma_start3A_1652] : memref<2x1024x32xf32, #tpu.memory_space<vmem>> -> memref<1x128x32xf32, #tpu.memory_space<vmem>>
          %dma_start3A_1654 = tpu.memref_squeeze %dma_start3A_1653 : memref<1x128x32xf32, #tpu.memory_space<vmem>> -> memref<128x32xf32, #tpu.memory_space<vmem>>
          %dma_start3A_1655 = arith.constant 768 : i32
          %dma_start3A_1656 = tpu.memref_slice %arg5[%dma_start3A_1649, %dma_start3A_1655] : memref<2x1024xi32, #tpu.memory_space<vmem>> -> memref<1x128xi32, #tpu.memory_space<vmem>>
          %dma_start3A_1657 = tpu.memref_squeeze %dma_start3A_1656 : memref<1x128xi32, #tpu.memory_space<vmem>> -> memref<128xi32, #tpu.memory_space<vmem>>
          %dma_start3A_1658 = arith.constant 0 : i32
          %dma_start3A_1659 = arith.constant 0 : i32
          %dma_start3A_1660 = tpu.memref_slice %arg3[%dma_start3A_1658, %dma_start3A_1659] : memref<1000000x32xf32, #tpu.memory_space<hbm>> -> memref<1000000x32xf32, #tpu.memory_space<hbm>>
          tpu.enqueue_indirect_dma source(%dma_start3A_1660 : memref<1000000x32xf32, #tpu.memory_space<hbm>>) target(%dma_start3A_1654 : memref<128x32xf32, #tpu.memory_space<vmem>>) offsets(%dma_start3A_1657 : memref<128xi32, #tpu.memory_space<vmem>>) semaphore(%arg9 : memref<!tpu.dma_semaphore, #tpu.memory_space<semaphore_mem>>)
          %dma_start3A_1661 = arith.constant 1 : i32
          %dma_start3A_1662 = arith.constant 1 : i32
          %dma_start3A_1663 = arith.constant 896 : i32
          %dma_start3A_1664 = arith.constant 0 : i32
          %dma_start3A_1665 = tpu.memref_slice %arg6[%dma_start3A_1662, %dma_start3A_1663, %dma_start3A_1664] : memref<2x1024x32xf32, #tpu.memory_space<vmem>> -> memref<1x128x32xf32, #tpu.memory_space<vmem>>
          %dma_start3A_1666 = tpu.memref_squeeze %dma_start3A_1665 : memref<1x128x32xf32, #tpu.memory_space<vmem>> -> memref<128x32xf32, #tpu.memory_space<vmem>>
          %dma_start3A_1667 = arith.constant 896 : i32
          %dma_start3A_1668 = tpu.memref_slice %arg5[%dma_start3A_1661, %dma_start3A_1667] : memref<2x1024xi32, #tpu.memory_space<vmem>> -> memref<1x128xi32, #tpu.memory_space<vmem>>
          %dma_start3A_1669 = tpu.memref_squeeze %dma_start3A_1668 : memref<1x128xi32, #tpu.memory_space<vmem>> -> memref<128xi32, #tpu.memory_space<vmem>>
          %dma_start3A_1670 = arith.constant 0 : i32
          %dma_start3A_1671 = arith.constant 0 : i32
          %dma_start3A_1672 = tpu.memref_slice %arg3[%dma_start3A_1670, %dma_start3A_1671] : memref<1000000x32xf32, #tpu.memory_space<hbm>> -> memref<1000000x32xf32, #tpu.memory_space<hbm>>
          tpu.enqueue_indirect_dma source(%dma_start3A_1672 : memref<1000000x32xf32, #tpu.memory_space<hbm>>) target(%dma_start3A_1666 : memref<128x32xf32, #tpu.memory_space<vmem>>) offsets(%dma_start3A_1669 : memref<128xi32, #tpu.memory_space<vmem>>) semaphore(%arg9 : memref<!tpu.dma_semaphore, #tpu.memory_space<semaphore_mem>>)
        } else {
        }
      } else {
      }
      %eq3A_854 = arith.constant 0 : i32
      %eq3A_855 = arith.cmpi eq, %rem3A_846, %eq3A_854 : i32
      %convert_element_type3A_856 = arith.extui %eq3A_855 : i1 to i32
      %cond3A_857 = arith.constant 0 : i32
      %cond3A_858 = arith.cmpi ne, %convert_element_type3A_856, %cond3A_857 : i32
      scf.if %cond3A_858 {
        %dma_wait3A_1522 = arith.constant 0 : i32
        %dma_wait3A_1523 = arith.constant 0 : i32
        %dma_wait3A_1524 = arith.constant 0 : i32
        %dma_wait3A_1525 = tpu.memref_slice %arg6[%dma_wait3A_1522, %dma_wait3A_1523, %dma_wait3A_1524] : memref<2x1024x32xf32, #tpu.memory_space<vmem>> -> memref<1x128x32xf32, #tpu.memory_space<vmem>>
        %dma_wait3A_1526 = tpu.memref_squeeze %dma_wait3A_1525 : memref<1x128x32xf32, #tpu.memory_space<vmem>> -> memref<128x32xf32, #tpu.memory_space<vmem>>
        %dma_wait3A_1527 = arith.constant 0 : i32
        %dma_wait3A_1528 = arith.constant 0 : i32
        %dma_wait3A_1529 = tpu.memref_slice %arg3[%dma_wait3A_1527, %dma_wait3A_1528] : memref<1000000x32xf32, #tpu.memory_space<hbm>> -> memref<128x32xf32, #tpu.memory_space<hbm>>
        %dma_wait3A_1530 = arith.constant 0 : i32
        %dma_wait3A_1531 = arith.constant 0 : i32
        %dma_wait3A_1532 = tpu.memref_slice %arg6[%dma_wait3A_1522, %dma_wait3A_1530, %dma_wait3A_1531] : memref<2x1024x32xf32, #tpu.memory_space<vmem>> -> memref<1x128x32xf32, #tpu.memory_space<vmem>>
        %dma_wait3A_1533 = tpu.memref_squeeze %dma_wait3A_1532 : memref<1x128x32xf32, #tpu.memory_space<vmem>> -> memref<128x32xf32, #tpu.memory_space<vmem>>
        %dma_wait3A_1534 = arith.constant 0 : i32
        %dma_wait3A_1535 = arith.constant 0 : i32
        %dma_wait3A_1536 = tpu.memref_slice %arg3[%dma_wait3A_1534, %dma_wait3A_1535] : memref<1000000x32xf32, #tpu.memory_space<hbm>> -> memref<128x32xf32, #tpu.memory_space<hbm>>
        tpu.wait_dma2 semaphore(%arg8 : memref<!tpu.dma_semaphore, #tpu.memory_space<semaphore_mem>>) src(%dma_wait3A_1536 : memref<128x32xf32, #tpu.memory_space<hbm>>) dst(%dma_wait3A_1533 : memref<128x32xf32, #tpu.memory_space<vmem>>)
        %dma_wait3A_1537 = arith.constant 0 : i32
        %dma_wait3A_1538 = arith.constant 128 : i32
        %dma_wait3A_1539 = arith.constant 0 : i32
        %dma_wait3A_1540 = tpu.memref_slice %arg6[%dma_wait3A_1537, %dma_wait3A_1538, %dma_wait3A_1539] : memref<2x1024x32xf32, #tpu.memory_space<vmem>> -> memref<1x128x32xf32, #tpu.memory_space<vmem>>
        %dma_wait3A_1541 = tpu.memref_squeeze %dma_wait3A_1540 : memref<1x128x32xf32, #tpu.memory_space<vmem>> -> memref<128x32xf32, #tpu.memory_space<vmem>>
        %dma_wait3A_1542 = arith.constant 0 : i32
        %dma_wait3A_1543 = arith.constant 0 : i32
        %dma_wait3A_1544 = tpu.memref_slice %arg3[%dma_wait3A_1542, %dma_wait3A_1543] : memref<1000000x32xf32, #tpu.memory_space<hbm>> -> memref<128x32xf32, #tpu.memory_space<hbm>>
        %dma_wait3A_1545 = arith.constant 128 : i32
        %dma_wait3A_1546 = arith.constant 0 : i32
        %dma_wait3A_1547 = tpu.memref_slice %arg6[%dma_wait3A_1537, %dma_wait3A_1545, %dma_wait3A_1546] : memref<2x1024x32xf32, #tpu.memory_space<vmem>> -> memref<1x128x32xf32, #tpu.memory_space<vmem>>
        %dma_wait3A_1548 = tpu.memref_squeeze %dma_wait3A_1547 : memref<1x128x32xf32, #tpu.memory_space<vmem>> -> memref<128x32xf32, #tpu.memory_space<vmem>>
        %dma_wait3A_1549 = arith.constant 0 : i32
        %dma_wait3A_1550 = arith.constant 0 : i32
        %dma_wait3A_1551 = tpu.memref_slice %arg3[%dma_wait3A_1549, %dma_wait3A_1550] : memref<1000000x32xf32, #tpu.memory_space<hbm>> -> memref<128x32xf32, #tpu.memory_space<hbm>>
        tpu.wait_dma2 semaphore(%arg8 : memref<!tpu.dma_semaphore, #tpu.memory_space<semaphore_mem>>) src(%dma_wait3A_1551 : memref<128x32xf32, #tpu.memory_space<hbm>>) dst(%dma_wait3A_1548 : memref<128x32xf32, #tpu.memory_space<vmem>>)
        %dma_wait3A_1552 = arith.constant 0 : i32
        %dma_wait3A_1553 = arith.constant 256 : i32
        %dma_wait3A_1554 = arith.constant 0 : i32
        %dma_wait3A_1555 = tpu.memref_slice %arg6[%dma_wait3A_1552, %dma_wait3A_1553, %dma_wait3A_1554] : memref<2x1024x32xf32, #tpu.memory_space<vmem>> -> memref<1x128x32xf32, #tpu.memory_space<vmem>>
        %dma_wait3A_1556 = tpu.memref_squeeze %dma_wait3A_1555 : memref<1x128x32xf32, #tpu.memory_space<vmem>> -> memref<128x32xf32, #tpu.memory_space<vmem>>
        %dma_wait3A_1557 = arith.constant 0 : i32
        %dma_wait3A_1558 = arith.constant 0 : i32
        %dma_wait3A_1559 = tpu.memref_slice %arg3[%dma_wait3A_1557, %dma_wait3A_1558] : memref<1000000x32xf32, #tpu.memory_space<hbm>> -> memref<128x32xf32, #tpu.memory_space<hbm>>
        %dma_wait3A_1560 = arith.constant 256 : i32
        %dma_wait3A_1561 = arith.constant 0 : i32
        %dma_wait3A_1562 = tpu.memref_slice %arg6[%dma_wait3A_1552, %dma_wait3A_1560, %dma_wait3A_1561] : memref<2x1024x32xf32, #tpu.memory_space<vmem>> -> memref<1x128x32xf32, #tpu.memory_space<vmem>>
        %dma_wait3A_1563 = tpu.memref_squeeze %dma_wait3A_1562 : memref<1x128x32xf32, #tpu.memory_space<vmem>> -> memref<128x32xf32, #tpu.memory_space<vmem>>
        %dma_wait3A_1564 = arith.constant 0 : i32
        %dma_wait3A_1565 = arith.constant 0 : i32
        %dma_wait3A_1566 = tpu.memref_slice %arg3[%dma_wait3A_1564, %dma_wait3A_1565] : memref<1000000x32xf32, #tpu.memory_space<hbm>> -> memref<128x32xf32, #tpu.memory_space<hbm>>
        tpu.wait_dma2 semaphore(%arg8 : memref<!tpu.dma_semaphore, #tpu.memory_space<semaphore_mem>>) src(%dma_wait3A_1566 : memref<128x32xf32, #tpu.memory_space<hbm>>) dst(%dma_wait3A_1563 : memref<128x32xf32, #tpu.memory_space<vmem>>)
        %dma_wait3A_1567 = arith.constant 0 : i32
        %dma_wait3A_1568 = arith.constant 384 : i32
        %dma_wait3A_1569 = arith.constant 0 : i32
        %dma_wait3A_1570 = tpu.memref_slice %arg6[%dma_wait3A_1567, %dma_wait3A_1568, %dma_wait3A_1569] : memref<2x1024x32xf32, #tpu.memory_space<vmem>> -> memref<1x128x32xf32, #tpu.memory_space<vmem>>
        %dma_wait3A_1571 = tpu.memref_squeeze %dma_wait3A_1570 : memref<1x128x32xf32, #tpu.memory_space<vmem>> -> memref<128x32xf32, #tpu.memory_space<vmem>>
        %dma_wait3A_1572 = arith.constant 0 : i32
        %dma_wait3A_1573 = arith.constant 0 : i32
        %dma_wait3A_1574 = tpu.memref_slice %arg3[%dma_wait3A_1572, %dma_wait3A_1573] : memref<1000000x32xf32, #tpu.memory_space<hbm>> -> memref<128x32xf32, #tpu.memory_space<hbm>>
        %dma_wait3A_1575 = arith.constant 384 : i32
        %dma_wait3A_1576 = arith.constant 0 : i32
        %dma_wait3A_1577 = tpu.memref_slice %arg6[%dma_wait3A_1567, %dma_wait3A_1575, %dma_wait3A_1576] : memref<2x1024x32xf32, #tpu.memory_space<vmem>> -> memref<1x128x32xf32, #tpu.memory_space<vmem>>
        %dma_wait3A_1578 = tpu.memref_squeeze %dma_wait3A_1577 : memref<1x128x32xf32, #tpu.memory_space<vmem>> -> memref<128x32xf32, #tpu.memory_space<vmem>>
        %dma_wait3A_1579 = arith.constant 0 : i32
        %dma_wait3A_1580 = arith.constant 0 : i32
        %dma_wait3A_1581 = tpu.memref_slice %arg3[%dma_wait3A_1579, %dma_wait3A_1580] : memref<1000000x32xf32, #tpu.memory_space<hbm>> -> memref<128x32xf32, #tpu.memory_space<hbm>>
        tpu.wait_dma2 semaphore(%arg8 : memref<!tpu.dma_semaphore, #tpu.memory_space<semaphore_mem>>) src(%dma_wait3A_1581 : memref<128x32xf32, #tpu.memory_space<hbm>>) dst(%dma_wait3A_1578 : memref<128x32xf32, #tpu.memory_space<vmem>>)
        %dma_wait3A_1582 = arith.constant 0 : i32
        %dma_wait3A_1583 = arith.constant 512 : i32
        %dma_wait3A_1584 = arith.constant 0 : i32
        %dma_wait3A_1585 = tpu.memref_slice %arg6[%dma_wait3A_1582, %dma_wait3A_1583, %dma_wait3A_1584] : memref<2x1024x32xf32, #tpu.memory_space<vmem>> -> memref<1x128x32xf32, #tpu.memory_space<vmem>>
        %dma_wait3A_1586 = tpu.memref_squeeze %dma_wait3A_1585 : memref<1x128x32xf32, #tpu.memory_space<vmem>> -> memref<128x32xf32, #tpu.memory_space<vmem>>
        %dma_wait3A_1587 = arith.constant 0 : i32
        %dma_wait3A_1588 = arith.constant 0 : i32
        %dma_wait3A_1589 = tpu.memref_slice %arg3[%dma_wait3A_1587, %dma_wait3A_1588] : memref<1000000x32xf32, #tpu.memory_space<hbm>> -> memref<128x32xf32, #tpu.memory_space<hbm>>
        %dma_wait3A_1590 = arith.constant 512 : i32
        %dma_wait3A_1591 = arith.constant 0 : i32
        %dma_wait3A_1592 = tpu.memref_slice %arg6[%dma_wait3A_1582, %dma_wait3A_1590, %dma_wait3A_1591] : memref<2x1024x32xf32, #tpu.memory_space<vmem>> -> memref<1x128x32xf32, #tpu.memory_space<vmem>>
        %dma_wait3A_1593 = tpu.memref_squeeze %dma_wait3A_1592 : memref<1x128x32xf32, #tpu.memory_space<vmem>> -> memref<128x32xf32, #tpu.memory_space<vmem>>
        %dma_wait3A_1594 = arith.constant 0 : i32
        %dma_wait3A_1595 = arith.constant 0 : i32
        %dma_wait3A_1596 = tpu.memref_slice %arg3[%dma_wait3A_1594, %dma_wait3A_1595] : memref<1000000x32xf32, #tpu.memory_space<hbm>> -> memref<128x32xf32, #tpu.memory_space<hbm>>
        tpu.wait_dma2 semaphore(%arg8 : memref<!tpu.dma_semaphore, #tpu.memory_space<semaphore_mem>>) src(%dma_wait3A_1596 : memref<128x32xf32, #tpu.memory_space<hbm>>) dst(%dma_wait3A_1593 : memref<128x32xf32, #tpu.memory_space<vmem>>)
        %dma_wait3A_1597 = arith.constant 0 : i32
        %dma_wait3A_1598 = arith.constant 640 : i32
        %dma_wait3A_1599 = arith.constant 0 : i32
        %dma_wait3A_1600 = tpu.memref_slice %arg6[%dma_wait3A_1597, %dma_wait3A_1598, %dma_wait3A_1599] : memref<2x1024x32xf32, #tpu.memory_space<vmem>> -> memref<1x128x32xf32, #tpu.memory_space<vmem>>
        %dma_wait3A_1601 = tpu.memref_squeeze %dma_wait3A_1600 : memref<1x128x32xf32, #tpu.memory_space<vmem>> -> memref<128x32xf32, #tpu.memory_space<vmem>>
        %dma_wait3A_1602 = arith.constant 0 : i32
        %dma_wait3A_1603 = arith.constant 0 : i32
        %dma_wait3A_1604 = tpu.memref_slice %arg3[%dma_wait3A_1602, %dma_wait3A_1603] : memref<1000000x32xf32, #tpu.memory_space<hbm>> -> memref<128x32xf32, #tpu.memory_space<hbm>>
        %dma_wait3A_1605 = arith.constant 640 : i32
        %dma_wait3A_1606 = arith.constant 0 : i32
        %dma_wait3A_1607 = tpu.memref_slice %arg6[%dma_wait3A_1597, %dma_wait3A_1605, %dma_wait3A_1606] : memref<2x1024x32xf32, #tpu.memory_space<vmem>> -> memref<1x128x32xf32, #tpu.memory_space<vmem>>
        %dma_wait3A_1608 = tpu.memref_squeeze %dma_wait3A_1607 : memref<1x128x32xf32, #tpu.memory_space<vmem>> -> memref<128x32xf32, #tpu.memory_space<vmem>>
        %dma_wait3A_1609 = arith.constant 0 : i32
        %dma_wait3A_1610 = arith.constant 0 : i32
        %dma_wait3A_1611 = tpu.memref_slice %arg3[%dma_wait3A_1609, %dma_wait3A_1610] : memref<1000000x32xf32, #tpu.memory_space<hbm>> -> memref<128x32xf32, #tpu.memory_space<hbm>>
        tpu.wait_dma2 semaphore(%arg8 : memref<!tpu.dma_semaphore, #tpu.memory_space<semaphore_mem>>) src(%dma_wait3A_1611 : memref<128x32xf32, #tpu.memory_space<hbm>>) dst(%dma_wait3A_1608 : memref<128x32xf32, #tpu.memory_space<vmem>>)
        %dma_wait3A_1612 = arith.constant 0 : i32
        %dma_wait3A_1613 = arith.constant 768 : i32
        %dma_wait3A_1614 = arith.constant 0 : i32
        %dma_wait3A_1615 = tpu.memref_slice %arg6[%dma_wait3A_1612, %dma_wait3A_1613, %dma_wait3A_1614] : memref<2x1024x32xf32, #tpu.memory_space<vmem>> -> memref<1x128x32xf32, #tpu.memory_space<vmem>>
        %dma_wait3A_1616 = tpu.memref_squeeze %dma_wait3A_1615 : memref<1x128x32xf32, #tpu.memory_space<vmem>> -> memref<128x32xf32, #tpu.memory_space<vmem>>
        %dma_wait3A_1617 = arith.constant 0 : i32
        %dma_wait3A_1618 = arith.constant 0 : i32
        %dma_wait3A_1619 = tpu.memref_slice %arg3[%dma_wait3A_1617, %dma_wait3A_1618] : memref<1000000x32xf32, #tpu.memory_space<hbm>> -> memref<128x32xf32, #tpu.memory_space<hbm>>
        %dma_wait3A_1620 = arith.constant 768 : i32
        %dma_wait3A_1621 = arith.constant 0 : i32
        %dma_wait3A_1622 = tpu.memref_slice %arg6[%dma_wait3A_1612, %dma_wait3A_1620, %dma_wait3A_1621] : memref<2x1024x32xf32, #tpu.memory_space<vmem>> -> memref<1x128x32xf32, #tpu.memory_space<vmem>>
        %dma_wait3A_1623 = tpu.memref_squeeze %dma_wait3A_1622 : memref<1x128x32xf32, #tpu.memory_space<vmem>> -> memref<128x32xf32, #tpu.memory_space<vmem>>
        %dma_wait3A_1624 = arith.constant 0 : i32
        %dma_wait3A_1625 = arith.constant 0 : i32
        %dma_wait3A_1626 = tpu.memref_slice %arg3[%dma_wait3A_1624, %dma_wait3A_1625] : memref<1000000x32xf32, #tpu.memory_space<hbm>> -> memref<128x32xf32, #tpu.memory_space<hbm>>
        tpu.wait_dma2 semaphore(%arg8 : memref<!tpu.dma_semaphore, #tpu.memory_space<semaphore_mem>>) src(%dma_wait3A_1626 : memref<128x32xf32, #tpu.memory_space<hbm>>) dst(%dma_wait3A_1623 : memref<128x32xf32, #tpu.memory_space<vmem>>)
        %dma_wait3A_1627 = arith.constant 0 : i32
        %dma_wait3A_1628 = arith.constant 896 : i32
        %dma_wait3A_1629 = arith.constant 0 : i32
        %dma_wait3A_1630 = tpu.memref_slice %arg6[%dma_wait3A_1627, %dma_wait3A_1628, %dma_wait3A_1629] : memref<2x1024x32xf32, #tpu.memory_space<vmem>> -> memref<1x128x32xf32, #tpu.memory_space<vmem>>
        %dma_wait3A_1631 = tpu.memref_squeeze %dma_wait3A_1630 : memref<1x128x32xf32, #tpu.memory_space<vmem>> -> memref<128x32xf32, #tpu.memory_space<vmem>>
        %dma_wait3A_1632 = arith.constant 0 : i32
        %dma_wait3A_1633 = arith.constant 0 : i32
        %dma_wait3A_1634 = tpu.memref_slice %arg3[%dma_wait3A_1632, %dma_wait3A_1633] : memref<1000000x32xf32, #tpu.memory_space<hbm>> -> memref<128x32xf32, #tpu.memory_space<hbm>>
        %dma_wait3A_1635 = arith.constant 896 : i32
        %dma_wait3A_1636 = arith.constant 0 : i32
        %dma_wait3A_1637 = tpu.memref_slice %arg6[%dma_wait3A_1627, %dma_wait3A_1635, %dma_wait3A_1636] : memref<2x1024x32xf32, #tpu.memory_space<vmem>> -> memref<1x128x32xf32, #tpu.memory_space<vmem>>
        %dma_wait3A_1638 = tpu.memref_squeeze %dma_wait3A_1637 : memref<1x128x32xf32, #tpu.memory_space<vmem>> -> memref<128x32xf32, #tpu.memory_space<vmem>>
        %dma_wait3A_1639 = arith.constant 0 : i32
        %dma_wait3A_1640 = arith.constant 0 : i32
        %dma_wait3A_1641 = tpu.memref_slice %arg3[%dma_wait3A_1639, %dma_wait3A_1640] : memref<1000000x32xf32, #tpu.memory_space<hbm>> -> memref<128x32xf32, #tpu.memory_space<hbm>>
        tpu.wait_dma2 semaphore(%arg8 : memref<!tpu.dma_semaphore, #tpu.memory_space<semaphore_mem>>) src(%dma_wait3A_1641 : memref<128x32xf32, #tpu.memory_space<hbm>>) dst(%dma_wait3A_1638 : memref<128x32xf32, #tpu.memory_space<vmem>>)
      } else {
      }
      %eq3A_859 = arith.constant 1 : i32
      %eq3A_860 = arith.cmpi eq, %rem3A_846, %eq3A_859 : i32
      %convert_element_type3A_861 = arith.extui %eq3A_860 : i1 to i32
      %cond3A_862 = arith.constant 0 : i32
      %cond3A_863 = arith.cmpi ne, %convert_element_type3A_861, %cond3A_862 : i32
      scf.if %cond3A_863 {
        %dma_wait3A_1522 = arith.constant 1 : i32
        %dma_wait3A_1523 = arith.constant 0 : i32
        %dma_wait3A_1524 = arith.constant 0 : i32
        %dma_wait3A_1525 = tpu.memref_slice %arg6[%dma_wait3A_1522, %dma_wait3A_1523, %dma_wait3A_1524] : memref<2x1024x32xf32, #tpu.memory_space<vmem>> -> memref<1x128x32xf32, #tpu.memory_space<vmem>>
        %dma_wait3A_1526 = tpu.memref_squeeze %dma_wait3A_1525 : memref<1x128x32xf32, #tpu.memory_space<vmem>> -> memref<128x32xf32, #tpu.memory_space<vmem>>
        %dma_wait3A_1527 = arith.constant 0 : i32
        %dma_wait3A_1528 = arith.constant 0 : i32
        %dma_wait3A_1529 = tpu.memref_slice %arg3[%dma_wait3A_1527, %dma_wait3A_1528] : memref<1000000x32xf32, #tpu.memory_space<hbm>> -> memref<128x32xf32, #tpu.memory_space<hbm>>
        %dma_wait3A_1530 = arith.constant 0 : i32
        %dma_wait3A_1531 = arith.constant 0 : i32
        %dma_wait3A_1532 = tpu.memref_slice %arg6[%dma_wait3A_1522, %dma_wait3A_1530, %dma_wait3A_1531] : memref<2x1024x32xf32, #tpu.memory_space<vmem>> -> memref<1x128x32xf32, #tpu.memory_space<vmem>>
        %dma_wait3A_1533 = tpu.memref_squeeze %dma_wait3A_1532 : memref<1x128x32xf32, #tpu.memory_space<vmem>> -> memref<128x32xf32, #tpu.memory_space<vmem>>
        %dma_wait3A_1534 = arith.constant 0 : i32
        %dma_wait3A_1535 = arith.constant 0 : i32
        %dma_wait3A_1536 = tpu.memref_slice %arg3[%dma_wait3A_1534, %dma_wait3A_1535] : memref<1000000x32xf32, #tpu.memory_space<hbm>> -> memref<128x32xf32, #tpu.memory_space<hbm>>
        tpu.wait_dma2 semaphore(%arg9 : memref<!tpu.dma_semaphore, #tpu.memory_space<semaphore_mem>>) src(%dma_wait3A_1536 : memref<128x32xf32, #tpu.memory_space<hbm>>) dst(%dma_wait3A_1533 : memref<128x32xf32, #tpu.memory_space<vmem>>)
        %dma_wait3A_1537 = arith.constant 1 : i32
        %dma_wait3A_1538 = arith.constant 128 : i32
        %dma_wait3A_1539 = arith.constant 0 : i32
        %dma_wait3A_1540 = tpu.memref_slice %arg6[%dma_wait3A_1537, %dma_wait3A_1538, %dma_wait3A_1539] : memref<2x1024x32xf32, #tpu.memory_space<vmem>> -> memref<1x128x32xf32, #tpu.memory_space<vmem>>
        %dma_wait3A_1541 = tpu.memref_squeeze %dma_wait3A_1540 : memref<1x128x32xf32, #tpu.memory_space<vmem>> -> memref<128x32xf32, #tpu.memory_space<vmem>>
        %dma_wait3A_1542 = arith.constant 0 : i32
        %dma_wait3A_1543 = arith.constant 0 : i32
        %dma_wait3A_1544 = tpu.memref_slice %arg3[%dma_wait3A_1542, %dma_wait3A_1543] : memref<1000000x32xf32, #tpu.memory_space<hbm>> -> memref<128x32xf32, #tpu.memory_space<hbm>>
        %dma_wait3A_1545 = arith.constant 128 : i32
        %dma_wait3A_1546 = arith.constant 0 : i32
        %dma_wait3A_1547 = tpu.memref_slice %arg6[%dma_wait3A_1537, %dma_wait3A_1545, %dma_wait3A_1546] : memref<2x1024x32xf32, #tpu.memory_space<vmem>> -> memref<1x128x32xf32, #tpu.memory_space<vmem>>
        %dma_wait3A_1548 = tpu.memref_squeeze %dma_wait3A_1547 : memref<1x128x32xf32, #tpu.memory_space<vmem>> -> memref<128x32xf32, #tpu.memory_space<vmem>>
        %dma_wait3A_1549 = arith.constant 0 : i32
        %dma_wait3A_1550 = arith.constant 0 : i32
        %dma_wait3A_1551 = tpu.memref_slice %arg3[%dma_wait3A_1549, %dma_wait3A_1550] : memref<1000000x32xf32, #tpu.memory_space<hbm>> -> memref<128x32xf32, #tpu.memory_space<hbm>>
        tpu.wait_dma2 semaphore(%arg9 : memref<!tpu.dma_semaphore, #tpu.memory_space<semaphore_mem>>) src(%dma_wait3A_1551 : memref<128x32xf32, #tpu.memory_space<hbm>>) dst(%dma_wait3A_1548 : memref<128x32xf32, #tpu.memory_space<vmem>>)
        %dma_wait3A_1552 = arith.constant 1 : i32
        %dma_wait3A_1553 = arith.constant 256 : i32
        %dma_wait3A_1554 = arith.constant 0 : i32
        %dma_wait3A_1555 = tpu.memref_slice %arg6[%dma_wait3A_1552, %dma_wait3A_1553, %dma_wait3A_1554] : memref<2x1024x32xf32, #tpu.memory_space<vmem>> -> memref<1x128x32xf32, #tpu.memory_space<vmem>>
        %dma_wait3A_1556 = tpu.memref_squeeze %dma_wait3A_1555 : memref<1x128x32xf32, #tpu.memory_space<vmem>> -> memref<128x32xf32, #tpu.memory_space<vmem>>
        %dma_wait3A_1557 = arith.constant 0 : i32
        %dma_wait3A_1558 = arith.constant 0 : i32
        %dma_wait3A_1559 = tpu.memref_slice %arg3[%dma_wait3A_1557, %dma_wait3A_1558] : memref<1000000x32xf32, #tpu.memory_space<hbm>> -> memref<128x32xf32, #tpu.memory_space<hbm>>
        %dma_wait3A_1560 = arith.constant 256 : i32
        %dma_wait3A_1561 = arith.constant 0 : i32
        %dma_wait3A_1562 = tpu.memref_slice %arg6[%dma_wait3A_1552, %dma_wait3A_1560, %dma_wait3A_1561] : memref<2x1024x32xf32, #tpu.memory_space<vmem>> -> memref<1x128x32xf32, #tpu.memory_space<vmem>>
        %dma_wait3A_1563 = tpu.memref_squeeze %dma_wait3A_1562 : memref<1x128x32xf32, #tpu.memory_space<vmem>> -> memref<128x32xf32, #tpu.memory_space<vmem>>
        %dma_wait3A_1564 = arith.constant 0 : i32
        %dma_wait3A_1565 = arith.constant 0 : i32
        %dma_wait3A_1566 = tpu.memref_slice %arg3[%dma_wait3A_1564, %dma_wait3A_1565] : memref<1000000x32xf32, #tpu.memory_space<hbm>> -> memref<128x32xf32, #tpu.memory_space<hbm>>
        tpu.wait_dma2 semaphore(%arg9 : memref<!tpu.dma_semaphore, #tpu.memory_space<semaphore_mem>>) src(%dma_wait3A_1566 : memref<128x32xf32, #tpu.memory_space<hbm>>) dst(%dma_wait3A_1563 : memref<128x32xf32, #tpu.memory_space<vmem>>)
        %dma_wait3A_1567 = arith.constant 1 : i32
        %dma_wait3A_1568 = arith.constant 384 : i32
        %dma_wait3A_1569 = arith.constant 0 : i32
        %dma_wait3A_1570 = tpu.memref_slice %arg6[%dma_wait3A_1567, %dma_wait3A_1568, %dma_wait3A_1569] : memref<2x1024x32xf32, #tpu.memory_space<vmem>> -> memref<1x128x32xf32, #tpu.memory_space<vmem>>
        %dma_wait3A_1571 = tpu.memref_squeeze %dma_wait3A_1570 : memref<1x128x32xf32, #tpu.memory_space<vmem>> -> memref<128x32xf32, #tpu.memory_space<vmem>>
        %dma_wait3A_1572 = arith.constant 0 : i32
        %dma_wait3A_1573 = arith.constant 0 : i32
        %dma_wait3A_1574 = tpu.memref_slice %arg3[%dma_wait3A_1572, %dma_wait3A_1573] : memref<1000000x32xf32, #tpu.memory_space<hbm>> -> memref<128x32xf32, #tpu.memory_space<hbm>>
        %dma_wait3A_1575 = arith.constant 384 : i32
        %dma_wait3A_1576 = arith.constant 0 : i32
        %dma_wait3A_1577 = tpu.memref_slice %arg6[%dma_wait3A_1567, %dma_wait3A_1575, %dma_wait3A_1576] : memref<2x1024x32xf32, #tpu.memory_space<vmem>> -> memref<1x128x32xf32, #tpu.memory_space<vmem>>
        %dma_wait3A_1578 = tpu.memref_squeeze %dma_wait3A_1577 : memref<1x128x32xf32, #tpu.memory_space<vmem>> -> memref<128x32xf32, #tpu.memory_space<vmem>>
        %dma_wait3A_1579 = arith.constant 0 : i32
        %dma_wait3A_1580 = arith.constant 0 : i32
        %dma_wait3A_1581 = tpu.memref_slice %arg3[%dma_wait3A_1579, %dma_wait3A_1580] : memref<1000000x32xf32, #tpu.memory_space<hbm>> -> memref<128x32xf32, #tpu.memory_space<hbm>>
        tpu.wait_dma2 semaphore(%arg9 : memref<!tpu.dma_semaphore, #tpu.memory_space<semaphore_mem>>) src(%dma_wait3A_1581 : memref<128x32xf32, #tpu.memory_space<hbm>>) dst(%dma_wait3A_1578 : memref<128x32xf32, #tpu.memory_space<vmem>>)
        %dma_wait3A_1582 = arith.constant 1 : i32
        %dma_wait3A_1583 = arith.constant 512 : i32
        %dma_wait3A_1584 = arith.constant 0 : i32
        %dma_wait3A_1585 = tpu.memref_slice %arg6[%dma_wait3A_1582, %dma_wait3A_1583, %dma_wait3A_1584] : memref<2x1024x32xf32, #tpu.memory_space<vmem>> -> memref<1x128x32xf32, #tpu.memory_space<vmem>>
        %dma_wait3A_1586 = tpu.memref_squeeze %dma_wait3A_1585 : memref<1x128x32xf32, #tpu.memory_space<vmem>> -> memref<128x32xf32, #tpu.memory_space<vmem>>
        %dma_wait3A_1587 = arith.constant 0 : i32
        %dma_wait3A_1588 = arith.constant 0 : i32
        %dma_wait3A_1589 = tpu.memref_slice %arg3[%dma_wait3A_1587, %dma_wait3A_1588] : memref<1000000x32xf32, #tpu.memory_space<hbm>> -> memref<128x32xf32, #tpu.memory_space<hbm>>
        %dma_wait3A_1590 = arith.constant 512 : i32
        %dma_wait3A_1591 = arith.constant 0 : i32
        %dma_wait3A_1592 = tpu.memref_slice %arg6[%dma_wait3A_1582, %dma_wait3A_1590, %dma_wait3A_1591] : memref<2x1024x32xf32, #tpu.memory_space<vmem>> -> memref<1x128x32xf32, #tpu.memory_space<vmem>>
        %dma_wait3A_1593 = tpu.memref_squeeze %dma_wait3A_1592 : memref<1x128x32xf32, #tpu.memory_space<vmem>> -> memref<128x32xf32, #tpu.memory_space<vmem>>
        %dma_wait3A_1594 = arith.constant 0 : i32
        %dma_wait3A_1595 = arith.constant 0 : i32
        %dma_wait3A_1596 = tpu.memref_slice %arg3[%dma_wait3A_1594, %dma_wait3A_1595] : memref<1000000x32xf32, #tpu.memory_space<hbm>> -> memref<128x32xf32, #tpu.memory_space<hbm>>
        tpu.wait_dma2 semaphore(%arg9 : memref<!tpu.dma_semaphore, #tpu.memory_space<semaphore_mem>>) src(%dma_wait3A_1596 : memref<128x32xf32, #tpu.memory_space<hbm>>) dst(%dma_wait3A_1593 : memref<128x32xf32, #tpu.memory_space<vmem>>)
        %dma_wait3A_1597 = arith.constant 1 : i32
        %dma_wait3A_1598 = arith.constant 640 : i32
        %dma_wait3A_1599 = arith.constant 0 : i32
        %dma_wait3A_1600 = tpu.memref_slice %arg6[%dma_wait3A_1597, %dma_wait3A_1598, %dma_wait3A_1599] : memref<2x1024x32xf32, #tpu.memory_space<vmem>> -> memref<1x128x32xf32, #tpu.memory_space<vmem>>
        %dma_wait3A_1601 = tpu.memref_squeeze %dma_wait3A_1600 : memref<1x128x32xf32, #tpu.memory_space<vmem>> -> memref<128x32xf32, #tpu.memory_space<vmem>>
        %dma_wait3A_1602 = arith.constant 0 : i32
        %dma_wait3A_1603 = arith.constant 0 : i32
        %dma_wait3A_1604 = tpu.memref_slice %arg3[%dma_wait3A_1602, %dma_wait3A_1603] : memref<1000000x32xf32, #tpu.memory_space<hbm>> -> memref<128x32xf32, #tpu.memory_space<hbm>>
        %dma_wait3A_1605 = arith.constant 640 : i32
        %dma_wait3A_1606 = arith.constant 0 : i32
        %dma_wait3A_1607 = tpu.memref_slice %arg6[%dma_wait3A_1597, %dma_wait3A_1605, %dma_wait3A_1606] : memref<2x1024x32xf32, #tpu.memory_space<vmem>> -> memref<1x128x32xf32, #tpu.memory_space<vmem>>
        %dma_wait3A_1608 = tpu.memref_squeeze %dma_wait3A_1607 : memref<1x128x32xf32, #tpu.memory_space<vmem>> -> memref<128x32xf32, #tpu.memory_space<vmem>>
        %dma_wait3A_1609 = arith.constant 0 : i32
        %dma_wait3A_1610 = arith.constant 0 : i32
        %dma_wait3A_1611 = tpu.memref_slice %arg3[%dma_wait3A_1609, %dma_wait3A_1610] : memref<1000000x32xf32, #tpu.memory_space<hbm>> -> memref<128x32xf32, #tpu.memory_space<hbm>>
        tpu.wait_dma2 semaphore(%arg9 : memref<!tpu.dma_semaphore, #tpu.memory_space<semaphore_mem>>) src(%dma_wait3A_1611 : memref<128x32xf32, #tpu.memory_space<hbm>>) dst(%dma_wait3A_1608 : memref<128x32xf32, #tpu.memory_space<vmem>>)
        %dma_wait3A_1612 = arith.constant 1 : i32
        %dma_wait3A_1613 = arith.constant 768 : i32
        %dma_wait3A_1614 = arith.constant 0 : i32
        %dma_wait3A_1615 = tpu.memref_slice %arg6[%dma_wait3A_1612, %dma_wait3A_1613, %dma_wait3A_1614] : memref<2x1024x32xf32, #tpu.memory_space<vmem>> -> memref<1x128x32xf32, #tpu.memory_space<vmem>>
        %dma_wait3A_1616 = tpu.memref_squeeze %dma_wait3A_1615 : memref<1x128x32xf32, #tpu.memory_space<vmem>> -> memref<128x32xf32, #tpu.memory_space<vmem>>
        %dma_wait3A_1617 = arith.constant 0 : i32
        %dma_wait3A_1618 = arith.constant 0 : i32
        %dma_wait3A_1619 = tpu.memref_slice %arg3[%dma_wait3A_1617, %dma_wait3A_1618] : memref<1000000x32xf32, #tpu.memory_space<hbm>> -> memref<128x32xf32, #tpu.memory_space<hbm>>
        %dma_wait3A_1620 = arith.constant 768 : i32
        %dma_wait3A_1621 = arith.constant 0 : i32
        %dma_wait3A_1622 = tpu.memref_slice %arg6[%dma_wait3A_1612, %dma_wait3A_1620, %dma_wait3A_1621] : memref<2x1024x32xf32, #tpu.memory_space<vmem>> -> memref<1x128x32xf32, #tpu.memory_space<vmem>>
        %dma_wait3A_1623 = tpu.memref_squeeze %dma_wait3A_1622 : memref<1x128x32xf32, #tpu.memory_space<vmem>> -> memref<128x32xf32, #tpu.memory_space<vmem>>
        %dma_wait3A_1624 = arith.constant 0 : i32
        %dma_wait3A_1625 = arith.constant 0 : i32
        %dma_wait3A_1626 = tpu.memref_slice %arg3[%dma_wait3A_1624, %dma_wait3A_1625] : memref<1000000x32xf32, #tpu.memory_space<hbm>> -> memref<128x32xf32, #tpu.memory_space<hbm>>
        tpu.wait_dma2 semaphore(%arg9 : memref<!tpu.dma_semaphore, #tpu.memory_space<semaphore_mem>>) src(%dma_wait3A_1626 : memref<128x32xf32, #tpu.memory_space<hbm>>) dst(%dma_wait3A_1623 : memref<128x32xf32, #tpu.memory_space<vmem>>)
        %dma_wait3A_1627 = arith.constant 1 : i32
        %dma_wait3A_1628 = arith.constant 896 : i32
        %dma_wait3A_1629 = arith.constant 0 : i32
        %dma_wait3A_1630 = tpu.memref_slice %arg6[%dma_wait3A_1627, %dma_wait3A_1628, %dma_wait3A_1629] : memref<2x1024x32xf32, #tpu.memory_space<vmem>> -> memref<1x128x32xf32, #tpu.memory_space<vmem>>
        %dma_wait3A_1631 = tpu.memref_squeeze %dma_wait3A_1630 : memref<1x128x32xf32, #tpu.memory_space<vmem>> -> memref<128x32xf32, #tpu.memory_space<vmem>>
        %dma_wait3A_1632 = arith.constant 0 : i32
        %dma_wait3A_1633 = arith.constant 0 : i32
        %dma_wait3A_1634 = tpu.memref_slice %arg3[%dma_wait3A_1632, %dma_wait3A_1633] : memref<1000000x32xf32, #tpu.memory_space<hbm>> -> memref<128x32xf32, #tpu.memory_space<hbm>>
        %dma_wait3A_1635 = arith.constant 896 : i32
        %dma_wait3A_1636 = arith.constant 0 : i32
        %dma_wait3A_1637 = tpu.memref_slice %arg6[%dma_wait3A_1627, %dma_wait3A_1635, %dma_wait3A_1636] : memref<2x1024x32xf32, #tpu.memory_space<vmem>> -> memref<1x128x32xf32, #tpu.memory_space<vmem>>
        %dma_wait3A_1638 = tpu.memref_squeeze %dma_wait3A_1637 : memref<1x128x32xf32, #tpu.memory_space<vmem>> -> memref<128x32xf32, #tpu.memory_space<vmem>>
        %dma_wait3A_1639 = arith.constant 0 : i32
        %dma_wait3A_1640 = arith.constant 0 : i32
        %dma_wait3A_1641 = tpu.memref_slice %arg3[%dma_wait3A_1639, %dma_wait3A_1640] : memref<1000000x32xf32, #tpu.memory_space<hbm>> -> memref<128x32xf32, #tpu.memory_space<hbm>>
        tpu.wait_dma2 semaphore(%arg9 : memref<!tpu.dma_semaphore, #tpu.memory_space<semaphore_mem>>) src(%dma_wait3A_1641 : memref<128x32xf32, #tpu.memory_space<hbm>>) dst(%dma_wait3A_1638 : memref<128x32xf32, #tpu.memory_space<vmem>>)
      } else {
      }
      %gt3A = arith.constant 0 : i32
      %gt3A_864 = arith.cmpi sgt, %scan3A_843, %gt3A : i32
      %convert_element_type3A_865 = arith.extui %gt3A_864 : i1 to i32
      %cond3A_866 = arith.constant 0 : i32
      %cond3A_867 = arith.cmpi ne, %convert_element_type3A_865, %cond3A_866 : i32
      scf.if %cond3A_867 {
        %sub3A_1522 = arith.constant 1 : i32
        %sub3A_1523 = arith.subi %add3A_844, %sub3A_1522 : i32
        %jit3A_1524 = arith.constant 16 : i32
        %div3A_1525 = arith.divsi %sub3A_1523, %jit3A_1524 : i32
        %sign3A_1526 = arith.constant 0 : i32
        %sign3A_1527 = arith.cmpi sgt, %sub3A_1523, %sign3A_1526 : i32
        %sign3A_1528 = arith.extui %sign3A_1527 : i1 to i32
        %sign3A_1529 = arith.constant 0 : i32
        %sign3A_1530 = arith.cmpi slt, %sub3A_1523, %sign3A_1529 : i32
        %sign3A_1531 = arith.extui %sign3A_1530 : i1 to i32
        %sign3A_1532 = arith.subi %sign3A_1528, %sign3A_1531 : i32
        %sign3A_1533 = arith.constant 0 : i32
        %sign3A_1534 = arith.cmpi sgt, %jit3A_1524, %sign3A_1533 : i32
        %sign3A_1535 = arith.extui %sign3A_1534 : i1 to i32
        %sign3A_1536 = arith.constant 0 : i32
        %sign3A_1537 = arith.cmpi slt, %jit3A_1524, %sign3A_1536 : i32
        %sign3A_1538 = arith.extui %sign3A_1537 : i1 to i32
        %sign3A_1539 = arith.subi %sign3A_1535, %sign3A_1538 : i32
        %ne3A_1540 = arith.cmpi ne, %sign3A_1532, %sign3A_1539 : i32
        %rem3A_1541 = arith.remsi %sub3A_1523, %jit3A_1524 : i32
        %ne3A_1542 = arith.constant 0 : i32
        %ne3A_1543 = arith.cmpi ne, %rem3A_1541, %ne3A_1542 : i32
        %and3A_1544 = arith.andi %ne3A_1540, %ne3A_1543 : i1
        %sub3A_1545 = arith.constant 1 : i32
        %sub3A_1546 = arith.subi %div3A_1525, %sub3A_1545 : i32
        %select_n3A_1547 = arith.select %and3A_1544, %sub3A_1546, %div3A_1525 : i32
        %jit3A_1548 = arith.constant 16 : i32
        %eq3A_1549 = arith.constant 0 : i32
        %eq3A_1550 = arith.cmpi eq, %jit3A_1548, %eq3A_1549 : i32
        %jit3A_1551 = arith.constant 1 : i32
        %select_n3A_1552 = arith.select %eq3A_1550, %jit3A_1551, %jit3A_1548 : i32
        %rem3A_1553 = arith.remsi %sub3A_1523, %select_n3A_1552 : i32
        %ne3A_1554 = arith.constant 0 : i32
        %ne3A_1555 = arith.cmpi ne, %rem3A_1553, %ne3A_1554 : i32
        %lt3A_1556 = arith.constant 0 : i32
        %lt3A_1557 = arith.cmpi slt, %rem3A_1553, %lt3A_1556 : i32
        %lt3A_1558 = arith.constant 0 : i32
        %lt3A_1559 = arith.cmpi slt, %select_n3A_1552, %lt3A_1558 : i32
        %ne3A_1560 = arith.xori %lt3A_1557, %lt3A_1559 : i1
        %and3A_1561 = arith.andi %ne3A_1560, %ne3A_1555 : i1
        %add3A_1562 = arith.addi %rem3A_1553, %select_n3A_1552 : i32
        %select_n3A_1563 = arith.select %and3A_1561, %add3A_1562, %rem3A_1553 : i32
        %mul3A_1564 = arith.constant 8 : i32
        %mul3A_1565 = arith.muli %select_n3A_1563, %mul3A_1564 : i32
        %add3A_1566 = arith.constant 0 : i32
        %add3A_1567 = arith.addi %mul3A_1565, %add3A_1566 : i32
        %dma_wait3A_1568 = arith.constant 0 : i32
        %dma_wait3A_1569 = arith.constant 0 : i32
        %dma_wait3A_1570 = arith.constant 0 : i32
        %dma_wait3A_1571 = tpu.memref_slice %arg7[%dma_wait3A_1569, %dma_wait3A_1570] : memref<256x133xf32, #tpu.memory_space<vmem>> -> memref<8x128xf32, #tpu.memory_space<vmem>>
        %dma_wait3A_1572 = arith.constant 0 : i32
        %dma_wait3A_1573 = arith.constant 0 : i32
        %dma_wait3A_1574 = tpu.memref_slice %arg4[%select_n3A_1547, %dma_wait3A_1568, %add3A_1567, %dma_wait3A_1572, %dma_wait3A_1573] : memref<50x4x128x8x128xf32, #tpu.memory_space<hbm>> -> memref<1x1x1x8x128xf32, #tpu.memory_space<hbm>>
        %dma_wait3A_1575 = tpu.memref_squeeze %dma_wait3A_1574 : memref<1x1x1x8x128xf32, #tpu.memory_space<hbm>> -> memref<8x128xf32, #tpu.memory_space<hbm>>
        %dma_wait3A_1576 = arith.constant 0 : i32
        %dma_wait3A_1577 = arith.constant 0 : i32
        %dma_wait3A_1578 = tpu.memref_slice %arg4[%select_n3A_1547, %dma_wait3A_1568, %add3A_1567, %dma_wait3A_1576, %dma_wait3A_1577] : memref<50x4x128x8x128xf32, #tpu.memory_space<hbm>> -> memref<1x1x1x8x128xf32, #tpu.memory_space<hbm>>
        %dma_wait3A_1579 = tpu.memref_squeeze %dma_wait3A_1578 : memref<1x1x1x8x128xf32, #tpu.memory_space<hbm>> -> memref<8x128xf32, #tpu.memory_space<hbm>>
        %dma_wait3A_1580 = arith.constant 0 : i32
        %dma_wait3A_1581 = arith.constant 0 : i32
        %dma_wait3A_1582 = tpu.memref_slice %arg7[%dma_wait3A_1580, %dma_wait3A_1581] : memref<256x133xf32, #tpu.memory_space<vmem>> -> memref<8x128xf32, #tpu.memory_space<vmem>>
        tpu.wait_dma2 semaphore(%arg10 : memref<!tpu.dma_semaphore, #tpu.memory_space<semaphore_mem>>) src(%dma_wait3A_1582 : memref<8x128xf32, #tpu.memory_space<vmem>>) dst(%dma_wait3A_1579 : memref<8x128xf32, #tpu.memory_space<hbm>>)
        %mul3A_1583 = arith.constant 8 : i32
        %mul3A_1584 = arith.muli %select_n3A_1563, %mul3A_1583 : i32
        %add3A_1585 = arith.constant 1 : i32
        %add3A_1586 = arith.addi %mul3A_1584, %add3A_1585 : i32
        %dma_wait3A_1587 = arith.constant 0 : i32
        %dma_wait3A_1588 = arith.constant 8 : i32
        %dma_wait3A_1589 = arith.constant 0 : i32
        %dma_wait3A_1590 = tpu.memref_slice %arg7[%dma_wait3A_1588, %dma_wait3A_1589] : memref<256x133xf32, #tpu.memory_space<vmem>> -> memref<8x128xf32, #tpu.memory_space<vmem>>
        %dma_wait3A_1591 = arith.constant 0 : i32
        %dma_wait3A_1592 = arith.constant 0 : i32
        %dma_wait3A_1593 = tpu.memref_slice %arg4[%select_n3A_1547, %dma_wait3A_1587, %add3A_1586, %dma_wait3A_1591, %dma_wait3A_1592] : memref<50x4x128x8x128xf32, #tpu.memory_space<hbm>> -> memref<1x1x1x8x128xf32, #tpu.memory_space<hbm>>
        %dma_wait3A_1594 = tpu.memref_squeeze %dma_wait3A_1593 : memref<1x1x1x8x128xf32, #tpu.memory_space<hbm>> -> memref<8x128xf32, #tpu.memory_space<hbm>>
        %dma_wait3A_1595 = arith.constant 0 : i32
        %dma_wait3A_1596 = arith.constant 0 : i32
        %dma_wait3A_1597 = tpu.memref_slice %arg4[%select_n3A_1547, %dma_wait3A_1587, %add3A_1586, %dma_wait3A_1595, %dma_wait3A_1596] : memref<50x4x128x8x128xf32, #tpu.memory_space<hbm>> -> memref<1x1x1x8x128xf32, #tpu.memory_space<hbm>>
        %dma_wait3A_1598 = tpu.memref_squeeze %dma_wait3A_1597 : memref<1x1x1x8x128xf32, #tpu.memory_space<hbm>> -> memref<8x128xf32, #tpu.memory_space<hbm>>
        %dma_wait3A_1599 = arith.constant 8 : i32
        %dma_wait3A_1600 = arith.constant 0 : i32
        %dma_wait3A_1601 = tpu.memref_slice %arg7[%dma_wait3A_1599, %dma_wait3A_1600] : memref<256x133xf32, #tpu.memory_space<vmem>> -> memref<8x128xf32, #tpu.memory_space<vmem>>
        tpu.wait_dma2 semaphore(%arg10 : memref<!tpu.dma_semaphore, #tpu.memory_space<semaphore_mem>>) src(%dma_wait3A_1601 : memref<8x128xf32, #tpu.memory_space<vmem>>) dst(%dma_wait3A_1598 : memref<8x128xf32, #tpu.memory_space<hbm>>)
        %mul3A_1602 = arith.constant 8 : i32
        %mul3A_1603 = arith.muli %select_n3A_1563, %mul3A_1602 : i32
        %add3A_1604 = arith.constant 2 : i32
        %add3A_1605 = arith.addi %mul3A_1603, %add3A_1604 : i32
        %dma_wait3A_1606 = arith.constant 0 : i32
        %dma_wait3A_1607 = arith.constant 16 : i32
        %dma_wait3A_1608 = arith.constant 0 : i32
        %dma_wait3A_1609 = tpu.memref_slice %arg7[%dma_wait3A_1607, %dma_wait3A_1608] : memref<256x133xf32, #tpu.memory_space<vmem>> -> memref<8x128xf32, #tpu.memory_space<vmem>>
        %dma_wait3A_1610 = arith.constant 0 : i32
        %dma_wait3A_1611 = arith.constant 0 : i32
        %dma_wait3A_1612 = tpu.memref_slice %arg4[%select_n3A_1547, %dma_wait3A_1606, %add3A_1605, %dma_wait3A_1610, %dma_wait3A_1611] : memref<50x4x128x8x128xf32, #tpu.memory_space<hbm>> -> memref<1x1x1x8x128xf32, #tpu.memory_space<hbm>>
        %dma_wait3A_1613 = tpu.memref_squeeze %dma_wait3A_1612 : memref<1x1x1x8x128xf32, #tpu.memory_space<hbm>> -> memref<8x128xf32, #tpu.memory_space<hbm>>
        %dma_wait3A_1614 = arith.constant 0 : i32
        %dma_wait3A_1615 = arith.constant 0 : i32
        %dma_wait3A_1616 = tpu.memref_slice %arg4[%select_n3A_1547, %dma_wait3A_1606, %add3A_1605, %dma_wait3A_1614, %dma_wait3A_1615] : memref<50x4x128x8x128xf32, #tpu.memory_space<hbm>> -> memref<1x1x1x8x128xf32, #tpu.memory_space<hbm>>
        %dma_wait3A_1617 = tpu.memref_squeeze %dma_wait3A_1616 : memref<1x1x1x8x128xf32, #tpu.memory_space<hbm>> -> memref<8x128xf32, #tpu.memory_space<hbm>>
        %dma_wait3A_1618 = arith.constant 16 : i32
        %dma_wait3A_1619 = arith.constant 0 : i32
        %dma_wait3A_1620 = tpu.memref_slice %arg7[%dma_wait3A_1618, %dma_wait3A_1619] : memref<256x133xf32, #tpu.memory_space<vmem>> -> memref<8x128xf32, #tpu.memory_space<vmem>>
        tpu.wait_dma2 semaphore(%arg10 : memref<!tpu.dma_semaphore, #tpu.memory_space<semaphore_mem>>) src(%dma_wait3A_1620 : memref<8x128xf32, #tpu.memory_space<vmem>>) dst(%dma_wait3A_1617 : memref<8x128xf32, #tpu.memory_space<hbm>>)
        %mul3A_1621 = arith.constant 8 : i32
        %mul3A_1622 = arith.muli %select_n3A_1563, %mul3A_1621 : i32
        %add3A_1623 = arith.constant 3 : i32
        %add3A_1624 = arith.addi %mul3A_1622, %add3A_1623 : i32
        %dma_wait3A_1625 = arith.constant 0 : i32
        %dma_wait3A_1626 = arith.constant 24 : i32
        %dma_wait3A_1627 = arith.constant 0 : i32
        %dma_wait3A_1628 = tpu.memref_slice %arg7[%dma_wait3A_1626, %dma_wait3A_1627] : memref<256x133xf32, #tpu.memory_space<vmem>> -> memref<8x128xf32, #tpu.memory_space<vmem>>
        %dma_wait3A_1629 = arith.constant 0 : i32
        %dma_wait3A_1630 = arith.constant 0 : i32
        %dma_wait3A_1631 = tpu.memref_slice %arg4[%select_n3A_1547, %dma_wait3A_1625, %add3A_1624, %dma_wait3A_1629, %dma_wait3A_1630] : memref<50x4x128x8x128xf32, #tpu.memory_space<hbm>> -> memref<1x1x1x8x128xf32, #tpu.memory_space<hbm>>
        %dma_wait3A_1632 = tpu.memref_squeeze %dma_wait3A_1631 : memref<1x1x1x8x128xf32, #tpu.memory_space<hbm>> -> memref<8x128xf32, #tpu.memory_space<hbm>>
        %dma_wait3A_1633 = arith.constant 0 : i32
        %dma_wait3A_1634 = arith.constant 0 : i32
        %dma_wait3A_1635 = tpu.memref_slice %arg4[%select_n3A_1547, %dma_wait3A_1625, %add3A_1624, %dma_wait3A_1633, %dma_wait3A_1634] : memref<50x4x128x8x128xf32, #tpu.memory_space<hbm>> -> memref<1x1x1x8x128xf32, #tpu.memory_space<hbm>>
        %dma_wait3A_1636 = tpu.memref_squeeze %dma_wait3A_1635 : memref<1x1x1x8x128xf32, #tpu.memory_space<hbm>> -> memref<8x128xf32, #tpu.memory_space<hbm>>
        %dma_wait3A_1637 = arith.constant 24 : i32
        %dma_wait3A_1638 = arith.constant 0 : i32
        %dma_wait3A_1639 = tpu.memref_slice %arg7[%dma_wait3A_1637, %dma_wait3A_1638] : memref<256x133xf32, #tpu.memory_space<vmem>> -> memref<8x128xf32, #tpu.memory_space<vmem>>
        tpu.wait_dma2 semaphore(%arg10 : memref<!tpu.dma_semaphore, #tpu.memory_space<semaphore_mem>>) src(%dma_wait3A_1639 : memref<8x128xf32, #tpu.memory_space<vmem>>) dst(%dma_wait3A_1636 : memref<8x128xf32, #tpu.memory_space<hbm>>)
        %mul3A_1640 = arith.constant 8 : i32
        %mul3A_1641 = arith.muli %select_n3A_1563, %mul3A_1640 : i32
        %add3A_1642 = arith.constant 4 : i32
        %add3A_1643 = arith.addi %mul3A_1641, %add3A_1642 : i32
        %dma_wait3A_1644 = arith.constant 0 : i32
        %dma_wait3A_1645 = arith.constant 32 : i32
        %dma_wait3A_1646 = arith.constant 0 : i32
        %dma_wait3A_1647 = tpu.memref_slice %arg7[%dma_wait3A_1645, %dma_wait3A_1646] : memref<256x133xf32, #tpu.memory_space<vmem>> -> memref<8x128xf32, #tpu.memory_space<vmem>>
        %dma_wait3A_1648 = arith.constant 0 : i32
        %dma_wait3A_1649 = arith.constant 0 : i32
        %dma_wait3A_1650 = tpu.memref_slice %arg4[%select_n3A_1547, %dma_wait3A_1644, %add3A_1643, %dma_wait3A_1648, %dma_wait3A_1649] : memref<50x4x128x8x128xf32, #tpu.memory_space<hbm>> -> memref<1x1x1x8x128xf32, #tpu.memory_space<hbm>>
        %dma_wait3A_1651 = tpu.memref_squeeze %dma_wait3A_1650 : memref<1x1x1x8x128xf32, #tpu.memory_space<hbm>> -> memref<8x128xf32, #tpu.memory_space<hbm>>
        %dma_wait3A_1652 = arith.constant 0 : i32
        %dma_wait3A_1653 = arith.constant 0 : i32
        %dma_wait3A_1654 = tpu.memref_slice %arg4[%select_n3A_1547, %dma_wait3A_1644, %add3A_1643, %dma_wait3A_1652, %dma_wait3A_1653] : memref<50x4x128x8x128xf32, #tpu.memory_space<hbm>> -> memref<1x1x1x8x128xf32, #tpu.memory_space<hbm>>
        %dma_wait3A_1655 = tpu.memref_squeeze %dma_wait3A_1654 : memref<1x1x1x8x128xf32, #tpu.memory_space<hbm>> -> memref<8x128xf32, #tpu.memory_space<hbm>>
        %dma_wait3A_1656 = arith.constant 32 : i32
        %dma_wait3A_1657 = arith.constant 0 : i32
        %dma_wait3A_1658 = tpu.memref_slice %arg7[%dma_wait3A_1656, %dma_wait3A_1657] : memref<256x133xf32, #tpu.memory_space<vmem>> -> memref<8x128xf32, #tpu.memory_space<vmem>>
        tpu.wait_dma2 semaphore(%arg10 : memref<!tpu.dma_semaphore, #tpu.memory_space<semaphore_mem>>) src(%dma_wait3A_1658 : memref<8x128xf32, #tpu.memory_space<vmem>>) dst(%dma_wait3A_1655 : memref<8x128xf32, #tpu.memory_space<hbm>>)
        %mul3A_1659 = arith.constant 8 : i32
        %mul3A_1660 = arith.muli %select_n3A_1563, %mul3A_1659 : i32
        %add3A_1661 = arith.constant 5 : i32
        %add3A_1662 = arith.addi %mul3A_1660, %add3A_1661 : i32
        %dma_wait3A_1663 = arith.constant 0 : i32
        %dma_wait3A_1664 = arith.constant 40 : i32
        %dma_wait3A_1665 = arith.constant 0 : i32
        %dma_wait3A_1666 = tpu.memref_slice %arg7[%dma_wait3A_1664, %dma_wait3A_1665] : memref<256x133xf32, #tpu.memory_space<vmem>> -> memref<8x128xf32, #tpu.memory_space<vmem>>
        %dma_wait3A_1667 = arith.constant 0 : i32
        %dma_wait3A_1668 = arith.constant 0 : i32
        %dma_wait3A_1669 = tpu.memref_slice %arg4[%select_n3A_1547, %dma_wait3A_1663, %add3A_1662, %dma_wait3A_1667, %dma_wait3A_1668] : memref<50x4x128x8x128xf32, #tpu.memory_space<hbm>> -> memref<1x1x1x8x128xf32, #tpu.memory_space<hbm>>
        %dma_wait3A_1670 = tpu.memref_squeeze %dma_wait3A_1669 : memref<1x1x1x8x128xf32, #tpu.memory_space<hbm>> -> memref<8x128xf32, #tpu.memory_space<hbm>>
        %dma_wait3A_1671 = arith.constant 0 : i32
        %dma_wait3A_1672 = arith.constant 0 : i32
        %dma_wait3A_1673 = tpu.memref_slice %arg4[%select_n3A_1547, %dma_wait3A_1663, %add3A_1662, %dma_wait3A_1671, %dma_wait3A_1672] : memref<50x4x128x8x128xf32, #tpu.memory_space<hbm>> -> memref<1x1x1x8x128xf32, #tpu.memory_space<hbm>>
        %dma_wait3A_1674 = tpu.memref_squeeze %dma_wait3A_1673 : memref<1x1x1x8x128xf32, #tpu.memory_space<hbm>> -> memref<8x128xf32, #tpu.memory_space<hbm>>
        %dma_wait3A_1675 = arith.constant 40 : i32
        %dma_wait3A_1676 = arith.constant 0 : i32
        %dma_wait3A_1677 = tpu.memref_slice %arg7[%dma_wait3A_1675, %dma_wait3A_1676] : memref<256x133xf32, #tpu.memory_space<vmem>> -> memref<8x128xf32, #tpu.memory_space<vmem>>
        tpu.wait_dma2 semaphore(%arg10 : memref<!tpu.dma_semaphore, #tpu.memory_space<semaphore_mem>>) src(%dma_wait3A_1677 : memref<8x128xf32, #tpu.memory_space<vmem>>) dst(%dma_wait3A_1674 : memref<8x128xf32, #tpu.memory_space<hbm>>)
        %mul3A_1678 = arith.constant 8 : i32
        %mul3A_1679 = arith.muli %select_n3A_1563, %mul3A_1678 : i32
        %add3A_1680 = arith.constant 6 : i32
        %add3A_1681 = arith.addi %mul3A_1679, %add3A_1680 : i32
        %dma_wait3A_1682 = arith.constant 0 : i32
        %dma_wait3A_1683 = arith.constant 48 : i32
        %dma_wait3A_1684 = arith.constant 0 : i32
        %dma_wait3A_1685 = tpu.memref_slice %arg7[%dma_wait3A_1683, %dma_wait3A_1684] : memref<256x133xf32, #tpu.memory_space<vmem>> -> memref<8x128xf32, #tpu.memory_space<vmem>>
        %dma_wait3A_1686 = arith.constant 0 : i32
        %dma_wait3A_1687 = arith.constant 0 : i32
        %dma_wait3A_1688 = tpu.memref_slice %arg4[%select_n3A_1547, %dma_wait3A_1682, %add3A_1681, %dma_wait3A_1686, %dma_wait3A_1687] : memref<50x4x128x8x128xf32, #tpu.memory_space<hbm>> -> memref<1x1x1x8x128xf32, #tpu.memory_space<hbm>>
        %dma_wait3A_1689 = tpu.memref_squeeze %dma_wait3A_1688 : memref<1x1x1x8x128xf32, #tpu.memory_space<hbm>> -> memref<8x128xf32, #tpu.memory_space<hbm>>
        %dma_wait3A_1690 = arith.constant 0 : i32
        %dma_wait3A_1691 = arith.constant 0 : i32
        %dma_wait3A_1692 = tpu.memref_slice %arg4[%select_n3A_1547, %dma_wait3A_1682, %add3A_1681, %dma_wait3A_1690, %dma_wait3A_1691] : memref<50x4x128x8x128xf32, #tpu.memory_space<hbm>> -> memref<1x1x1x8x128xf32, #tpu.memory_space<hbm>>
        %dma_wait3A_1693 = tpu.memref_squeeze %dma_wait3A_1692 : memref<1x1x1x8x128xf32, #tpu.memory_space<hbm>> -> memref<8x128xf32, #tpu.memory_space<hbm>>
        %dma_wait3A_1694 = arith.constant 48 : i32
        %dma_wait3A_1695 = arith.constant 0 : i32
        %dma_wait3A_1696 = tpu.memref_slice %arg7[%dma_wait3A_1694, %dma_wait3A_1695] : memref<256x133xf32, #tpu.memory_space<vmem>> -> memref<8x128xf32, #tpu.memory_space<vmem>>
        tpu.wait_dma2 semaphore(%arg10 : memref<!tpu.dma_semaphore, #tpu.memory_space<semaphore_mem>>) src(%dma_wait3A_1696 : memref<8x128xf32, #tpu.memory_space<vmem>>) dst(%dma_wait3A_1693 : memref<8x128xf32, #tpu.memory_space<hbm>>)
        %mul3A_1697 = arith.constant 8 : i32
        %mul3A_1698 = arith.muli %select_n3A_1563, %mul3A_1697 : i32
        %add3A_1699 = arith.constant 7 : i32
        %add3A_1700 = arith.addi %mul3A_1698, %add3A_1699 : i32
        %dma_wait3A_1701 = arith.constant 0 : i32
        %dma_wait3A_1702 = arith.constant 56 : i32
        %dma_wait3A_1703 = arith.constant 0 : i32
        %dma_wait3A_1704 = tpu.memref_slice %arg7[%dma_wait3A_1702, %dma_wait3A_1703] : memref<256x133xf32, #tpu.memory_space<vmem>> -> memref<8x128xf32, #tpu.memory_space<vmem>>
        %dma_wait3A_1705 = arith.constant 0 : i32
        %dma_wait3A_1706 = arith.constant 0 : i32
        %dma_wait3A_1707 = tpu.memref_slice %arg4[%select_n3A_1547, %dma_wait3A_1701, %add3A_1700, %dma_wait3A_1705, %dma_wait3A_1706] : memref<50x4x128x8x128xf32, #tpu.memory_space<hbm>> -> memref<1x1x1x8x128xf32, #tpu.memory_space<hbm>>
        %dma_wait3A_1708 = tpu.memref_squeeze %dma_wait3A_1707 : memref<1x1x1x8x128xf32, #tpu.memory_space<hbm>> -> memref<8x128xf32, #tpu.memory_space<hbm>>
        %dma_wait3A_1709 = arith.constant 0 : i32
        %dma_wait3A_1710 = arith.constant 0 : i32
        %dma_wait3A_1711 = tpu.memref_slice %arg4[%select_n3A_1547, %dma_wait3A_1701, %add3A_1700, %dma_wait3A_1709, %dma_wait3A_1710] : memref<50x4x128x8x128xf32, #tpu.memory_space<hbm>> -> memref<1x1x1x8x128xf32, #tpu.memory_space<hbm>>
        %dma_wait3A_1712 = tpu.memref_squeeze %dma_wait3A_1711 : memref<1x1x1x8x128xf32, #tpu.memory_space<hbm>> -> memref<8x128xf32, #tpu.memory_space<hbm>>
        %dma_wait3A_1713 = arith.constant 56 : i32
        %dma_wait3A_1714 = arith.constant 0 : i32
        %dma_wait3A_1715 = tpu.memref_slice %arg7[%dma_wait3A_1713, %dma_wait3A_1714] : memref<256x133xf32, #tpu.memory_space<vmem>> -> memref<8x128xf32, #tpu.memory_space<vmem>>
        tpu.wait_dma2 semaphore(%arg10 : memref<!tpu.dma_semaphore, #tpu.memory_space<semaphore_mem>>) src(%dma_wait3A_1715 : memref<8x128xf32, #tpu.memory_space<vmem>>) dst(%dma_wait3A_1712 : memref<8x128xf32, #tpu.memory_space<hbm>>)
        %mul3A_1716 = arith.constant 8 : i32
        %mul3A_1717 = arith.muli %select_n3A_1563, %mul3A_1716 : i32
        %add3A_1718 = arith.constant 0 : i32
        %add3A_1719 = arith.addi %mul3A_1717, %add3A_1718 : i32
        %dma_wait3A_1720 = arith.constant 1 : i32
        %dma_wait3A_1721 = arith.constant 64 : i32
        %dma_wait3A_1722 = arith.constant 0 : i32
        %dma_wait3A_1723 = tpu.memref_slice %arg7[%dma_wait3A_1721, %dma_wait3A_1722] : memref<256x133xf32, #tpu.memory_space<vmem>> -> memref<8x128xf32, #tpu.memory_space<vmem>>
        %dma_wait3A_1724 = arith.constant 0 : i32
        %dma_wait3A_1725 = arith.constant 0 : i32
        %dma_wait3A_1726 = tpu.memref_slice %arg4[%select_n3A_1547, %dma_wait3A_1720, %add3A_1719, %dma_wait3A_1724, %dma_wait3A_1725] : memref<50x4x128x8x128xf32, #tpu.memory_space<hbm>> -> memref<1x1x1x8x128xf32, #tpu.memory_space<hbm>>
        %dma_wait3A_1727 = tpu.memref_squeeze %dma_wait3A_1726 : memref<1x1x1x8x128xf32, #tpu.memory_space<hbm>> -> memref<8x128xf32, #tpu.memory_space<hbm>>
        %dma_wait3A_1728 = arith.constant 0 : i32
        %dma_wait3A_1729 = arith.constant 0 : i32
        %dma_wait3A_1730 = tpu.memref_slice %arg4[%select_n3A_1547, %dma_wait3A_1720, %add3A_1719, %dma_wait3A_1728, %dma_wait3A_1729] : memref<50x4x128x8x128xf32, #tpu.memory_space<hbm>> -> memref<1x1x1x8x128xf32, #tpu.memory_space<hbm>>
        %dma_wait3A_1731 = tpu.memref_squeeze %dma_wait3A_1730 : memref<1x1x1x8x128xf32, #tpu.memory_space<hbm>> -> memref<8x128xf32, #tpu.memory_space<hbm>>
        %dma_wait3A_1732 = arith.constant 64 : i32
        %dma_wait3A_1733 = arith.constant 0 : i32
        %dma_wait3A_1734 = tpu.memref_slice %arg7[%dma_wait3A_1732, %dma_wait3A_1733] : memref<256x133xf32, #tpu.memory_space<vmem>> -> memref<8x128xf32, #tpu.memory_space<vmem>>
        tpu.wait_dma2 semaphore(%arg10 : memref<!tpu.dma_semaphore, #tpu.memory_space<semaphore_mem>>) src(%dma_wait3A_1734 : memref<8x128xf32, #tpu.memory_space<vmem>>) dst(%dma_wait3A_1731 : memref<8x128xf32, #tpu.memory_space<hbm>>)
        %mul3A_1735 = arith.constant 8 : i32
        %mul3A_1736 = arith.muli %select_n3A_1563, %mul3A_1735 : i32
        %add3A_1737 = arith.constant 1 : i32
        %add3A_1738 = arith.addi %mul3A_1736, %add3A_1737 : i32
        %dma_wait3A_1739 = arith.constant 1 : i32
        %dma_wait3A_1740 = arith.constant 72 : i32
        %dma_wait3A_1741 = arith.constant 0 : i32
        %dma_wait3A_1742 = tpu.memref_slice %arg7[%dma_wait3A_1740, %dma_wait3A_1741] : memref<256x133xf32, #tpu.memory_space<vmem>> -> memref<8x128xf32, #tpu.memory_space<vmem>>
        %dma_wait3A_1743 = arith.constant 0 : i32
        %dma_wait3A_1744 = arith.constant 0 : i32
        %dma_wait3A_1745 = tpu.memref_slice %arg4[%select_n3A_1547, %dma_wait3A_1739, %add3A_1738, %dma_wait3A_1743, %dma_wait3A_1744] : memref<50x4x128x8x128xf32, #tpu.memory_space<hbm>> -> memref<1x1x1x8x128xf32, #tpu.memory_space<hbm>>
        %dma_wait3A_1746 = tpu.memref_squeeze %dma_wait3A_1745 : memref<1x1x1x8x128xf32, #tpu.memory_space<hbm>> -> memref<8x128xf32, #tpu.memory_space<hbm>>
        %dma_wait3A_1747 = arith.constant 0 : i32
        %dma_wait3A_1748 = arith.constant 0 : i32
        %dma_wait3A_1749 = tpu.memref_slice %arg4[%select_n3A_1547, %dma_wait3A_1739, %add3A_1738, %dma_wait3A_1747, %dma_wait3A_1748] : memref<50x4x128x8x128xf32, #tpu.memory_space<hbm>> -> memref<1x1x1x8x128xf32, #tpu.memory_space<hbm>>
        %dma_wait3A_1750 = tpu.memref_squeeze %dma_wait3A_1749 : memref<1x1x1x8x128xf32, #tpu.memory_space<hbm>> -> memref<8x128xf32, #tpu.memory_space<hbm>>
        %dma_wait3A_1751 = arith.constant 72 : i32
        %dma_wait3A_1752 = arith.constant 0 : i32
        %dma_wait3A_1753 = tpu.memref_slice %arg7[%dma_wait3A_1751, %dma_wait3A_1752] : memref<256x133xf32, #tpu.memory_space<vmem>> -> memref<8x128xf32, #tpu.memory_space<vmem>>
        tpu.wait_dma2 semaphore(%arg10 : memref<!tpu.dma_semaphore, #tpu.memory_space<semaphore_mem>>) src(%dma_wait3A_1753 : memref<8x128xf32, #tpu.memory_space<vmem>>) dst(%dma_wait3A_1750 : memref<8x128xf32, #tpu.memory_space<hbm>>)
        %mul3A_1754 = arith.constant 8 : i32
        %mul3A_1755 = arith.muli %select_n3A_1563, %mul3A_1754 : i32
        %add3A_1756 = arith.constant 2 : i32
        %add3A_1757 = arith.addi %mul3A_1755, %add3A_1756 : i32
        %dma_wait3A_1758 = arith.constant 1 : i32
        %dma_wait3A_1759 = arith.constant 80 : i32
        %dma_wait3A_1760 = arith.constant 0 : i32
        %dma_wait3A_1761 = tpu.memref_slice %arg7[%dma_wait3A_1759, %dma_wait3A_1760] : memref<256x133xf32, #tpu.memory_space<vmem>> -> memref<8x128xf32, #tpu.memory_space<vmem>>
        %dma_wait3A_1762 = arith.constant 0 : i32
        %dma_wait3A_1763 = arith.constant 0 : i32
        %dma_wait3A_1764 = tpu.memref_slice %arg4[%select_n3A_1547, %dma_wait3A_1758, %add3A_1757, %dma_wait3A_1762, %dma_wait3A_1763] : memref<50x4x128x8x128xf32, #tpu.memory_space<hbm>> -> memref<1x1x1x8x128xf32, #tpu.memory_space<hbm>>
        %dma_wait3A_1765 = tpu.memref_squeeze %dma_wait3A_1764 : memref<1x1x1x8x128xf32, #tpu.memory_space<hbm>> -> memref<8x128xf32, #tpu.memory_space<hbm>>
        %dma_wait3A_1766 = arith.constant 0 : i32
        %dma_wait3A_1767 = arith.constant 0 : i32
        %dma_wait3A_1768 = tpu.memref_slice %arg4[%select_n3A_1547, %dma_wait3A_1758, %add3A_1757, %dma_wait3A_1766, %dma_wait3A_1767] : memref<50x4x128x8x128xf32, #tpu.memory_space<hbm>> -> memref<1x1x1x8x128xf32, #tpu.memory_space<hbm>>
        %dma_wait3A_1769 = tpu.memref_squeeze %dma_wait3A_1768 : memref<1x1x1x8x128xf32, #tpu.memory_space<hbm>> -> memref<8x128xf32, #tpu.memory_space<hbm>>
        %dma_wait3A_1770 = arith.constant 80 : i32
        %dma_wait3A_1771 = arith.constant 0 : i32
        %dma_wait3A_1772 = tpu.memref_slice %arg7[%dma_wait3A_1770, %dma_wait3A_1771] : memref<256x133xf32, #tpu.memory_space<vmem>> -> memref<8x128xf32, #tpu.memory_space<vmem>>
        tpu.wait_dma2 semaphore(%arg10 : memref<!tpu.dma_semaphore, #tpu.memory_space<semaphore_mem>>) src(%dma_wait3A_1772 : memref<8x128xf32, #tpu.memory_space<vmem>>) dst(%dma_wait3A_1769 : memref<8x128xf32, #tpu.memory_space<hbm>>)
        %mul3A_1773 = arith.constant 8 : i32
        %mul3A_1774 = arith.muli %select_n3A_1563, %mul3A_1773 : i32
        %add3A_1775 = arith.constant 3 : i32
        %add3A_1776 = arith.addi %mul3A_1774, %add3A_1775 : i32
        %dma_wait3A_1777 = arith.constant 1 : i32
        %dma_wait3A_1778 = arith.constant 88 : i32
        %dma_wait3A_1779 = arith.constant 0 : i32
        %dma_wait3A_1780 = tpu.memref_slice %arg7[%dma_wait3A_1778, %dma_wait3A_1779] : memref<256x133xf32, #tpu.memory_space<vmem>> -> memref<8x128xf32, #tpu.memory_space<vmem>>
        %dma_wait3A_1781 = arith.constant 0 : i32
        %dma_wait3A_1782 = arith.constant 0 : i32
        %dma_wait3A_1783 = tpu.memref_slice %arg4[%select_n3A_1547, %dma_wait3A_1777, %add3A_1776, %dma_wait3A_1781, %dma_wait3A_1782] : memref<50x4x128x8x128xf32, #tpu.memory_space<hbm>> -> memref<1x1x1x8x128xf32, #tpu.memory_space<hbm>>
        %dma_wait3A_1784 = tpu.memref_squeeze %dma_wait3A_1783 : memref<1x1x1x8x128xf32, #tpu.memory_space<hbm>> -> memref<8x128xf32, #tpu.memory_space<hbm>>
        %dma_wait3A_1785 = arith.constant 0 : i32
        %dma_wait3A_1786 = arith.constant 0 : i32
        %dma_wait3A_1787 = tpu.memref_slice %arg4[%select_n3A_1547, %dma_wait3A_1777, %add3A_1776, %dma_wait3A_1785, %dma_wait3A_1786] : memref<50x4x128x8x128xf32, #tpu.memory_space<hbm>> -> memref<1x1x1x8x128xf32, #tpu.memory_space<hbm>>
        %dma_wait3A_1788 = tpu.memref_squeeze %dma_wait3A_1787 : memref<1x1x1x8x128xf32, #tpu.memory_space<hbm>> -> memref<8x128xf32, #tpu.memory_space<hbm>>
        %dma_wait3A_1789 = arith.constant 88 : i32
        %dma_wait3A_1790 = arith.constant 0 : i32
        %dma_wait3A_1791 = tpu.memref_slice %arg7[%dma_wait3A_1789, %dma_wait3A_1790] : memref<256x133xf32, #tpu.memory_space<vmem>> -> memref<8x128xf32, #tpu.memory_space<vmem>>
        tpu.wait_dma2 semaphore(%arg10 : memref<!tpu.dma_semaphore, #tpu.memory_space<semaphore_mem>>) src(%dma_wait3A_1791 : memref<8x128xf32, #tpu.memory_space<vmem>>) dst(%dma_wait3A_1788 : memref<8x128xf32, #tpu.memory_space<hbm>>)
        %mul3A_1792 = arith.constant 8 : i32
        %mul3A_1793 = arith.muli %select_n3A_1563, %mul3A_1792 : i32
        %add3A_1794 = arith.constant 4 : i32
        %add3A_1795 = arith.addi %mul3A_1793, %add3A_1794 : i32
        %dma_wait3A_1796 = arith.constant 1 : i32
        %dma_wait3A_1797 = arith.constant 96 : i32
        %dma_wait3A_1798 = arith.constant 0 : i32
        %dma_wait3A_1799 = tpu.memref_slice %arg7[%dma_wait3A_1797, %dma_wait3A_1798] : memref<256x133xf32, #tpu.memory_space<vmem>> -> memref<8x128xf32, #tpu.memory_space<vmem>>
        %dma_wait3A_1800 = arith.constant 0 : i32
        %dma_wait3A_1801 = arith.constant 0 : i32
        %dma_wait3A_1802 = tpu.memref_slice %arg4[%select_n3A_1547, %dma_wait3A_1796, %add3A_1795, %dma_wait3A_1800, %dma_wait3A_1801] : memref<50x4x128x8x128xf32, #tpu.memory_space<hbm>> -> memref<1x1x1x8x128xf32, #tpu.memory_space<hbm>>
        %dma_wait3A_1803 = tpu.memref_squeeze %dma_wait3A_1802 : memref<1x1x1x8x128xf32, #tpu.memory_space<hbm>> -> memref<8x128xf32, #tpu.memory_space<hbm>>
        %dma_wait3A_1804 = arith.constant 0 : i32
        %dma_wait3A_1805 = arith.constant 0 : i32
        %dma_wait3A_1806 = tpu.memref_slice %arg4[%select_n3A_1547, %dma_wait3A_1796, %add3A_1795, %dma_wait3A_1804, %dma_wait3A_1805] : memref<50x4x128x8x128xf32, #tpu.memory_space<hbm>> -> memref<1x1x1x8x128xf32, #tpu.memory_space<hbm>>
        %dma_wait3A_1807 = tpu.memref_squeeze %dma_wait3A_1806 : memref<1x1x1x8x128xf32, #tpu.memory_space<hbm>> -> memref<8x128xf32, #tpu.memory_space<hbm>>
        %dma_wait3A_1808 = arith.constant 96 : i32
        %dma_wait3A_1809 = arith.constant 0 : i32
        %dma_wait3A_1810 = tpu.memref_slice %arg7[%dma_wait3A_1808, %dma_wait3A_1809] : memref<256x133xf32, #tpu.memory_space<vmem>> -> memref<8x128xf32, #tpu.memory_space<vmem>>
        tpu.wait_dma2 semaphore(%arg10 : memref<!tpu.dma_semaphore, #tpu.memory_space<semaphore_mem>>) src(%dma_wait3A_1810 : memref<8x128xf32, #tpu.memory_space<vmem>>) dst(%dma_wait3A_1807 : memref<8x128xf32, #tpu.memory_space<hbm>>)
        %mul3A_1811 = arith.constant 8 : i32
        %mul3A_1812 = arith.muli %select_n3A_1563, %mul3A_1811 : i32
        %add3A_1813 = arith.constant 5 : i32
        %add3A_1814 = arith.addi %mul3A_1812, %add3A_1813 : i32
        %dma_wait3A_1815 = arith.constant 1 : i32
        %dma_wait3A_1816 = arith.constant 104 : i32
        %dma_wait3A_1817 = arith.constant 0 : i32
        %dma_wait3A_1818 = tpu.memref_slice %arg7[%dma_wait3A_1816, %dma_wait3A_1817] : memref<256x133xf32, #tpu.memory_space<vmem>> -> memref<8x128xf32, #tpu.memory_space<vmem>>
        %dma_wait3A_1819 = arith.constant 0 : i32
        %dma_wait3A_1820 = arith.constant 0 : i32
        %dma_wait3A_1821 = tpu.memref_slice %arg4[%select_n3A_1547, %dma_wait3A_1815, %add3A_1814, %dma_wait3A_1819, %dma_wait3A_1820] : memref<50x4x128x8x128xf32, #tpu.memory_space<hbm>> -> memref<1x1x1x8x128xf32, #tpu.memory_space<hbm>>
        %dma_wait3A_1822 = tpu.memref_squeeze %dma_wait3A_1821 : memref<1x1x1x8x128xf32, #tpu.memory_space<hbm>> -> memref<8x128xf32, #tpu.memory_space<hbm>>
        %dma_wait3A_1823 = arith.constant 0 : i32
        %dma_wait3A_1824 = arith.constant 0 : i32
        %dma_wait3A_1825 = tpu.memref_slice %arg4[%select_n3A_1547, %dma_wait3A_1815, %add3A_1814, %dma_wait3A_1823, %dma_wait3A_1824] : memref<50x4x128x8x128xf32, #tpu.memory_space<hbm>> -> memref<1x1x1x8x128xf32, #tpu.memory_space<hbm>>
        %dma_wait3A_1826 = tpu.memref_squeeze %dma_wait3A_1825 : memref<1x1x1x8x128xf32, #tpu.memory_space<hbm>> -> memref<8x128xf32, #tpu.memory_space<hbm>>
        %dma_wait3A_1827 = arith.constant 104 : i32
        %dma_wait3A_1828 = arith.constant 0 : i32
        %dma_wait3A_1829 = tpu.memref_slice %arg7[%dma_wait3A_1827, %dma_wait3A_1828] : memref<256x133xf32, #tpu.memory_space<vmem>> -> memref<8x128xf32, #tpu.memory_space<vmem>>
        tpu.wait_dma2 semaphore(%arg10 : memref<!tpu.dma_semaphore, #tpu.memory_space<semaphore_mem>>) src(%dma_wait3A_1829 : memref<8x128xf32, #tpu.memory_space<vmem>>) dst(%dma_wait3A_1826 : memref<8x128xf32, #tpu.memory_space<hbm>>)
        %mul3A_1830 = arith.constant 8 : i32
        %mul3A_1831 = arith.muli %select_n3A_1563, %mul3A_1830 : i32
        %add3A_1832 = arith.constant 6 : i32
        %add3A_1833 = arith.addi %mul3A_1831, %add3A_1832 : i32
        %dma_wait3A_1834 = arith.constant 1 : i32
        %dma_wait3A_1835 = arith.constant 112 : i32
        %dma_wait3A_1836 = arith.constant 0 : i32
        %dma_wait3A_1837 = tpu.memref_slice %arg7[%dma_wait3A_1835, %dma_wait3A_1836] : memref<256x133xf32, #tpu.memory_space<vmem>> -> memref<8x128xf32, #tpu.memory_space<vmem>>
        %dma_wait3A_1838 = arith.constant 0 : i32
        %dma_wait3A_1839 = arith.constant 0 : i32
        %dma_wait3A_1840 = tpu.memref_slice %arg4[%select_n3A_1547, %dma_wait3A_1834, %add3A_1833, %dma_wait3A_1838, %dma_wait3A_1839] : memref<50x4x128x8x128xf32, #tpu.memory_space<hbm>> -> memref<1x1x1x8x128xf32, #tpu.memory_space<hbm>>
        %dma_wait3A_1841 = tpu.memref_squeeze %dma_wait3A_1840 : memref<1x1x1x8x128xf32, #tpu.memory_space<hbm>> -> memref<8x128xf32, #tpu.memory_space<hbm>>
        %dma_wait3A_1842 = arith.constant 0 : i32
        %dma_wait3A_1843 = arith.constant 0 : i32
        %dma_wait3A_1844 = tpu.memref_slice %arg4[%select_n3A_1547, %dma_wait3A_1834, %add3A_1833, %dma_wait3A_1842, %dma_wait3A_1843] : memref<50x4x128x8x128xf32, #tpu.memory_space<hbm>> -> memref<1x1x1x8x128xf32, #tpu.memory_space<hbm>>
        %dma_wait3A_1845 = tpu.memref_squeeze %dma_wait3A_1844 : memref<1x1x1x8x128xf32, #tpu.memory_space<hbm>> -> memref<8x128xf32, #tpu.memory_space<hbm>>
        %dma_wait3A_1846 = arith.constant 112 : i32
        %dma_wait3A_1847 = arith.constant 0 : i32
        %dma_wait3A_1848 = tpu.memref_slice %arg7[%dma_wait3A_1846, %dma_wait3A_1847] : memref<256x133xf32, #tpu.memory_space<vmem>> -> memref<8x128xf32, #tpu.memory_space<vmem>>
        tpu.wait_dma2 semaphore(%arg10 : memref<!tpu.dma_semaphore, #tpu.memory_space<semaphore_mem>>) src(%dma_wait3A_1848 : memref<8x128xf32, #tpu.memory_space<vmem>>) dst(%dma_wait3A_1845 : memref<8x128xf32, #tpu.memory_space<hbm>>)
        %mul3A_1849 = arith.constant 8 : i32
        %mul3A_1850 = arith.muli %select_n3A_1563, %mul3A_1849 : i32
        %add3A_1851 = arith.constant 7 : i32
        %add3A_1852 = arith.addi %mul3A_1850, %add3A_1851 : i32
        %dma_wait3A_1853 = arith.constant 1 : i32
        %dma_wait3A_1854 = arith.constant 120 : i32
        %dma_wait3A_1855 = arith.constant 0 : i32
        %dma_wait3A_1856 = tpu.memref_slice %arg7[%dma_wait3A_1854, %dma_wait3A_1855] : memref<256x133xf32, #tpu.memory_space<vmem>> -> memref<8x128xf32, #tpu.memory_space<vmem>>
        %dma_wait3A_1857 = arith.constant 0 : i32
        %dma_wait3A_1858 = arith.constant 0 : i32
        %dma_wait3A_1859 = tpu.memref_slice %arg4[%select_n3A_1547, %dma_wait3A_1853, %add3A_1852, %dma_wait3A_1857, %dma_wait3A_1858] : memref<50x4x128x8x128xf32, #tpu.memory_space<hbm>> -> memref<1x1x1x8x128xf32, #tpu.memory_space<hbm>>
        %dma_wait3A_1860 = tpu.memref_squeeze %dma_wait3A_1859 : memref<1x1x1x8x128xf32, #tpu.memory_space<hbm>> -> memref<8x128xf32, #tpu.memory_space<hbm>>
        %dma_wait3A_1861 = arith.constant 0 : i32
        %dma_wait3A_1862 = arith.constant 0 : i32
        %dma_wait3A_1863 = tpu.memref_slice %arg4[%select_n3A_1547, %dma_wait3A_1853, %add3A_1852, %dma_wait3A_1861, %dma_wait3A_1862] : memref<50x4x128x8x128xf32, #tpu.memory_space<hbm>> -> memref<1x1x1x8x128xf32, #tpu.memory_space<hbm>>
        %dma_wait3A_1864 = tpu.memref_squeeze %dma_wait3A_1863 : memref<1x1x1x8x128xf32, #tpu.memory_space<hbm>> -> memref<8x128xf32, #tpu.memory_space<hbm>>
        %dma_wait3A_1865 = arith.constant 120 : i32
        %dma_wait3A_1866 = arith.constant 0 : i32
        %dma_wait3A_1867 = tpu.memref_slice %arg7[%dma_wait3A_1865, %dma_wait3A_1866] : memref<256x133xf32, #tpu.memory_space<vmem>> -> memref<8x128xf32, #tpu.memory_space<vmem>>
        tpu.wait_dma2 semaphore(%arg10 : memref<!tpu.dma_semaphore, #tpu.memory_space<semaphore_mem>>) src(%dma_wait3A_1867 : memref<8x128xf32, #tpu.memory_space<vmem>>) dst(%dma_wait3A_1864 : memref<8x128xf32, #tpu.memory_space<hbm>>)
        %mul3A_1868 = arith.constant 8 : i32
        %mul3A_1869 = arith.muli %select_n3A_1563, %mul3A_1868 : i32
        %add3A_1870 = arith.constant 0 : i32
        %add3A_1871 = arith.addi %mul3A_1869, %add3A_1870 : i32
        %dma_wait3A_1872 = arith.constant 2 : i32
        %dma_wait3A_1873 = arith.constant 128 : i32
        %dma_wait3A_1874 = arith.constant 0 : i32
        %dma_wait3A_1875 = tpu.memref_slice %arg7[%dma_wait3A_1873, %dma_wait3A_1874] : memref<256x133xf32, #tpu.memory_space<vmem>> -> memref<8x128xf32, #tpu.memory_space<vmem>>
        %dma_wait3A_1876 = arith.constant 0 : i32
        %dma_wait3A_1877 = arith.constant 0 : i32
        %dma_wait3A_1878 = tpu.memref_slice %arg4[%select_n3A_1547, %dma_wait3A_1872, %add3A_1871, %dma_wait3A_1876, %dma_wait3A_1877] : memref<50x4x128x8x128xf32, #tpu.memory_space<hbm>> -> memref<1x1x1x8x128xf32, #tpu.memory_space<hbm>>
        %dma_wait3A_1879 = tpu.memref_squeeze %dma_wait3A_1878 : memref<1x1x1x8x128xf32, #tpu.memory_space<hbm>> -> memref<8x128xf32, #tpu.memory_space<hbm>>
        %dma_wait3A_1880 = arith.constant 0 : i32
        %dma_wait3A_1881 = arith.constant 0 : i32
        %dma_wait3A_1882 = tpu.memref_slice %arg4[%select_n3A_1547, %dma_wait3A_1872, %add3A_1871, %dma_wait3A_1880, %dma_wait3A_1881] : memref<50x4x128x8x128xf32, #tpu.memory_space<hbm>> -> memref<1x1x1x8x128xf32, #tpu.memory_space<hbm>>
        %dma_wait3A_1883 = tpu.memref_squeeze %dma_wait3A_1882 : memref<1x1x1x8x128xf32, #tpu.memory_space<hbm>> -> memref<8x128xf32, #tpu.memory_space<hbm>>
        %dma_wait3A_1884 = arith.constant 128 : i32
        %dma_wait3A_1885 = arith.constant 0 : i32
        %dma_wait3A_1886 = tpu.memref_slice %arg7[%dma_wait3A_1884, %dma_wait3A_1885] : memref<256x133xf32, #tpu.memory_space<vmem>> -> memref<8x128xf32, #tpu.memory_space<vmem>>
        tpu.wait_dma2 semaphore(%arg10 : memref<!tpu.dma_semaphore, #tpu.memory_space<semaphore_mem>>) src(%dma_wait3A_1886 : memref<8x128xf32, #tpu.memory_space<vmem>>) dst(%dma_wait3A_1883 : memref<8x128xf32, #tpu.memory_space<hbm>>)
        %mul3A_1887 = arith.constant 8 : i32
        %mul3A_1888 = arith.muli %select_n3A_1563, %mul3A_1887 : i32
        %add3A_1889 = arith.constant 1 : i32
        %add3A_1890 = arith.addi %mul3A_1888, %add3A_1889 : i32
        %dma_wait3A_1891 = arith.constant 2 : i32
        %dma_wait3A_1892 = arith.constant 136 : i32
        %dma_wait3A_1893 = arith.constant 0 : i32
        %dma_wait3A_1894 = tpu.memref_slice %arg7[%dma_wait3A_1892, %dma_wait3A_1893] : memref<256x133xf32, #tpu.memory_space<vmem>> -> memref<8x128xf32, #tpu.memory_space<vmem>>
        %dma_wait3A_1895 = arith.constant 0 : i32
        %dma_wait3A_1896 = arith.constant 0 : i32
        %dma_wait3A_1897 = tpu.memref_slice %arg4[%select_n3A_1547, %dma_wait3A_1891, %add3A_1890, %dma_wait3A_1895, %dma_wait3A_1896] : memref<50x4x128x8x128xf32, #tpu.memory_space<hbm>> -> memref<1x1x1x8x128xf32, #tpu.memory_space<hbm>>
        %dma_wait3A_1898 = tpu.memref_squeeze %dma_wait3A_1897 : memref<1x1x1x8x128xf32, #tpu.memory_space<hbm>> -> memref<8x128xf32, #tpu.memory_space<hbm>>
        %dma_wait3A_1899 = arith.constant 0 : i32
        %dma_wait3A_1900 = arith.constant 0 : i32
        %dma_wait3A_1901 = tpu.memref_slice %arg4[%select_n3A_1547, %dma_wait3A_1891, %add3A_1890, %dma_wait3A_1899, %dma_wait3A_1900] : memref<50x4x128x8x128xf32, #tpu.memory_space<hbm>> -> memref<1x1x1x8x128xf32, #tpu.memory_space<hbm>>
        %dma_wait3A_1902 = tpu.memref_squeeze %dma_wait3A_1901 : memref<1x1x1x8x128xf32, #tpu.memory_space<hbm>> -> memref<8x128xf32, #tpu.memory_space<hbm>>
        %dma_wait3A_1903 = arith.constant 136 : i32
        %dma_wait3A_1904 = arith.constant 0 : i32
        %dma_wait3A_1905 = tpu.memref_slice %arg7[%dma_wait3A_1903, %dma_wait3A_1904] : memref<256x133xf32, #tpu.memory_space<vmem>> -> memref<8x128xf32, #tpu.memory_space<vmem>>
        tpu.wait_dma2 semaphore(%arg10 : memref<!tpu.dma_semaphore, #tpu.memory_space<semaphore_mem>>) src(%dma_wait3A_1905 : memref<8x128xf32, #tpu.memory_space<vmem>>) dst(%dma_wait3A_1902 : memref<8x128xf32, #tpu.memory_space<hbm>>)
        %mul3A_1906 = arith.constant 8 : i32
        %mul3A_1907 = arith.muli %select_n3A_1563, %mul3A_1906 : i32
        %add3A_1908 = arith.constant 2 : i32
        %add3A_1909 = arith.addi %mul3A_1907, %add3A_1908 : i32
        %dma_wait3A_1910 = arith.constant 2 : i32
        %dma_wait3A_1911 = arith.constant 144 : i32
        %dma_wait3A_1912 = arith.constant 0 : i32
        %dma_wait3A_1913 = tpu.memref_slice %arg7[%dma_wait3A_1911, %dma_wait3A_1912] : memref<256x133xf32, #tpu.memory_space<vmem>> -> memref<8x128xf32, #tpu.memory_space<vmem>>
        %dma_wait3A_1914 = arith.constant 0 : i32
        %dma_wait3A_1915 = arith.constant 0 : i32
        %dma_wait3A_1916 = tpu.memref_slice %arg4[%select_n3A_1547, %dma_wait3A_1910, %add3A_1909, %dma_wait3A_1914, %dma_wait3A_1915] : memref<50x4x128x8x128xf32, #tpu.memory_space<hbm>> -> memref<1x1x1x8x128xf32, #tpu.memory_space<hbm>>
        %dma_wait3A_1917 = tpu.memref_squeeze %dma_wait3A_1916 : memref<1x1x1x8x128xf32, #tpu.memory_space<hbm>> -> memref<8x128xf32, #tpu.memory_space<hbm>>
        %dma_wait3A_1918 = arith.constant 0 : i32
        %dma_wait3A_1919 = arith.constant 0 : i32
        %dma_wait3A_1920 = tpu.memref_slice %arg4[%select_n3A_1547, %dma_wait3A_1910, %add3A_1909, %dma_wait3A_1918, %dma_wait3A_1919] : memref<50x4x128x8x128xf32, #tpu.memory_space<hbm>> -> memref<1x1x1x8x128xf32, #tpu.memory_space<hbm>>
        %dma_wait3A_1921 = tpu.memref_squeeze %dma_wait3A_1920 : memref<1x1x1x8x128xf32, #tpu.memory_space<hbm>> -> memref<8x128xf32, #tpu.memory_space<hbm>>
        %dma_wait3A_1922 = arith.constant 144 : i32
        %dma_wait3A_1923 = arith.constant 0 : i32
        %dma_wait3A_1924 = tpu.memref_slice %arg7[%dma_wait3A_1922, %dma_wait3A_1923] : memref<256x133xf32, #tpu.memory_space<vmem>> -> memref<8x128xf32, #tpu.memory_space<vmem>>
        tpu.wait_dma2 semaphore(%arg10 : memref<!tpu.dma_semaphore, #tpu.memory_space<semaphore_mem>>) src(%dma_wait3A_1924 : memref<8x128xf32, #tpu.memory_space<vmem>>) dst(%dma_wait3A_1921 : memref<8x128xf32, #tpu.memory_space<hbm>>)
        %mul3A_1925 = arith.constant 8 : i32
        %mul3A_1926 = arith.muli %select_n3A_1563, %mul3A_1925 : i32
        %add3A_1927 = arith.constant 3 : i32
        %add3A_1928 = arith.addi %mul3A_1926, %add3A_1927 : i32
        %dma_wait3A_1929 = arith.constant 2 : i32
        %dma_wait3A_1930 = arith.constant 152 : i32
        %dma_wait3A_1931 = arith.constant 0 : i32
        %dma_wait3A_1932 = tpu.memref_slice %arg7[%dma_wait3A_1930, %dma_wait3A_1931] : memref<256x133xf32, #tpu.memory_space<vmem>> -> memref<8x128xf32, #tpu.memory_space<vmem>>
        %dma_wait3A_1933 = arith.constant 0 : i32
        %dma_wait3A_1934 = arith.constant 0 : i32
        %dma_wait3A_1935 = tpu.memref_slice %arg4[%select_n3A_1547, %dma_wait3A_1929, %add3A_1928, %dma_wait3A_1933, %dma_wait3A_1934] : memref<50x4x128x8x128xf32, #tpu.memory_space<hbm>> -> memref<1x1x1x8x128xf32, #tpu.memory_space<hbm>>
        %dma_wait3A_1936 = tpu.memref_squeeze %dma_wait3A_1935 : memref<1x1x1x8x128xf32, #tpu.memory_space<hbm>> -> memref<8x128xf32, #tpu.memory_space<hbm>>
        %dma_wait3A_1937 = arith.constant 0 : i32
        %dma_wait3A_1938 = arith.constant 0 : i32
        %dma_wait3A_1939 = tpu.memref_slice %arg4[%select_n3A_1547, %dma_wait3A_1929, %add3A_1928, %dma_wait3A_1937, %dma_wait3A_1938] : memref<50x4x128x8x128xf32, #tpu.memory_space<hbm>> -> memref<1x1x1x8x128xf32, #tpu.memory_space<hbm>>
        %dma_wait3A_1940 = tpu.memref_squeeze %dma_wait3A_1939 : memref<1x1x1x8x128xf32, #tpu.memory_space<hbm>> -> memref<8x128xf32, #tpu.memory_space<hbm>>
        %dma_wait3A_1941 = arith.constant 152 : i32
        %dma_wait3A_1942 = arith.constant 0 : i32
        %dma_wait3A_1943 = tpu.memref_slice %arg7[%dma_wait3A_1941, %dma_wait3A_1942] : memref<256x133xf32, #tpu.memory_space<vmem>> -> memref<8x128xf32, #tpu.memory_space<vmem>>
        tpu.wait_dma2 semaphore(%arg10 : memref<!tpu.dma_semaphore, #tpu.memory_space<semaphore_mem>>) src(%dma_wait3A_1943 : memref<8x128xf32, #tpu.memory_space<vmem>>) dst(%dma_wait3A_1940 : memref<8x128xf32, #tpu.memory_space<hbm>>)
        %mul3A_1944 = arith.constant 8 : i32
        %mul3A_1945 = arith.muli %select_n3A_1563, %mul3A_1944 : i32
        %add3A_1946 = arith.constant 4 : i32
        %add3A_1947 = arith.addi %mul3A_1945, %add3A_1946 : i32
        %dma_wait3A_1948 = arith.constant 2 : i32
        %dma_wait3A_1949 = arith.constant 160 : i32
        %dma_wait3A_1950 = arith.constant 0 : i32
        %dma_wait3A_1951 = tpu.memref_slice %arg7[%dma_wait3A_1949, %dma_wait3A_1950] : memref<256x133xf32, #tpu.memory_space<vmem>> -> memref<8x128xf32, #tpu.memory_space<vmem>>
        %dma_wait3A_1952 = arith.constant 0 : i32
        %dma_wait3A_1953 = arith.constant 0 : i32
        %dma_wait3A_1954 = tpu.memref_slice %arg4[%select_n3A_1547, %dma_wait3A_1948, %add3A_1947, %dma_wait3A_1952, %dma_wait3A_1953] : memref<50x4x128x8x128xf32, #tpu.memory_space<hbm>> -> memref<1x1x1x8x128xf32, #tpu.memory_space<hbm>>
        %dma_wait3A_1955 = tpu.memref_squeeze %dma_wait3A_1954 : memref<1x1x1x8x128xf32, #tpu.memory_space<hbm>> -> memref<8x128xf32, #tpu.memory_space<hbm>>
        %dma_wait3A_1956 = arith.constant 0 : i32
        %dma_wait3A_1957 = arith.constant 0 : i32
        %dma_wait3A_1958 = tpu.memref_slice %arg4[%select_n3A_1547, %dma_wait3A_1948, %add3A_1947, %dma_wait3A_1956, %dma_wait3A_1957] : memref<50x4x128x8x128xf32, #tpu.memory_space<hbm>> -> memref<1x1x1x8x128xf32, #tpu.memory_space<hbm>>
        %dma_wait3A_1959 = tpu.memref_squeeze %dma_wait3A_1958 : memref<1x1x1x8x128xf32, #tpu.memory_space<hbm>> -> memref<8x128xf32, #tpu.memory_space<hbm>>
        %dma_wait3A_1960 = arith.constant 160 : i32
        %dma_wait3A_1961 = arith.constant 0 : i32
        %dma_wait3A_1962 = tpu.memref_slice %arg7[%dma_wait3A_1960, %dma_wait3A_1961] : memref<256x133xf32, #tpu.memory_space<vmem>> -> memref<8x128xf32, #tpu.memory_space<vmem>>
        tpu.wait_dma2 semaphore(%arg10 : memref<!tpu.dma_semaphore, #tpu.memory_space<semaphore_mem>>) src(%dma_wait3A_1962 : memref<8x128xf32, #tpu.memory_space<vmem>>) dst(%dma_wait3A_1959 : memref<8x128xf32, #tpu.memory_space<hbm>>)
        %mul3A_1963 = arith.constant 8 : i32
        %mul3A_1964 = arith.muli %select_n3A_1563, %mul3A_1963 : i32
        %add3A_1965 = arith.constant 5 : i32
        %add3A_1966 = arith.addi %mul3A_1964, %add3A_1965 : i32
        %dma_wait3A_1967 = arith.constant 2 : i32
        %dma_wait3A_1968 = arith.constant 168 : i32
        %dma_wait3A_1969 = arith.constant 0 : i32
        %dma_wait3A_1970 = tpu.memref_slice %arg7[%dma_wait3A_1968, %dma_wait3A_1969] : memref<256x133xf32, #tpu.memory_space<vmem>> -> memref<8x128xf32, #tpu.memory_space<vmem>>
        %dma_wait3A_1971 = arith.constant 0 : i32
        %dma_wait3A_1972 = arith.constant 0 : i32
        %dma_wait3A_1973 = tpu.memref_slice %arg4[%select_n3A_1547, %dma_wait3A_1967, %add3A_1966, %dma_wait3A_1971, %dma_wait3A_1972] : memref<50x4x128x8x128xf32, #tpu.memory_space<hbm>> -> memref<1x1x1x8x128xf32, #tpu.memory_space<hbm>>
        %dma_wait3A_1974 = tpu.memref_squeeze %dma_wait3A_1973 : memref<1x1x1x8x128xf32, #tpu.memory_space<hbm>> -> memref<8x128xf32, #tpu.memory_space<hbm>>
        %dma_wait3A_1975 = arith.constant 0 : i32
        %dma_wait3A_1976 = arith.constant 0 : i32
        %dma_wait3A_1977 = tpu.memref_slice %arg4[%select_n3A_1547, %dma_wait3A_1967, %add3A_1966, %dma_wait3A_1975, %dma_wait3A_1976] : memref<50x4x128x8x128xf32, #tpu.memory_space<hbm>> -> memref<1x1x1x8x128xf32, #tpu.memory_space<hbm>>
        %dma_wait3A_1978 = tpu.memref_squeeze %dma_wait3A_1977 : memref<1x1x1x8x128xf32, #tpu.memory_space<hbm>> -> memref<8x128xf32, #tpu.memory_space<hbm>>
        %dma_wait3A_1979 = arith.constant 168 : i32
        %dma_wait3A_1980 = arith.constant 0 : i32
        %dma_wait3A_1981 = tpu.memref_slice %arg7[%dma_wait3A_1979, %dma_wait3A_1980] : memref<256x133xf32, #tpu.memory_space<vmem>> -> memref<8x128xf32, #tpu.memory_space<vmem>>
        tpu.wait_dma2 semaphore(%arg10 : memref<!tpu.dma_semaphore, #tpu.memory_space<semaphore_mem>>) src(%dma_wait3A_1981 : memref<8x128xf32, #tpu.memory_space<vmem>>) dst(%dma_wait3A_1978 : memref<8x128xf32, #tpu.memory_space<hbm>>)
        %mul3A_1982 = arith.constant 8 : i32
        %mul3A_1983 = arith.muli %select_n3A_1563, %mul3A_1982 : i32
        %add3A_1984 = arith.constant 6 : i32
        %add3A_1985 = arith.addi %mul3A_1983, %add3A_1984 : i32
        %dma_wait3A_1986 = arith.constant 2 : i32
        %dma_wait3A_1987 = arith.constant 176 : i32
        %dma_wait3A_1988 = arith.constant 0 : i32
        %dma_wait3A_1989 = tpu.memref_slice %arg7[%dma_wait3A_1987, %dma_wait3A_1988] : memref<256x133xf32, #tpu.memory_space<vmem>> -> memref<8x128xf32, #tpu.memory_space<vmem>>
        %dma_wait3A_1990 = arith.constant 0 : i32
        %dma_wait3A_1991 = arith.constant 0 : i32
        %dma_wait3A_1992 = tpu.memref_slice %arg4[%select_n3A_1547, %dma_wait3A_1986, %add3A_1985, %dma_wait3A_1990, %dma_wait3A_1991] : memref<50x4x128x8x128xf32, #tpu.memory_space<hbm>> -> memref<1x1x1x8x128xf32, #tpu.memory_space<hbm>>
        %dma_wait3A_1993 = tpu.memref_squeeze %dma_wait3A_1992 : memref<1x1x1x8x128xf32, #tpu.memory_space<hbm>> -> memref<8x128xf32, #tpu.memory_space<hbm>>
        %dma_wait3A_1994 = arith.constant 0 : i32
        %dma_wait3A_1995 = arith.constant 0 : i32
        %dma_wait3A_1996 = tpu.memref_slice %arg4[%select_n3A_1547, %dma_wait3A_1986, %add3A_1985, %dma_wait3A_1994, %dma_wait3A_1995] : memref<50x4x128x8x128xf32, #tpu.memory_space<hbm>> -> memref<1x1x1x8x128xf32, #tpu.memory_space<hbm>>
        %dma_wait3A_1997 = tpu.memref_squeeze %dma_wait3A_1996 : memref<1x1x1x8x128xf32, #tpu.memory_space<hbm>> -> memref<8x128xf32, #tpu.memory_space<hbm>>
        %dma_wait3A_1998 = arith.constant 176 : i32
        %dma_wait3A_1999 = arith.constant 0 : i32
        %dma_wait3A_2000 = tpu.memref_slice %arg7[%dma_wait3A_1998, %dma_wait3A_1999] : memref<256x133xf32, #tpu.memory_space<vmem>> -> memref<8x128xf32, #tpu.memory_space<vmem>>
        tpu.wait_dma2 semaphore(%arg10 : memref<!tpu.dma_semaphore, #tpu.memory_space<semaphore_mem>>) src(%dma_wait3A_2000 : memref<8x128xf32, #tpu.memory_space<vmem>>) dst(%dma_wait3A_1997 : memref<8x128xf32, #tpu.memory_space<hbm>>)
        %mul3A_2001 = arith.constant 8 : i32
        %mul3A_2002 = arith.muli %select_n3A_1563, %mul3A_2001 : i32
        %add3A_2003 = arith.constant 7 : i32
        %add3A_2004 = arith.addi %mul3A_2002, %add3A_2003 : i32
        %dma_wait3A_2005 = arith.constant 2 : i32
        %dma_wait3A_2006 = arith.constant 184 : i32
        %dma_wait3A_2007 = arith.constant 0 : i32
        %dma_wait3A_2008 = tpu.memref_slice %arg7[%dma_wait3A_2006, %dma_wait3A_2007] : memref<256x133xf32, #tpu.memory_space<vmem>> -> memref<8x128xf32, #tpu.memory_space<vmem>>
        %dma_wait3A_2009 = arith.constant 0 : i32
        %dma_wait3A_2010 = arith.constant 0 : i32
        %dma_wait3A_2011 = tpu.memref_slice %arg4[%select_n3A_1547, %dma_wait3A_2005, %add3A_2004, %dma_wait3A_2009, %dma_wait3A_2010] : memref<50x4x128x8x128xf32, #tpu.memory_space<hbm>> -> memref<1x1x1x8x128xf32, #tpu.memory_space<hbm>>
        %dma_wait3A_2012 = tpu.memref_squeeze %dma_wait3A_2011 : memref<1x1x1x8x128xf32, #tpu.memory_space<hbm>> -> memref<8x128xf32, #tpu.memory_space<hbm>>
        %dma_wait3A_2013 = arith.constant 0 : i32
        %dma_wait3A_2014 = arith.constant 0 : i32
        %dma_wait3A_2015 = tpu.memref_slice %arg4[%select_n3A_1547, %dma_wait3A_2005, %add3A_2004, %dma_wait3A_2013, %dma_wait3A_2014] : memref<50x4x128x8x128xf32, #tpu.memory_space<hbm>> -> memref<1x1x1x8x128xf32, #tpu.memory_space<hbm>>
        %dma_wait3A_2016 = tpu.memref_squeeze %dma_wait3A_2015 : memref<1x1x1x8x128xf32, #tpu.memory_space<hbm>> -> memref<8x128xf32, #tpu.memory_space<hbm>>
        %dma_wait3A_2017 = arith.constant 184 : i32
        %dma_wait3A_2018 = arith.constant 0 : i32
        %dma_wait3A_2019 = tpu.memref_slice %arg7[%dma_wait3A_2017, %dma_wait3A_2018] : memref<256x133xf32, #tpu.memory_space<vmem>> -> memref<8x128xf32, #tpu.memory_space<vmem>>
        tpu.wait_dma2 semaphore(%arg10 : memref<!tpu.dma_semaphore, #tpu.memory_space<semaphore_mem>>) src(%dma_wait3A_2019 : memref<8x128xf32, #tpu.memory_space<vmem>>) dst(%dma_wait3A_2016 : memref<8x128xf32, #tpu.memory_space<hbm>>)
        %mul3A_2020 = arith.constant 8 : i32
        %mul3A_2021 = arith.muli %select_n3A_1563, %mul3A_2020 : i32
        %add3A_2022 = arith.constant 0 : i32
        %add3A_2023 = arith.addi %mul3A_2021, %add3A_2022 : i32
        %dma_wait3A_2024 = arith.constant 3 : i32
        %dma_wait3A_2025 = arith.constant 192 : i32
        %dma_wait3A_2026 = arith.constant 0 : i32
        %dma_wait3A_2027 = tpu.memref_slice %arg7[%dma_wait3A_2025, %dma_wait3A_2026] : memref<256x133xf32, #tpu.memory_space<vmem>> -> memref<8x128xf32, #tpu.memory_space<vmem>>
        %dma_wait3A_2028 = arith.constant 0 : i32
        %dma_wait3A_2029 = arith.constant 0 : i32
        %dma_wait3A_2030 = tpu.memref_slice %arg4[%select_n3A_1547, %dma_wait3A_2024, %add3A_2023, %dma_wait3A_2028, %dma_wait3A_2029] : memref<50x4x128x8x128xf32, #tpu.memory_space<hbm>> -> memref<1x1x1x8x128xf32, #tpu.memory_space<hbm>>
        %dma_wait3A_2031 = tpu.memref_squeeze %dma_wait3A_2030 : memref<1x1x1x8x128xf32, #tpu.memory_space<hbm>> -> memref<8x128xf32, #tpu.memory_space<hbm>>
        %dma_wait3A_2032 = arith.constant 0 : i32
        %dma_wait3A_2033 = arith.constant 0 : i32
        %dma_wait3A_2034 = tpu.memref_slice %arg4[%select_n3A_1547, %dma_wait3A_2024, %add3A_2023, %dma_wait3A_2032, %dma_wait3A_2033] : memref<50x4x128x8x128xf32, #tpu.memory_space<hbm>> -> memref<1x1x1x8x128xf32, #tpu.memory_space<hbm>>
        %dma_wait3A_2035 = tpu.memref_squeeze %dma_wait3A_2034 : memref<1x1x1x8x128xf32, #tpu.memory_space<hbm>> -> memref<8x128xf32, #tpu.memory_space<hbm>>
        %dma_wait3A_2036 = arith.constant 192 : i32
        %dma_wait3A_2037 = arith.constant 0 : i32
        %dma_wait3A_2038 = tpu.memref_slice %arg7[%dma_wait3A_2036, %dma_wait3A_2037] : memref<256x133xf32, #tpu.memory_space<vmem>> -> memref<8x128xf32, #tpu.memory_space<vmem>>
        tpu.wait_dma2 semaphore(%arg10 : memref<!tpu.dma_semaphore, #tpu.memory_space<semaphore_mem>>) src(%dma_wait3A_2038 : memref<8x128xf32, #tpu.memory_space<vmem>>) dst(%dma_wait3A_2035 : memref<8x128xf32, #tpu.memory_space<hbm>>)
        %mul3A_2039 = arith.constant 8 : i32
        %mul3A_2040 = arith.muli %select_n3A_1563, %mul3A_2039 : i32
        %add3A_2041 = arith.constant 1 : i32
        %add3A_2042 = arith.addi %mul3A_2040, %add3A_2041 : i32
        %dma_wait3A_2043 = arith.constant 3 : i32
        %dma_wait3A_2044 = arith.constant 200 : i32
        %dma_wait3A_2045 = arith.constant 0 : i32
        %dma_wait3A_2046 = tpu.memref_slice %arg7[%dma_wait3A_2044, %dma_wait3A_2045] : memref<256x133xf32, #tpu.memory_space<vmem>> -> memref<8x128xf32, #tpu.memory_space<vmem>>
        %dma_wait3A_2047 = arith.constant 0 : i32
        %dma_wait3A_2048 = arith.constant 0 : i32
        %dma_wait3A_2049 = tpu.memref_slice %arg4[%select_n3A_1547, %dma_wait3A_2043, %add3A_2042, %dma_wait3A_2047, %dma_wait3A_2048] : memref<50x4x128x8x128xf32, #tpu.memory_space<hbm>> -> memref<1x1x1x8x128xf32, #tpu.memory_space<hbm>>
        %dma_wait3A_2050 = tpu.memref_squeeze %dma_wait3A_2049 : memref<1x1x1x8x128xf32, #tpu.memory_space<hbm>> -> memref<8x128xf32, #tpu.memory_space<hbm>>
        %dma_wait3A_2051 = arith.constant 0 : i32
        %dma_wait3A_2052 = arith.constant 0 : i32
        %dma_wait3A_2053 = tpu.memref_slice %arg4[%select_n3A_1547, %dma_wait3A_2043, %add3A_2042, %dma_wait3A_2051, %dma_wait3A_2052] : memref<50x4x128x8x128xf32, #tpu.memory_space<hbm>> -> memref<1x1x1x8x128xf32, #tpu.memory_space<hbm>>
        %dma_wait3A_2054 = tpu.memref_squeeze %dma_wait3A_2053 : memref<1x1x1x8x128xf32, #tpu.memory_space<hbm>> -> memref<8x128xf32, #tpu.memory_space<hbm>>
        %dma_wait3A_2055 = arith.constant 200 : i32
        %dma_wait3A_2056 = arith.constant 0 : i32
        %dma_wait3A_2057 = tpu.memref_slice %arg7[%dma_wait3A_2055, %dma_wait3A_2056] : memref<256x133xf32, #tpu.memory_space<vmem>> -> memref<8x128xf32, #tpu.memory_space<vmem>>
        tpu.wait_dma2 semaphore(%arg10 : memref<!tpu.dma_semaphore, #tpu.memory_space<semaphore_mem>>) src(%dma_wait3A_2057 : memref<8x128xf32, #tpu.memory_space<vmem>>) dst(%dma_wait3A_2054 : memref<8x128xf32, #tpu.memory_space<hbm>>)
        %mul3A_2058 = arith.constant 8 : i32
        %mul3A_2059 = arith.muli %select_n3A_1563, %mul3A_2058 : i32
        %add3A_2060 = arith.constant 2 : i32
        %add3A_2061 = arith.addi %mul3A_2059, %add3A_2060 : i32
        %dma_wait3A_2062 = arith.constant 3 : i32
        %dma_wait3A_2063 = arith.constant 208 : i32
        %dma_wait3A_2064 = arith.constant 0 : i32
        %dma_wait3A_2065 = tpu.memref_slice %arg7[%dma_wait3A_2063, %dma_wait3A_2064] : memref<256x133xf32, #tpu.memory_space<vmem>> -> memref<8x128xf32, #tpu.memory_space<vmem>>
        %dma_wait3A_2066 = arith.constant 0 : i32
        %dma_wait3A_2067 = arith.constant 0 : i32
        %dma_wait3A_2068 = tpu.memref_slice %arg4[%select_n3A_1547, %dma_wait3A_2062, %add3A_2061, %dma_wait3A_2066, %dma_wait3A_2067] : memref<50x4x128x8x128xf32, #tpu.memory_space<hbm>> -> memref<1x1x1x8x128xf32, #tpu.memory_space<hbm>>
        %dma_wait3A_2069 = tpu.memref_squeeze %dma_wait3A_2068 : memref<1x1x1x8x128xf32, #tpu.memory_space<hbm>> -> memref<8x128xf32, #tpu.memory_space<hbm>>
        %dma_wait3A_2070 = arith.constant 0 : i32
        %dma_wait3A_2071 = arith.constant 0 : i32
        %dma_wait3A_2072 = tpu.memref_slice %arg4[%select_n3A_1547, %dma_wait3A_2062, %add3A_2061, %dma_wait3A_2070, %dma_wait3A_2071] : memref<50x4x128x8x128xf32, #tpu.memory_space<hbm>> -> memref<1x1x1x8x128xf32, #tpu.memory_space<hbm>>
        %dma_wait3A_2073 = tpu.memref_squeeze %dma_wait3A_2072 : memref<1x1x1x8x128xf32, #tpu.memory_space<hbm>> -> memref<8x128xf32, #tpu.memory_space<hbm>>
        %dma_wait3A_2074 = arith.constant 208 : i32
        %dma_wait3A_2075 = arith.constant 0 : i32
        %dma_wait3A_2076 = tpu.memref_slice %arg7[%dma_wait3A_2074, %dma_wait3A_2075] : memref<256x133xf32, #tpu.memory_space<vmem>> -> memref<8x128xf32, #tpu.memory_space<vmem>>
        tpu.wait_dma2 semaphore(%arg10 : memref<!tpu.dma_semaphore, #tpu.memory_space<semaphore_mem>>) src(%dma_wait3A_2076 : memref<8x128xf32, #tpu.memory_space<vmem>>) dst(%dma_wait3A_2073 : memref<8x128xf32, #tpu.memory_space<hbm>>)
        %mul3A_2077 = arith.constant 8 : i32
        %mul3A_2078 = arith.muli %select_n3A_1563, %mul3A_2077 : i32
        %add3A_2079 = arith.constant 3 : i32
        %add3A_2080 = arith.addi %mul3A_2078, %add3A_2079 : i32
        %dma_wait3A_2081 = arith.constant 3 : i32
        %dma_wait3A_2082 = arith.constant 216 : i32
        %dma_wait3A_2083 = arith.constant 0 : i32
        %dma_wait3A_2084 = tpu.memref_slice %arg7[%dma_wait3A_2082, %dma_wait3A_2083] : memref<256x133xf32, #tpu.memory_space<vmem>> -> memref<8x128xf32, #tpu.memory_space<vmem>>
        %dma_wait3A_2085 = arith.constant 0 : i32
        %dma_wait3A_2086 = arith.constant 0 : i32
        %dma_wait3A_2087 = tpu.memref_slice %arg4[%select_n3A_1547, %dma_wait3A_2081, %add3A_2080, %dma_wait3A_2085, %dma_wait3A_2086] : memref<50x4x128x8x128xf32, #tpu.memory_space<hbm>> -> memref<1x1x1x8x128xf32, #tpu.memory_space<hbm>>
        %dma_wait3A_2088 = tpu.memref_squeeze %dma_wait3A_2087 : memref<1x1x1x8x128xf32, #tpu.memory_space<hbm>> -> memref<8x128xf32, #tpu.memory_space<hbm>>
        %dma_wait3A_2089 = arith.constant 0 : i32
        %dma_wait3A_2090 = arith.constant 0 : i32
        %dma_wait3A_2091 = tpu.memref_slice %arg4[%select_n3A_1547, %dma_wait3A_2081, %add3A_2080, %dma_wait3A_2089, %dma_wait3A_2090] : memref<50x4x128x8x128xf32, #tpu.memory_space<hbm>> -> memref<1x1x1x8x128xf32, #tpu.memory_space<hbm>>
        %dma_wait3A_2092 = tpu.memref_squeeze %dma_wait3A_2091 : memref<1x1x1x8x128xf32, #tpu.memory_space<hbm>> -> memref<8x128xf32, #tpu.memory_space<hbm>>
        %dma_wait3A_2093 = arith.constant 216 : i32
        %dma_wait3A_2094 = arith.constant 0 : i32
        %dma_wait3A_2095 = tpu.memref_slice %arg7[%dma_wait3A_2093, %dma_wait3A_2094] : memref<256x133xf32, #tpu.memory_space<vmem>> -> memref<8x128xf32, #tpu.memory_space<vmem>>
        tpu.wait_dma2 semaphore(%arg10 : memref<!tpu.dma_semaphore, #tpu.memory_space<semaphore_mem>>) src(%dma_wait3A_2095 : memref<8x128xf32, #tpu.memory_space<vmem>>) dst(%dma_wait3A_2092 : memref<8x128xf32, #tpu.memory_space<hbm>>)
        %mul3A_2096 = arith.constant 8 : i32
        %mul3A_2097 = arith.muli %select_n3A_1563, %mul3A_2096 : i32
        %add3A_2098 = arith.constant 4 : i32
        %add3A_2099 = arith.addi %mul3A_2097, %add3A_2098 : i32
        %dma_wait3A_2100 = arith.constant 3 : i32
        %dma_wait3A_2101 = arith.constant 224 : i32
        %dma_wait3A_2102 = arith.constant 0 : i32
        %dma_wait3A_2103 = tpu.memref_slice %arg7[%dma_wait3A_2101, %dma_wait3A_2102] : memref<256x133xf32, #tpu.memory_space<vmem>> -> memref<8x128xf32, #tpu.memory_space<vmem>>
        %dma_wait3A_2104 = arith.constant 0 : i32
        %dma_wait3A_2105 = arith.constant 0 : i32
        %dma_wait3A_2106 = tpu.memref_slice %arg4[%select_n3A_1547, %dma_wait3A_2100, %add3A_2099, %dma_wait3A_2104, %dma_wait3A_2105] : memref<50x4x128x8x128xf32, #tpu.memory_space<hbm>> -> memref<1x1x1x8x128xf32, #tpu.memory_space<hbm>>
        %dma_wait3A_2107 = tpu.memref_squeeze %dma_wait3A_2106 : memref<1x1x1x8x128xf32, #tpu.memory_space<hbm>> -> memref<8x128xf32, #tpu.memory_space<hbm>>
        %dma_wait3A_2108 = arith.constant 0 : i32
        %dma_wait3A_2109 = arith.constant 0 : i32
        %dma_wait3A_2110 = tpu.memref_slice %arg4[%select_n3A_1547, %dma_wait3A_2100, %add3A_2099, %dma_wait3A_2108, %dma_wait3A_2109] : memref<50x4x128x8x128xf32, #tpu.memory_space<hbm>> -> memref<1x1x1x8x128xf32, #tpu.memory_space<hbm>>
        %dma_wait3A_2111 = tpu.memref_squeeze %dma_wait3A_2110 : memref<1x1x1x8x128xf32, #tpu.memory_space<hbm>> -> memref<8x128xf32, #tpu.memory_space<hbm>>
        %dma_wait3A_2112 = arith.constant 224 : i32
        %dma_wait3A_2113 = arith.constant 0 : i32
        %dma_wait3A_2114 = tpu.memref_slice %arg7[%dma_wait3A_2112, %dma_wait3A_2113] : memref<256x133xf32, #tpu.memory_space<vmem>> -> memref<8x128xf32, #tpu.memory_space<vmem>>
        tpu.wait_dma2 semaphore(%arg10 : memref<!tpu.dma_semaphore, #tpu.memory_space<semaphore_mem>>) src(%dma_wait3A_2114 : memref<8x128xf32, #tpu.memory_space<vmem>>) dst(%dma_wait3A_2111 : memref<8x128xf32, #tpu.memory_space<hbm>>)
        %mul3A_2115 = arith.constant 8 : i32
        %mul3A_2116 = arith.muli %select_n3A_1563, %mul3A_2115 : i32
        %add3A_2117 = arith.constant 5 : i32
        %add3A_2118 = arith.addi %mul3A_2116, %add3A_2117 : i32
        %dma_wait3A_2119 = arith.constant 3 : i32
        %dma_wait3A_2120 = arith.constant 232 : i32
        %dma_wait3A_2121 = arith.constant 0 : i32
        %dma_wait3A_2122 = tpu.memref_slice %arg7[%dma_wait3A_2120, %dma_wait3A_2121] : memref<256x133xf32, #tpu.memory_space<vmem>> -> memref<8x128xf32, #tpu.memory_space<vmem>>
        %dma_wait3A_2123 = arith.constant 0 : i32
        %dma_wait3A_2124 = arith.constant 0 : i32
        %dma_wait3A_2125 = tpu.memref_slice %arg4[%select_n3A_1547, %dma_wait3A_2119, %add3A_2118, %dma_wait3A_2123, %dma_wait3A_2124] : memref<50x4x128x8x128xf32, #tpu.memory_space<hbm>> -> memref<1x1x1x8x128xf32, #tpu.memory_space<hbm>>
        %dma_wait3A_2126 = tpu.memref_squeeze %dma_wait3A_2125 : memref<1x1x1x8x128xf32, #tpu.memory_space<hbm>> -> memref<8x128xf32, #tpu.memory_space<hbm>>
        %dma_wait3A_2127 = arith.constant 0 : i32
        %dma_wait3A_2128 = arith.constant 0 : i32
        %dma_wait3A_2129 = tpu.memref_slice %arg4[%select_n3A_1547, %dma_wait3A_2119, %add3A_2118, %dma_wait3A_2127, %dma_wait3A_2128] : memref<50x4x128x8x128xf32, #tpu.memory_space<hbm>> -> memref<1x1x1x8x128xf32, #tpu.memory_space<hbm>>
        %dma_wait3A_2130 = tpu.memref_squeeze %dma_wait3A_2129 : memref<1x1x1x8x128xf32, #tpu.memory_space<hbm>> -> memref<8x128xf32, #tpu.memory_space<hbm>>
        %dma_wait3A_2131 = arith.constant 232 : i32
        %dma_wait3A_2132 = arith.constant 0 : i32
        %dma_wait3A_2133 = tpu.memref_slice %arg7[%dma_wait3A_2131, %dma_wait3A_2132] : memref<256x133xf32, #tpu.memory_space<vmem>> -> memref<8x128xf32, #tpu.memory_space<vmem>>
        tpu.wait_dma2 semaphore(%arg10 : memref<!tpu.dma_semaphore, #tpu.memory_space<semaphore_mem>>) src(%dma_wait3A_2133 : memref<8x128xf32, #tpu.memory_space<vmem>>) dst(%dma_wait3A_2130 : memref<8x128xf32, #tpu.memory_space<hbm>>)
        %mul3A_2134 = arith.constant 8 : i32
        %mul3A_2135 = arith.muli %select_n3A_1563, %mul3A_2134 : i32
        %add3A_2136 = arith.constant 6 : i32
        %add3A_2137 = arith.addi %mul3A_2135, %add3A_2136 : i32
        %dma_wait3A_2138 = arith.constant 3 : i32
        %dma_wait3A_2139 = arith.constant 240 : i32
        %dma_wait3A_2140 = arith.constant 0 : i32
        %dma_wait3A_2141 = tpu.memref_slice %arg7[%dma_wait3A_2139, %dma_wait3A_2140] : memref<256x133xf32, #tpu.memory_space<vmem>> -> memref<8x128xf32, #tpu.memory_space<vmem>>
        %dma_wait3A_2142 = arith.constant 0 : i32
        %dma_wait3A_2143 = arith.constant 0 : i32
        %dma_wait3A_2144 = tpu.memref_slice %arg4[%select_n3A_1547, %dma_wait3A_2138, %add3A_2137, %dma_wait3A_2142, %dma_wait3A_2143] : memref<50x4x128x8x128xf32, #tpu.memory_space<hbm>> -> memref<1x1x1x8x128xf32, #tpu.memory_space<hbm>>
        %dma_wait3A_2145 = tpu.memref_squeeze %dma_wait3A_2144 : memref<1x1x1x8x128xf32, #tpu.memory_space<hbm>> -> memref<8x128xf32, #tpu.memory_space<hbm>>
        %dma_wait3A_2146 = arith.constant 0 : i32
        %dma_wait3A_2147 = arith.constant 0 : i32
        %dma_wait3A_2148 = tpu.memref_slice %arg4[%select_n3A_1547, %dma_wait3A_2138, %add3A_2137, %dma_wait3A_2146, %dma_wait3A_2147] : memref<50x4x128x8x128xf32, #tpu.memory_space<hbm>> -> memref<1x1x1x8x128xf32, #tpu.memory_space<hbm>>
        %dma_wait3A_2149 = tpu.memref_squeeze %dma_wait3A_2148 : memref<1x1x1x8x128xf32, #tpu.memory_space<hbm>> -> memref<8x128xf32, #tpu.memory_space<hbm>>
        %dma_wait3A_2150 = arith.constant 240 : i32
        %dma_wait3A_2151 = arith.constant 0 : i32
        %dma_wait3A_2152 = tpu.memref_slice %arg7[%dma_wait3A_2150, %dma_wait3A_2151] : memref<256x133xf32, #tpu.memory_space<vmem>> -> memref<8x128xf32, #tpu.memory_space<vmem>>
        tpu.wait_dma2 semaphore(%arg10 : memref<!tpu.dma_semaphore, #tpu.memory_space<semaphore_mem>>) src(%dma_wait3A_2152 : memref<8x128xf32, #tpu.memory_space<vmem>>) dst(%dma_wait3A_2149 : memref<8x128xf32, #tpu.memory_space<hbm>>)
        %mul3A_2153 = arith.constant 8 : i32
        %mul3A_2154 = arith.muli %select_n3A_1563, %mul3A_2153 : i32
        %add3A_2155 = arith.constant 7 : i32
        %add3A_2156 = arith.addi %mul3A_2154, %add3A_2155 : i32
        %dma_wait3A_2157 = arith.constant 3 : i32
        %dma_wait3A_2158 = arith.constant 248 : i32
        %dma_wait3A_2159 = arith.constant 0 : i32
        %dma_wait3A_2160 = tpu.memref_slice %arg7[%dma_wait3A_2158, %dma_wait3A_2159] : memref<256x133xf32, #tpu.memory_space<vmem>> -> memref<8x128xf32, #tpu.memory_space<vmem>>
        %dma_wait3A_2161 = arith.constant 0 : i32
        %dma_wait3A_2162 = arith.constant 0 : i32
        %dma_wait3A_2163 = tpu.memref_slice %arg4[%select_n3A_1547, %dma_wait3A_2157, %add3A_2156, %dma_wait3A_2161, %dma_wait3A_2162] : memref<50x4x128x8x128xf32, #tpu.memory_space<hbm>> -> memref<1x1x1x8x128xf32, #tpu.memory_space<hbm>>
        %dma_wait3A_2164 = tpu.memref_squeeze %dma_wait3A_2163 : memref<1x1x1x8x128xf32, #tpu.memory_space<hbm>> -> memref<8x128xf32, #tpu.memory_space<hbm>>
        %dma_wait3A_2165 = arith.constant 0 : i32
        %dma_wait3A_2166 = arith.constant 0 : i32
        %dma_wait3A_2167 = tpu.memref_slice %arg4[%select_n3A_1547, %dma_wait3A_2157, %add3A_2156, %dma_wait3A_2165, %dma_wait3A_2166] : memref<50x4x128x8x128xf32, #tpu.memory_space<hbm>> -> memref<1x1x1x8x128xf32, #tpu.memory_space<hbm>>
        %dma_wait3A_2168 = tpu.memref_squeeze %dma_wait3A_2167 : memref<1x1x1x8x128xf32, #tpu.memory_space<hbm>> -> memref<8x128xf32, #tpu.memory_space<hbm>>
        %dma_wait3A_2169 = arith.constant 248 : i32
        %dma_wait3A_2170 = arith.constant 0 : i32
        %dma_wait3A_2171 = tpu.memref_slice %arg7[%dma_wait3A_2169, %dma_wait3A_2170] : memref<256x133xf32, #tpu.memory_space<vmem>> -> memref<8x128xf32, #tpu.memory_space<vmem>>
        tpu.wait_dma2 semaphore(%arg10 : memref<!tpu.dma_semaphore, #tpu.memory_space<semaphore_mem>>) src(%dma_wait3A_2171 : memref<8x128xf32, #tpu.memory_space<vmem>>) dst(%dma_wait3A_2168 : memref<8x128xf32, #tpu.memory_space<hbm>>)
      } else {
      }
      %scan3A_868 = arith.constant 0 : i32
      %scan3A_869 = arith.constant 0 : i32
      %scan3A_870 = arith.constant 8 : i32
      %scan3A_871 = arith.addi %scan3A_869, %scan3A_870 : i32
      %scan3A_872 = arith.constant 1 : i32
      scf.for %scan3A_1522 = %scan3A_869 to %scan3A_871 step %scan3A_872  : i32 {
        %mul3A_1523 = arith.constant 8 : i32
        %mul3A_1524 = arith.muli %scan3A_1522, %mul3A_1523 : i32
        %add3A_1525 = vector.broadcast %mul3A_1524 : i32 to vector<16xi32>
        %add3A_1526 = arith.addi %add3A_49, %add3A_1525 : vector<16xi32>
        %add3A_1527 = arith.constant 128 : i32
        %add3A_1528 = vector.broadcast %add3A_1527 : i32 to vector<16xi32>
        %add3A_1529 = arith.addi %add3A_1526, %add3A_1528 : vector<16xi32>
        %scan3A_1530 = arith.constant 0 : i32
        %scan3A_1531 = arith.constant 0 : i32
        %scan3A_1532 = arith.constant 8 : i32
        %scan3A_1533 = arith.addi %scan3A_1531, %scan3A_1532 : i32
        %scan3A_1534 = arith.constant 1 : i32
        scf.for %scan3A_1536 = %scan3A_1531 to %scan3A_1533 step %scan3A_1534  : i32 {
          %mul3A_1537 = arith.constant 16 : i32
          %mul3A_1538 = arith.muli %scan3A_1536, %mul3A_1537 : i32
          %add3A_1539 = arith.constant 0 : i32
          %add3A_1540 = arith.addi %mul3A_1538, %add3A_1539 : i32
          %mul3A_1541 = arith.constant 128 : i32
          %mul3A_1542 = arith.muli %scan3A_1522, %mul3A_1541 : i32
          %add3A_1543 = arith.addi %mul3A_1542, %add3A_1540 : i32
          %broadcast_in_dim3A = vector.broadcast %add3A_1540 : i32 to vector<16xi32>
          %get3A = arith.index_cast %rem3A_846 : i32 to index
          %get3A_1544 = arith.index_cast %add3A_1543 : i32 to index
          %get3A_1545 = arith.constant 0 : index
          %get3A_1546 = tpu.vector_load %arg6[%get3A, %get3A_1544, %get3A_1545] {strides = array<i32>} : memref<2x1024x32xf32, #tpu.memory_space<vmem>>, vector<16xf32>,
          %get3A_1547 = arith.index_cast %rem3A_846 : i32 to index
          %get3A_1548 = arith.index_cast %add3A_1543 : i32 to index
          %get3A_1549 = arith.constant 16 : index
          %get3A_1550 = tpu.vector_load %arg6[%get3A_1547, %get3A_1548, %get3A_1549] {strides = array<i32>} : memref<2x1024x32xf32, #tpu.memory_space<vmem>>, vector<16xf32>,
          tpu.vector_store_idx %arg7[%add3A_1526, %broadcast_in_dim3A], %get3A_1546 : memref<256x133xf32, #tpu.memory_space<vmem>>[vector<16xi32>, vector<16xi32>], vector<16xf32>,
          tpu.vector_store_idx %arg7[%add3A_1529, %broadcast_in_dim3A], %get3A_1550 : memref<256x133xf32, #tpu.memory_space<vmem>>[vector<16xi32>, vector<16xi32>], vector<16xf32>,
          %mul3A_1551 = arith.constant 16 : i32
          %mul3A_1552 = arith.muli %scan3A_1536, %mul3A_1551 : i32
          %add3A_1553 = arith.constant 1 : i32
          %add3A_1554 = arith.addi %mul3A_1552, %add3A_1553 : i32
          %mul3A_1555 = arith.constant 128 : i32
          %mul3A_1556 = arith.muli %scan3A_1522, %mul3A_1555 : i32
          %add3A_1557 = arith.addi %mul3A_1556, %add3A_1554 : i32
          %broadcast_in_dim3A_1558 = vector.broadcast %add3A_1554 : i32 to vector<16xi32>
          %get3A_1559 = arith.index_cast %rem3A_846 : i32 to index
          %get3A_1560 = arith.index_cast %add3A_1557 : i32 to index
          %get3A_1561 = arith.constant 0 : index
          %get3A_1562 = tpu.vector_load %arg6[%get3A_1559, %get3A_1560, %get3A_1561] {strides = array<i32>} : memref<2x1024x32xf32, #tpu.memory_space<vmem>>, vector<16xf32>,
          %get3A_1563 = arith.index_cast %rem3A_846 : i32 to index
          %get3A_1564 = arith.index_cast %add3A_1557 : i32 to index
          %get3A_1565 = arith.constant 16 : index
          %get3A_1566 = tpu.vector_load %arg6[%get3A_1563, %get3A_1564, %get3A_1565] {strides = array<i32>} : memref<2x1024x32xf32, #tpu.memory_space<vmem>>, vector<16xf32>,
          tpu.vector_store_idx %arg7[%add3A_1526, %broadcast_in_dim3A_1558], %get3A_1562 : memref<256x133xf32, #tpu.memory_space<vmem>>[vector<16xi32>, vector<16xi32>], vector<16xf32>,
          tpu.vector_store_idx %arg7[%add3A_1529, %broadcast_in_dim3A_1558], %get3A_1566 : memref<256x133xf32, #tpu.memory_space<vmem>>[vector<16xi32>, vector<16xi32>], vector<16xf32>,
          %mul3A_1567 = arith.constant 16 : i32
          %mul3A_1568 = arith.muli %scan3A_1536, %mul3A_1567 : i32
          %add3A_1569 = arith.constant 2 : i32
          %add3A_1570 = arith.addi %mul3A_1568, %add3A_1569 : i32
          %mul3A_1571 = arith.constant 128 : i32
          %mul3A_1572 = arith.muli %scan3A_1522, %mul3A_1571 : i32
          %add3A_1573 = arith.addi %mul3A_1572, %add3A_1570 : i32
          %broadcast_in_dim3A_1574 = vector.broadcast %add3A_1570 : i32 to vector<16xi32>
          %get3A_1575 = arith.index_cast %rem3A_846 : i32 to index
          %get3A_1576 = arith.index_cast %add3A_1573 : i32 to index
          %get3A_1577 = arith.constant 0 : index
          %get3A_1578 = tpu.vector_load %arg6[%get3A_1575, %get3A_1576, %get3A_1577] {strides = array<i32>} : memref<2x1024x32xf32, #tpu.memory_space<vmem>>, vector<16xf32>,
          %get3A_1579 = arith.index_cast %rem3A_846 : i32 to index
          %get3A_1580 = arith.index_cast %add3A_1573 : i32 to index
          %get3A_1581 = arith.constant 16 : index
          %get3A_1582 = tpu.vector_load %arg6[%get3A_1579, %get3A_1580, %get3A_1581] {strides = array<i32>} : memref<2x1024x32xf32, #tpu.memory_space<vmem>>, vector<16xf32>,
          tpu.vector_store_idx %arg7[%add3A_1526, %broadcast_in_dim3A_1574], %get3A_1578 : memref<256x133xf32, #tpu.memory_space<vmem>>[vector<16xi32>, vector<16xi32>], vector<16xf32>,
          tpu.vector_store_idx %arg7[%add3A_1529, %broadcast_in_dim3A_1574], %get3A_1582 : memref<256x133xf32, #tpu.memory_space<vmem>>[vector<16xi32>, vector<16xi32>], vector<16xf32>,
          %mul3A_1583 = arith.constant 16 : i32
          %mul3A_1584 = arith.muli %scan3A_1536, %mul3A_1583 : i32
          %add3A_1585 = arith.constant 3 : i32
          %add3A_1586 = arith.addi %mul3A_1584, %add3A_1585 : i32
          %mul3A_1587 = arith.constant 128 : i32
          %mul3A_1588 = arith.muli %scan3A_1522, %mul3A_1587 : i32
          %add3A_1589 = arith.addi %mul3A_1588, %add3A_1586 : i32
          %broadcast_in_dim3A_1590 = vector.broadcast %add3A_1586 : i32 to vector<16xi32>
          %get3A_1591 = arith.index_cast %rem3A_846 : i32 to index
          %get3A_1592 = arith.index_cast %add3A_1589 : i32 to index
          %get3A_1593 = arith.constant 0 : index
          %get3A_1594 = tpu.vector_load %arg6[%get3A_1591, %get3A_1592, %get3A_1593] {strides = array<i32>} : memref<2x1024x32xf32, #tpu.memory_space<vmem>>, vector<16xf32>,
          %get3A_1595 = arith.index_cast %rem3A_846 : i32 to index
          %get3A_1596 = arith.index_cast %add3A_1589 : i32 to index
          %get3A_1597 = arith.constant 16 : index
          %get3A_1598 = tpu.vector_load %arg6[%get3A_1595, %get3A_1596, %get3A_1597] {strides = array<i32>} : memref<2x1024x32xf32, #tpu.memory_space<vmem>>, vector<16xf32>,
          tpu.vector_store_idx %arg7[%add3A_1526, %broadcast_in_dim3A_1590], %get3A_1594 : memref<256x133xf32, #tpu.memory_space<vmem>>[vector<16xi32>, vector<16xi32>], vector<16xf32>,
          tpu.vector_store_idx %arg7[%add3A_1529, %broadcast_in_dim3A_1590], %get3A_1598 : memref<256x133xf32, #tpu.memory_space<vmem>>[vector<16xi32>, vector<16xi32>], vector<16xf32>,
          %mul3A_1599 = arith.constant 16 : i32
          %mul3A_1600 = arith.muli %scan3A_1536, %mul3A_1599 : i32
          %add3A_1601 = arith.constant 4 : i32
          %add3A_1602 = arith.addi %mul3A_1600, %add3A_1601 : i32
          %mul3A_1603 = arith.constant 128 : i32
          %mul3A_1604 = arith.muli %scan3A_1522, %mul3A_1603 : i32
          %add3A_1605 = arith.addi %mul3A_1604, %add3A_1602 : i32
          %broadcast_in_dim3A_1606 = vector.broadcast %add3A_1602 : i32 to vector<16xi32>
          %get3A_1607 = arith.index_cast %rem3A_846 : i32 to index
          %get3A_1608 = arith.index_cast %add3A_1605 : i32 to index
          %get3A_1609 = arith.constant 0 : index
          %get3A_1610 = tpu.vector_load %arg6[%get3A_1607, %get3A_1608, %get3A_1609] {strides = array<i32>} : memref<2x1024x32xf32, #tpu.memory_space<vmem>>, vector<16xf32>,
          %get3A_1611 = arith.index_cast %rem3A_846 : i32 to index
          %get3A_1612 = arith.index_cast %add3A_1605 : i32 to index
          %get3A_1613 = arith.constant 16 : index
          %get3A_1614 = tpu.vector_load %arg6[%get3A_1611, %get3A_1612, %get3A_1613] {strides = array<i32>} : memref<2x1024x32xf32, #tpu.memory_space<vmem>>, vector<16xf32>,
          tpu.vector_store_idx %arg7[%add3A_1526, %broadcast_in_dim3A_1606], %get3A_1610 : memref<256x133xf32, #tpu.memory_space<vmem>>[vector<16xi32>, vector<16xi32>], vector<16xf32>,
          tpu.vector_store_idx %arg7[%add3A_1529, %broadcast_in_dim3A_1606], %get3A_1614 : memref<256x133xf32, #tpu.memory_space<vmem>>[vector<16xi32>, vector<16xi32>], vector<16xf32>,
          %mul3A_1615 = arith.constant 16 : i32
          %mul3A_1616 = arith.muli %scan3A_1536, %mul3A_1615 : i32
          %add3A_1617 = arith.constant 5 : i32
          %add3A_1618 = arith.addi %mul3A_1616, %add3A_1617 : i32
          %mul3A_1619 = arith.constant 128 : i32
          %mul3A_1620 = arith.muli %scan3A_1522, %mul3A_1619 : i32
          %add3A_1621 = arith.addi %mul3A_1620, %add3A_1618 : i32
          %broadcast_in_dim3A_1622 = vector.broadcast %add3A_1618 : i32 to vector<16xi32>
          %get3A_1623 = arith.index_cast %rem3A_846 : i32 to index
          %get3A_1624 = arith.index_cast %add3A_1621 : i32 to index
          %get3A_1625 = arith.constant 0 : index
          %get3A_1626 = tpu.vector_load %arg6[%get3A_1623, %get3A_1624, %get3A_1625] {strides = array<i32>} : memref<2x1024x32xf32, #tpu.memory_space<vmem>>, vector<16xf32>,
          %get3A_1627 = arith.index_cast %rem3A_846 : i32 to index
          %get3A_1628 = arith.index_cast %add3A_1621 : i32 to index
          %get3A_1629 = arith.constant 16 : index
          %get3A_1630 = tpu.vector_load %arg6[%get3A_1627, %get3A_1628, %get3A_1629] {strides = array<i32>} : memref<2x1024x32xf32, #tpu.memory_space<vmem>>, vector<16xf32>,
          tpu.vector_store_idx %arg7[%add3A_1526, %broadcast_in_dim3A_1622], %get3A_1626 : memref<256x133xf32, #tpu.memory_space<vmem>>[vector<16xi32>, vector<16xi32>], vector<16xf32>,
          tpu.vector_store_idx %arg7[%add3A_1529, %broadcast_in_dim3A_1622], %get3A_1630 : memref<256x133xf32, #tpu.memory_space<vmem>>[vector<16xi32>, vector<16xi32>], vector<16xf32>,
          %mul3A_1631 = arith.constant 16 : i32
          %mul3A_1632 = arith.muli %scan3A_1536, %mul3A_1631 : i32
          %add3A_1633 = arith.constant 6 : i32
          %add3A_1634 = arith.addi %mul3A_1632, %add3A_1633 : i32
          %mul3A_1635 = arith.constant 128 : i32
          %mul3A_1636 = arith.muli %scan3A_1522, %mul3A_1635 : i32
          %add3A_1637 = arith.addi %mul3A_1636, %add3A_1634 : i32
          %broadcast_in_dim3A_1638 = vector.broadcast %add3A_1634 : i32 to vector<16xi32>
          %get3A_1639 = arith.index_cast %rem3A_846 : i32 to index
          %get3A_1640 = arith.index_cast %add3A_1637 : i32 to index
          %get3A_1641 = arith.constant 0 : index
          %get3A_1642 = tpu.vector_load %arg6[%get3A_1639, %get3A_1640, %get3A_1641] {strides = array<i32>} : memref<2x1024x32xf32, #tpu.memory_space<vmem>>, vector<16xf32>,
          %get3A_1643 = arith.index_cast %rem3A_846 : i32 to index
          %get3A_1644 = arith.index_cast %add3A_1637 : i32 to index
          %get3A_1645 = arith.constant 16 : index
          %get3A_1646 = tpu.vector_load %arg6[%get3A_1643, %get3A_1644, %get3A_1645] {strides = array<i32>} : memref<2x1024x32xf32, #tpu.memory_space<vmem>>, vector<16xf32>,
          tpu.vector_store_idx %arg7[%add3A_1526, %broadcast_in_dim3A_1638], %get3A_1642 : memref<256x133xf32, #tpu.memory_space<vmem>>[vector<16xi32>, vector<16xi32>], vector<16xf32>,
          tpu.vector_store_idx %arg7[%add3A_1529, %broadcast_in_dim3A_1638], %get3A_1646 : memref<256x133xf32, #tpu.memory_space<vmem>>[vector<16xi32>, vector<16xi32>], vector<16xf32>,
          %mul3A_1647 = arith.constant 16 : i32
          %mul3A_1648 = arith.muli %scan3A_1536, %mul3A_1647 : i32
          %add3A_1649 = arith.constant 7 : i32
          %add3A_1650 = arith.addi %mul3A_1648, %add3A_1649 : i32
          %mul3A_1651 = arith.constant 128 : i32
          %mul3A_1652 = arith.muli %scan3A_1522, %mul3A_1651 : i32
          %add3A_1653 = arith.addi %mul3A_1652, %add3A_1650 : i32
          %broadcast_in_dim3A_1654 = vector.broadcast %add3A_1650 : i32 to vector<16xi32>
          %get3A_1655 = arith.index_cast %rem3A_846 : i32 to index
          %get3A_1656 = arith.index_cast %add3A_1653 : i32 to index
          %get3A_1657 = arith.constant 0 : index
          %get3A_1658 = tpu.vector_load %arg6[%get3A_1655, %get3A_1656, %get3A_1657] {strides = array<i32>} : memref<2x1024x32xf32, #tpu.memory_space<vmem>>, vector<16xf32>,
          %get3A_1659 = arith.index_cast %rem3A_846 : i32 to index
          %get3A_1660 = arith.index_cast %add3A_1653 : i32 to index
          %get3A_1661 = arith.constant 16 : index
          %get3A_1662 = tpu.vector_load %arg6[%get3A_1659, %get3A_1660, %get3A_1661] {strides = array<i32>} : memref<2x1024x32xf32, #tpu.memory_space<vmem>>, vector<16xf32>,
          tpu.vector_store_idx %arg7[%add3A_1526, %broadcast_in_dim3A_1654], %get3A_1658 : memref<256x133xf32, #tpu.memory_space<vmem>>[vector<16xi32>, vector<16xi32>], vector<16xf32>,
          tpu.vector_store_idx %arg7[%add3A_1529, %broadcast_in_dim3A_1654], %get3A_1662 : memref<256x133xf32, #tpu.memory_space<vmem>>[vector<16xi32>, vector<16xi32>], vector<16xf32>,
          %mul3A_1663 = arith.constant 16 : i32
          %mul3A_1664 = arith.muli %scan3A_1536, %mul3A_1663 : i32
          %add3A_1665 = arith.constant 8 : i32
          %add3A_1666 = arith.addi %mul3A_1664, %add3A_1665 : i32
          %mul3A_1667 = arith.constant 128 : i32
          %mul3A_1668 = arith.muli %scan3A_1522, %mul3A_1667 : i32
          %add3A_1669 = arith.addi %mul3A_1668, %add3A_1666 : i32
          %broadcast_in_dim3A_1670 = vector.broadcast %add3A_1666 : i32 to vector<16xi32>
          %get3A_1671 = arith.index_cast %rem3A_846 : i32 to index
          %get3A_1672 = arith.index_cast %add3A_1669 : i32 to index
          %get3A_1673 = arith.constant 0 : index
          %get3A_1674 = tpu.vector_load %arg6[%get3A_1671, %get3A_1672, %get3A_1673] {strides = array<i32>} : memref<2x1024x32xf32, #tpu.memory_space<vmem>>, vector<16xf32>,
          %get3A_1675 = arith.index_cast %rem3A_846 : i32 to index
          %get3A_1676 = arith.index_cast %add3A_1669 : i32 to index
          %get3A_1677 = arith.constant 16 : index
          %get3A_1678 = tpu.vector_load %arg6[%get3A_1675, %get3A_1676, %get3A_1677] {strides = array<i32>} : memref<2x1024x32xf32, #tpu.memory_space<vmem>>, vector<16xf32>,
          tpu.vector_store_idx %arg7[%add3A_1526, %broadcast_in_dim3A_1670], %get3A_1674 : memref<256x133xf32, #tpu.memory_space<vmem>>[vector<16xi32>, vector<16xi32>], vector<16xf32>,
          tpu.vector_store_idx %arg7[%add3A_1529, %broadcast_in_dim3A_1670], %get3A_1678 : memref<256x133xf32, #tpu.memory_space<vmem>>[vector<16xi32>, vector<16xi32>], vector<16xf32>,
          %mul3A_1679 = arith.constant 16 : i32
          %mul3A_1680 = arith.muli %scan3A_1536, %mul3A_1679 : i32
          %add3A_1681 = arith.constant 9 : i32
          %add3A_1682 = arith.addi %mul3A_1680, %add3A_1681 : i32
          %mul3A_1683 = arith.constant 128 : i32
          %mul3A_1684 = arith.muli %scan3A_1522, %mul3A_1683 : i32
          %add3A_1685 = arith.addi %mul3A_1684, %add3A_1682 : i32
          %broadcast_in_dim3A_1686 = vector.broadcast %add3A_1682 : i32 to vector<16xi32>
          %get3A_1687 = arith.index_cast %rem3A_846 : i32 to index
          %get3A_1688 = arith.index_cast %add3A_1685 : i32 to index
          %get3A_1689 = arith.constant 0 : index
          %get3A_1690 = tpu.vector_load %arg6[%get3A_1687, %get3A_1688, %get3A_1689] {strides = array<i32>} : memref<2x1024x32xf32, #tpu.memory_space<vmem>>, vector<16xf32>,
          %get3A_1691 = arith.index_cast %rem3A_846 : i32 to index
          %get3A_1692 = arith.index_cast %add3A_1685 : i32 to index
          %get3A_1693 = arith.constant 16 : index
          %get3A_1694 = tpu.vector_load %arg6[%get3A_1691, %get3A_1692, %get3A_1693] {strides = array<i32>} : memref<2x1024x32xf32, #tpu.memory_space<vmem>>, vector<16xf32>,
          tpu.vector_store_idx %arg7[%add3A_1526, %broadcast_in_dim3A_1686], %get3A_1690 : memref<256x133xf32, #tpu.memory_space<vmem>>[vector<16xi32>, vector<16xi32>], vector<16xf32>,
          tpu.vector_store_idx %arg7[%add3A_1529, %broadcast_in_dim3A_1686], %get3A_1694 : memref<256x133xf32, #tpu.memory_space<vmem>>[vector<16xi32>, vector<16xi32>], vector<16xf32>,
          %mul3A_1695 = arith.constant 16 : i32
          %mul3A_1696 = arith.muli %scan3A_1536, %mul3A_1695 : i32
          %add3A_1697 = arith.constant 10 : i32
          %add3A_1698 = arith.addi %mul3A_1696, %add3A_1697 : i32
          %mul3A_1699 = arith.constant 128 : i32
          %mul3A_1700 = arith.muli %scan3A_1522, %mul3A_1699 : i32
          %add3A_1701 = arith.addi %mul3A_1700, %add3A_1698 : i32
          %broadcast_in_dim3A_1702 = vector.broadcast %add3A_1698 : i32 to vector<16xi32>
          %get3A_1703 = arith.index_cast %rem3A_846 : i32 to index
          %get3A_1704 = arith.index_cast %add3A_1701 : i32 to index
          %get3A_1705 = arith.constant 0 : index
          %get3A_1706 = tpu.vector_load %arg6[%get3A_1703, %get3A_1704, %get3A_1705] {strides = array<i32>} : memref<2x1024x32xf32, #tpu.memory_space<vmem>>, vector<16xf32>,
          %get3A_1707 = arith.index_cast %rem3A_846 : i32 to index
          %get3A_1708 = arith.index_cast %add3A_1701 : i32 to index
          %get3A_1709 = arith.constant 16 : index
          %get3A_1710 = tpu.vector_load %arg6[%get3A_1707, %get3A_1708, %get3A_1709] {strides = array<i32>} : memref<2x1024x32xf32, #tpu.memory_space<vmem>>, vector<16xf32>,
          tpu.vector_store_idx %arg7[%add3A_1526, %broadcast_in_dim3A_1702], %get3A_1706 : memref<256x133xf32, #tpu.memory_space<vmem>>[vector<16xi32>, vector<16xi32>], vector<16xf32>,
          tpu.vector_store_idx %arg7[%add3A_1529, %broadcast_in_dim3A_1702], %get3A_1710 : memref<256x133xf32, #tpu.memory_space<vmem>>[vector<16xi32>, vector<16xi32>], vector<16xf32>,
          %mul3A_1711 = arith.constant 16 : i32
          %mul3A_1712 = arith.muli %scan3A_1536, %mul3A_1711 : i32
          %add3A_1713 = arith.constant 11 : i32
          %add3A_1714 = arith.addi %mul3A_1712, %add3A_1713 : i32
          %mul3A_1715 = arith.constant 128 : i32
          %mul3A_1716 = arith.muli %scan3A_1522, %mul3A_1715 : i32
          %add3A_1717 = arith.addi %mul3A_1716, %add3A_1714 : i32
          %broadcast_in_dim3A_1718 = vector.broadcast %add3A_1714 : i32 to vector<16xi32>
          %get3A_1719 = arith.index_cast %rem3A_846 : i32 to index
          %get3A_1720 = arith.index_cast %add3A_1717 : i32 to index
          %get3A_1721 = arith.constant 0 : index
          %get3A_1722 = tpu.vector_load %arg6[%get3A_1719, %get3A_1720, %get3A_1721] {strides = array<i32>} : memref<2x1024x32xf32, #tpu.memory_space<vmem>>, vector<16xf32>,
          %get3A_1723 = arith.index_cast %rem3A_846 : i32 to index
          %get3A_1724 = arith.index_cast %add3A_1717 : i32 to index
          %get3A_1725 = arith.constant 16 : index
          %get3A_1726 = tpu.vector_load %arg6[%get3A_1723, %get3A_1724, %get3A_1725] {strides = array<i32>} : memref<2x1024x32xf32, #tpu.memory_space<vmem>>, vector<16xf32>,
          tpu.vector_store_idx %arg7[%add3A_1526, %broadcast_in_dim3A_1718], %get3A_1722 : memref<256x133xf32, #tpu.memory_space<vmem>>[vector<16xi32>, vector<16xi32>], vector<16xf32>,
          tpu.vector_store_idx %arg7[%add3A_1529, %broadcast_in_dim3A_1718], %get3A_1726 : memref<256x133xf32, #tpu.memory_space<vmem>>[vector<16xi32>, vector<16xi32>], vector<16xf32>,
          %mul3A_1727 = arith.constant 16 : i32
          %mul3A_1728 = arith.muli %scan3A_1536, %mul3A_1727 : i32
          %add3A_1729 = arith.constant 12 : i32
          %add3A_1730 = arith.addi %mul3A_1728, %add3A_1729 : i32
          %mul3A_1731 = arith.constant 128 : i32
          %mul3A_1732 = arith.muli %scan3A_1522, %mul3A_1731 : i32
          %add3A_1733 = arith.addi %mul3A_1732, %add3A_1730 : i32
          %broadcast_in_dim3A_1734 = vector.broadcast %add3A_1730 : i32 to vector<16xi32>
          %get3A_1735 = arith.index_cast %rem3A_846 : i32 to index
          %get3A_1736 = arith.index_cast %add3A_1733 : i32 to index
          %get3A_1737 = arith.constant 0 : index
          %get3A_1738 = tpu.vector_load %arg6[%get3A_1735, %get3A_1736, %get3A_1737] {strides = array<i32>} : memref<2x1024x32xf32, #tpu.memory_space<vmem>>, vector<16xf32>,
          %get3A_1739 = arith.index_cast %rem3A_846 : i32 to index
          %get3A_1740 = arith.index_cast %add3A_1733 : i32 to index
          %get3A_1741 = arith.constant 16 : index
          %get3A_1742 = tpu.vector_load %arg6[%get3A_1739, %get3A_1740, %get3A_1741] {strides = array<i32>} : memref<2x1024x32xf32, #tpu.memory_space<vmem>>, vector<16xf32>,
          tpu.vector_store_idx %arg7[%add3A_1526, %broadcast_in_dim3A_1734], %get3A_1738 : memref<256x133xf32, #tpu.memory_space<vmem>>[vector<16xi32>, vector<16xi32>], vector<16xf32>,
          tpu.vector_store_idx %arg7[%add3A_1529, %broadcast_in_dim3A_1734], %get3A_1742 : memref<256x133xf32, #tpu.memory_space<vmem>>[vector<16xi32>, vector<16xi32>], vector<16xf32>,
          %mul3A_1743 = arith.constant 16 : i32
          %mul3A_1744 = arith.muli %scan3A_1536, %mul3A_1743 : i32
          %add3A_1745 = arith.constant 13 : i32
          %add3A_1746 = arith.addi %mul3A_1744, %add3A_1745 : i32
          %mul3A_1747 = arith.constant 128 : i32
          %mul3A_1748 = arith.muli %scan3A_1522, %mul3A_1747 : i32
          %add3A_1749 = arith.addi %mul3A_1748, %add3A_1746 : i32
          %broadcast_in_dim3A_1750 = vector.broadcast %add3A_1746 : i32 to vector<16xi32>
          %get3A_1751 = arith.index_cast %rem3A_846 : i32 to index
          %get3A_1752 = arith.index_cast %add3A_1749 : i32 to index
          %get3A_1753 = arith.constant 0 : index
          %get3A_1754 = tpu.vector_load %arg6[%get3A_1751, %get3A_1752, %get3A_1753] {strides = array<i32>} : memref<2x1024x32xf32, #tpu.memory_space<vmem>>, vector<16xf32>,
          %get3A_1755 = arith.index_cast %rem3A_846 : i32 to index
          %get3A_1756 = arith.index_cast %add3A_1749 : i32 to index
          %get3A_1757 = arith.constant 16 : index
          %get3A_1758 = tpu.vector_load %arg6[%get3A_1755, %get3A_1756, %get3A_1757] {strides = array<i32>} : memref<2x1024x32xf32, #tpu.memory_space<vmem>>, vector<16xf32>,
          tpu.vector_store_idx %arg7[%add3A_1526, %broadcast_in_dim3A_1750], %get3A_1754 : memref<256x133xf32, #tpu.memory_space<vmem>>[vector<16xi32>, vector<16xi32>], vector<16xf32>,
          tpu.vector_store_idx %arg7[%add3A_1529, %broadcast_in_dim3A_1750], %get3A_1758 : memref<256x133xf32, #tpu.memory_space<vmem>>[vector<16xi32>, vector<16xi32>], vector<16xf32>,
          %mul3A_1759 = arith.constant 16 : i32
          %mul3A_1760 = arith.muli %scan3A_1536, %mul3A_1759 : i32
          %add3A_1761 = arith.constant 14 : i32
          %add3A_1762 = arith.addi %mul3A_1760, %add3A_1761 : i32
          %mul3A_1763 = arith.constant 128 : i32
          %mul3A_1764 = arith.muli %scan3A_1522, %mul3A_1763 : i32
          %add3A_1765 = arith.addi %mul3A_1764, %add3A_1762 : i32
          %broadcast_in_dim3A_1766 = vector.broadcast %add3A_1762 : i32 to vector<16xi32>
          %get3A_1767 = arith.index_cast %rem3A_846 : i32 to index
          %get3A_1768 = arith.index_cast %add3A_1765 : i32 to index
          %get3A_1769 = arith.constant 0 : index
          %get3A_1770 = tpu.vector_load %arg6[%get3A_1767, %get3A_1768, %get3A_1769] {strides = array<i32>} : memref<2x1024x32xf32, #tpu.memory_space<vmem>>, vector<16xf32>,
          %get3A_1771 = arith.index_cast %rem3A_846 : i32 to index
          %get3A_1772 = arith.index_cast %add3A_1765 : i32 to index
          %get3A_1773 = arith.constant 16 : index
          %get3A_1774 = tpu.vector_load %arg6[%get3A_1771, %get3A_1772, %get3A_1773] {strides = array<i32>} : memref<2x1024x32xf32, #tpu.memory_space<vmem>>, vector<16xf32>,
          tpu.vector_store_idx %arg7[%add3A_1526, %broadcast_in_dim3A_1766], %get3A_1770 : memref<256x133xf32, #tpu.memory_space<vmem>>[vector<16xi32>, vector<16xi32>], vector<16xf32>,
          tpu.vector_store_idx %arg7[%add3A_1529, %broadcast_in_dim3A_1766], %get3A_1774 : memref<256x133xf32, #tpu.memory_space<vmem>>[vector<16xi32>, vector<16xi32>], vector<16xf32>,
          %mul3A_1775 = arith.constant 16 : i32
          %mul3A_1776 = arith.muli %scan3A_1536, %mul3A_1775 : i32
          %add3A_1777 = arith.constant 15 : i32
          %add3A_1778 = arith.addi %mul3A_1776, %add3A_1777 : i32
          %mul3A_1779 = arith.constant 128 : i32
          %mul3A_1780 = arith.muli %scan3A_1522, %mul3A_1779 : i32
          %add3A_1781 = arith.addi %mul3A_1780, %add3A_1778 : i32
          %broadcast_in_dim3A_1782 = vector.broadcast %add3A_1778 : i32 to vector<16xi32>
          %get3A_1783 = arith.index_cast %rem3A_846 : i32 to index
          %get3A_1784 = arith.index_cast %add3A_1781 : i32 to index
          %get3A_1785 = arith.constant 0 : index
          %get3A_1786 = tpu.vector_load %arg6[%get3A_1783, %get3A_1784, %get3A_1785] {strides = array<i32>} : memref<2x1024x32xf32, #tpu.memory_space<vmem>>, vector<16xf32>,
          %get3A_1787 = arith.index_cast %rem3A_846 : i32 to index
          %get3A_1788 = arith.index_cast %add3A_1781 : i32 to index
          %get3A_1789 = arith.constant 16 : index
          %get3A_1790 = tpu.vector_load %arg6[%get3A_1787, %get3A_1788, %get3A_1789] {strides = array<i32>} : memref<2x1024x32xf32, #tpu.memory_space<vmem>>, vector<16xf32>,
          tpu.vector_store_idx %arg7[%add3A_1526, %broadcast_in_dim3A_1782], %get3A_1786 : memref<256x133xf32, #tpu.memory_space<vmem>>[vector<16xi32>, vector<16xi32>], vector<16xf32>,
          tpu.vector_store_idx %arg7[%add3A_1529, %broadcast_in_dim3A_1782], %get3A_1790 : memref<256x133xf32, #tpu.memory_space<vmem>>[vector<16xi32>, vector<16xi32>], vector<16xf32>,
        }
        %scan3A_1535 = arith.constant 8 : i32
      }
      %scan3A_873 = arith.constant 8 : i32
      %jit3A_874 = arith.constant 16 : i32
      %div3A_875 = arith.divsi %add3A_844, %jit3A_874 : i32
      %sign3A_876 = arith.constant 0 : i32
      %sign3A_877 = arith.cmpi sgt, %add3A_844, %sign3A_876 : i32
      %sign3A_878 = arith.extui %sign3A_877 : i1 to i32
      %sign3A_879 = arith.constant 0 : i32
      %sign3A_880 = arith.cmpi slt, %add3A_844, %sign3A_879 : i32
      %sign3A_881 = arith.extui %sign3A_880 : i1 to i32
      %sign3A_882 = arith.subi %sign3A_878, %sign3A_881 : i32
      %sign3A_883 = arith.constant 0 : i32
      %sign3A_884 = arith.cmpi sgt, %jit3A_874, %sign3A_883 : i32
      %sign3A_885 = arith.extui %sign3A_884 : i1 to i32
      %sign3A_886 = arith.constant 0 : i32
      %sign3A_887 = arith.cmpi slt, %jit3A_874, %sign3A_886 : i32
      %sign3A_888 = arith.extui %sign3A_887 : i1 to i32
      %sign3A_889 = arith.subi %sign3A_885, %sign3A_888 : i32
      %ne3A_890 = arith.cmpi ne, %sign3A_882, %sign3A_889 : i32
      %rem3A_891 = arith.remsi %add3A_844, %jit3A_874 : i32
      %ne3A_892 = arith.constant 0 : i32
      %ne3A_893 = arith.cmpi ne, %rem3A_891, %ne3A_892 : i32
      %and3A_894 = arith.andi %ne3A_890, %ne3A_893 : i1
      %sub3A_895 = arith.constant 1 : i32
      %sub3A_896 = arith.subi %div3A_875, %sub3A_895 : i32
      %select_n3A_897 = arith.select %and3A_894, %sub3A_896, %div3A_875 : i32
      %jit3A_898 = arith.constant 16 : i32
      %eq3A_899 = arith.constant 0 : i32
      %eq3A_900 = arith.cmpi eq, %jit3A_898, %eq3A_899 : i32
      %jit3A_901 = arith.constant 1 : i32
      %select_n3A_902 = arith.select %eq3A_900, %jit3A_901, %jit3A_898 : i32
      %rem3A_903 = arith.remsi %add3A_844, %select_n3A_902 : i32
      %ne3A_904 = arith.constant 0 : i32
      %ne3A_905 = arith.cmpi ne, %rem3A_903, %ne3A_904 : i32
      %lt3A_906 = arith.constant 0 : i32
      %lt3A_907 = arith.cmpi slt, %rem3A_903, %lt3A_906 : i32
      %lt3A_908 = arith.constant 0 : i32
      %lt3A_909 = arith.cmpi slt, %select_n3A_902, %lt3A_908 : i32
      %ne3A_910 = arith.xori %lt3A_907, %lt3A_909 : i1
      %and3A_911 = arith.andi %ne3A_910, %ne3A_905 : i1
      %add3A_912 = arith.addi %rem3A_903, %select_n3A_902 : i32
      %select_n3A_913 = arith.select %and3A_911, %add3A_912, %rem3A_903 : i32
      %mul3A_914 = arith.constant 8 : i32
      %mul3A_915 = arith.muli %select_n3A_913, %mul3A_914 : i32
      %add3A_916 = arith.constant 0 : i32
      %add3A_917 = arith.addi %mul3A_915, %add3A_916 : i32
      %dma_start3A_918 = arith.constant 0 : i32
      %dma_start3A_919 = arith.constant 0 : i32
      %dma_start3A_920 = arith.constant 0 : i32
      %dma_start3A_921 = tpu.memref_slice %arg7[%dma_start3A_919, %dma_start3A_920] : memref<256x133xf32, #tpu.memory_space<vmem>> -> memref<8x128xf32, #tpu.memory_space<vmem>>
      %dma_start3A_922 = arith.constant 0 : i32
      %dma_start3A_923 = arith.constant 0 : i32
      %dma_start3A_924 = tpu.memref_slice %arg4[%select_n3A_897, %dma_start3A_918, %add3A_917, %dma_start3A_922, %dma_start3A_923] : memref<50x4x128x8x128xf32, #tpu.memory_space<hbm>> -> memref<1x1x1x8x128xf32, #tpu.memory_space<hbm>>
      %dma_start3A_925 = tpu.memref_squeeze %dma_start3A_924 : memref<1x1x1x8x128xf32, #tpu.memory_space<hbm>> -> memref<8x128xf32, #tpu.memory_space<hbm>>
      %dma_start3A_926 = arith.constant 0 : i32
      %dma_start3A_927 = arith.constant 0 : i32
      %dma_start3A_928 = tpu.memref_slice %arg4[%select_n3A_897, %dma_start3A_918, %add3A_917, %dma_start3A_926, %dma_start3A_927] : memref<50x4x128x8x128xf32, #tpu.memory_space<hbm>> -> memref<1x1x1x8x128xf32, #tpu.memory_space<hbm>>
      %dma_start3A_929 = tpu.memref_squeeze %dma_start3A_928 : memref<1x1x1x8x128xf32, #tpu.memory_space<hbm>> -> memref<8x128xf32, #tpu.memory_space<hbm>>
      %dma_start3A_930 = arith.constant 0 : i32
      %dma_start3A_931 = arith.constant 0 : i32
      %dma_start3A_932 = tpu.memref_slice %arg7[%dma_start3A_930, %dma_start3A_931] : memref<256x133xf32, #tpu.memory_space<vmem>> -> memref<8x128xf32, #tpu.memory_space<vmem>>
      tpu.enqueue_dma source(%dma_start3A_932 : memref<8x128xf32, #tpu.memory_space<vmem>>) target(%dma_start3A_929 : memref<8x128xf32, #tpu.memory_space<hbm>>) target_semaphore(%arg10 : memref<!tpu.dma_semaphore, #tpu.memory_space<semaphore_mem>>)
      %mul3A_933 = arith.constant 8 : i32
      %mul3A_934 = arith.muli %select_n3A_913, %mul3A_933 : i32
      %add3A_935 = arith.constant 1 : i32
      %add3A_936 = arith.addi %mul3A_934, %add3A_935 : i32
      %dma_start3A_937 = arith.constant 0 : i32
      %dma_start3A_938 = arith.constant 8 : i32
      %dma_start3A_939 = arith.constant 0 : i32
      %dma_start3A_940 = tpu.memref_slice %arg7[%dma_start3A_938, %dma_start3A_939] : memref<256x133xf32, #tpu.memory_space<vmem>> -> memref<8x128xf32, #tpu.memory_space<vmem>>
      %dma_start3A_941 = arith.constant 0 : i32
      %dma_start3A_942 = arith.constant 0 : i32
      %dma_start3A_943 = tpu.memref_slice %arg4[%select_n3A_897, %dma_start3A_937, %add3A_936, %dma_start3A_941, %dma_start3A_942] : memref<50x4x128x8x128xf32, #tpu.memory_space<hbm>> -> memref<1x1x1x8x128xf32, #tpu.memory_space<hbm>>
      %dma_start3A_944 = tpu.memref_squeeze %dma_start3A_943 : memref<1x1x1x8x128xf32, #tpu.memory_space<hbm>> -> memref<8x128xf32, #tpu.memory_space<hbm>>
      %dma_start3A_945 = arith.constant 0 : i32
      %dma_start3A_946 = arith.constant 0 : i32
      %dma_start3A_947 = tpu.memref_slice %arg4[%select_n3A_897, %dma_start3A_937, %add3A_936, %dma_start3A_945, %dma_start3A_946] : memref<50x4x128x8x128xf32, #tpu.memory_space<hbm>> -> memref<1x1x1x8x128xf32, #tpu.memory_space<hbm>>
      %dma_start3A_948 = tpu.memref_squeeze %dma_start3A_947 : memref<1x1x1x8x128xf32, #tpu.memory_space<hbm>> -> memref<8x128xf32, #tpu.memory_space<hbm>>
      %dma_start3A_949 = arith.constant 8 : i32
      %dma_start3A_950 = arith.constant 0 : i32
      %dma_start3A_951 = tpu.memref_slice %arg7[%dma_start3A_949, %dma_start3A_950] : memref<256x133xf32, #tpu.memory_space<vmem>> -> memref<8x128xf32, #tpu.memory_space<vmem>>
      tpu.enqueue_dma source(%dma_start3A_951 : memref<8x128xf32, #tpu.memory_space<vmem>>) target(%dma_start3A_948 : memref<8x128xf32, #tpu.memory_space<hbm>>) target_semaphore(%arg10 : memref<!tpu.dma_semaphore, #tpu.memory_space<semaphore_mem>>)
      %mul3A_952 = arith.constant 8 : i32
      %mul3A_953 = arith.muli %select_n3A_913, %mul3A_952 : i32
      %add3A_954 = arith.constant 2 : i32
      %add3A_955 = arith.addi %mul3A_953, %add3A_954 : i32
      %dma_start3A_956 = arith.constant 0 : i32
      %dma_start3A_957 = arith.constant 16 : i32
      %dma_start3A_958 = arith.constant 0 : i32
      %dma_start3A_959 = tpu.memref_slice %arg7[%dma_start3A_957, %dma_start3A_958] : memref<256x133xf32, #tpu.memory_space<vmem>> -> memref<8x128xf32, #tpu.memory_space<vmem>>
      %dma_start3A_960 = arith.constant 0 : i32
      %dma_start3A_961 = arith.constant 0 : i32
      %dma_start3A_962 = tpu.memref_slice %arg4[%select_n3A_897, %dma_start3A_956, %add3A_955, %dma_start3A_960, %dma_start3A_961] : memref<50x4x128x8x128xf32, #tpu.memory_space<hbm>> -> memref<1x1x1x8x128xf32, #tpu.memory_space<hbm>>
      %dma_start3A_963 = tpu.memref_squeeze %dma_start3A_962 : memref<1x1x1x8x128xf32, #tpu.memory_space<hbm>> -> memref<8x128xf32, #tpu.memory_space<hbm>>
      %dma_start3A_964 = arith.constant 0 : i32
      %dma_start3A_965 = arith.constant 0 : i32
      %dma_start3A_966 = tpu.memref_slice %arg4[%select_n3A_897, %dma_start3A_956, %add3A_955, %dma_start3A_964, %dma_start3A_965] : memref<50x4x128x8x128xf32, #tpu.memory_space<hbm>> -> memref<1x1x1x8x128xf32, #tpu.memory_space<hbm>>
      %dma_start3A_967 = tpu.memref_squeeze %dma_start3A_966 : memref<1x1x1x8x128xf32, #tpu.memory_space<hbm>> -> memref<8x128xf32, #tpu.memory_space<hbm>>
      %dma_start3A_968 = arith.constant 16 : i32
      %dma_start3A_969 = arith.constant 0 : i32
      %dma_start3A_970 = tpu.memref_slice %arg7[%dma_start3A_968, %dma_start3A_969] : memref<256x133xf32, #tpu.memory_space<vmem>> -> memref<8x128xf32, #tpu.memory_space<vmem>>
      tpu.enqueue_dma source(%dma_start3A_970 : memref<8x128xf32, #tpu.memory_space<vmem>>) target(%dma_start3A_967 : memref<8x128xf32, #tpu.memory_space<hbm>>) target_semaphore(%arg10 : memref<!tpu.dma_semaphore, #tpu.memory_space<semaphore_mem>>)
      %mul3A_971 = arith.constant 8 : i32
      %mul3A_972 = arith.muli %select_n3A_913, %mul3A_971 : i32
      %add3A_973 = arith.constant 3 : i32
      %add3A_974 = arith.addi %mul3A_972, %add3A_973 : i32
      %dma_start3A_975 = arith.constant 0 : i32
      %dma_start3A_976 = arith.constant 24 : i32
      %dma_start3A_977 = arith.constant 0 : i32
      %dma_start3A_978 = tpu.memref_slice %arg7[%dma_start3A_976, %dma_start3A_977] : memref<256x133xf32, #tpu.memory_space<vmem>> -> memref<8x128xf32, #tpu.memory_space<vmem>>
      %dma_start3A_979 = arith.constant 0 : i32
      %dma_start3A_980 = arith.constant 0 : i32
      %dma_start3A_981 = tpu.memref_slice %arg4[%select_n3A_897, %dma_start3A_975, %add3A_974, %dma_start3A_979, %dma_start3A_980] : memref<50x4x128x8x128xf32, #tpu.memory_space<hbm>> -> memref<1x1x1x8x128xf32, #tpu.memory_space<hbm>>
      %dma_start3A_982 = tpu.memref_squeeze %dma_start3A_981 : memref<1x1x1x8x128xf32, #tpu.memory_space<hbm>> -> memref<8x128xf32, #tpu.memory_space<hbm>>
      %dma_start3A_983 = arith.constant 0 : i32
      %dma_start3A_984 = arith.constant 0 : i32
      %dma_start3A_985 = tpu.memref_slice %arg4[%select_n3A_897, %dma_start3A_975, %add3A_974, %dma_start3A_983, %dma_start3A_984] : memref<50x4x128x8x128xf32, #tpu.memory_space<hbm>> -> memref<1x1x1x8x128xf32, #tpu.memory_space<hbm>>
      %dma_start3A_986 = tpu.memref_squeeze %dma_start3A_985 : memref<1x1x1x8x128xf32, #tpu.memory_space<hbm>> -> memref<8x128xf32, #tpu.memory_space<hbm>>
      %dma_start3A_987 = arith.constant 24 : i32
      %dma_start3A_988 = arith.constant 0 : i32
      %dma_start3A_989 = tpu.memref_slice %arg7[%dma_start3A_987, %dma_start3A_988] : memref<256x133xf32, #tpu.memory_space<vmem>> -> memref<8x128xf32, #tpu.memory_space<vmem>>
      tpu.enqueue_dma source(%dma_start3A_989 : memref<8x128xf32, #tpu.memory_space<vmem>>) target(%dma_start3A_986 : memref<8x128xf32, #tpu.memory_space<hbm>>) target_semaphore(%arg10 : memref<!tpu.dma_semaphore, #tpu.memory_space<semaphore_mem>>)
      %mul3A_990 = arith.constant 8 : i32
      %mul3A_991 = arith.muli %select_n3A_913, %mul3A_990 : i32
      %add3A_992 = arith.constant 4 : i32
      %add3A_993 = arith.addi %mul3A_991, %add3A_992 : i32
      %dma_start3A_994 = arith.constant 0 : i32
      %dma_start3A_995 = arith.constant 32 : i32
      %dma_start3A_996 = arith.constant 0 : i32
      %dma_start3A_997 = tpu.memref_slice %arg7[%dma_start3A_995, %dma_start3A_996] : memref<256x133xf32, #tpu.memory_space<vmem>> -> memref<8x128xf32, #tpu.memory_space<vmem>>
      %dma_start3A_998 = arith.constant 0 : i32
      %dma_start3A_999 = arith.constant 0 : i32
      %dma_start3A_1000 = tpu.memref_slice %arg4[%select_n3A_897, %dma_start3A_994, %add3A_993, %dma_start3A_998, %dma_start3A_999] : memref<50x4x128x8x128xf32, #tpu.memory_space<hbm>> -> memref<1x1x1x8x128xf32, #tpu.memory_space<hbm>>
      %dma_start3A_1001 = tpu.memref_squeeze %dma_start3A_1000 : memref<1x1x1x8x128xf32, #tpu.memory_space<hbm>> -> memref<8x128xf32, #tpu.memory_space<hbm>>
      %dma_start3A_1002 = arith.constant 0 : i32
      %dma_start3A_1003 = arith.constant 0 : i32
      %dma_start3A_1004 = tpu.memref_slice %arg4[%select_n3A_897, %dma_start3A_994, %add3A_993, %dma_start3A_1002, %dma_start3A_1003] : memref<50x4x128x8x128xf32, #tpu.memory_space<hbm>> -> memref<1x1x1x8x128xf32, #tpu.memory_space<hbm>>
      %dma_start3A_1005 = tpu.memref_squeeze %dma_start3A_1004 : memref<1x1x1x8x128xf32, #tpu.memory_space<hbm>> -> memref<8x128xf32, #tpu.memory_space<hbm>>
      %dma_start3A_1006 = arith.constant 32 : i32
      %dma_start3A_1007 = arith.constant 0 : i32
      %dma_start3A_1008 = tpu.memref_slice %arg7[%dma_start3A_1006, %dma_start3A_1007] : memref<256x133xf32, #tpu.memory_space<vmem>> -> memref<8x128xf32, #tpu.memory_space<vmem>>
      tpu.enqueue_dma source(%dma_start3A_1008 : memref<8x128xf32, #tpu.memory_space<vmem>>) target(%dma_start3A_1005 : memref<8x128xf32, #tpu.memory_space<hbm>>) target_semaphore(%arg10 : memref<!tpu.dma_semaphore, #tpu.memory_space<semaphore_mem>>)
      %mul3A_1009 = arith.constant 8 : i32
      %mul3A_1010 = arith.muli %select_n3A_913, %mul3A_1009 : i32
      %add3A_1011 = arith.constant 5 : i32
      %add3A_1012 = arith.addi %mul3A_1010, %add3A_1011 : i32
      %dma_start3A_1013 = arith.constant 0 : i32
      %dma_start3A_1014 = arith.constant 40 : i32
      %dma_start3A_1015 = arith.constant 0 : i32
      %dma_start3A_1016 = tpu.memref_slice %arg7[%dma_start3A_1014, %dma_start3A_1015] : memref<256x133xf32, #tpu.memory_space<vmem>> -> memref<8x128xf32, #tpu.memory_space<vmem>>
      %dma_start3A_1017 = arith.constant 0 : i32
      %dma_start3A_1018 = arith.constant 0 : i32
      %dma_start3A_1019 = tpu.memref_slice %arg4[%select_n3A_897, %dma_start3A_1013, %add3A_1012, %dma_start3A_1017, %dma_start3A_1018] : memref<50x4x128x8x128xf32, #tpu.memory_space<hbm>> -> memref<1x1x1x8x128xf32, #tpu.memory_space<hbm>>
      %dma_start3A_1020 = tpu.memref_squeeze %dma_start3A_1019 : memref<1x1x1x8x128xf32, #tpu.memory_space<hbm>> -> memref<8x128xf32, #tpu.memory_space<hbm>>
      %dma_start3A_1021 = arith.constant 0 : i32
      %dma_start3A_1022 = arith.constant 0 : i32
      %dma_start3A_1023 = tpu.memref_slice %arg4[%select_n3A_897, %dma_start3A_1013, %add3A_1012, %dma_start3A_1021, %dma_start3A_1022] : memref<50x4x128x8x128xf32, #tpu.memory_space<hbm>> -> memref<1x1x1x8x128xf32, #tpu.memory_space<hbm>>
      %dma_start3A_1024 = tpu.memref_squeeze %dma_start3A_1023 : memref<1x1x1x8x128xf32, #tpu.memory_space<hbm>> -> memref<8x128xf32, #tpu.memory_space<hbm>>
      %dma_start3A_1025 = arith.constant 40 : i32
      %dma_start3A_1026 = arith.constant 0 : i32
      %dma_start3A_1027 = tpu.memref_slice %arg7[%dma_start3A_1025, %dma_start3A_1026] : memref<256x133xf32, #tpu.memory_space<vmem>> -> memref<8x128xf32, #tpu.memory_space<vmem>>
      tpu.enqueue_dma source(%dma_start3A_1027 : memref<8x128xf32, #tpu.memory_space<vmem>>) target(%dma_start3A_1024 : memref<8x128xf32, #tpu.memory_space<hbm>>) target_semaphore(%arg10 : memref<!tpu.dma_semaphore, #tpu.memory_space<semaphore_mem>>)
      %mul3A_1028 = arith.constant 8 : i32
      %mul3A_1029 = arith.muli %select_n3A_913, %mul3A_1028 : i32
      %add3A_1030 = arith.constant 6 : i32
      %add3A_1031 = arith.addi %mul3A_1029, %add3A_1030 : i32
      %dma_start3A_1032 = arith.constant 0 : i32
      %dma_start3A_1033 = arith.constant 48 : i32
      %dma_start3A_1034 = arith.constant 0 : i32
      %dma_start3A_1035 = tpu.memref_slice %arg7[%dma_start3A_1033, %dma_start3A_1034] : memref<256x133xf32, #tpu.memory_space<vmem>> -> memref<8x128xf32, #tpu.memory_space<vmem>>
      %dma_start3A_1036 = arith.constant 0 : i32
      %dma_start3A_1037 = arith.constant 0 : i32
      %dma_start3A_1038 = tpu.memref_slice %arg4[%select_n3A_897, %dma_start3A_1032, %add3A_1031, %dma_start3A_1036, %dma_start3A_1037] : memref<50x4x128x8x128xf32, #tpu.memory_space<hbm>> -> memref<1x1x1x8x128xf32, #tpu.memory_space<hbm>>
      %dma_start3A_1039 = tpu.memref_squeeze %dma_start3A_1038 : memref<1x1x1x8x128xf32, #tpu.memory_space<hbm>> -> memref<8x128xf32, #tpu.memory_space<hbm>>
      %dma_start3A_1040 = arith.constant 0 : i32
      %dma_start3A_1041 = arith.constant 0 : i32
      %dma_start3A_1042 = tpu.memref_slice %arg4[%select_n3A_897, %dma_start3A_1032, %add3A_1031, %dma_start3A_1040, %dma_start3A_1041] : memref<50x4x128x8x128xf32, #tpu.memory_space<hbm>> -> memref<1x1x1x8x128xf32, #tpu.memory_space<hbm>>
      %dma_start3A_1043 = tpu.memref_squeeze %dma_start3A_1042 : memref<1x1x1x8x128xf32, #tpu.memory_space<hbm>> -> memref<8x128xf32, #tpu.memory_space<hbm>>
      %dma_start3A_1044 = arith.constant 48 : i32
      %dma_start3A_1045 = arith.constant 0 : i32
      %dma_start3A_1046 = tpu.memref_slice %arg7[%dma_start3A_1044, %dma_start3A_1045] : memref<256x133xf32, #tpu.memory_space<vmem>> -> memref<8x128xf32, #tpu.memory_space<vmem>>
      tpu.enqueue_dma source(%dma_start3A_1046 : memref<8x128xf32, #tpu.memory_space<vmem>>) target(%dma_start3A_1043 : memref<8x128xf32, #tpu.memory_space<hbm>>) target_semaphore(%arg10 : memref<!tpu.dma_semaphore, #tpu.memory_space<semaphore_mem>>)
      %mul3A_1047 = arith.constant 8 : i32
      %mul3A_1048 = arith.muli %select_n3A_913, %mul3A_1047 : i32
      %add3A_1049 = arith.constant 7 : i32
      %add3A_1050 = arith.addi %mul3A_1048, %add3A_1049 : i32
      %dma_start3A_1051 = arith.constant 0 : i32
      %dma_start3A_1052 = arith.constant 56 : i32
      %dma_start3A_1053 = arith.constant 0 : i32
      %dma_start3A_1054 = tpu.memref_slice %arg7[%dma_start3A_1052, %dma_start3A_1053] : memref<256x133xf32, #tpu.memory_space<vmem>> -> memref<8x128xf32, #tpu.memory_space<vmem>>
      %dma_start3A_1055 = arith.constant 0 : i32
      %dma_start3A_1056 = arith.constant 0 : i32
      %dma_start3A_1057 = tpu.memref_slice %arg4[%select_n3A_897, %dma_start3A_1051, %add3A_1050, %dma_start3A_1055, %dma_start3A_1056] : memref<50x4x128x8x128xf32, #tpu.memory_space<hbm>> -> memref<1x1x1x8x128xf32, #tpu.memory_space<hbm>>
      %dma_start3A_1058 = tpu.memref_squeeze %dma_start3A_1057 : memref<1x1x1x8x128xf32, #tpu.memory_space<hbm>> -> memref<8x128xf32, #tpu.memory_space<hbm>>
      %dma_start3A_1059 = arith.constant 0 : i32
      %dma_start3A_1060 = arith.constant 0 : i32
      %dma_start3A_1061 = tpu.memref_slice %arg4[%select_n3A_897, %dma_start3A_1051, %add3A_1050, %dma_start3A_1059, %dma_start3A_1060] : memref<50x4x128x8x128xf32, #tpu.memory_space<hbm>> -> memref<1x1x1x8x128xf32, #tpu.memory_space<hbm>>
      %dma_start3A_1062 = tpu.memref_squeeze %dma_start3A_1061 : memref<1x1x1x8x128xf32, #tpu.memory_space<hbm>> -> memref<8x128xf32, #tpu.memory_space<hbm>>
      %dma_start3A_1063 = arith.constant 56 : i32
      %dma_start3A_1064 = arith.constant 0 : i32
      %dma_start3A_1065 = tpu.memref_slice %arg7[%dma_start3A_1063, %dma_start3A_1064] : memref<256x133xf32, #tpu.memory_space<vmem>> -> memref<8x128xf32, #tpu.memory_space<vmem>>
      tpu.enqueue_dma source(%dma_start3A_1065 : memref<8x128xf32, #tpu.memory_space<vmem>>) target(%dma_start3A_1062 : memref<8x128xf32, #tpu.memory_space<hbm>>) target_semaphore(%arg10 : memref<!tpu.dma_semaphore, #tpu.memory_space<semaphore_mem>>)
      %mul3A_1066 = arith.constant 8 : i32
      %mul3A_1067 = arith.muli %select_n3A_913, %mul3A_1066 : i32
      %add3A_1068 = arith.constant 0 : i32
      %add3A_1069 = arith.addi %mul3A_1067, %add3A_1068 : i32
      %dma_start3A_1070 = arith.constant 1 : i32
      %dma_start3A_1071 = arith.constant 64 : i32
      %dma_start3A_1072 = arith.constant 0 : i32
      %dma_start3A_1073 = tpu.memref_slice %arg7[%dma_start3A_1071, %dma_start3A_1072] : memref<256x133xf32, #tpu.memory_space<vmem>> -> memref<8x128xf32, #tpu.memory_space<vmem>>
      %dma_start3A_1074 = arith.constant 0 : i32
      %dma_start3A_1075 = arith.constant 0 : i32
      %dma_start3A_1076 = tpu.memref_slice %arg4[%select_n3A_897, %dma_start3A_1070, %add3A_1069, %dma_start3A_1074, %dma_start3A_1075] : memref<50x4x128x8x128xf32, #tpu.memory_space<hbm>> -> memref<1x1x1x8x128xf32, #tpu.memory_space<hbm>>
      %dma_start3A_1077 = tpu.memref_squeeze %dma_start3A_1076 : memref<1x1x1x8x128xf32, #tpu.memory_space<hbm>> -> memref<8x128xf32, #tpu.memory_space<hbm>>
      %dma_start3A_1078 = arith.constant 0 : i32
      %dma_start3A_1079 = arith.constant 0 : i32
      %dma_start3A_1080 = tpu.memref_slice %arg4[%select_n3A_897, %dma_start3A_1070, %add3A_1069, %dma_start3A_1078, %dma_start3A_1079] : memref<50x4x128x8x128xf32, #tpu.memory_space<hbm>> -> memref<1x1x1x8x128xf32, #tpu.memory_space<hbm>>
      %dma_start3A_1081 = tpu.memref_squeeze %dma_start3A_1080 : memref<1x1x1x8x128xf32, #tpu.memory_space<hbm>> -> memref<8x128xf32, #tpu.memory_space<hbm>>
      %dma_start3A_1082 = arith.constant 64 : i32
      %dma_start3A_1083 = arith.constant 0 : i32
      %dma_start3A_1084 = tpu.memref_slice %arg7[%dma_start3A_1082, %dma_start3A_1083] : memref<256x133xf32, #tpu.memory_space<vmem>> -> memref<8x128xf32, #tpu.memory_space<vmem>>
      tpu.enqueue_dma source(%dma_start3A_1084 : memref<8x128xf32, #tpu.memory_space<vmem>>) target(%dma_start3A_1081 : memref<8x128xf32, #tpu.memory_space<hbm>>) target_semaphore(%arg10 : memref<!tpu.dma_semaphore, #tpu.memory_space<semaphore_mem>>)
      %mul3A_1085 = arith.constant 8 : i32
      %mul3A_1086 = arith.muli %select_n3A_913, %mul3A_1085 : i32
      %add3A_1087 = arith.constant 1 : i32
      %add3A_1088 = arith.addi %mul3A_1086, %add3A_1087 : i32
      %dma_start3A_1089 = arith.constant 1 : i32
      %dma_start3A_1090 = arith.constant 72 : i32
      %dma_start3A_1091 = arith.constant 0 : i32
      %dma_start3A_1092 = tpu.memref_slice %arg7[%dma_start3A_1090, %dma_start3A_1091] : memref<256x133xf32, #tpu.memory_space<vmem>> -> memref<8x128xf32, #tpu.memory_space<vmem>>
      %dma_start3A_1093 = arith.constant 0 : i32
      %dma_start3A_1094 = arith.constant 0 : i32
      %dma_start3A_1095 = tpu.memref_slice %arg4[%select_n3A_897, %dma_start3A_1089, %add3A_1088, %dma_start3A_1093, %dma_start3A_1094] : memref<50x4x128x8x128xf32, #tpu.memory_space<hbm>> -> memref<1x1x1x8x128xf32, #tpu.memory_space<hbm>>
      %dma_start3A_1096 = tpu.memref_squeeze %dma_start3A_1095 : memref<1x1x1x8x128xf32, #tpu.memory_space<hbm>> -> memref<8x128xf32, #tpu.memory_space<hbm>>
      %dma_start3A_1097 = arith.constant 0 : i32
      %dma_start3A_1098 = arith.constant 0 : i32
      %dma_start3A_1099 = tpu.memref_slice %arg4[%select_n3A_897, %dma_start3A_1089, %add3A_1088, %dma_start3A_1097, %dma_start3A_1098] : memref<50x4x128x8x128xf32, #tpu.memory_space<hbm>> -> memref<1x1x1x8x128xf32, #tpu.memory_space<hbm>>
      %dma_start3A_1100 = tpu.memref_squeeze %dma_start3A_1099 : memref<1x1x1x8x128xf32, #tpu.memory_space<hbm>> -> memref<8x128xf32, #tpu.memory_space<hbm>>
      %dma_start3A_1101 = arith.constant 72 : i32
      %dma_start3A_1102 = arith.constant 0 : i32
      %dma_start3A_1103 = tpu.memref_slice %arg7[%dma_start3A_1101, %dma_start3A_1102] : memref<256x133xf32, #tpu.memory_space<vmem>> -> memref<8x128xf32, #tpu.memory_space<vmem>>
      tpu.enqueue_dma source(%dma_start3A_1103 : memref<8x128xf32, #tpu.memory_space<vmem>>) target(%dma_start3A_1100 : memref<8x128xf32, #tpu.memory_space<hbm>>) target_semaphore(%arg10 : memref<!tpu.dma_semaphore, #tpu.memory_space<semaphore_mem>>)
      %mul3A_1104 = arith.constant 8 : i32
      %mul3A_1105 = arith.muli %select_n3A_913, %mul3A_1104 : i32
      %add3A_1106 = arith.constant 2 : i32
      %add3A_1107 = arith.addi %mul3A_1105, %add3A_1106 : i32
      %dma_start3A_1108 = arith.constant 1 : i32
      %dma_start3A_1109 = arith.constant 80 : i32
      %dma_start3A_1110 = arith.constant 0 : i32
      %dma_start3A_1111 = tpu.memref_slice %arg7[%dma_start3A_1109, %dma_start3A_1110] : memref<256x133xf32, #tpu.memory_space<vmem>> -> memref<8x128xf32, #tpu.memory_space<vmem>>
      %dma_start3A_1112 = arith.constant 0 : i32
      %dma_start3A_1113 = arith.constant 0 : i32
      %dma_start3A_1114 = tpu.memref_slice %arg4[%select_n3A_897, %dma_start3A_1108, %add3A_1107, %dma_start3A_1112, %dma_start3A_1113] : memref<50x4x128x8x128xf32, #tpu.memory_space<hbm>> -> memref<1x1x1x8x128xf32, #tpu.memory_space<hbm>>
      %dma_start3A_1115 = tpu.memref_squeeze %dma_start3A_1114 : memref<1x1x1x8x128xf32, #tpu.memory_space<hbm>> -> memref<8x128xf32, #tpu.memory_space<hbm>>
      %dma_start3A_1116 = arith.constant 0 : i32
      %dma_start3A_1117 = arith.constant 0 : i32
      %dma_start3A_1118 = tpu.memref_slice %arg4[%select_n3A_897, %dma_start3A_1108, %add3A_1107, %dma_start3A_1116, %dma_start3A_1117] : memref<50x4x128x8x128xf32, #tpu.memory_space<hbm>> -> memref<1x1x1x8x128xf32, #tpu.memory_space<hbm>>
      %dma_start3A_1119 = tpu.memref_squeeze %dma_start3A_1118 : memref<1x1x1x8x128xf32, #tpu.memory_space<hbm>> -> memref<8x128xf32, #tpu.memory_space<hbm>>
      %dma_start3A_1120 = arith.constant 80 : i32
      %dma_start3A_1121 = arith.constant 0 : i32
      %dma_start3A_1122 = tpu.memref_slice %arg7[%dma_start3A_1120, %dma_start3A_1121] : memref<256x133xf32, #tpu.memory_space<vmem>> -> memref<8x128xf32, #tpu.memory_space<vmem>>
      tpu.enqueue_dma source(%dma_start3A_1122 : memref<8x128xf32, #tpu.memory_space<vmem>>) target(%dma_start3A_1119 : memref<8x128xf32, #tpu.memory_space<hbm>>) target_semaphore(%arg10 : memref<!tpu.dma_semaphore, #tpu.memory_space<semaphore_mem>>)
      %mul3A_1123 = arith.constant 8 : i32
      %mul3A_1124 = arith.muli %select_n3A_913, %mul3A_1123 : i32
      %add3A_1125 = arith.constant 3 : i32
      %add3A_1126 = arith.addi %mul3A_1124, %add3A_1125 : i32
      %dma_start3A_1127 = arith.constant 1 : i32
      %dma_start3A_1128 = arith.constant 88 : i32
      %dma_start3A_1129 = arith.constant 0 : i32
      %dma_start3A_1130 = tpu.memref_slice %arg7[%dma_start3A_1128, %dma_start3A_1129] : memref<256x133xf32, #tpu.memory_space<vmem>> -> memref<8x128xf32, #tpu.memory_space<vmem>>
      %dma_start3A_1131 = arith.constant 0 : i32
      %dma_start3A_1132 = arith.constant 0 : i32
      %dma_start3A_1133 = tpu.memref_slice %arg4[%select_n3A_897, %dma_start3A_1127, %add3A_1126, %dma_start3A_1131, %dma_start3A_1132] : memref<50x4x128x8x128xf32, #tpu.memory_space<hbm>> -> memref<1x1x1x8x128xf32, #tpu.memory_space<hbm>>
      %dma_start3A_1134 = tpu.memref_squeeze %dma_start3A_1133 : memref<1x1x1x8x128xf32, #tpu.memory_space<hbm>> -> memref<8x128xf32, #tpu.memory_space<hbm>>
      %dma_start3A_1135 = arith.constant 0 : i32
      %dma_start3A_1136 = arith.constant 0 : i32
      %dma_start3A_1137 = tpu.memref_slice %arg4[%select_n3A_897, %dma_start3A_1127, %add3A_1126, %dma_start3A_1135, %dma_start3A_1136] : memref<50x4x128x8x128xf32, #tpu.memory_space<hbm>> -> memref<1x1x1x8x128xf32, #tpu.memory_space<hbm>>
      %dma_start3A_1138 = tpu.memref_squeeze %dma_start3A_1137 : memref<1x1x1x8x128xf32, #tpu.memory_space<hbm>> -> memref<8x128xf32, #tpu.memory_space<hbm>>
      %dma_start3A_1139 = arith.constant 88 : i32
      %dma_start3A_1140 = arith.constant 0 : i32
      %dma_start3A_1141 = tpu.memref_slice %arg7[%dma_start3A_1139, %dma_start3A_1140] : memref<256x133xf32, #tpu.memory_space<vmem>> -> memref<8x128xf32, #tpu.memory_space<vmem>>
      tpu.enqueue_dma source(%dma_start3A_1141 : memref<8x128xf32, #tpu.memory_space<vmem>>) target(%dma_start3A_1138 : memref<8x128xf32, #tpu.memory_space<hbm>>) target_semaphore(%arg10 : memref<!tpu.dma_semaphore, #tpu.memory_space<semaphore_mem>>)
      %mul3A_1142 = arith.constant 8 : i32
      %mul3A_1143 = arith.muli %select_n3A_913, %mul3A_1142 : i32
      %add3A_1144 = arith.constant 4 : i32
      %add3A_1145 = arith.addi %mul3A_1143, %add3A_1144 : i32
      %dma_start3A_1146 = arith.constant 1 : i32
      %dma_start3A_1147 = arith.constant 96 : i32
      %dma_start3A_1148 = arith.constant 0 : i32
      %dma_start3A_1149 = tpu.memref_slice %arg7[%dma_start3A_1147, %dma_start3A_1148] : memref<256x133xf32, #tpu.memory_space<vmem>> -> memref<8x128xf32, #tpu.memory_space<vmem>>
      %dma_start3A_1150 = arith.constant 0 : i32
      %dma_start3A_1151 = arith.constant 0 : i32
      %dma_start3A_1152 = tpu.memref_slice %arg4[%select_n3A_897, %dma_start3A_1146, %add3A_1145, %dma_start3A_1150, %dma_start3A_1151] : memref<50x4x128x8x128xf32, #tpu.memory_space<hbm>> -> memref<1x1x1x8x128xf32, #tpu.memory_space<hbm>>
      %dma_start3A_1153 = tpu.memref_squeeze %dma_start3A_1152 : memref<1x1x1x8x128xf32, #tpu.memory_space<hbm>> -> memref<8x128xf32, #tpu.memory_space<hbm>>
      %dma_start3A_1154 = arith.constant 0 : i32
      %dma_start3A_1155 = arith.constant 0 : i32
      %dma_start3A_1156 = tpu.memref_slice %arg4[%select_n3A_897, %dma_start3A_1146, %add3A_1145, %dma_start3A_1154, %dma_start3A_1155] : memref<50x4x128x8x128xf32, #tpu.memory_space<hbm>> -> memref<1x1x1x8x128xf32, #tpu.memory_space<hbm>>
      %dma_start3A_1157 = tpu.memref_squeeze %dma_start3A_1156 : memref<1x1x1x8x128xf32, #tpu.memory_space<hbm>> -> memref<8x128xf32, #tpu.memory_space<hbm>>
      %dma_start3A_1158 = arith.constant 96 : i32
      %dma_start3A_1159 = arith.constant 0 : i32
      %dma_start3A_1160 = tpu.memref_slice %arg7[%dma_start3A_1158, %dma_start3A_1159] : memref<256x133xf32, #tpu.memory_space<vmem>> -> memref<8x128xf32, #tpu.memory_space<vmem>>
      tpu.enqueue_dma source(%dma_start3A_1160 : memref<8x128xf32, #tpu.memory_space<vmem>>) target(%dma_start3A_1157 : memref<8x128xf32, #tpu.memory_space<hbm>>) target_semaphore(%arg10 : memref<!tpu.dma_semaphore, #tpu.memory_space<semaphore_mem>>)
      %mul3A_1161 = arith.constant 8 : i32
      %mul3A_1162 = arith.muli %select_n3A_913, %mul3A_1161 : i32
      %add3A_1163 = arith.constant 5 : i32
      %add3A_1164 = arith.addi %mul3A_1162, %add3A_1163 : i32
      %dma_start3A_1165 = arith.constant 1 : i32
      %dma_start3A_1166 = arith.constant 104 : i32
      %dma_start3A_1167 = arith.constant 0 : i32
      %dma_start3A_1168 = tpu.memref_slice %arg7[%dma_start3A_1166, %dma_start3A_1167] : memref<256x133xf32, #tpu.memory_space<vmem>> -> memref<8x128xf32, #tpu.memory_space<vmem>>
      %dma_start3A_1169 = arith.constant 0 : i32
      %dma_start3A_1170 = arith.constant 0 : i32
      %dma_start3A_1171 = tpu.memref_slice %arg4[%select_n3A_897, %dma_start3A_1165, %add3A_1164, %dma_start3A_1169, %dma_start3A_1170] : memref<50x4x128x8x128xf32, #tpu.memory_space<hbm>> -> memref<1x1x1x8x128xf32, #tpu.memory_space<hbm>>
      %dma_start3A_1172 = tpu.memref_squeeze %dma_start3A_1171 : memref<1x1x1x8x128xf32, #tpu.memory_space<hbm>> -> memref<8x128xf32, #tpu.memory_space<hbm>>
      %dma_start3A_1173 = arith.constant 0 : i32
      %dma_start3A_1174 = arith.constant 0 : i32
      %dma_start3A_1175 = tpu.memref_slice %arg4[%select_n3A_897, %dma_start3A_1165, %add3A_1164, %dma_start3A_1173, %dma_start3A_1174] : memref<50x4x128x8x128xf32, #tpu.memory_space<hbm>> -> memref<1x1x1x8x128xf32, #tpu.memory_space<hbm>>
      %dma_start3A_1176 = tpu.memref_squeeze %dma_start3A_1175 : memref<1x1x1x8x128xf32, #tpu.memory_space<hbm>> -> memref<8x128xf32, #tpu.memory_space<hbm>>
      %dma_start3A_1177 = arith.constant 104 : i32
      %dma_start3A_1178 = arith.constant 0 : i32
      %dma_start3A_1179 = tpu.memref_slice %arg7[%dma_start3A_1177, %dma_start3A_1178] : memref<256x133xf32, #tpu.memory_space<vmem>> -> memref<8x128xf32, #tpu.memory_space<vmem>>
      tpu.enqueue_dma source(%dma_start3A_1179 : memref<8x128xf32, #tpu.memory_space<vmem>>) target(%dma_start3A_1176 : memref<8x128xf32, #tpu.memory_space<hbm>>) target_semaphore(%arg10 : memref<!tpu.dma_semaphore, #tpu.memory_space<semaphore_mem>>)
      %mul3A_1180 = arith.constant 8 : i32
      %mul3A_1181 = arith.muli %select_n3A_913, %mul3A_1180 : i32
      %add3A_1182 = arith.constant 6 : i32
      %add3A_1183 = arith.addi %mul3A_1181, %add3A_1182 : i32
      %dma_start3A_1184 = arith.constant 1 : i32
      %dma_start3A_1185 = arith.constant 112 : i32
      %dma_start3A_1186 = arith.constant 0 : i32
      %dma_start3A_1187 = tpu.memref_slice %arg7[%dma_start3A_1185, %dma_start3A_1186] : memref<256x133xf32, #tpu.memory_space<vmem>> -> memref<8x128xf32, #tpu.memory_space<vmem>>
      %dma_start3A_1188 = arith.constant 0 : i32
      %dma_start3A_1189 = arith.constant 0 : i32
      %dma_start3A_1190 = tpu.memref_slice %arg4[%select_n3A_897, %dma_start3A_1184, %add3A_1183, %dma_start3A_1188, %dma_start3A_1189] : memref<50x4x128x8x128xf32, #tpu.memory_space<hbm>> -> memref<1x1x1x8x128xf32, #tpu.memory_space<hbm>>
      %dma_start3A_1191 = tpu.memref_squeeze %dma_start3A_1190 : memref<1x1x1x8x128xf32, #tpu.memory_space<hbm>> -> memref<8x128xf32, #tpu.memory_space<hbm>>
      %dma_start3A_1192 = arith.constant 0 : i32
      %dma_start3A_1193 = arith.constant 0 : i32
      %dma_start3A_1194 = tpu.memref_slice %arg4[%select_n3A_897, %dma_start3A_1184, %add3A_1183, %dma_start3A_1192, %dma_start3A_1193] : memref<50x4x128x8x128xf32, #tpu.memory_space<hbm>> -> memref<1x1x1x8x128xf32, #tpu.memory_space<hbm>>
      %dma_start3A_1195 = tpu.memref_squeeze %dma_start3A_1194 : memref<1x1x1x8x128xf32, #tpu.memory_space<hbm>> -> memref<8x128xf32, #tpu.memory_space<hbm>>
      %dma_start3A_1196 = arith.constant 112 : i32
      %dma_start3A_1197 = arith.constant 0 : i32
      %dma_start3A_1198 = tpu.memref_slice %arg7[%dma_start3A_1196, %dma_start3A_1197] : memref<256x133xf32, #tpu.memory_space<vmem>> -> memref<8x128xf32, #tpu.memory_space<vmem>>
      tpu.enqueue_dma source(%dma_start3A_1198 : memref<8x128xf32, #tpu.memory_space<vmem>>) target(%dma_start3A_1195 : memref<8x128xf32, #tpu.memory_space<hbm>>) target_semaphore(%arg10 : memref<!tpu.dma_semaphore, #tpu.memory_space<semaphore_mem>>)
      %mul3A_1199 = arith.constant 8 : i32
      %mul3A_1200 = arith.muli %select_n3A_913, %mul3A_1199 : i32
      %add3A_1201 = arith.constant 7 : i32
      %add3A_1202 = arith.addi %mul3A_1200, %add3A_1201 : i32
      %dma_start3A_1203 = arith.constant 1 : i32
      %dma_start3A_1204 = arith.constant 120 : i32
      %dma_start3A_1205 = arith.constant 0 : i32
      %dma_start3A_1206 = tpu.memref_slice %arg7[%dma_start3A_1204, %dma_start3A_1205] : memref<256x133xf32, #tpu.memory_space<vmem>> -> memref<8x128xf32, #tpu.memory_space<vmem>>
      %dma_start3A_1207 = arith.constant 0 : i32
      %dma_start3A_1208 = arith.constant 0 : i32
      %dma_start3A_1209 = tpu.memref_slice %arg4[%select_n3A_897, %dma_start3A_1203, %add3A_1202, %dma_start3A_1207, %dma_start3A_1208] : memref<50x4x128x8x128xf32, #tpu.memory_space<hbm>> -> memref<1x1x1x8x128xf32, #tpu.memory_space<hbm>>
      %dma_start3A_1210 = tpu.memref_squeeze %dma_start3A_1209 : memref<1x1x1x8x128xf32, #tpu.memory_space<hbm>> -> memref<8x128xf32, #tpu.memory_space<hbm>>
      %dma_start3A_1211 = arith.constant 0 : i32
      %dma_start3A_1212 = arith.constant 0 : i32
      %dma_start3A_1213 = tpu.memref_slice %arg4[%select_n3A_897, %dma_start3A_1203, %add3A_1202, %dma_start3A_1211, %dma_start3A_1212] : memref<50x4x128x8x128xf32, #tpu.memory_space<hbm>> -> memref<1x1x1x8x128xf32, #tpu.memory_space<hbm>>
      %dma_start3A_1214 = tpu.memref_squeeze %dma_start3A_1213 : memref<1x1x1x8x128xf32, #tpu.memory_space<hbm>> -> memref<8x128xf32, #tpu.memory_space<hbm>>
      %dma_start3A_1215 = arith.constant 120 : i32
      %dma_start3A_1216 = arith.constant 0 : i32
      %dma_start3A_1217 = tpu.memref_slice %arg7[%dma_start3A_1215, %dma_start3A_1216] : memref<256x133xf32, #tpu.memory_space<vmem>> -> memref<8x128xf32, #tpu.memory_space<vmem>>
      tpu.enqueue_dma source(%dma_start3A_1217 : memref<8x128xf32, #tpu.memory_space<vmem>>) target(%dma_start3A_1214 : memref<8x128xf32, #tpu.memory_space<hbm>>) target_semaphore(%arg10 : memref<!tpu.dma_semaphore, #tpu.memory_space<semaphore_mem>>)
      %mul3A_1218 = arith.constant 8 : i32
      %mul3A_1219 = arith.muli %select_n3A_913, %mul3A_1218 : i32
      %add3A_1220 = arith.constant 0 : i32
      %add3A_1221 = arith.addi %mul3A_1219, %add3A_1220 : i32
      %dma_start3A_1222 = arith.constant 2 : i32
      %dma_start3A_1223 = arith.constant 128 : i32
      %dma_start3A_1224 = arith.constant 0 : i32
      %dma_start3A_1225 = tpu.memref_slice %arg7[%dma_start3A_1223, %dma_start3A_1224] : memref<256x133xf32, #tpu.memory_space<vmem>> -> memref<8x128xf32, #tpu.memory_space<vmem>>
      %dma_start3A_1226 = arith.constant 0 : i32
      %dma_start3A_1227 = arith.constant 0 : i32
      %dma_start3A_1228 = tpu.memref_slice %arg4[%select_n3A_897, %dma_start3A_1222, %add3A_1221, %dma_start3A_1226, %dma_start3A_1227] : memref<50x4x128x8x128xf32, #tpu.memory_space<hbm>> -> memref<1x1x1x8x128xf32, #tpu.memory_space<hbm>>
      %dma_start3A_1229 = tpu.memref_squeeze %dma_start3A_1228 : memref<1x1x1x8x128xf32, #tpu.memory_space<hbm>> -> memref<8x128xf32, #tpu.memory_space<hbm>>
      %dma_start3A_1230 = arith.constant 0 : i32
      %dma_start3A_1231 = arith.constant 0 : i32
      %dma_start3A_1232 = tpu.memref_slice %arg4[%select_n3A_897, %dma_start3A_1222, %add3A_1221, %dma_start3A_1230, %dma_start3A_1231] : memref<50x4x128x8x128xf32, #tpu.memory_space<hbm>> -> memref<1x1x1x8x128xf32, #tpu.memory_space<hbm>>
      %dma_start3A_1233 = tpu.memref_squeeze %dma_start3A_1232 : memref<1x1x1x8x128xf32, #tpu.memory_space<hbm>> -> memref<8x128xf32, #tpu.memory_space<hbm>>
      %dma_start3A_1234 = arith.constant 128 : i32
      %dma_start3A_1235 = arith.constant 0 : i32
      %dma_start3A_1236 = tpu.memref_slice %arg7[%dma_start3A_1234, %dma_start3A_1235] : memref<256x133xf32, #tpu.memory_space<vmem>> -> memref<8x128xf32, #tpu.memory_space<vmem>>
      tpu.enqueue_dma source(%dma_start3A_1236 : memref<8x128xf32, #tpu.memory_space<vmem>>) target(%dma_start3A_1233 : memref<8x128xf32, #tpu.memory_space<hbm>>) target_semaphore(%arg10 : memref<!tpu.dma_semaphore, #tpu.memory_space<semaphore_mem>>)
      %mul3A_1237 = arith.constant 8 : i32
      %mul3A_1238 = arith.muli %select_n3A_913, %mul3A_1237 : i32
      %add3A_1239 = arith.constant 1 : i32
      %add3A_1240 = arith.addi %mul3A_1238, %add3A_1239 : i32
      %dma_start3A_1241 = arith.constant 2 : i32
      %dma_start3A_1242 = arith.constant 136 : i32
      %dma_start3A_1243 = arith.constant 0 : i32
      %dma_start3A_1244 = tpu.memref_slice %arg7[%dma_start3A_1242, %dma_start3A_1243] : memref<256x133xf32, #tpu.memory_space<vmem>> -> memref<8x128xf32, #tpu.memory_space<vmem>>
      %dma_start3A_1245 = arith.constant 0 : i32
      %dma_start3A_1246 = arith.constant 0 : i32
      %dma_start3A_1247 = tpu.memref_slice %arg4[%select_n3A_897, %dma_start3A_1241, %add3A_1240, %dma_start3A_1245, %dma_start3A_1246] : memref<50x4x128x8x128xf32, #tpu.memory_space<hbm>> -> memref<1x1x1x8x128xf32, #tpu.memory_space<hbm>>
      %dma_start3A_1248 = tpu.memref_squeeze %dma_start3A_1247 : memref<1x1x1x8x128xf32, #tpu.memory_space<hbm>> -> memref<8x128xf32, #tpu.memory_space<hbm>>
      %dma_start3A_1249 = arith.constant 0 : i32
      %dma_start3A_1250 = arith.constant 0 : i32
      %dma_start3A_1251 = tpu.memref_slice %arg4[%select_n3A_897, %dma_start3A_1241, %add3A_1240, %dma_start3A_1249, %dma_start3A_1250] : memref<50x4x128x8x128xf32, #tpu.memory_space<hbm>> -> memref<1x1x1x8x128xf32, #tpu.memory_space<hbm>>
      %dma_start3A_1252 = tpu.memref_squeeze %dma_start3A_1251 : memref<1x1x1x8x128xf32, #tpu.memory_space<hbm>> -> memref<8x128xf32, #tpu.memory_space<hbm>>
      %dma_start3A_1253 = arith.constant 136 : i32
      %dma_start3A_1254 = arith.constant 0 : i32
      %dma_start3A_1255 = tpu.memref_slice %arg7[%dma_start3A_1253, %dma_start3A_1254] : memref<256x133xf32, #tpu.memory_space<vmem>> -> memref<8x128xf32, #tpu.memory_space<vmem>>
      tpu.enqueue_dma source(%dma_start3A_1255 : memref<8x128xf32, #tpu.memory_space<vmem>>) target(%dma_start3A_1252 : memref<8x128xf32, #tpu.memory_space<hbm>>) target_semaphore(%arg10 : memref<!tpu.dma_semaphore, #tpu.memory_space<semaphore_mem>>)
      %mul3A_1256 = arith.constant 8 : i32
      %mul3A_1257 = arith.muli %select_n3A_913, %mul3A_1256 : i32
      %add3A_1258 = arith.constant 2 : i32
      %add3A_1259 = arith.addi %mul3A_1257, %add3A_1258 : i32
      %dma_start3A_1260 = arith.constant 2 : i32
      %dma_start3A_1261 = arith.constant 144 : i32
      %dma_start3A_1262 = arith.constant 0 : i32
      %dma_start3A_1263 = tpu.memref_slice %arg7[%dma_start3A_1261, %dma_start3A_1262] : memref<256x133xf32, #tpu.memory_space<vmem>> -> memref<8x128xf32, #tpu.memory_space<vmem>>
      %dma_start3A_1264 = arith.constant 0 : i32
      %dma_start3A_1265 = arith.constant 0 : i32
      %dma_start3A_1266 = tpu.memref_slice %arg4[%select_n3A_897, %dma_start3A_1260, %add3A_1259, %dma_start3A_1264, %dma_start3A_1265] : memref<50x4x128x8x128xf32, #tpu.memory_space<hbm>> -> memref<1x1x1x8x128xf32, #tpu.memory_space<hbm>>
      %dma_start3A_1267 = tpu.memref_squeeze %dma_start3A_1266 : memref<1x1x1x8x128xf32, #tpu.memory_space<hbm>> -> memref<8x128xf32, #tpu.memory_space<hbm>>
      %dma_start3A_1268 = arith.constant 0 : i32
      %dma_start3A_1269 = arith.constant 0 : i32
      %dma_start3A_1270 = tpu.memref_slice %arg4[%select_n3A_897, %dma_start3A_1260, %add3A_1259, %dma_start3A_1268, %dma_start3A_1269] : memref<50x4x128x8x128xf32, #tpu.memory_space<hbm>> -> memref<1x1x1x8x128xf32, #tpu.memory_space<hbm>>
      %dma_start3A_1271 = tpu.memref_squeeze %dma_start3A_1270 : memref<1x1x1x8x128xf32, #tpu.memory_space<hbm>> -> memref<8x128xf32, #tpu.memory_space<hbm>>
      %dma_start3A_1272 = arith.constant 144 : i32
      %dma_start3A_1273 = arith.constant 0 : i32
      %dma_start3A_1274 = tpu.memref_slice %arg7[%dma_start3A_1272, %dma_start3A_1273] : memref<256x133xf32, #tpu.memory_space<vmem>> -> memref<8x128xf32, #tpu.memory_space<vmem>>
      tpu.enqueue_dma source(%dma_start3A_1274 : memref<8x128xf32, #tpu.memory_space<vmem>>) target(%dma_start3A_1271 : memref<8x128xf32, #tpu.memory_space<hbm>>) target_semaphore(%arg10 : memref<!tpu.dma_semaphore, #tpu.memory_space<semaphore_mem>>)
      %mul3A_1275 = arith.constant 8 : i32
      %mul3A_1276 = arith.muli %select_n3A_913, %mul3A_1275 : i32
      %add3A_1277 = arith.constant 3 : i32
      %add3A_1278 = arith.addi %mul3A_1276, %add3A_1277 : i32
      %dma_start3A_1279 = arith.constant 2 : i32
      %dma_start3A_1280 = arith.constant 152 : i32
      %dma_start3A_1281 = arith.constant 0 : i32
      %dma_start3A_1282 = tpu.memref_slice %arg7[%dma_start3A_1280, %dma_start3A_1281] : memref<256x133xf32, #tpu.memory_space<vmem>> -> memref<8x128xf32, #tpu.memory_space<vmem>>
      %dma_start3A_1283 = arith.constant 0 : i32
      %dma_start3A_1284 = arith.constant 0 : i32
      %dma_start3A_1285 = tpu.memref_slice %arg4[%select_n3A_897, %dma_start3A_1279, %add3A_1278, %dma_start3A_1283, %dma_start3A_1284] : memref<50x4x128x8x128xf32, #tpu.memory_space<hbm>> -> memref<1x1x1x8x128xf32, #tpu.memory_space<hbm>>
      %dma_start3A_1286 = tpu.memref_squeeze %dma_start3A_1285 : memref<1x1x1x8x128xf32, #tpu.memory_space<hbm>> -> memref<8x128xf32, #tpu.memory_space<hbm>>
      %dma_start3A_1287 = arith.constant 0 : i32
      %dma_start3A_1288 = arith.constant 0 : i32
      %dma_start3A_1289 = tpu.memref_slice %arg4[%select_n3A_897, %dma_start3A_1279, %add3A_1278, %dma_start3A_1287, %dma_start3A_1288] : memref<50x4x128x8x128xf32, #tpu.memory_space<hbm>> -> memref<1x1x1x8x128xf32, #tpu.memory_space<hbm>>
      %dma_start3A_1290 = tpu.memref_squeeze %dma_start3A_1289 : memref<1x1x1x8x128xf32, #tpu.memory_space<hbm>> -> memref<8x128xf32, #tpu.memory_space<hbm>>
      %dma_start3A_1291 = arith.constant 152 : i32
      %dma_start3A_1292 = arith.constant 0 : i32
      %dma_start3A_1293 = tpu.memref_slice %arg7[%dma_start3A_1291, %dma_start3A_1292] : memref<256x133xf32, #tpu.memory_space<vmem>> -> memref<8x128xf32, #tpu.memory_space<vmem>>
      tpu.enqueue_dma source(%dma_start3A_1293 : memref<8x128xf32, #tpu.memory_space<vmem>>) target(%dma_start3A_1290 : memref<8x128xf32, #tpu.memory_space<hbm>>) target_semaphore(%arg10 : memref<!tpu.dma_semaphore, #tpu.memory_space<semaphore_mem>>)
      %mul3A_1294 = arith.constant 8 : i32
      %mul3A_1295 = arith.muli %select_n3A_913, %mul3A_1294 : i32
      %add3A_1296 = arith.constant 4 : i32
      %add3A_1297 = arith.addi %mul3A_1295, %add3A_1296 : i32
      %dma_start3A_1298 = arith.constant 2 : i32
      %dma_start3A_1299 = arith.constant 160 : i32
      %dma_start3A_1300 = arith.constant 0 : i32
      %dma_start3A_1301 = tpu.memref_slice %arg7[%dma_start3A_1299, %dma_start3A_1300] : memref<256x133xf32, #tpu.memory_space<vmem>> -> memref<8x128xf32, #tpu.memory_space<vmem>>
      %dma_start3A_1302 = arith.constant 0 : i32
      %dma_start3A_1303 = arith.constant 0 : i32
      %dma_start3A_1304 = tpu.memref_slice %arg4[%select_n3A_897, %dma_start3A_1298, %add3A_1297, %dma_start3A_1302, %dma_start3A_1303] : memref<50x4x128x8x128xf32, #tpu.memory_space<hbm>> -> memref<1x1x1x8x128xf32, #tpu.memory_space<hbm>>
      %dma_start3A_1305 = tpu.memref_squeeze %dma_start3A_1304 : memref<1x1x1x8x128xf32, #tpu.memory_space<hbm>> -> memref<8x128xf32, #tpu.memory_space<hbm>>
      %dma_start3A_1306 = arith.constant 0 : i32
      %dma_start3A_1307 = arith.constant 0 : i32
      %dma_start3A_1308 = tpu.memref_slice %arg4[%select_n3A_897, %dma_start3A_1298, %add3A_1297, %dma_start3A_1306, %dma_start3A_1307] : memref<50x4x128x8x128xf32, #tpu.memory_space<hbm>> -> memref<1x1x1x8x128xf32, #tpu.memory_space<hbm>>
      %dma_start3A_1309 = tpu.memref_squeeze %dma_start3A_1308 : memref<1x1x1x8x128xf32, #tpu.memory_space<hbm>> -> memref<8x128xf32, #tpu.memory_space<hbm>>
      %dma_start3A_1310 = arith.constant 160 : i32
      %dma_start3A_1311 = arith.constant 0 : i32
      %dma_start3A_1312 = tpu.memref_slice %arg7[%dma_start3A_1310, %dma_start3A_1311] : memref<256x133xf32, #tpu.memory_space<vmem>> -> memref<8x128xf32, #tpu.memory_space<vmem>>
      tpu.enqueue_dma source(%dma_start3A_1312 : memref<8x128xf32, #tpu.memory_space<vmem>>) target(%dma_start3A_1309 : memref<8x128xf32, #tpu.memory_space<hbm>>) target_semaphore(%arg10 : memref<!tpu.dma_semaphore, #tpu.memory_space<semaphore_mem>>)
      %mul3A_1313 = arith.constant 8 : i32
      %mul3A_1314 = arith.muli %select_n3A_913, %mul3A_1313 : i32
      %add3A_1315 = arith.constant 5 : i32
      %add3A_1316 = arith.addi %mul3A_1314, %add3A_1315 : i32
      %dma_start3A_1317 = arith.constant 2 : i32
      %dma_start3A_1318 = arith.constant 168 : i32
      %dma_start3A_1319 = arith.constant 0 : i32
      %dma_start3A_1320 = tpu.memref_slice %arg7[%dma_start3A_1318, %dma_start3A_1319] : memref<256x133xf32, #tpu.memory_space<vmem>> -> memref<8x128xf32, #tpu.memory_space<vmem>>
      %dma_start3A_1321 = arith.constant 0 : i32
      %dma_start3A_1322 = arith.constant 0 : i32
      %dma_start3A_1323 = tpu.memref_slice %arg4[%select_n3A_897, %dma_start3A_1317, %add3A_1316, %dma_start3A_1321, %dma_start3A_1322] : memref<50x4x128x8x128xf32, #tpu.memory_space<hbm>> -> memref<1x1x1x8x128xf32, #tpu.memory_space<hbm>>
      %dma_start3A_1324 = tpu.memref_squeeze %dma_start3A_1323 : memref<1x1x1x8x128xf32, #tpu.memory_space<hbm>> -> memref<8x128xf32, #tpu.memory_space<hbm>>
      %dma_start3A_1325 = arith.constant 0 : i32
      %dma_start3A_1326 = arith.constant 0 : i32
      %dma_start3A_1327 = tpu.memref_slice %arg4[%select_n3A_897, %dma_start3A_1317, %add3A_1316, %dma_start3A_1325, %dma_start3A_1326] : memref<50x4x128x8x128xf32, #tpu.memory_space<hbm>> -> memref<1x1x1x8x128xf32, #tpu.memory_space<hbm>>
      %dma_start3A_1328 = tpu.memref_squeeze %dma_start3A_1327 : memref<1x1x1x8x128xf32, #tpu.memory_space<hbm>> -> memref<8x128xf32, #tpu.memory_space<hbm>>
      %dma_start3A_1329 = arith.constant 168 : i32
      %dma_start3A_1330 = arith.constant 0 : i32
      %dma_start3A_1331 = tpu.memref_slice %arg7[%dma_start3A_1329, %dma_start3A_1330] : memref<256x133xf32, #tpu.memory_space<vmem>> -> memref<8x128xf32, #tpu.memory_space<vmem>>
      tpu.enqueue_dma source(%dma_start3A_1331 : memref<8x128xf32, #tpu.memory_space<vmem>>) target(%dma_start3A_1328 : memref<8x128xf32, #tpu.memory_space<hbm>>) target_semaphore(%arg10 : memref<!tpu.dma_semaphore, #tpu.memory_space<semaphore_mem>>)
      %mul3A_1332 = arith.constant 8 : i32
      %mul3A_1333 = arith.muli %select_n3A_913, %mul3A_1332 : i32
      %add3A_1334 = arith.constant 6 : i32
      %add3A_1335 = arith.addi %mul3A_1333, %add3A_1334 : i32
      %dma_start3A_1336 = arith.constant 2 : i32
      %dma_start3A_1337 = arith.constant 176 : i32
      %dma_start3A_1338 = arith.constant 0 : i32
      %dma_start3A_1339 = tpu.memref_slice %arg7[%dma_start3A_1337, %dma_start3A_1338] : memref<256x133xf32, #tpu.memory_space<vmem>> -> memref<8x128xf32, #tpu.memory_space<vmem>>
      %dma_start3A_1340 = arith.constant 0 : i32
      %dma_start3A_1341 = arith.constant 0 : i32
      %dma_start3A_1342 = tpu.memref_slice %arg4[%select_n3A_897, %dma_start3A_1336, %add3A_1335, %dma_start3A_1340, %dma_start3A_1341] : memref<50x4x128x8x128xf32, #tpu.memory_space<hbm>> -> memref<1x1x1x8x128xf32, #tpu.memory_space<hbm>>
      %dma_start3A_1343 = tpu.memref_squeeze %dma_start3A_1342 : memref<1x1x1x8x128xf32, #tpu.memory_space<hbm>> -> memref<8x128xf32, #tpu.memory_space<hbm>>
      %dma_start3A_1344 = arith.constant 0 : i32
      %dma_start3A_1345 = arith.constant 0 : i32
      %dma_start3A_1346 = tpu.memref_slice %arg4[%select_n3A_897, %dma_start3A_1336, %add3A_1335, %dma_start3A_1344, %dma_start3A_1345] : memref<50x4x128x8x128xf32, #tpu.memory_space<hbm>> -> memref<1x1x1x8x128xf32, #tpu.memory_space<hbm>>
      %dma_start3A_1347 = tpu.memref_squeeze %dma_start3A_1346 : memref<1x1x1x8x128xf32, #tpu.memory_space<hbm>> -> memref<8x128xf32, #tpu.memory_space<hbm>>
      %dma_start3A_1348 = arith.constant 176 : i32
      %dma_start3A_1349 = arith.constant 0 : i32
      %dma_start3A_1350 = tpu.memref_slice %arg7[%dma_start3A_1348, %dma_start3A_1349] : memref<256x133xf32, #tpu.memory_space<vmem>> -> memref<8x128xf32, #tpu.memory_space<vmem>>
      tpu.enqueue_dma source(%dma_start3A_1350 : memref<8x128xf32, #tpu.memory_space<vmem>>) target(%dma_start3A_1347 : memref<8x128xf32, #tpu.memory_space<hbm>>) target_semaphore(%arg10 : memref<!tpu.dma_semaphore, #tpu.memory_space<semaphore_mem>>)
      %mul3A_1351 = arith.constant 8 : i32
      %mul3A_1352 = arith.muli %select_n3A_913, %mul3A_1351 : i32
      %add3A_1353 = arith.constant 7 : i32
      %add3A_1354 = arith.addi %mul3A_1352, %add3A_1353 : i32
      %dma_start3A_1355 = arith.constant 2 : i32
      %dma_start3A_1356 = arith.constant 184 : i32
      %dma_start3A_1357 = arith.constant 0 : i32
      %dma_start3A_1358 = tpu.memref_slice %arg7[%dma_start3A_1356, %dma_start3A_1357] : memref<256x133xf32, #tpu.memory_space<vmem>> -> memref<8x128xf32, #tpu.memory_space<vmem>>
      %dma_start3A_1359 = arith.constant 0 : i32
      %dma_start3A_1360 = arith.constant 0 : i32
      %dma_start3A_1361 = tpu.memref_slice %arg4[%select_n3A_897, %dma_start3A_1355, %add3A_1354, %dma_start3A_1359, %dma_start3A_1360] : memref<50x4x128x8x128xf32, #tpu.memory_space<hbm>> -> memref<1x1x1x8x128xf32, #tpu.memory_space<hbm>>
      %dma_start3A_1362 = tpu.memref_squeeze %dma_start3A_1361 : memref<1x1x1x8x128xf32, #tpu.memory_space<hbm>> -> memref<8x128xf32, #tpu.memory_space<hbm>>
      %dma_start3A_1363 = arith.constant 0 : i32
      %dma_start3A_1364 = arith.constant 0 : i32
      %dma_start3A_1365 = tpu.memref_slice %arg4[%select_n3A_897, %dma_start3A_1355, %add3A_1354, %dma_start3A_1363, %dma_start3A_1364] : memref<50x4x128x8x128xf32, #tpu.memory_space<hbm>> -> memref<1x1x1x8x128xf32, #tpu.memory_space<hbm>>
      %dma_start3A_1366 = tpu.memref_squeeze %dma_start3A_1365 : memref<1x1x1x8x128xf32, #tpu.memory_space<hbm>> -> memref<8x128xf32, #tpu.memory_space<hbm>>
      %dma_start3A_1367 = arith.constant 184 : i32
      %dma_start3A_1368 = arith.constant 0 : i32
      %dma_start3A_1369 = tpu.memref_slice %arg7[%dma_start3A_1367, %dma_start3A_1368] : memref<256x133xf32, #tpu.memory_space<vmem>> -> memref<8x128xf32, #tpu.memory_space<vmem>>
      tpu.enqueue_dma source(%dma_start3A_1369 : memref<8x128xf32, #tpu.memory_space<vmem>>) target(%dma_start3A_1366 : memref<8x128xf32, #tpu.memory_space<hbm>>) target_semaphore(%arg10 : memref<!tpu.dma_semaphore, #tpu.memory_space<semaphore_mem>>)
      %mul3A_1370 = arith.constant 8 : i32
      %mul3A_1371 = arith.muli %select_n3A_913, %mul3A_1370 : i32
      %add3A_1372 = arith.constant 0 : i32
      %add3A_1373 = arith.addi %mul3A_1371, %add3A_1372 : i32
      %dma_start3A_1374 = arith.constant 3 : i32
      %dma_start3A_1375 = arith.constant 192 : i32
      %dma_start3A_1376 = arith.constant 0 : i32
      %dma_start3A_1377 = tpu.memref_slice %arg7[%dma_start3A_1375, %dma_start3A_1376] : memref<256x133xf32, #tpu.memory_space<vmem>> -> memref<8x128xf32, #tpu.memory_space<vmem>>
      %dma_start3A_1378 = arith.constant 0 : i32
      %dma_start3A_1379 = arith.constant 0 : i32
      %dma_start3A_1380 = tpu.memref_slice %arg4[%select_n3A_897, %dma_start3A_1374, %add3A_1373, %dma_start3A_1378, %dma_start3A_1379] : memref<50x4x128x8x128xf32, #tpu.memory_space<hbm>> -> memref<1x1x1x8x128xf32, #tpu.memory_space<hbm>>
      %dma_start3A_1381 = tpu.memref_squeeze %dma_start3A_1380 : memref<1x1x1x8x128xf32, #tpu.memory_space<hbm>> -> memref<8x128xf32, #tpu.memory_space<hbm>>
      %dma_start3A_1382 = arith.constant 0 : i32
      %dma_start3A_1383 = arith.constant 0 : i32
      %dma_start3A_1384 = tpu.memref_slice %arg4[%select_n3A_897, %dma_start3A_1374, %add3A_1373, %dma_start3A_1382, %dma_start3A_1383] : memref<50x4x128x8x128xf32, #tpu.memory_space<hbm>> -> memref<1x1x1x8x128xf32, #tpu.memory_space<hbm>>
      %dma_start3A_1385 = tpu.memref_squeeze %dma_start3A_1384 : memref<1x1x1x8x128xf32, #tpu.memory_space<hbm>> -> memref<8x128xf32, #tpu.memory_space<hbm>>
      %dma_start3A_1386 = arith.constant 192 : i32
      %dma_start3A_1387 = arith.constant 0 : i32
      %dma_start3A_1388 = tpu.memref_slice %arg7[%dma_start3A_1386, %dma_start3A_1387] : memref<256x133xf32, #tpu.memory_space<vmem>> -> memref<8x128xf32, #tpu.memory_space<vmem>>
      tpu.enqueue_dma source(%dma_start3A_1388 : memref<8x128xf32, #tpu.memory_space<vmem>>) target(%dma_start3A_1385 : memref<8x128xf32, #tpu.memory_space<hbm>>) target_semaphore(%arg10 : memref<!tpu.dma_semaphore, #tpu.memory_space<semaphore_mem>>)
      %mul3A_1389 = arith.constant 8 : i32
      %mul3A_1390 = arith.muli %select_n3A_913, %mul3A_1389 : i32
      %add3A_1391 = arith.constant 1 : i32
      %add3A_1392 = arith.addi %mul3A_1390, %add3A_1391 : i32
      %dma_start3A_1393 = arith.constant 3 : i32
      %dma_start3A_1394 = arith.constant 200 : i32
      %dma_start3A_1395 = arith.constant 0 : i32
      %dma_start3A_1396 = tpu.memref_slice %arg7[%dma_start3A_1394, %dma_start3A_1395] : memref<256x133xf32, #tpu.memory_space<vmem>> -> memref<8x128xf32, #tpu.memory_space<vmem>>
      %dma_start3A_1397 = arith.constant 0 : i32
      %dma_start3A_1398 = arith.constant 0 : i32
      %dma_start3A_1399 = tpu.memref_slice %arg4[%select_n3A_897, %dma_start3A_1393, %add3A_1392, %dma_start3A_1397, %dma_start3A_1398] : memref<50x4x128x8x128xf32, #tpu.memory_space<hbm>> -> memref<1x1x1x8x128xf32, #tpu.memory_space<hbm>>
      %dma_start3A_1400 = tpu.memref_squeeze %dma_start3A_1399 : memref<1x1x1x8x128xf32, #tpu.memory_space<hbm>> -> memref<8x128xf32, #tpu.memory_space<hbm>>
      %dma_start3A_1401 = arith.constant 0 : i32
      %dma_start3A_1402 = arith.constant 0 : i32
      %dma_start3A_1403 = tpu.memref_slice %arg4[%select_n3A_897, %dma_start3A_1393, %add3A_1392, %dma_start3A_1401, %dma_start3A_1402] : memref<50x4x128x8x128xf32, #tpu.memory_space<hbm>> -> memref<1x1x1x8x128xf32, #tpu.memory_space<hbm>>
      %dma_start3A_1404 = tpu.memref_squeeze %dma_start3A_1403 : memref<1x1x1x8x128xf32, #tpu.memory_space<hbm>> -> memref<8x128xf32, #tpu.memory_space<hbm>>
      %dma_start3A_1405 = arith.constant 200 : i32
      %dma_start3A_1406 = arith.constant 0 : i32
      %dma_start3A_1407 = tpu.memref_slice %arg7[%dma_start3A_1405, %dma_start3A_1406] : memref<256x133xf32, #tpu.memory_space<vmem>> -> memref<8x128xf32, #tpu.memory_space<vmem>>
      tpu.enqueue_dma source(%dma_start3A_1407 : memref<8x128xf32, #tpu.memory_space<vmem>>) target(%dma_start3A_1404 : memref<8x128xf32, #tpu.memory_space<hbm>>) target_semaphore(%arg10 : memref<!tpu.dma_semaphore, #tpu.memory_space<semaphore_mem>>)
      %mul3A_1408 = arith.constant 8 : i32
      %mul3A_1409 = arith.muli %select_n3A_913, %mul3A_1408 : i32
      %add3A_1410 = arith.constant 2 : i32
      %add3A_1411 = arith.addi %mul3A_1409, %add3A_1410 : i32
      %dma_start3A_1412 = arith.constant 3 : i32
      %dma_start3A_1413 = arith.constant 208 : i32
      %dma_start3A_1414 = arith.constant 0 : i32
      %dma_start3A_1415 = tpu.memref_slice %arg7[%dma_start3A_1413, %dma_start3A_1414] : memref<256x133xf32, #tpu.memory_space<vmem>> -> memref<8x128xf32, #tpu.memory_space<vmem>>
      %dma_start3A_1416 = arith.constant 0 : i32
      %dma_start3A_1417 = arith.constant 0 : i32
      %dma_start3A_1418 = tpu.memref_slice %arg4[%select_n3A_897, %dma_start3A_1412, %add3A_1411, %dma_start3A_1416, %dma_start3A_1417] : memref<50x4x128x8x128xf32, #tpu.memory_space<hbm>> -> memref<1x1x1x8x128xf32, #tpu.memory_space<hbm>>
      %dma_start3A_1419 = tpu.memref_squeeze %dma_start3A_1418 : memref<1x1x1x8x128xf32, #tpu.memory_space<hbm>> -> memref<8x128xf32, #tpu.memory_space<hbm>>
      %dma_start3A_1420 = arith.constant 0 : i32
      %dma_start3A_1421 = arith.constant 0 : i32
      %dma_start3A_1422 = tpu.memref_slice %arg4[%select_n3A_897, %dma_start3A_1412, %add3A_1411, %dma_start3A_1420, %dma_start3A_1421] : memref<50x4x128x8x128xf32, #tpu.memory_space<hbm>> -> memref<1x1x1x8x128xf32, #tpu.memory_space<hbm>>
      %dma_start3A_1423 = tpu.memref_squeeze %dma_start3A_1422 : memref<1x1x1x8x128xf32, #tpu.memory_space<hbm>> -> memref<8x128xf32, #tpu.memory_space<hbm>>
      %dma_start3A_1424 = arith.constant 208 : i32
      %dma_start3A_1425 = arith.constant 0 : i32
      %dma_start3A_1426 = tpu.memref_slice %arg7[%dma_start3A_1424, %dma_start3A_1425] : memref<256x133xf32, #tpu.memory_space<vmem>> -> memref<8x128xf32, #tpu.memory_space<vmem>>
      tpu.enqueue_dma source(%dma_start3A_1426 : memref<8x128xf32, #tpu.memory_space<vmem>>) target(%dma_start3A_1423 : memref<8x128xf32, #tpu.memory_space<hbm>>) target_semaphore(%arg10 : memref<!tpu.dma_semaphore, #tpu.memory_space<semaphore_mem>>)
      %mul3A_1427 = arith.constant 8 : i32
      %mul3A_1428 = arith.muli %select_n3A_913, %mul3A_1427 : i32
      %add3A_1429 = arith.constant 3 : i32
      %add3A_1430 = arith.addi %mul3A_1428, %add3A_1429 : i32
      %dma_start3A_1431 = arith.constant 3 : i32
      %dma_start3A_1432 = arith.constant 216 : i32
      %dma_start3A_1433 = arith.constant 0 : i32
      %dma_start3A_1434 = tpu.memref_slice %arg7[%dma_start3A_1432, %dma_start3A_1433] : memref<256x133xf32, #tpu.memory_space<vmem>> -> memref<8x128xf32, #tpu.memory_space<vmem>>
      %dma_start3A_1435 = arith.constant 0 : i32
      %dma_start3A_1436 = arith.constant 0 : i32
      %dma_start3A_1437 = tpu.memref_slice %arg4[%select_n3A_897, %dma_start3A_1431, %add3A_1430, %dma_start3A_1435, %dma_start3A_1436] : memref<50x4x128x8x128xf32, #tpu.memory_space<hbm>> -> memref<1x1x1x8x128xf32, #tpu.memory_space<hbm>>
      %dma_start3A_1438 = tpu.memref_squeeze %dma_start3A_1437 : memref<1x1x1x8x128xf32, #tpu.memory_space<hbm>> -> memref<8x128xf32, #tpu.memory_space<hbm>>
      %dma_start3A_1439 = arith.constant 0 : i32
      %dma_start3A_1440 = arith.constant 0 : i32
      %dma_start3A_1441 = tpu.memref_slice %arg4[%select_n3A_897, %dma_start3A_1431, %add3A_1430, %dma_start3A_1439, %dma_start3A_1440] : memref<50x4x128x8x128xf32, #tpu.memory_space<hbm>> -> memref<1x1x1x8x128xf32, #tpu.memory_space<hbm>>
      %dma_start3A_1442 = tpu.memref_squeeze %dma_start3A_1441 : memref<1x1x1x8x128xf32, #tpu.memory_space<hbm>> -> memref<8x128xf32, #tpu.memory_space<hbm>>
      %dma_start3A_1443 = arith.constant 216 : i32
      %dma_start3A_1444 = arith.constant 0 : i32
      %dma_start3A_1445 = tpu.memref_slice %arg7[%dma_start3A_1443, %dma_start3A_1444] : memref<256x133xf32, #tpu.memory_space<vmem>> -> memref<8x128xf32, #tpu.memory_space<vmem>>
      tpu.enqueue_dma source(%dma_start3A_1445 : memref<8x128xf32, #tpu.memory_space<vmem>>) target(%dma_start3A_1442 : memref<8x128xf32, #tpu.memory_space<hbm>>) target_semaphore(%arg10 : memref<!tpu.dma_semaphore, #tpu.memory_space<semaphore_mem>>)
      %mul3A_1446 = arith.constant 8 : i32
      %mul3A_1447 = arith.muli %select_n3A_913, %mul3A_1446 : i32
      %add3A_1448 = arith.constant 4 : i32
      %add3A_1449 = arith.addi %mul3A_1447, %add3A_1448 : i32
      %dma_start3A_1450 = arith.constant 3 : i32
      %dma_start3A_1451 = arith.constant 224 : i32
      %dma_start3A_1452 = arith.constant 0 : i32
      %dma_start3A_1453 = tpu.memref_slice %arg7[%dma_start3A_1451, %dma_start3A_1452] : memref<256x133xf32, #tpu.memory_space<vmem>> -> memref<8x128xf32, #tpu.memory_space<vmem>>
      %dma_start3A_1454 = arith.constant 0 : i32
      %dma_start3A_1455 = arith.constant 0 : i32
      %dma_start3A_1456 = tpu.memref_slice %arg4[%select_n3A_897, %dma_start3A_1450, %add3A_1449, %dma_start3A_1454, %dma_start3A_1455] : memref<50x4x128x8x128xf32, #tpu.memory_space<hbm>> -> memref<1x1x1x8x128xf32, #tpu.memory_space<hbm>>
      %dma_start3A_1457 = tpu.memref_squeeze %dma_start3A_1456 : memref<1x1x1x8x128xf32, #tpu.memory_space<hbm>> -> memref<8x128xf32, #tpu.memory_space<hbm>>
      %dma_start3A_1458 = arith.constant 0 : i32
      %dma_start3A_1459 = arith.constant 0 : i32
      %dma_start3A_1460 = tpu.memref_slice %arg4[%select_n3A_897, %dma_start3A_1450, %add3A_1449, %dma_start3A_1458, %dma_start3A_1459] : memref<50x4x128x8x128xf32, #tpu.memory_space<hbm>> -> memref<1x1x1x8x128xf32, #tpu.memory_space<hbm>>
      %dma_start3A_1461 = tpu.memref_squeeze %dma_start3A_1460 : memref<1x1x1x8x128xf32, #tpu.memory_space<hbm>> -> memref<8x128xf32, #tpu.memory_space<hbm>>
      %dma_start3A_1462 = arith.constant 224 : i32
      %dma_start3A_1463 = arith.constant 0 : i32
      %dma_start3A_1464 = tpu.memref_slice %arg7[%dma_start3A_1462, %dma_start3A_1463] : memref<256x133xf32, #tpu.memory_space<vmem>> -> memref<8x128xf32, #tpu.memory_space<vmem>>
      tpu.enqueue_dma source(%dma_start3A_1464 : memref<8x128xf32, #tpu.memory_space<vmem>>) target(%dma_start3A_1461 : memref<8x128xf32, #tpu.memory_space<hbm>>) target_semaphore(%arg10 : memref<!tpu.dma_semaphore, #tpu.memory_space<semaphore_mem>>)
      %mul3A_1465 = arith.constant 8 : i32
      %mul3A_1466 = arith.muli %select_n3A_913, %mul3A_1465 : i32
      %add3A_1467 = arith.constant 5 : i32
      %add3A_1468 = arith.addi %mul3A_1466, %add3A_1467 : i32
      %dma_start3A_1469 = arith.constant 3 : i32
      %dma_start3A_1470 = arith.constant 232 : i32
      %dma_start3A_1471 = arith.constant 0 : i32
      %dma_start3A_1472 = tpu.memref_slice %arg7[%dma_start3A_1470, %dma_start3A_1471] : memref<256x133xf32, #tpu.memory_space<vmem>> -> memref<8x128xf32, #tpu.memory_space<vmem>>
      %dma_start3A_1473 = arith.constant 0 : i32
      %dma_start3A_1474 = arith.constant 0 : i32
      %dma_start3A_1475 = tpu.memref_slice %arg4[%select_n3A_897, %dma_start3A_1469, %add3A_1468, %dma_start3A_1473, %dma_start3A_1474] : memref<50x4x128x8x128xf32, #tpu.memory_space<hbm>> -> memref<1x1x1x8x128xf32, #tpu.memory_space<hbm>>
      %dma_start3A_1476 = tpu.memref_squeeze %dma_start3A_1475 : memref<1x1x1x8x128xf32, #tpu.memory_space<hbm>> -> memref<8x128xf32, #tpu.memory_space<hbm>>
      %dma_start3A_1477 = arith.constant 0 : i32
      %dma_start3A_1478 = arith.constant 0 : i32
      %dma_start3A_1479 = tpu.memref_slice %arg4[%select_n3A_897, %dma_start3A_1469, %add3A_1468, %dma_start3A_1477, %dma_start3A_1478] : memref<50x4x128x8x128xf32, #tpu.memory_space<hbm>> -> memref<1x1x1x8x128xf32, #tpu.memory_space<hbm>>
      %dma_start3A_1480 = tpu.memref_squeeze %dma_start3A_1479 : memref<1x1x1x8x128xf32, #tpu.memory_space<hbm>> -> memref<8x128xf32, #tpu.memory_space<hbm>>
      %dma_start3A_1481 = arith.constant 232 : i32
      %dma_start3A_1482 = arith.constant 0 : i32
      %dma_start3A_1483 = tpu.memref_slice %arg7[%dma_start3A_1481, %dma_start3A_1482] : memref<256x133xf32, #tpu.memory_space<vmem>> -> memref<8x128xf32, #tpu.memory_space<vmem>>
      tpu.enqueue_dma source(%dma_start3A_1483 : memref<8x128xf32, #tpu.memory_space<vmem>>) target(%dma_start3A_1480 : memref<8x128xf32, #tpu.memory_space<hbm>>) target_semaphore(%arg10 : memref<!tpu.dma_semaphore, #tpu.memory_space<semaphore_mem>>)
      %mul3A_1484 = arith.constant 8 : i32
      %mul3A_1485 = arith.muli %select_n3A_913, %mul3A_1484 : i32
      %add3A_1486 = arith.constant 6 : i32
      %add3A_1487 = arith.addi %mul3A_1485, %add3A_1486 : i32
      %dma_start3A_1488 = arith.constant 3 : i32
      %dma_start3A_1489 = arith.constant 240 : i32
      %dma_start3A_1490 = arith.constant 0 : i32
      %dma_start3A_1491 = tpu.memref_slice %arg7[%dma_start3A_1489, %dma_start3A_1490] : memref<256x133xf32, #tpu.memory_space<vmem>> -> memref<8x128xf32, #tpu.memory_space<vmem>>
      %dma_start3A_1492 = arith.constant 0 : i32
      %dma_start3A_1493 = arith.constant 0 : i32
      %dma_start3A_1494 = tpu.memref_slice %arg4[%select_n3A_897, %dma_start3A_1488, %add3A_1487, %dma_start3A_1492, %dma_start3A_1493] : memref<50x4x128x8x128xf32, #tpu.memory_space<hbm>> -> memref<1x1x1x8x128xf32, #tpu.memory_space<hbm>>
      %dma_start3A_1495 = tpu.memref_squeeze %dma_start3A_1494 : memref<1x1x1x8x128xf32, #tpu.memory_space<hbm>> -> memref<8x128xf32, #tpu.memory_space<hbm>>
      %dma_start3A_1496 = arith.constant 0 : i32
      %dma_start3A_1497 = arith.constant 0 : i32
      %dma_start3A_1498 = tpu.memref_slice %arg4[%select_n3A_897, %dma_start3A_1488, %add3A_1487, %dma_start3A_1496, %dma_start3A_1497] : memref<50x4x128x8x128xf32, #tpu.memory_space<hbm>> -> memref<1x1x1x8x128xf32, #tpu.memory_space<hbm>>
      %dma_start3A_1499 = tpu.memref_squeeze %dma_start3A_1498 : memref<1x1x1x8x128xf32, #tpu.memory_space<hbm>> -> memref<8x128xf32, #tpu.memory_space<hbm>>
      %dma_start3A_1500 = arith.constant 240 : i32
      %dma_start3A_1501 = arith.constant 0 : i32
      %dma_start3A_1502 = tpu.memref_slice %arg7[%dma_start3A_1500, %dma_start3A_1501] : memref<256x133xf32, #tpu.memory_space<vmem>> -> memref<8x128xf32, #tpu.memory_space<vmem>>
      tpu.enqueue_dma source(%dma_start3A_1502 : memref<8x128xf32, #tpu.memory_space<vmem>>) target(%dma_start3A_1499 : memref<8x128xf32, #tpu.memory_space<hbm>>) target_semaphore(%arg10 : memref<!tpu.dma_semaphore, #tpu.memory_space<semaphore_mem>>)
      %mul3A_1503 = arith.constant 8 : i32
      %mul3A_1504 = arith.muli %select_n3A_913, %mul3A_1503 : i32
      %add3A_1505 = arith.constant 7 : i32
      %add3A_1506 = arith.addi %mul3A_1504, %add3A_1505 : i32
      %dma_start3A_1507 = arith.constant 3 : i32
      %dma_start3A_1508 = arith.constant 248 : i32
      %dma_start3A_1509 = arith.constant 0 : i32
      %dma_start3A_1510 = tpu.memref_slice %arg7[%dma_start3A_1508, %dma_start3A_1509] : memref<256x133xf32, #tpu.memory_space<vmem>> -> memref<8x128xf32, #tpu.memory_space<vmem>>
      %dma_start3A_1511 = arith.constant 0 : i32
      %dma_start3A_1512 = arith.constant 0 : i32
      %dma_start3A_1513 = tpu.memref_slice %arg4[%select_n3A_897, %dma_start3A_1507, %add3A_1506, %dma_start3A_1511, %dma_start3A_1512] : memref<50x4x128x8x128xf32, #tpu.memory_space<hbm>> -> memref<1x1x1x8x128xf32, #tpu.memory_space<hbm>>
      %dma_start3A_1514 = tpu.memref_squeeze %dma_start3A_1513 : memref<1x1x1x8x128xf32, #tpu.memory_space<hbm>> -> memref<8x128xf32, #tpu.memory_space<hbm>>
      %dma_start3A_1515 = arith.constant 0 : i32
      %dma_start3A_1516 = arith.constant 0 : i32
      %dma_start3A_1517 = tpu.memref_slice %arg4[%select_n3A_897, %dma_start3A_1507, %add3A_1506, %dma_start3A_1515, %dma_start3A_1516] : memref<50x4x128x8x128xf32, #tpu.memory_space<hbm>> -> memref<1x1x1x8x128xf32, #tpu.memory_space<hbm>>
      %dma_start3A_1518 = tpu.memref_squeeze %dma_start3A_1517 : memref<1x1x1x8x128xf32, #tpu.memory_space<hbm>> -> memref<8x128xf32, #tpu.memory_space<hbm>>
      %dma_start3A_1519 = arith.constant 248 : i32
      %dma_start3A_1520 = arith.constant 0 : i32
      %dma_start3A_1521 = tpu.memref_slice %arg7[%dma_start3A_1519, %dma_start3A_1520] : memref<256x133xf32, #tpu.memory_space<vmem>> -> memref<8x128xf32, #tpu.memory_space<vmem>>
      tpu.enqueue_dma source(%dma_start3A_1521 : memref<8x128xf32, #tpu.memory_space<vmem>>) target(%dma_start3A_1518 : memref<8x128xf32, #tpu.memory_space<hbm>>) target_semaphore(%arg10 : memref<!tpu.dma_semaphore, #tpu.memory_space<semaphore_mem>>)
    }
    %scan3A_191 = arith.constant 25 : i32
    %add3A_192 = arith.constant 25 : i32
    %add3A_193 = arith.addi %mul3A_2, %add3A_192 : i32
    %sub3A_194 = arith.constant 1 : i32
    %sub3A_195 = arith.subi %add3A_193, %sub3A_194 : i32
    %jit3A_196 = arith.constant 16 : i32
    %div3A_197 = arith.divsi %sub3A_195, %jit3A_196 : i32
    %sign3A_198 = arith.constant 0 : i32
    %sign3A_199 = arith.cmpi sgt, %sub3A_195, %sign3A_198 : i32
    %sign3A_200 = arith.extui %sign3A_199 : i1 to i32
    %sign3A_201 = arith.constant 0 : i32
    %sign3A_202 = arith.cmpi slt, %sub3A_195, %sign3A_201 : i32
    %sign3A_203 = arith.extui %sign3A_202 : i1 to i32
    %sign3A_204 = arith.subi %sign3A_200, %sign3A_203 : i32
    %sign3A_205 = arith.constant 0 : i32
    %sign3A_206 = arith.cmpi sgt, %jit3A_196, %sign3A_205 : i32
    %sign3A_207 = arith.extui %sign3A_206 : i1 to i32
    %sign3A_208 = arith.constant 0 : i32
    %sign3A_209 = arith.cmpi slt, %jit3A_196, %sign3A_208 : i32
    %sign3A_210 = arith.extui %sign3A_209 : i1 to i32
    %sign3A_211 = arith.subi %sign3A_207, %sign3A_210 : i32
    %ne3A_212 = arith.cmpi ne, %sign3A_204, %sign3A_211 : i32
    %rem3A_213 = arith.remsi %sub3A_195, %jit3A_196 : i32
    %ne3A_214 = arith.constant 0 : i32
    %ne3A_215 = arith.cmpi ne, %rem3A_213, %ne3A_214 : i32
    %and3A_216 = arith.andi %ne3A_212, %ne3A_215 : i1
    %sub3A_217 = arith.constant 1 : i32
    %sub3A_218 = arith.subi %div3A_197, %sub3A_217 : i32
    %select_n3A_219 = arith.select %and3A_216, %sub3A_218, %div3A_197 : i32
    %jit3A_220 = arith.constant 16 : i32
    %eq3A_221 = arith.constant 0 : i32
    %eq3A_222 = arith.cmpi eq, %jit3A_220, %eq3A_221 : i32
    %jit3A_223 = arith.constant 1 : i32
    %select_n3A_224 = arith.select %eq3A_222, %jit3A_223, %jit3A_220 : i32
    %rem3A_225 = arith.remsi %sub3A_195, %select_n3A_224 : i32
    %ne3A_226 = arith.constant 0 : i32
    %ne3A_227 = arith.cmpi ne, %rem3A_225, %ne3A_226 : i32
    %lt3A_228 = arith.constant 0 : i32
    %lt3A_229 = arith.cmpi slt, %rem3A_225, %lt3A_228 : i32
    %lt3A_230 = arith.constant 0 : i32
    %lt3A_231 = arith.cmpi slt, %select_n3A_224, %lt3A_230 : i32
    %ne3A_232 = arith.xori %lt3A_229, %lt3A_231 : i1
    %and3A_233 = arith.andi %ne3A_232, %ne3A_227 : i1
    %add3A_234 = arith.addi %rem3A_225, %select_n3A_224 : i32
    %select_n3A_235 = arith.select %and3A_233, %add3A_234, %rem3A_225 : i32
    %mul3A_236 = arith.constant 8 : i32
    %mul3A_237 = arith.muli %select_n3A_235, %mul3A_236 : i32
    %add3A_238 = arith.constant 0 : i32
    %add3A_239 = arith.addi %mul3A_237, %add3A_238 : i32
    %dma_wait3A = arith.constant 0 : i32
    %dma_wait3A_240 = arith.constant 0 : i32
    %dma_wait3A_241 = arith.constant 0 : i32
    %dma_wait3A_242 = tpu.memref_slice %arg7[%dma_wait3A_240, %dma_wait3A_241] : memref<256x133xf32, #tpu.memory_space<vmem>> -> memref<8x128xf32, #tpu.memory_space<vmem>>
    %dma_wait3A_243 = arith.constant 0 : i32
    %dma_wait3A_244 = arith.constant 0 : i32
    %dma_wait3A_245 = tpu.memref_slice %arg4[%select_n3A_219, %dma_wait3A, %add3A_239, %dma_wait3A_243, %dma_wait3A_244] : memref<50x4x128x8x128xf32, #tpu.memory_space<hbm>> -> memref<1x1x1x8x128xf32, #tpu.memory_space<hbm>>
    %dma_wait3A_246 = tpu.memref_squeeze %dma_wait3A_245 : memref<1x1x1x8x128xf32, #tpu.memory_space<hbm>> -> memref<8x128xf32, #tpu.memory_space<hbm>>
    %dma_wait3A_247 = arith.constant 0 : i32
    %dma_wait3A_248 = arith.constant 0 : i32
    %dma_wait3A_249 = tpu.memref_slice %arg4[%select_n3A_219, %dma_wait3A, %add3A_239, %dma_wait3A_247, %dma_wait3A_248] : memref<50x4x128x8x128xf32, #tpu.memory_space<hbm>> -> memref<1x1x1x8x128xf32, #tpu.memory_space<hbm>>
    %dma_wait3A_250 = tpu.memref_squeeze %dma_wait3A_249 : memref<1x1x1x8x128xf32, #tpu.memory_space<hbm>> -> memref<8x128xf32, #tpu.memory_space<hbm>>
    %dma_wait3A_251 = arith.constant 0 : i32
    %dma_wait3A_252 = arith.constant 0 : i32
    %dma_wait3A_253 = tpu.memref_slice %arg7[%dma_wait3A_251, %dma_wait3A_252] : memref<256x133xf32, #tpu.memory_space<vmem>> -> memref<8x128xf32, #tpu.memory_space<vmem>>
    tpu.wait_dma2 semaphore(%arg10 : memref<!tpu.dma_semaphore, #tpu.memory_space<semaphore_mem>>) src(%dma_wait3A_253 : memref<8x128xf32, #tpu.memory_space<vmem>>) dst(%dma_wait3A_250 : memref<8x128xf32, #tpu.memory_space<hbm>>)
    %mul3A_254 = arith.constant 8 : i32
    %mul3A_255 = arith.muli %select_n3A_235, %mul3A_254 : i32
    %add3A_256 = arith.constant 1 : i32
    %add3A_257 = arith.addi %mul3A_255, %add3A_256 : i32
    %dma_wait3A_258 = arith.constant 0 : i32
    %dma_wait3A_259 = arith.constant 8 : i32
    %dma_wait3A_260 = arith.constant 0 : i32
    %dma_wait3A_261 = tpu.memref_slice %arg7[%dma_wait3A_259, %dma_wait3A_260] : memref<256x133xf32, #tpu.memory_space<vmem>> -> memref<8x128xf32, #tpu.memory_space<vmem>>
    %dma_wait3A_262 = arith.constant 0 : i32
    %dma_wait3A_263 = arith.constant 0 : i32
    %dma_wait3A_264 = tpu.memref_slice %arg4[%select_n3A_219, %dma_wait3A_258, %add3A_257, %dma_wait3A_262, %dma_wait3A_263] : memref<50x4x128x8x128xf32, #tpu.memory_space<hbm>> -> memref<1x1x1x8x128xf32, #tpu.memory_space<hbm>>
    %dma_wait3A_265 = tpu.memref_squeeze %dma_wait3A_264 : memref<1x1x1x8x128xf32, #tpu.memory_space<hbm>> -> memref<8x128xf32, #tpu.memory_space<hbm>>
    %dma_wait3A_266 = arith.constant 0 : i32
    %dma_wait3A_267 = arith.constant 0 : i32
    %dma_wait3A_268 = tpu.memref_slice %arg4[%select_n3A_219, %dma_wait3A_258, %add3A_257, %dma_wait3A_266, %dma_wait3A_267] : memref<50x4x128x8x128xf32, #tpu.memory_space<hbm>> -> memref<1x1x1x8x128xf32, #tpu.memory_space<hbm>>
    %dma_wait3A_269 = tpu.memref_squeeze %dma_wait3A_268 : memref<1x1x1x8x128xf32, #tpu.memory_space<hbm>> -> memref<8x128xf32, #tpu.memory_space<hbm>>
    %dma_wait3A_270 = arith.constant 8 : i32
    %dma_wait3A_271 = arith.constant 0 : i32
    %dma_wait3A_272 = tpu.memref_slice %arg7[%dma_wait3A_270, %dma_wait3A_271] : memref<256x133xf32, #tpu.memory_space<vmem>> -> memref<8x128xf32, #tpu.memory_space<vmem>>
    tpu.wait_dma2 semaphore(%arg10 : memref<!tpu.dma_semaphore, #tpu.memory_space<semaphore_mem>>) src(%dma_wait3A_272 : memref<8x128xf32, #tpu.memory_space<vmem>>) dst(%dma_wait3A_269 : memref<8x128xf32, #tpu.memory_space<hbm>>)
    %mul3A_273 = arith.constant 8 : i32
    %mul3A_274 = arith.muli %select_n3A_235, %mul3A_273 : i32
    %add3A_275 = arith.constant 2 : i32
    %add3A_276 = arith.addi %mul3A_274, %add3A_275 : i32
    %dma_wait3A_277 = arith.constant 0 : i32
    %dma_wait3A_278 = arith.constant 16 : i32
    %dma_wait3A_279 = arith.constant 0 : i32
    %dma_wait3A_280 = tpu.memref_slice %arg7[%dma_wait3A_278, %dma_wait3A_279] : memref<256x133xf32, #tpu.memory_space<vmem>> -> memref<8x128xf32, #tpu.memory_space<vmem>>
    %dma_wait3A_281 = arith.constant 0 : i32
    %dma_wait3A_282 = arith.constant 0 : i32
    %dma_wait3A_283 = tpu.memref_slice %arg4[%select_n3A_219, %dma_wait3A_277, %add3A_276, %dma_wait3A_281, %dma_wait3A_282] : memref<50x4x128x8x128xf32, #tpu.memory_space<hbm>> -> memref<1x1x1x8x128xf32, #tpu.memory_space<hbm>>
    %dma_wait3A_284 = tpu.memref_squeeze %dma_wait3A_283 : memref<1x1x1x8x128xf32, #tpu.memory_space<hbm>> -> memref<8x128xf32, #tpu.memory_space<hbm>>
    %dma_wait3A_285 = arith.constant 0 : i32
    %dma_wait3A_286 = arith.constant 0 : i32
    %dma_wait3A_287 = tpu.memref_slice %arg4[%select_n3A_219, %dma_wait3A_277, %add3A_276, %dma_wait3A_285, %dma_wait3A_286] : memref<50x4x128x8x128xf32, #tpu.memory_space<hbm>> -> memref<1x1x1x8x128xf32, #tpu.memory_space<hbm>>
    %dma_wait3A_288 = tpu.memref_squeeze %dma_wait3A_287 : memref<1x1x1x8x128xf32, #tpu.memory_space<hbm>> -> memref<8x128xf32, #tpu.memory_space<hbm>>
    %dma_wait3A_289 = arith.constant 16 : i32
    %dma_wait3A_290 = arith.constant 0 : i32
    %dma_wait3A_291 = tpu.memref_slice %arg7[%dma_wait3A_289, %dma_wait3A_290] : memref<256x133xf32, #tpu.memory_space<vmem>> -> memref<8x128xf32, #tpu.memory_space<vmem>>
    tpu.wait_dma2 semaphore(%arg10 : memref<!tpu.dma_semaphore, #tpu.memory_space<semaphore_mem>>) src(%dma_wait3A_291 : memref<8x128xf32, #tpu.memory_space<vmem>>) dst(%dma_wait3A_288 : memref<8x128xf32, #tpu.memory_space<hbm>>)
    %mul3A_292 = arith.constant 8 : i32
    %mul3A_293 = arith.muli %select_n3A_235, %mul3A_292 : i32
    %add3A_294 = arith.constant 3 : i32
    %add3A_295 = arith.addi %mul3A_293, %add3A_294 : i32
    %dma_wait3A_296 = arith.constant 0 : i32
    %dma_wait3A_297 = arith.constant 24 : i32
    %dma_wait3A_298 = arith.constant 0 : i32
    %dma_wait3A_299 = tpu.memref_slice %arg7[%dma_wait3A_297, %dma_wait3A_298] : memref<256x133xf32, #tpu.memory_space<vmem>> -> memref<8x128xf32, #tpu.memory_space<vmem>>
    %dma_wait3A_300 = arith.constant 0 : i32
    %dma_wait3A_301 = arith.constant 0 : i32
    %dma_wait3A_302 = tpu.memref_slice %arg4[%select_n3A_219, %dma_wait3A_296, %add3A_295, %dma_wait3A_300, %dma_wait3A_301] : memref<50x4x128x8x128xf32, #tpu.memory_space<hbm>> -> memref<1x1x1x8x128xf32, #tpu.memory_space<hbm>>
    %dma_wait3A_303 = tpu.memref_squeeze %dma_wait3A_302 : memref<1x1x1x8x128xf32, #tpu.memory_space<hbm>> -> memref<8x128xf32, #tpu.memory_space<hbm>>
    %dma_wait3A_304 = arith.constant 0 : i32
    %dma_wait3A_305 = arith.constant 0 : i32
    %dma_wait3A_306 = tpu.memref_slice %arg4[%select_n3A_219, %dma_wait3A_296, %add3A_295, %dma_wait3A_304, %dma_wait3A_305] : memref<50x4x128x8x128xf32, #tpu.memory_space<hbm>> -> memref<1x1x1x8x128xf32, #tpu.memory_space<hbm>>
    %dma_wait3A_307 = tpu.memref_squeeze %dma_wait3A_306 : memref<1x1x1x8x128xf32, #tpu.memory_space<hbm>> -> memref<8x128xf32, #tpu.memory_space<hbm>>
    %dma_wait3A_308 = arith.constant 24 : i32
    %dma_wait3A_309 = arith.constant 0 : i32
    %dma_wait3A_310 = tpu.memref_slice %arg7[%dma_wait3A_308, %dma_wait3A_309] : memref<256x133xf32, #tpu.memory_space<vmem>> -> memref<8x128xf32, #tpu.memory_space<vmem>>
    tpu.wait_dma2 semaphore(%arg10 : memref<!tpu.dma_semaphore, #tpu.memory_space<semaphore_mem>>) src(%dma_wait3A_310 : memref<8x128xf32, #tpu.memory_space<vmem>>) dst(%dma_wait3A_307 : memref<8x128xf32, #tpu.memory_space<hbm>>)
    %mul3A_311 = arith.constant 8 : i32
    %mul3A_312 = arith.muli %select_n3A_235, %mul3A_311 : i32
    %add3A_313 = arith.constant 4 : i32
    %add3A_314 = arith.addi %mul3A_312, %add3A_313 : i32
    %dma_wait3A_315 = arith.constant 0 : i32
    %dma_wait3A_316 = arith.constant 32 : i32
    %dma_wait3A_317 = arith.constant 0 : i32
    %dma_wait3A_318 = tpu.memref_slice %arg7[%dma_wait3A_316, %dma_wait3A_317] : memref<256x133xf32, #tpu.memory_space<vmem>> -> memref<8x128xf32, #tpu.memory_space<vmem>>
    %dma_wait3A_319 = arith.constant 0 : i32
    %dma_wait3A_320 = arith.constant 0 : i32
    %dma_wait3A_321 = tpu.memref_slice %arg4[%select_n3A_219, %dma_wait3A_315, %add3A_314, %dma_wait3A_319, %dma_wait3A_320] : memref<50x4x128x8x128xf32, #tpu.memory_space<hbm>> -> memref<1x1x1x8x128xf32, #tpu.memory_space<hbm>>
    %dma_wait3A_322 = tpu.memref_squeeze %dma_wait3A_321 : memref<1x1x1x8x128xf32, #tpu.memory_space<hbm>> -> memref<8x128xf32, #tpu.memory_space<hbm>>
    %dma_wait3A_323 = arith.constant 0 : i32
    %dma_wait3A_324 = arith.constant 0 : i32
    %dma_wait3A_325 = tpu.memref_slice %arg4[%select_n3A_219, %dma_wait3A_315, %add3A_314, %dma_wait3A_323, %dma_wait3A_324] : memref<50x4x128x8x128xf32, #tpu.memory_space<hbm>> -> memref<1x1x1x8x128xf32, #tpu.memory_space<hbm>>
    %dma_wait3A_326 = tpu.memref_squeeze %dma_wait3A_325 : memref<1x1x1x8x128xf32, #tpu.memory_space<hbm>> -> memref<8x128xf32, #tpu.memory_space<hbm>>
    %dma_wait3A_327 = arith.constant 32 : i32
    %dma_wait3A_328 = arith.constant 0 : i32
    %dma_wait3A_329 = tpu.memref_slice %arg7[%dma_wait3A_327, %dma_wait3A_328] : memref<256x133xf32, #tpu.memory_space<vmem>> -> memref<8x128xf32, #tpu.memory_space<vmem>>
    tpu.wait_dma2 semaphore(%arg10 : memref<!tpu.dma_semaphore, #tpu.memory_space<semaphore_mem>>) src(%dma_wait3A_329 : memref<8x128xf32, #tpu.memory_space<vmem>>) dst(%dma_wait3A_326 : memref<8x128xf32, #tpu.memory_space<hbm>>)
    %mul3A_330 = arith.constant 8 : i32
    %mul3A_331 = arith.muli %select_n3A_235, %mul3A_330 : i32
    %add3A_332 = arith.constant 5 : i32
    %add3A_333 = arith.addi %mul3A_331, %add3A_332 : i32
    %dma_wait3A_334 = arith.constant 0 : i32
    %dma_wait3A_335 = arith.constant 40 : i32
    %dma_wait3A_336 = arith.constant 0 : i32
    %dma_wait3A_337 = tpu.memref_slice %arg7[%dma_wait3A_335, %dma_wait3A_336] : memref<256x133xf32, #tpu.memory_space<vmem>> -> memref<8x128xf32, #tpu.memory_space<vmem>>
    %dma_wait3A_338 = arith.constant 0 : i32
    %dma_wait3A_339 = arith.constant 0 : i32
    %dma_wait3A_340 = tpu.memref_slice %arg4[%select_n3A_219, %dma_wait3A_334, %add3A_333, %dma_wait3A_338, %dma_wait3A_339] : memref<50x4x128x8x128xf32, #tpu.memory_space<hbm>> -> memref<1x1x1x8x128xf32, #tpu.memory_space<hbm>>
    %dma_wait3A_341 = tpu.memref_squeeze %dma_wait3A_340 : memref<1x1x1x8x128xf32, #tpu.memory_space<hbm>> -> memref<8x128xf32, #tpu.memory_space<hbm>>
    %dma_wait3A_342 = arith.constant 0 : i32
    %dma_wait3A_343 = arith.constant 0 : i32
    %dma_wait3A_344 = tpu.memref_slice %arg4[%select_n3A_219, %dma_wait3A_334, %add3A_333, %dma_wait3A_342, %dma_wait3A_343] : memref<50x4x128x8x128xf32, #tpu.memory_space<hbm>> -> memref<1x1x1x8x128xf32, #tpu.memory_space<hbm>>
    %dma_wait3A_345 = tpu.memref_squeeze %dma_wait3A_344 : memref<1x1x1x8x128xf32, #tpu.memory_space<hbm>> -> memref<8x128xf32, #tpu.memory_space<hbm>>
    %dma_wait3A_346 = arith.constant 40 : i32
    %dma_wait3A_347 = arith.constant 0 : i32
    %dma_wait3A_348 = tpu.memref_slice %arg7[%dma_wait3A_346, %dma_wait3A_347] : memref<256x133xf32, #tpu.memory_space<vmem>> -> memref<8x128xf32, #tpu.memory_space<vmem>>
    tpu.wait_dma2 semaphore(%arg10 : memref<!tpu.dma_semaphore, #tpu.memory_space<semaphore_mem>>) src(%dma_wait3A_348 : memref<8x128xf32, #tpu.memory_space<vmem>>) dst(%dma_wait3A_345 : memref<8x128xf32, #tpu.memory_space<hbm>>)
    %mul3A_349 = arith.constant 8 : i32
    %mul3A_350 = arith.muli %select_n3A_235, %mul3A_349 : i32
    %add3A_351 = arith.constant 6 : i32
    %add3A_352 = arith.addi %mul3A_350, %add3A_351 : i32
    %dma_wait3A_353 = arith.constant 0 : i32
    %dma_wait3A_354 = arith.constant 48 : i32
    %dma_wait3A_355 = arith.constant 0 : i32
    %dma_wait3A_356 = tpu.memref_slice %arg7[%dma_wait3A_354, %dma_wait3A_355] : memref<256x133xf32, #tpu.memory_space<vmem>> -> memref<8x128xf32, #tpu.memory_space<vmem>>
    %dma_wait3A_357 = arith.constant 0 : i32
    %dma_wait3A_358 = arith.constant 0 : i32
    %dma_wait3A_359 = tpu.memref_slice %arg4[%select_n3A_219, %dma_wait3A_353, %add3A_352, %dma_wait3A_357, %dma_wait3A_358] : memref<50x4x128x8x128xf32, #tpu.memory_space<hbm>> -> memref<1x1x1x8x128xf32, #tpu.memory_space<hbm>>
    %dma_wait3A_360 = tpu.memref_squeeze %dma_wait3A_359 : memref<1x1x1x8x128xf32, #tpu.memory_space<hbm>> -> memref<8x128xf32, #tpu.memory_space<hbm>>
    %dma_wait3A_361 = arith.constant 0 : i32
    %dma_wait3A_362 = arith.constant 0 : i32
    %dma_wait3A_363 = tpu.memref_slice %arg4[%select_n3A_219, %dma_wait3A_353, %add3A_352, %dma_wait3A_361, %dma_wait3A_362] : memref<50x4x128x8x128xf32, #tpu.memory_space<hbm>> -> memref<1x1x1x8x128xf32, #tpu.memory_space<hbm>>
    %dma_wait3A_364 = tpu.memref_squeeze %dma_wait3A_363 : memref<1x1x1x8x128xf32, #tpu.memory_space<hbm>> -> memref<8x128xf32, #tpu.memory_space<hbm>>
    %dma_wait3A_365 = arith.constant 48 : i32
    %dma_wait3A_366 = arith.constant 0 : i32
    %dma_wait3A_367 = tpu.memref_slice %arg7[%dma_wait3A_365, %dma_wait3A_366] : memref<256x133xf32, #tpu.memory_space<vmem>> -> memref<8x128xf32, #tpu.memory_space<vmem>>
    tpu.wait_dma2 semaphore(%arg10 : memref<!tpu.dma_semaphore, #tpu.memory_space<semaphore_mem>>) src(%dma_wait3A_367 : memref<8x128xf32, #tpu.memory_space<vmem>>) dst(%dma_wait3A_364 : memref<8x128xf32, #tpu.memory_space<hbm>>)
    %mul3A_368 = arith.constant 8 : i32
    %mul3A_369 = arith.muli %select_n3A_235, %mul3A_368 : i32
    %add3A_370 = arith.constant 7 : i32
    %add3A_371 = arith.addi %mul3A_369, %add3A_370 : i32
    %dma_wait3A_372 = arith.constant 0 : i32
    %dma_wait3A_373 = arith.constant 56 : i32
    %dma_wait3A_374 = arith.constant 0 : i32
    %dma_wait3A_375 = tpu.memref_slice %arg7[%dma_wait3A_373, %dma_wait3A_374] : memref<256x133xf32, #tpu.memory_space<vmem>> -> memref<8x128xf32, #tpu.memory_space<vmem>>
    %dma_wait3A_376 = arith.constant 0 : i32
    %dma_wait3A_377 = arith.constant 0 : i32
    %dma_wait3A_378 = tpu.memref_slice %arg4[%select_n3A_219, %dma_wait3A_372, %add3A_371, %dma_wait3A_376, %dma_wait3A_377] : memref<50x4x128x8x128xf32, #tpu.memory_space<hbm>> -> memref<1x1x1x8x128xf32, #tpu.memory_space<hbm>>
    %dma_wait3A_379 = tpu.memref_squeeze %dma_wait3A_378 : memref<1x1x1x8x128xf32, #tpu.memory_space<hbm>> -> memref<8x128xf32, #tpu.memory_space<hbm>>
    %dma_wait3A_380 = arith.constant 0 : i32
    %dma_wait3A_381 = arith.constant 0 : i32
    %dma_wait3A_382 = tpu.memref_slice %arg4[%select_n3A_219, %dma_wait3A_372, %add3A_371, %dma_wait3A_380, %dma_wait3A_381] : memref<50x4x128x8x128xf32, #tpu.memory_space<hbm>> -> memref<1x1x1x8x128xf32, #tpu.memory_space<hbm>>
    %dma_wait3A_383 = tpu.memref_squeeze %dma_wait3A_382 : memref<1x1x1x8x128xf32, #tpu.memory_space<hbm>> -> memref<8x128xf32, #tpu.memory_space<hbm>>
    %dma_wait3A_384 = arith.constant 56 : i32
    %dma_wait3A_385 = arith.constant 0 : i32
    %dma_wait3A_386 = tpu.memref_slice %arg7[%dma_wait3A_384, %dma_wait3A_385] : memref<256x133xf32, #tpu.memory_space<vmem>> -> memref<8x128xf32, #tpu.memory_space<vmem>>
    tpu.wait_dma2 semaphore(%arg10 : memref<!tpu.dma_semaphore, #tpu.memory_space<semaphore_mem>>) src(%dma_wait3A_386 : memref<8x128xf32, #tpu.memory_space<vmem>>) dst(%dma_wait3A_383 : memref<8x128xf32, #tpu.memory_space<hbm>>)
    %mul3A_387 = arith.constant 8 : i32
    %mul3A_388 = arith.muli %select_n3A_235, %mul3A_387 : i32
    %add3A_389 = arith.constant 0 : i32
    %add3A_390 = arith.addi %mul3A_388, %add3A_389 : i32
    %dma_wait3A_391 = arith.constant 1 : i32
    %dma_wait3A_392 = arith.constant 64 : i32
    %dma_wait3A_393 = arith.constant 0 : i32
    %dma_wait3A_394 = tpu.memref_slice %arg7[%dma_wait3A_392, %dma_wait3A_393] : memref<256x133xf32, #tpu.memory_space<vmem>> -> memref<8x128xf32, #tpu.memory_space<vmem>>
    %dma_wait3A_395 = arith.constant 0 : i32
    %dma_wait3A_396 = arith.constant 0 : i32
    %dma_wait3A_397 = tpu.memref_slice %arg4[%select_n3A_219, %dma_wait3A_391, %add3A_390, %dma_wait3A_395, %dma_wait3A_396] : memref<50x4x128x8x128xf32, #tpu.memory_space<hbm>> -> memref<1x1x1x8x128xf32, #tpu.memory_space<hbm>>
    %dma_wait3A_398 = tpu.memref_squeeze %dma_wait3A_397 : memref<1x1x1x8x128xf32, #tpu.memory_space<hbm>> -> memref<8x128xf32, #tpu.memory_space<hbm>>
    %dma_wait3A_399 = arith.constant 0 : i32
    %dma_wait3A_400 = arith.constant 0 : i32
    %dma_wait3A_401 = tpu.memref_slice %arg4[%select_n3A_219, %dma_wait3A_391, %add3A_390, %dma_wait3A_399, %dma_wait3A_400] : memref<50x4x128x8x128xf32, #tpu.memory_space<hbm>> -> memref<1x1x1x8x128xf32, #tpu.memory_space<hbm>>
    %dma_wait3A_402 = tpu.memref_squeeze %dma_wait3A_401 : memref<1x1x1x8x128xf32, #tpu.memory_space<hbm>> -> memref<8x128xf32, #tpu.memory_space<hbm>>
    %dma_wait3A_403 = arith.constant 64 : i32
    %dma_wait3A_404 = arith.constant 0 : i32
    %dma_wait3A_405 = tpu.memref_slice %arg7[%dma_wait3A_403, %dma_wait3A_404] : memref<256x133xf32, #tpu.memory_space<vmem>> -> memref<8x128xf32, #tpu.memory_space<vmem>>
    tpu.wait_dma2 semaphore(%arg10 : memref<!tpu.dma_semaphore, #tpu.memory_space<semaphore_mem>>) src(%dma_wait3A_405 : memref<8x128xf32, #tpu.memory_space<vmem>>) dst(%dma_wait3A_402 : memref<8x128xf32, #tpu.memory_space<hbm>>)
    %mul3A_406 = arith.constant 8 : i32
    %mul3A_407 = arith.muli %select_n3A_235, %mul3A_406 : i32
    %add3A_408 = arith.constant 1 : i32
    %add3A_409 = arith.addi %mul3A_407, %add3A_408 : i32
    %dma_wait3A_410 = arith.constant 1 : i32
    %dma_wait3A_411 = arith.constant 72 : i32
    %dma_wait3A_412 = arith.constant 0 : i32
    %dma_wait3A_413 = tpu.memref_slice %arg7[%dma_wait3A_411, %dma_wait3A_412] : memref<256x133xf32, #tpu.memory_space<vmem>> -> memref<8x128xf32, #tpu.memory_space<vmem>>
    %dma_wait3A_414 = arith.constant 0 : i32
    %dma_wait3A_415 = arith.constant 0 : i32
    %dma_wait3A_416 = tpu.memref_slice %arg4[%select_n3A_219, %dma_wait3A_410, %add3A_409, %dma_wait3A_414, %dma_wait3A_415] : memref<50x4x128x8x128xf32, #tpu.memory_space<hbm>> -> memref<1x1x1x8x128xf32, #tpu.memory_space<hbm>>
    %dma_wait3A_417 = tpu.memref_squeeze %dma_wait3A_416 : memref<1x1x1x8x128xf32, #tpu.memory_space<hbm>> -> memref<8x128xf32, #tpu.memory_space<hbm>>
    %dma_wait3A_418 = arith.constant 0 : i32
    %dma_wait3A_419 = arith.constant 0 : i32
    %dma_wait3A_420 = tpu.memref_slice %arg4[%select_n3A_219, %dma_wait3A_410, %add3A_409, %dma_wait3A_418, %dma_wait3A_419] : memref<50x4x128x8x128xf32, #tpu.memory_space<hbm>> -> memref<1x1x1x8x128xf32, #tpu.memory_space<hbm>>
    %dma_wait3A_421 = tpu.memref_squeeze %dma_wait3A_420 : memref<1x1x1x8x128xf32, #tpu.memory_space<hbm>> -> memref<8x128xf32, #tpu.memory_space<hbm>>
    %dma_wait3A_422 = arith.constant 72 : i32
    %dma_wait3A_423 = arith.constant 0 : i32
    %dma_wait3A_424 = tpu.memref_slice %arg7[%dma_wait3A_422, %dma_wait3A_423] : memref<256x133xf32, #tpu.memory_space<vmem>> -> memref<8x128xf32, #tpu.memory_space<vmem>>
    tpu.wait_dma2 semaphore(%arg10 : memref<!tpu.dma_semaphore, #tpu.memory_space<semaphore_mem>>) src(%dma_wait3A_424 : memref<8x128xf32, #tpu.memory_space<vmem>>) dst(%dma_wait3A_421 : memref<8x128xf32, #tpu.memory_space<hbm>>)
    %mul3A_425 = arith.constant 8 : i32
    %mul3A_426 = arith.muli %select_n3A_235, %mul3A_425 : i32
    %add3A_427 = arith.constant 2 : i32
    %add3A_428 = arith.addi %mul3A_426, %add3A_427 : i32
    %dma_wait3A_429 = arith.constant 1 : i32
    %dma_wait3A_430 = arith.constant 80 : i32
    %dma_wait3A_431 = arith.constant 0 : i32
    %dma_wait3A_432 = tpu.memref_slice %arg7[%dma_wait3A_430, %dma_wait3A_431] : memref<256x133xf32, #tpu.memory_space<vmem>> -> memref<8x128xf32, #tpu.memory_space<vmem>>
    %dma_wait3A_433 = arith.constant 0 : i32
    %dma_wait3A_434 = arith.constant 0 : i32
    %dma_wait3A_435 = tpu.memref_slice %arg4[%select_n3A_219, %dma_wait3A_429, %add3A_428, %dma_wait3A_433, %dma_wait3A_434] : memref<50x4x128x8x128xf32, #tpu.memory_space<hbm>> -> memref<1x1x1x8x128xf32, #tpu.memory_space<hbm>>
    %dma_wait3A_436 = tpu.memref_squeeze %dma_wait3A_435 : memref<1x1x1x8x128xf32, #tpu.memory_space<hbm>> -> memref<8x128xf32, #tpu.memory_space<hbm>>
    %dma_wait3A_437 = arith.constant 0 : i32
    %dma_wait3A_438 = arith.constant 0 : i32
    %dma_wait3A_439 = tpu.memref_slice %arg4[%select_n3A_219, %dma_wait3A_429, %add3A_428, %dma_wait3A_437, %dma_wait3A_438] : memref<50x4x128x8x128xf32, #tpu.memory_space<hbm>> -> memref<1x1x1x8x128xf32, #tpu.memory_space<hbm>>
    %dma_wait3A_440 = tpu.memref_squeeze %dma_wait3A_439 : memref<1x1x1x8x128xf32, #tpu.memory_space<hbm>> -> memref<8x128xf32, #tpu.memory_space<hbm>>
    %dma_wait3A_441 = arith.constant 80 : i32
    %dma_wait3A_442 = arith.constant 0 : i32
    %dma_wait3A_443 = tpu.memref_slice %arg7[%dma_wait3A_441, %dma_wait3A_442] : memref<256x133xf32, #tpu.memory_space<vmem>> -> memref<8x128xf32, #tpu.memory_space<vmem>>
    tpu.wait_dma2 semaphore(%arg10 : memref<!tpu.dma_semaphore, #tpu.memory_space<semaphore_mem>>) src(%dma_wait3A_443 : memref<8x128xf32, #tpu.memory_space<vmem>>) dst(%dma_wait3A_440 : memref<8x128xf32, #tpu.memory_space<hbm>>)
    %mul3A_444 = arith.constant 8 : i32
    %mul3A_445 = arith.muli %select_n3A_235, %mul3A_444 : i32
    %add3A_446 = arith.constant 3 : i32
    %add3A_447 = arith.addi %mul3A_445, %add3A_446 : i32
    %dma_wait3A_448 = arith.constant 1 : i32
    %dma_wait3A_449 = arith.constant 88 : i32
    %dma_wait3A_450 = arith.constant 0 : i32
    %dma_wait3A_451 = tpu.memref_slice %arg7[%dma_wait3A_449, %dma_wait3A_450] : memref<256x133xf32, #tpu.memory_space<vmem>> -> memref<8x128xf32, #tpu.memory_space<vmem>>
    %dma_wait3A_452 = arith.constant 0 : i32
    %dma_wait3A_453 = arith.constant 0 : i32
    %dma_wait3A_454 = tpu.memref_slice %arg4[%select_n3A_219, %dma_wait3A_448, %add3A_447, %dma_wait3A_452, %dma_wait3A_453] : memref<50x4x128x8x128xf32, #tpu.memory_space<hbm>> -> memref<1x1x1x8x128xf32, #tpu.memory_space<hbm>>
    %dma_wait3A_455 = tpu.memref_squeeze %dma_wait3A_454 : memref<1x1x1x8x128xf32, #tpu.memory_space<hbm>> -> memref<8x128xf32, #tpu.memory_space<hbm>>
    %dma_wait3A_456 = arith.constant 0 : i32
    %dma_wait3A_457 = arith.constant 0 : i32
    %dma_wait3A_458 = tpu.memref_slice %arg4[%select_n3A_219, %dma_wait3A_448, %add3A_447, %dma_wait3A_456, %dma_wait3A_457] : memref<50x4x128x8x128xf32, #tpu.memory_space<hbm>> -> memref<1x1x1x8x128xf32, #tpu.memory_space<hbm>>
    %dma_wait3A_459 = tpu.memref_squeeze %dma_wait3A_458 : memref<1x1x1x8x128xf32, #tpu.memory_space<hbm>> -> memref<8x128xf32, #tpu.memory_space<hbm>>
    %dma_wait3A_460 = arith.constant 88 : i32
    %dma_wait3A_461 = arith.constant 0 : i32
    %dma_wait3A_462 = tpu.memref_slice %arg7[%dma_wait3A_460, %dma_wait3A_461] : memref<256x133xf32, #tpu.memory_space<vmem>> -> memref<8x128xf32, #tpu.memory_space<vmem>>
    tpu.wait_dma2 semaphore(%arg10 : memref<!tpu.dma_semaphore, #tpu.memory_space<semaphore_mem>>) src(%dma_wait3A_462 : memref<8x128xf32, #tpu.memory_space<vmem>>) dst(%dma_wait3A_459 : memref<8x128xf32, #tpu.memory_space<hbm>>)
    %mul3A_463 = arith.constant 8 : i32
    %mul3A_464 = arith.muli %select_n3A_235, %mul3A_463 : i32
    %add3A_465 = arith.constant 4 : i32
    %add3A_466 = arith.addi %mul3A_464, %add3A_465 : i32
    %dma_wait3A_467 = arith.constant 1 : i32
    %dma_wait3A_468 = arith.constant 96 : i32
    %dma_wait3A_469 = arith.constant 0 : i32
    %dma_wait3A_470 = tpu.memref_slice %arg7[%dma_wait3A_468, %dma_wait3A_469] : memref<256x133xf32, #tpu.memory_space<vmem>> -> memref<8x128xf32, #tpu.memory_space<vmem>>
    %dma_wait3A_471 = arith.constant 0 : i32
    %dma_wait3A_472 = arith.constant 0 : i32
    %dma_wait3A_473 = tpu.memref_slice %arg4[%select_n3A_219, %dma_wait3A_467, %add3A_466, %dma_wait3A_471, %dma_wait3A_472] : memref<50x4x128x8x128xf32, #tpu.memory_space<hbm>> -> memref<1x1x1x8x128xf32, #tpu.memory_space<hbm>>
    %dma_wait3A_474 = tpu.memref_squeeze %dma_wait3A_473 : memref<1x1x1x8x128xf32, #tpu.memory_space<hbm>> -> memref<8x128xf32, #tpu.memory_space<hbm>>
    %dma_wait3A_475 = arith.constant 0 : i32
    %dma_wait3A_476 = arith.constant 0 : i32
    %dma_wait3A_477 = tpu.memref_slice %arg4[%select_n3A_219, %dma_wait3A_467, %add3A_466, %dma_wait3A_475, %dma_wait3A_476] : memref<50x4x128x8x128xf32, #tpu.memory_space<hbm>> -> memref<1x1x1x8x128xf32, #tpu.memory_space<hbm>>
    %dma_wait3A_478 = tpu.memref_squeeze %dma_wait3A_477 : memref<1x1x1x8x128xf32, #tpu.memory_space<hbm>> -> memref<8x128xf32, #tpu.memory_space<hbm>>
    %dma_wait3A_479 = arith.constant 96 : i32
    %dma_wait3A_480 = arith.constant 0 : i32
    %dma_wait3A_481 = tpu.memref_slice %arg7[%dma_wait3A_479, %dma_wait3A_480] : memref<256x133xf32, #tpu.memory_space<vmem>> -> memref<8x128xf32, #tpu.memory_space<vmem>>
    tpu.wait_dma2 semaphore(%arg10 : memref<!tpu.dma_semaphore, #tpu.memory_space<semaphore_mem>>) src(%dma_wait3A_481 : memref<8x128xf32, #tpu.memory_space<vmem>>) dst(%dma_wait3A_478 : memref<8x128xf32, #tpu.memory_space<hbm>>)
    %mul3A_482 = arith.constant 8 : i32
    %mul3A_483 = arith.muli %select_n3A_235, %mul3A_482 : i32
    %add3A_484 = arith.constant 5 : i32
    %add3A_485 = arith.addi %mul3A_483, %add3A_484 : i32
    %dma_wait3A_486 = arith.constant 1 : i32
    %dma_wait3A_487 = arith.constant 104 : i32
    %dma_wait3A_488 = arith.constant 0 : i32
    %dma_wait3A_489 = tpu.memref_slice %arg7[%dma_wait3A_487, %dma_wait3A_488] : memref<256x133xf32, #tpu.memory_space<vmem>> -> memref<8x128xf32, #tpu.memory_space<vmem>>
    %dma_wait3A_490 = arith.constant 0 : i32
    %dma_wait3A_491 = arith.constant 0 : i32
    %dma_wait3A_492 = tpu.memref_slice %arg4[%select_n3A_219, %dma_wait3A_486, %add3A_485, %dma_wait3A_490, %dma_wait3A_491] : memref<50x4x128x8x128xf32, #tpu.memory_space<hbm>> -> memref<1x1x1x8x128xf32, #tpu.memory_space<hbm>>
    %dma_wait3A_493 = tpu.memref_squeeze %dma_wait3A_492 : memref<1x1x1x8x128xf32, #tpu.memory_space<hbm>> -> memref<8x128xf32, #tpu.memory_space<hbm>>
    %dma_wait3A_494 = arith.constant 0 : i32
    %dma_wait3A_495 = arith.constant 0 : i32
    %dma_wait3A_496 = tpu.memref_slice %arg4[%select_n3A_219, %dma_wait3A_486, %add3A_485, %dma_wait3A_494, %dma_wait3A_495] : memref<50x4x128x8x128xf32, #tpu.memory_space<hbm>> -> memref<1x1x1x8x128xf32, #tpu.memory_space<hbm>>
    %dma_wait3A_497 = tpu.memref_squeeze %dma_wait3A_496 : memref<1x1x1x8x128xf32, #tpu.memory_space<hbm>> -> memref<8x128xf32, #tpu.memory_space<hbm>>
    %dma_wait3A_498 = arith.constant 104 : i32
    %dma_wait3A_499 = arith.constant 0 : i32
    %dma_wait3A_500 = tpu.memref_slice %arg7[%dma_wait3A_498, %dma_wait3A_499] : memref<256x133xf32, #tpu.memory_space<vmem>> -> memref<8x128xf32, #tpu.memory_space<vmem>>
    tpu.wait_dma2 semaphore(%arg10 : memref<!tpu.dma_semaphore, #tpu.memory_space<semaphore_mem>>) src(%dma_wait3A_500 : memref<8x128xf32, #tpu.memory_space<vmem>>) dst(%dma_wait3A_497 : memref<8x128xf32, #tpu.memory_space<hbm>>)
    %mul3A_501 = arith.constant 8 : i32
    %mul3A_502 = arith.muli %select_n3A_235, %mul3A_501 : i32
    %add3A_503 = arith.constant 6 : i32
    %add3A_504 = arith.addi %mul3A_502, %add3A_503 : i32
    %dma_wait3A_505 = arith.constant 1 : i32
    %dma_wait3A_506 = arith.constant 112 : i32
    %dma_wait3A_507 = arith.constant 0 : i32
    %dma_wait3A_508 = tpu.memref_slice %arg7[%dma_wait3A_506, %dma_wait3A_507] : memref<256x133xf32, #tpu.memory_space<vmem>> -> memref<8x128xf32, #tpu.memory_space<vmem>>
    %dma_wait3A_509 = arith.constant 0 : i32
    %dma_wait3A_510 = arith.constant 0 : i32
    %dma_wait3A_511 = tpu.memref_slice %arg4[%select_n3A_219, %dma_wait3A_505, %add3A_504, %dma_wait3A_509, %dma_wait3A_510] : memref<50x4x128x8x128xf32, #tpu.memory_space<hbm>> -> memref<1x1x1x8x128xf32, #tpu.memory_space<hbm>>
    %dma_wait3A_512 = tpu.memref_squeeze %dma_wait3A_511 : memref<1x1x1x8x128xf32, #tpu.memory_space<hbm>> -> memref<8x128xf32, #tpu.memory_space<hbm>>
    %dma_wait3A_513 = arith.constant 0 : i32
    %dma_wait3A_514 = arith.constant 0 : i32
    %dma_wait3A_515 = tpu.memref_slice %arg4[%select_n3A_219, %dma_wait3A_505, %add3A_504, %dma_wait3A_513, %dma_wait3A_514] : memref<50x4x128x8x128xf32, #tpu.memory_space<hbm>> -> memref<1x1x1x8x128xf32, #tpu.memory_space<hbm>>
    %dma_wait3A_516 = tpu.memref_squeeze %dma_wait3A_515 : memref<1x1x1x8x128xf32, #tpu.memory_space<hbm>> -> memref<8x128xf32, #tpu.memory_space<hbm>>
    %dma_wait3A_517 = arith.constant 112 : i32
    %dma_wait3A_518 = arith.constant 0 : i32
    %dma_wait3A_519 = tpu.memref_slice %arg7[%dma_wait3A_517, %dma_wait3A_518] : memref<256x133xf32, #tpu.memory_space<vmem>> -> memref<8x128xf32, #tpu.memory_space<vmem>>
    tpu.wait_dma2 semaphore(%arg10 : memref<!tpu.dma_semaphore, #tpu.memory_space<semaphore_mem>>) src(%dma_wait3A_519 : memref<8x128xf32, #tpu.memory_space<vmem>>) dst(%dma_wait3A_516 : memref<8x128xf32, #tpu.memory_space<hbm>>)
    %mul3A_520 = arith.constant 8 : i32
    %mul3A_521 = arith.muli %select_n3A_235, %mul3A_520 : i32
    %add3A_522 = arith.constant 7 : i32
    %add3A_523 = arith.addi %mul3A_521, %add3A_522 : i32
    %dma_wait3A_524 = arith.constant 1 : i32
    %dma_wait3A_525 = arith.constant 120 : i32
    %dma_wait3A_526 = arith.constant 0 : i32
    %dma_wait3A_527 = tpu.memref_slice %arg7[%dma_wait3A_525, %dma_wait3A_526] : memref<256x133xf32, #tpu.memory_space<vmem>> -> memref<8x128xf32, #tpu.memory_space<vmem>>
    %dma_wait3A_528 = arith.constant 0 : i32
    %dma_wait3A_529 = arith.constant 0 : i32
    %dma_wait3A_530 = tpu.memref_slice %arg4[%select_n3A_219, %dma_wait3A_524, %add3A_523, %dma_wait3A_528, %dma_wait3A_529] : memref<50x4x128x8x128xf32, #tpu.memory_space<hbm>> -> memref<1x1x1x8x128xf32, #tpu.memory_space<hbm>>
    %dma_wait3A_531 = tpu.memref_squeeze %dma_wait3A_530 : memref<1x1x1x8x128xf32, #tpu.memory_space<hbm>> -> memref<8x128xf32, #tpu.memory_space<hbm>>
    %dma_wait3A_532 = arith.constant 0 : i32
    %dma_wait3A_533 = arith.constant 0 : i32
    %dma_wait3A_534 = tpu.memref_slice %arg4[%select_n3A_219, %dma_wait3A_524, %add3A_523, %dma_wait3A_532, %dma_wait3A_533] : memref<50x4x128x8x128xf32, #tpu.memory_space<hbm>> -> memref<1x1x1x8x128xf32, #tpu.memory_space<hbm>>
    %dma_wait3A_535 = tpu.memref_squeeze %dma_wait3A_534 : memref<1x1x1x8x128xf32, #tpu.memory_space<hbm>> -> memref<8x128xf32, #tpu.memory_space<hbm>>
    %dma_wait3A_536 = arith.constant 120 : i32
    %dma_wait3A_537 = arith.constant 0 : i32
    %dma_wait3A_538 = tpu.memref_slice %arg7[%dma_wait3A_536, %dma_wait3A_537] : memref<256x133xf32, #tpu.memory_space<vmem>> -> memref<8x128xf32, #tpu.memory_space<vmem>>
    tpu.wait_dma2 semaphore(%arg10 : memref<!tpu.dma_semaphore, #tpu.memory_space<semaphore_mem>>) src(%dma_wait3A_538 : memref<8x128xf32, #tpu.memory_space<vmem>>) dst(%dma_wait3A_535 : memref<8x128xf32, #tpu.memory_space<hbm>>)
    %mul3A_539 = arith.constant 8 : i32
    %mul3A_540 = arith.muli %select_n3A_235, %mul3A_539 : i32
    %add3A_541 = arith.constant 0 : i32
    %add3A_542 = arith.addi %mul3A_540, %add3A_541 : i32
    %dma_wait3A_543 = arith.constant 2 : i32
    %dma_wait3A_544 = arith.constant 128 : i32
    %dma_wait3A_545 = arith.constant 0 : i32
    %dma_wait3A_546 = tpu.memref_slice %arg7[%dma_wait3A_544, %dma_wait3A_545] : memref<256x133xf32, #tpu.memory_space<vmem>> -> memref<8x128xf32, #tpu.memory_space<vmem>>
    %dma_wait3A_547 = arith.constant 0 : i32
    %dma_wait3A_548 = arith.constant 0 : i32
    %dma_wait3A_549 = tpu.memref_slice %arg4[%select_n3A_219, %dma_wait3A_543, %add3A_542, %dma_wait3A_547, %dma_wait3A_548] : memref<50x4x128x8x128xf32, #tpu.memory_space<hbm>> -> memref<1x1x1x8x128xf32, #tpu.memory_space<hbm>>
    %dma_wait3A_550 = tpu.memref_squeeze %dma_wait3A_549 : memref<1x1x1x8x128xf32, #tpu.memory_space<hbm>> -> memref<8x128xf32, #tpu.memory_space<hbm>>
    %dma_wait3A_551 = arith.constant 0 : i32
    %dma_wait3A_552 = arith.constant 0 : i32
    %dma_wait3A_553 = tpu.memref_slice %arg4[%select_n3A_219, %dma_wait3A_543, %add3A_542, %dma_wait3A_551, %dma_wait3A_552] : memref<50x4x128x8x128xf32, #tpu.memory_space<hbm>> -> memref<1x1x1x8x128xf32, #tpu.memory_space<hbm>>
    %dma_wait3A_554 = tpu.memref_squeeze %dma_wait3A_553 : memref<1x1x1x8x128xf32, #tpu.memory_space<hbm>> -> memref<8x128xf32, #tpu.memory_space<hbm>>
    %dma_wait3A_555 = arith.constant 128 : i32
    %dma_wait3A_556 = arith.constant 0 : i32
    %dma_wait3A_557 = tpu.memref_slice %arg7[%dma_wait3A_555, %dma_wait3A_556] : memref<256x133xf32, #tpu.memory_space<vmem>> -> memref<8x128xf32, #tpu.memory_space<vmem>>
    tpu.wait_dma2 semaphore(%arg10 : memref<!tpu.dma_semaphore, #tpu.memory_space<semaphore_mem>>) src(%dma_wait3A_557 : memref<8x128xf32, #tpu.memory_space<vmem>>) dst(%dma_wait3A_554 : memref<8x128xf32, #tpu.memory_space<hbm>>)
    %mul3A_558 = arith.constant 8 : i32
    %mul3A_559 = arith.muli %select_n3A_235, %mul3A_558 : i32
    %add3A_560 = arith.constant 1 : i32
    %add3A_561 = arith.addi %mul3A_559, %add3A_560 : i32
    %dma_wait3A_562 = arith.constant 2 : i32
    %dma_wait3A_563 = arith.constant 136 : i32
    %dma_wait3A_564 = arith.constant 0 : i32
    %dma_wait3A_565 = tpu.memref_slice %arg7[%dma_wait3A_563, %dma_wait3A_564] : memref<256x133xf32, #tpu.memory_space<vmem>> -> memref<8x128xf32, #tpu.memory_space<vmem>>
    %dma_wait3A_566 = arith.constant 0 : i32
    %dma_wait3A_567 = arith.constant 0 : i32
    %dma_wait3A_568 = tpu.memref_slice %arg4[%select_n3A_219, %dma_wait3A_562, %add3A_561, %dma_wait3A_566, %dma_wait3A_567] : memref<50x4x128x8x128xf32, #tpu.memory_space<hbm>> -> memref<1x1x1x8x128xf32, #tpu.memory_space<hbm>>
    %dma_wait3A_569 = tpu.memref_squeeze %dma_wait3A_568 : memref<1x1x1x8x128xf32, #tpu.memory_space<hbm>> -> memref<8x128xf32, #tpu.memory_space<hbm>>
    %dma_wait3A_570 = arith.constant 0 : i32
    %dma_wait3A_571 = arith.constant 0 : i32
    %dma_wait3A_572 = tpu.memref_slice %arg4[%select_n3A_219, %dma_wait3A_562, %add3A_561, %dma_wait3A_570, %dma_wait3A_571] : memref<50x4x128x8x128xf32, #tpu.memory_space<hbm>> -> memref<1x1x1x8x128xf32, #tpu.memory_space<hbm>>
    %dma_wait3A_573 = tpu.memref_squeeze %dma_wait3A_572 : memref<1x1x1x8x128xf32, #tpu.memory_space<hbm>> -> memref<8x128xf32, #tpu.memory_space<hbm>>
    %dma_wait3A_574 = arith.constant 136 : i32
    %dma_wait3A_575 = arith.constant 0 : i32
    %dma_wait3A_576 = tpu.memref_slice %arg7[%dma_wait3A_574, %dma_wait3A_575] : memref<256x133xf32, #tpu.memory_space<vmem>> -> memref<8x128xf32, #tpu.memory_space<vmem>>
    tpu.wait_dma2 semaphore(%arg10 : memref<!tpu.dma_semaphore, #tpu.memory_space<semaphore_mem>>) src(%dma_wait3A_576 : memref<8x128xf32, #tpu.memory_space<vmem>>) dst(%dma_wait3A_573 : memref<8x128xf32, #tpu.memory_space<hbm>>)
    %mul3A_577 = arith.constant 8 : i32
    %mul3A_578 = arith.muli %select_n3A_235, %mul3A_577 : i32
    %add3A_579 = arith.constant 2 : i32
    %add3A_580 = arith.addi %mul3A_578, %add3A_579 : i32
    %dma_wait3A_581 = arith.constant 2 : i32
    %dma_wait3A_582 = arith.constant 144 : i32
    %dma_wait3A_583 = arith.constant 0 : i32
    %dma_wait3A_584 = tpu.memref_slice %arg7[%dma_wait3A_582, %dma_wait3A_583] : memref<256x133xf32, #tpu.memory_space<vmem>> -> memref<8x128xf32, #tpu.memory_space<vmem>>
    %dma_wait3A_585 = arith.constant 0 : i32
    %dma_wait3A_586 = arith.constant 0 : i32
    %dma_wait3A_587 = tpu.memref_slice %arg4[%select_n3A_219, %dma_wait3A_581, %add3A_580, %dma_wait3A_585, %dma_wait3A_586] : memref<50x4x128x8x128xf32, #tpu.memory_space<hbm>> -> memref<1x1x1x8x128xf32, #tpu.memory_space<hbm>>
    %dma_wait3A_588 = tpu.memref_squeeze %dma_wait3A_587 : memref<1x1x1x8x128xf32, #tpu.memory_space<hbm>> -> memref<8x128xf32, #tpu.memory_space<hbm>>
    %dma_wait3A_589 = arith.constant 0 : i32
    %dma_wait3A_590 = arith.constant 0 : i32
    %dma_wait3A_591 = tpu.memref_slice %arg4[%select_n3A_219, %dma_wait3A_581, %add3A_580, %dma_wait3A_589, %dma_wait3A_590] : memref<50x4x128x8x128xf32, #tpu.memory_space<hbm>> -> memref<1x1x1x8x128xf32, #tpu.memory_space<hbm>>
    %dma_wait3A_592 = tpu.memref_squeeze %dma_wait3A_591 : memref<1x1x1x8x128xf32, #tpu.memory_space<hbm>> -> memref<8x128xf32, #tpu.memory_space<hbm>>
    %dma_wait3A_593 = arith.constant 144 : i32
    %dma_wait3A_594 = arith.constant 0 : i32
    %dma_wait3A_595 = tpu.memref_slice %arg7[%dma_wait3A_593, %dma_wait3A_594] : memref<256x133xf32, #tpu.memory_space<vmem>> -> memref<8x128xf32, #tpu.memory_space<vmem>>
    tpu.wait_dma2 semaphore(%arg10 : memref<!tpu.dma_semaphore, #tpu.memory_space<semaphore_mem>>) src(%dma_wait3A_595 : memref<8x128xf32, #tpu.memory_space<vmem>>) dst(%dma_wait3A_592 : memref<8x128xf32, #tpu.memory_space<hbm>>)
    %mul3A_596 = arith.constant 8 : i32
    %mul3A_597 = arith.muli %select_n3A_235, %mul3A_596 : i32
    %add3A_598 = arith.constant 3 : i32
    %add3A_599 = arith.addi %mul3A_597, %add3A_598 : i32
    %dma_wait3A_600 = arith.constant 2 : i32
    %dma_wait3A_601 = arith.constant 152 : i32
    %dma_wait3A_602 = arith.constant 0 : i32
    %dma_wait3A_603 = tpu.memref_slice %arg7[%dma_wait3A_601, %dma_wait3A_602] : memref<256x133xf32, #tpu.memory_space<vmem>> -> memref<8x128xf32, #tpu.memory_space<vmem>>
    %dma_wait3A_604 = arith.constant 0 : i32
    %dma_wait3A_605 = arith.constant 0 : i32
    %dma_wait3A_606 = tpu.memref_slice %arg4[%select_n3A_219, %dma_wait3A_600, %add3A_599, %dma_wait3A_604, %dma_wait3A_605] : memref<50x4x128x8x128xf32, #tpu.memory_space<hbm>> -> memref<1x1x1x8x128xf32, #tpu.memory_space<hbm>>
    %dma_wait3A_607 = tpu.memref_squeeze %dma_wait3A_606 : memref<1x1x1x8x128xf32, #tpu.memory_space<hbm>> -> memref<8x128xf32, #tpu.memory_space<hbm>>
    %dma_wait3A_608 = arith.constant 0 : i32
    %dma_wait3A_609 = arith.constant 0 : i32
    %dma_wait3A_610 = tpu.memref_slice %arg4[%select_n3A_219, %dma_wait3A_600, %add3A_599, %dma_wait3A_608, %dma_wait3A_609] : memref<50x4x128x8x128xf32, #tpu.memory_space<hbm>> -> memref<1x1x1x8x128xf32, #tpu.memory_space<hbm>>
    %dma_wait3A_611 = tpu.memref_squeeze %dma_wait3A_610 : memref<1x1x1x8x128xf32, #tpu.memory_space<hbm>> -> memref<8x128xf32, #tpu.memory_space<hbm>>
    %dma_wait3A_612 = arith.constant 152 : i32
    %dma_wait3A_613 = arith.constant 0 : i32
    %dma_wait3A_614 = tpu.memref_slice %arg7[%dma_wait3A_612, %dma_wait3A_613] : memref<256x133xf32, #tpu.memory_space<vmem>> -> memref<8x128xf32, #tpu.memory_space<vmem>>
    tpu.wait_dma2 semaphore(%arg10 : memref<!tpu.dma_semaphore, #tpu.memory_space<semaphore_mem>>) src(%dma_wait3A_614 : memref<8x128xf32, #tpu.memory_space<vmem>>) dst(%dma_wait3A_611 : memref<8x128xf32, #tpu.memory_space<hbm>>)
    %mul3A_615 = arith.constant 8 : i32
    %mul3A_616 = arith.muli %select_n3A_235, %mul3A_615 : i32
    %add3A_617 = arith.constant 4 : i32
    %add3A_618 = arith.addi %mul3A_616, %add3A_617 : i32
    %dma_wait3A_619 = arith.constant 2 : i32
    %dma_wait3A_620 = arith.constant 160 : i32
    %dma_wait3A_621 = arith.constant 0 : i32
    %dma_wait3A_622 = tpu.memref_slice %arg7[%dma_wait3A_620, %dma_wait3A_621] : memref<256x133xf32, #tpu.memory_space<vmem>> -> memref<8x128xf32, #tpu.memory_space<vmem>>
    %dma_wait3A_623 = arith.constant 0 : i32
    %dma_wait3A_624 = arith.constant 0 : i32
    %dma_wait3A_625 = tpu.memref_slice %arg4[%select_n3A_219, %dma_wait3A_619, %add3A_618, %dma_wait3A_623, %dma_wait3A_624] : memref<50x4x128x8x128xf32, #tpu.memory_space<hbm>> -> memref<1x1x1x8x128xf32, #tpu.memory_space<hbm>>
    %dma_wait3A_626 = tpu.memref_squeeze %dma_wait3A_625 : memref<1x1x1x8x128xf32, #tpu.memory_space<hbm>> -> memref<8x128xf32, #tpu.memory_space<hbm>>
    %dma_wait3A_627 = arith.constant 0 : i32
    %dma_wait3A_628 = arith.constant 0 : i32
    %dma_wait3A_629 = tpu.memref_slice %arg4[%select_n3A_219, %dma_wait3A_619, %add3A_618, %dma_wait3A_627, %dma_wait3A_628] : memref<50x4x128x8x128xf32, #tpu.memory_space<hbm>> -> memref<1x1x1x8x128xf32, #tpu.memory_space<hbm>>
    %dma_wait3A_630 = tpu.memref_squeeze %dma_wait3A_629 : memref<1x1x1x8x128xf32, #tpu.memory_space<hbm>> -> memref<8x128xf32, #tpu.memory_space<hbm>>
    %dma_wait3A_631 = arith.constant 160 : i32
    %dma_wait3A_632 = arith.constant 0 : i32
    %dma_wait3A_633 = tpu.memref_slice %arg7[%dma_wait3A_631, %dma_wait3A_632] : memref<256x133xf32, #tpu.memory_space<vmem>> -> memref<8x128xf32, #tpu.memory_space<vmem>>
    tpu.wait_dma2 semaphore(%arg10 : memref<!tpu.dma_semaphore, #tpu.memory_space<semaphore_mem>>) src(%dma_wait3A_633 : memref<8x128xf32, #tpu.memory_space<vmem>>) dst(%dma_wait3A_630 : memref<8x128xf32, #tpu.memory_space<hbm>>)
    %mul3A_634 = arith.constant 8 : i32
    %mul3A_635 = arith.muli %select_n3A_235, %mul3A_634 : i32
    %add3A_636 = arith.constant 5 : i32
    %add3A_637 = arith.addi %mul3A_635, %add3A_636 : i32
    %dma_wait3A_638 = arith.constant 2 : i32
    %dma_wait3A_639 = arith.constant 168 : i32
    %dma_wait3A_640 = arith.constant 0 : i32
    %dma_wait3A_641 = tpu.memref_slice %arg7[%dma_wait3A_639, %dma_wait3A_640] : memref<256x133xf32, #tpu.memory_space<vmem>> -> memref<8x128xf32, #tpu.memory_space<vmem>>
    %dma_wait3A_642 = arith.constant 0 : i32
    %dma_wait3A_643 = arith.constant 0 : i32
    %dma_wait3A_644 = tpu.memref_slice %arg4[%select_n3A_219, %dma_wait3A_638, %add3A_637, %dma_wait3A_642, %dma_wait3A_643] : memref<50x4x128x8x128xf32, #tpu.memory_space<hbm>> -> memref<1x1x1x8x128xf32, #tpu.memory_space<hbm>>
    %dma_wait3A_645 = tpu.memref_squeeze %dma_wait3A_644 : memref<1x1x1x8x128xf32, #tpu.memory_space<hbm>> -> memref<8x128xf32, #tpu.memory_space<hbm>>
    %dma_wait3A_646 = arith.constant 0 : i32
    %dma_wait3A_647 = arith.constant 0 : i32
    %dma_wait3A_648 = tpu.memref_slice %arg4[%select_n3A_219, %dma_wait3A_638, %add3A_637, %dma_wait3A_646, %dma_wait3A_647] : memref<50x4x128x8x128xf32, #tpu.memory_space<hbm>> -> memref<1x1x1x8x128xf32, #tpu.memory_space<hbm>>
    %dma_wait3A_649 = tpu.memref_squeeze %dma_wait3A_648 : memref<1x1x1x8x128xf32, #tpu.memory_space<hbm>> -> memref<8x128xf32, #tpu.memory_space<hbm>>
    %dma_wait3A_650 = arith.constant 168 : i32
    %dma_wait3A_651 = arith.constant 0 : i32
    %dma_wait3A_652 = tpu.memref_slice %arg7[%dma_wait3A_650, %dma_wait3A_651] : memref<256x133xf32, #tpu.memory_space<vmem>> -> memref<8x128xf32, #tpu.memory_space<vmem>>
    tpu.wait_dma2 semaphore(%arg10 : memref<!tpu.dma_semaphore, #tpu.memory_space<semaphore_mem>>) src(%dma_wait3A_652 : memref<8x128xf32, #tpu.memory_space<vmem>>) dst(%dma_wait3A_649 : memref<8x128xf32, #tpu.memory_space<hbm>>)
    %mul3A_653 = arith.constant 8 : i32
    %mul3A_654 = arith.muli %select_n3A_235, %mul3A_653 : i32
    %add3A_655 = arith.constant 6 : i32
    %add3A_656 = arith.addi %mul3A_654, %add3A_655 : i32
    %dma_wait3A_657 = arith.constant 2 : i32
    %dma_wait3A_658 = arith.constant 176 : i32
    %dma_wait3A_659 = arith.constant 0 : i32
    %dma_wait3A_660 = tpu.memref_slice %arg7[%dma_wait3A_658, %dma_wait3A_659] : memref<256x133xf32, #tpu.memory_space<vmem>> -> memref<8x128xf32, #tpu.memory_space<vmem>>
    %dma_wait3A_661 = arith.constant 0 : i32
    %dma_wait3A_662 = arith.constant 0 : i32
    %dma_wait3A_663 = tpu.memref_slice %arg4[%select_n3A_219, %dma_wait3A_657, %add3A_656, %dma_wait3A_661, %dma_wait3A_662] : memref<50x4x128x8x128xf32, #tpu.memory_space<hbm>> -> memref<1x1x1x8x128xf32, #tpu.memory_space<hbm>>
    %dma_wait3A_664 = tpu.memref_squeeze %dma_wait3A_663 : memref<1x1x1x8x128xf32, #tpu.memory_space<hbm>> -> memref<8x128xf32, #tpu.memory_space<hbm>>
    %dma_wait3A_665 = arith.constant 0 : i32
    %dma_wait3A_666 = arith.constant 0 : i32
    %dma_wait3A_667 = tpu.memref_slice %arg4[%select_n3A_219, %dma_wait3A_657, %add3A_656, %dma_wait3A_665, %dma_wait3A_666] : memref<50x4x128x8x128xf32, #tpu.memory_space<hbm>> -> memref<1x1x1x8x128xf32, #tpu.memory_space<hbm>>
    %dma_wait3A_668 = tpu.memref_squeeze %dma_wait3A_667 : memref<1x1x1x8x128xf32, #tpu.memory_space<hbm>> -> memref<8x128xf32, #tpu.memory_space<hbm>>
    %dma_wait3A_669 = arith.constant 176 : i32
    %dma_wait3A_670 = arith.constant 0 : i32
    %dma_wait3A_671 = tpu.memref_slice %arg7[%dma_wait3A_669, %dma_wait3A_670] : memref<256x133xf32, #tpu.memory_space<vmem>> -> memref<8x128xf32, #tpu.memory_space<vmem>>
    tpu.wait_dma2 semaphore(%arg10 : memref<!tpu.dma_semaphore, #tpu.memory_space<semaphore_mem>>) src(%dma_wait3A_671 : memref<8x128xf32, #tpu.memory_space<vmem>>) dst(%dma_wait3A_668 : memref<8x128xf32, #tpu.memory_space<hbm>>)
    %mul3A_672 = arith.constant 8 : i32
    %mul3A_673 = arith.muli %select_n3A_235, %mul3A_672 : i32
    %add3A_674 = arith.constant 7 : i32
    %add3A_675 = arith.addi %mul3A_673, %add3A_674 : i32
    %dma_wait3A_676 = arith.constant 2 : i32
    %dma_wait3A_677 = arith.constant 184 : i32
    %dma_wait3A_678 = arith.constant 0 : i32
    %dma_wait3A_679 = tpu.memref_slice %arg7[%dma_wait3A_677, %dma_wait3A_678] : memref<256x133xf32, #tpu.memory_space<vmem>> -> memref<8x128xf32, #tpu.memory_space<vmem>>
    %dma_wait3A_680 = arith.constant 0 : i32
    %dma_wait3A_681 = arith.constant 0 : i32
    %dma_wait3A_682 = tpu.memref_slice %arg4[%select_n3A_219, %dma_wait3A_676, %add3A_675, %dma_wait3A_680, %dma_wait3A_681] : memref<50x4x128x8x128xf32, #tpu.memory_space<hbm>> -> memref<1x1x1x8x128xf32, #tpu.memory_space<hbm>>
    %dma_wait3A_683 = tpu.memref_squeeze %dma_wait3A_682 : memref<1x1x1x8x128xf32, #tpu.memory_space<hbm>> -> memref<8x128xf32, #tpu.memory_space<hbm>>
    %dma_wait3A_684 = arith.constant 0 : i32
    %dma_wait3A_685 = arith.constant 0 : i32
    %dma_wait3A_686 = tpu.memref_slice %arg4[%select_n3A_219, %dma_wait3A_676, %add3A_675, %dma_wait3A_684, %dma_wait3A_685] : memref<50x4x128x8x128xf32, #tpu.memory_space<hbm>> -> memref<1x1x1x8x128xf32, #tpu.memory_space<hbm>>
    %dma_wait3A_687 = tpu.memref_squeeze %dma_wait3A_686 : memref<1x1x1x8x128xf32, #tpu.memory_space<hbm>> -> memref<8x128xf32, #tpu.memory_space<hbm>>
    %dma_wait3A_688 = arith.constant 184 : i32
    %dma_wait3A_689 = arith.constant 0 : i32
    %dma_wait3A_690 = tpu.memref_slice %arg7[%dma_wait3A_688, %dma_wait3A_689] : memref<256x133xf32, #tpu.memory_space<vmem>> -> memref<8x128xf32, #tpu.memory_space<vmem>>
    tpu.wait_dma2 semaphore(%arg10 : memref<!tpu.dma_semaphore, #tpu.memory_space<semaphore_mem>>) src(%dma_wait3A_690 : memref<8x128xf32, #tpu.memory_space<vmem>>) dst(%dma_wait3A_687 : memref<8x128xf32, #tpu.memory_space<hbm>>)
    %mul3A_691 = arith.constant 8 : i32
    %mul3A_692 = arith.muli %select_n3A_235, %mul3A_691 : i32
    %add3A_693 = arith.constant 0 : i32
    %add3A_694 = arith.addi %mul3A_692, %add3A_693 : i32
    %dma_wait3A_695 = arith.constant 3 : i32
    %dma_wait3A_696 = arith.constant 192 : i32
    %dma_wait3A_697 = arith.constant 0 : i32
    %dma_wait3A_698 = tpu.memref_slice %arg7[%dma_wait3A_696, %dma_wait3A_697] : memref<256x133xf32, #tpu.memory_space<vmem>> -> memref<8x128xf32, #tpu.memory_space<vmem>>
    %dma_wait3A_699 = arith.constant 0 : i32
    %dma_wait3A_700 = arith.constant 0 : i32
    %dma_wait3A_701 = tpu.memref_slice %arg4[%select_n3A_219, %dma_wait3A_695, %add3A_694, %dma_wait3A_699, %dma_wait3A_700] : memref<50x4x128x8x128xf32, #tpu.memory_space<hbm>> -> memref<1x1x1x8x128xf32, #tpu.memory_space<hbm>>
    %dma_wait3A_702 = tpu.memref_squeeze %dma_wait3A_701 : memref<1x1x1x8x128xf32, #tpu.memory_space<hbm>> -> memref<8x128xf32, #tpu.memory_space<hbm>>
    %dma_wait3A_703 = arith.constant 0 : i32
    %dma_wait3A_704 = arith.constant 0 : i32
    %dma_wait3A_705 = tpu.memref_slice %arg4[%select_n3A_219, %dma_wait3A_695, %add3A_694, %dma_wait3A_703, %dma_wait3A_704] : memref<50x4x128x8x128xf32, #tpu.memory_space<hbm>> -> memref<1x1x1x8x128xf32, #tpu.memory_space<hbm>>
    %dma_wait3A_706 = tpu.memref_squeeze %dma_wait3A_705 : memref<1x1x1x8x128xf32, #tpu.memory_space<hbm>> -> memref<8x128xf32, #tpu.memory_space<hbm>>
    %dma_wait3A_707 = arith.constant 192 : i32
    %dma_wait3A_708 = arith.constant 0 : i32
    %dma_wait3A_709 = tpu.memref_slice %arg7[%dma_wait3A_707, %dma_wait3A_708] : memref<256x133xf32, #tpu.memory_space<vmem>> -> memref<8x128xf32, #tpu.memory_space<vmem>>
    tpu.wait_dma2 semaphore(%arg10 : memref<!tpu.dma_semaphore, #tpu.memory_space<semaphore_mem>>) src(%dma_wait3A_709 : memref<8x128xf32, #tpu.memory_space<vmem>>) dst(%dma_wait3A_706 : memref<8x128xf32, #tpu.memory_space<hbm>>)
    %mul3A_710 = arith.constant 8 : i32
    %mul3A_711 = arith.muli %select_n3A_235, %mul3A_710 : i32
    %add3A_712 = arith.constant 1 : i32
    %add3A_713 = arith.addi %mul3A_711, %add3A_712 : i32
    %dma_wait3A_714 = arith.constant 3 : i32
    %dma_wait3A_715 = arith.constant 200 : i32
    %dma_wait3A_716 = arith.constant 0 : i32
    %dma_wait3A_717 = tpu.memref_slice %arg7[%dma_wait3A_715, %dma_wait3A_716] : memref<256x133xf32, #tpu.memory_space<vmem>> -> memref<8x128xf32, #tpu.memory_space<vmem>>
    %dma_wait3A_718 = arith.constant 0 : i32
    %dma_wait3A_719 = arith.constant 0 : i32
    %dma_wait3A_720 = tpu.memref_slice %arg4[%select_n3A_219, %dma_wait3A_714, %add3A_713, %dma_wait3A_718, %dma_wait3A_719] : memref<50x4x128x8x128xf32, #tpu.memory_space<hbm>> -> memref<1x1x1x8x128xf32, #tpu.memory_space<hbm>>
    %dma_wait3A_721 = tpu.memref_squeeze %dma_wait3A_720 : memref<1x1x1x8x128xf32, #tpu.memory_space<hbm>> -> memref<8x128xf32, #tpu.memory_space<hbm>>
    %dma_wait3A_722 = arith.constant 0 : i32
    %dma_wait3A_723 = arith.constant 0 : i32
    %dma_wait3A_724 = tpu.memref_slice %arg4[%select_n3A_219, %dma_wait3A_714, %add3A_713, %dma_wait3A_722, %dma_wait3A_723] : memref<50x4x128x8x128xf32, #tpu.memory_space<hbm>> -> memref<1x1x1x8x128xf32, #tpu.memory_space<hbm>>
    %dma_wait3A_725 = tpu.memref_squeeze %dma_wait3A_724 : memref<1x1x1x8x128xf32, #tpu.memory_space<hbm>> -> memref<8x128xf32, #tpu.memory_space<hbm>>
    %dma_wait3A_726 = arith.constant 200 : i32
    %dma_wait3A_727 = arith.constant 0 : i32
    %dma_wait3A_728 = tpu.memref_slice %arg7[%dma_wait3A_726, %dma_wait3A_727] : memref<256x133xf32, #tpu.memory_space<vmem>> -> memref<8x128xf32, #tpu.memory_space<vmem>>
    tpu.wait_dma2 semaphore(%arg10 : memref<!tpu.dma_semaphore, #tpu.memory_space<semaphore_mem>>) src(%dma_wait3A_728 : memref<8x128xf32, #tpu.memory_space<vmem>>) dst(%dma_wait3A_725 : memref<8x128xf32, #tpu.memory_space<hbm>>)
    %mul3A_729 = arith.constant 8 : i32
    %mul3A_730 = arith.muli %select_n3A_235, %mul3A_729 : i32
    %add3A_731 = arith.constant 2 : i32
    %add3A_732 = arith.addi %mul3A_730, %add3A_731 : i32
    %dma_wait3A_733 = arith.constant 3 : i32
    %dma_wait3A_734 = arith.constant 208 : i32
    %dma_wait3A_735 = arith.constant 0 : i32
    %dma_wait3A_736 = tpu.memref_slice %arg7[%dma_wait3A_734, %dma_wait3A_735] : memref<256x133xf32, #tpu.memory_space<vmem>> -> memref<8x128xf32, #tpu.memory_space<vmem>>
    %dma_wait3A_737 = arith.constant 0 : i32
    %dma_wait3A_738 = arith.constant 0 : i32
    %dma_wait3A_739 = tpu.memref_slice %arg4[%select_n3A_219, %dma_wait3A_733, %add3A_732, %dma_wait3A_737, %dma_wait3A_738] : memref<50x4x128x8x128xf32, #tpu.memory_space<hbm>> -> memref<1x1x1x8x128xf32, #tpu.memory_space<hbm>>
    %dma_wait3A_740 = tpu.memref_squeeze %dma_wait3A_739 : memref<1x1x1x8x128xf32, #tpu.memory_space<hbm>> -> memref<8x128xf32, #tpu.memory_space<hbm>>
    %dma_wait3A_741 = arith.constant 0 : i32
    %dma_wait3A_742 = arith.constant 0 : i32
    %dma_wait3A_743 = tpu.memref_slice %arg4[%select_n3A_219, %dma_wait3A_733, %add3A_732, %dma_wait3A_741, %dma_wait3A_742] : memref<50x4x128x8x128xf32, #tpu.memory_space<hbm>> -> memref<1x1x1x8x128xf32, #tpu.memory_space<hbm>>
    %dma_wait3A_744 = tpu.memref_squeeze %dma_wait3A_743 : memref<1x1x1x8x128xf32, #tpu.memory_space<hbm>> -> memref<8x128xf32, #tpu.memory_space<hbm>>
    %dma_wait3A_745 = arith.constant 208 : i32
    %dma_wait3A_746 = arith.constant 0 : i32
    %dma_wait3A_747 = tpu.memref_slice %arg7[%dma_wait3A_745, %dma_wait3A_746] : memref<256x133xf32, #tpu.memory_space<vmem>> -> memref<8x128xf32, #tpu.memory_space<vmem>>
    tpu.wait_dma2 semaphore(%arg10 : memref<!tpu.dma_semaphore, #tpu.memory_space<semaphore_mem>>) src(%dma_wait3A_747 : memref<8x128xf32, #tpu.memory_space<vmem>>) dst(%dma_wait3A_744 : memref<8x128xf32, #tpu.memory_space<hbm>>)
    %mul3A_748 = arith.constant 8 : i32
    %mul3A_749 = arith.muli %select_n3A_235, %mul3A_748 : i32
    %add3A_750 = arith.constant 3 : i32
    %add3A_751 = arith.addi %mul3A_749, %add3A_750 : i32
    %dma_wait3A_752 = arith.constant 3 : i32
    %dma_wait3A_753 = arith.constant 216 : i32
    %dma_wait3A_754 = arith.constant 0 : i32
    %dma_wait3A_755 = tpu.memref_slice %arg7[%dma_wait3A_753, %dma_wait3A_754] : memref<256x133xf32, #tpu.memory_space<vmem>> -> memref<8x128xf32, #tpu.memory_space<vmem>>
    %dma_wait3A_756 = arith.constant 0 : i32
    %dma_wait3A_757 = arith.constant 0 : i32
    %dma_wait3A_758 = tpu.memref_slice %arg4[%select_n3A_219, %dma_wait3A_752, %add3A_751, %dma_wait3A_756, %dma_wait3A_757] : memref<50x4x128x8x128xf32, #tpu.memory_space<hbm>> -> memref<1x1x1x8x128xf32, #tpu.memory_space<hbm>>
    %dma_wait3A_759 = tpu.memref_squeeze %dma_wait3A_758 : memref<1x1x1x8x128xf32, #tpu.memory_space<hbm>> -> memref<8x128xf32, #tpu.memory_space<hbm>>
    %dma_wait3A_760 = arith.constant 0 : i32
    %dma_wait3A_761 = arith.constant 0 : i32
    %dma_wait3A_762 = tpu.memref_slice %arg4[%select_n3A_219, %dma_wait3A_752, %add3A_751, %dma_wait3A_760, %dma_wait3A_761] : memref<50x4x128x8x128xf32, #tpu.memory_space<hbm>> -> memref<1x1x1x8x128xf32, #tpu.memory_space<hbm>>
    %dma_wait3A_763 = tpu.memref_squeeze %dma_wait3A_762 : memref<1x1x1x8x128xf32, #tpu.memory_space<hbm>> -> memref<8x128xf32, #tpu.memory_space<hbm>>
    %dma_wait3A_764 = arith.constant 216 : i32
    %dma_wait3A_765 = arith.constant 0 : i32
    %dma_wait3A_766 = tpu.memref_slice %arg7[%dma_wait3A_764, %dma_wait3A_765] : memref<256x133xf32, #tpu.memory_space<vmem>> -> memref<8x128xf32, #tpu.memory_space<vmem>>
    tpu.wait_dma2 semaphore(%arg10 : memref<!tpu.dma_semaphore, #tpu.memory_space<semaphore_mem>>) src(%dma_wait3A_766 : memref<8x128xf32, #tpu.memory_space<vmem>>) dst(%dma_wait3A_763 : memref<8x128xf32, #tpu.memory_space<hbm>>)
    %mul3A_767 = arith.constant 8 : i32
    %mul3A_768 = arith.muli %select_n3A_235, %mul3A_767 : i32
    %add3A_769 = arith.constant 4 : i32
    %add3A_770 = arith.addi %mul3A_768, %add3A_769 : i32
    %dma_wait3A_771 = arith.constant 3 : i32
    %dma_wait3A_772 = arith.constant 224 : i32
    %dma_wait3A_773 = arith.constant 0 : i32
    %dma_wait3A_774 = tpu.memref_slice %arg7[%dma_wait3A_772, %dma_wait3A_773] : memref<256x133xf32, #tpu.memory_space<vmem>> -> memref<8x128xf32, #tpu.memory_space<vmem>>
    %dma_wait3A_775 = arith.constant 0 : i32
    %dma_wait3A_776 = arith.constant 0 : i32
    %dma_wait3A_777 = tpu.memref_slice %arg4[%select_n3A_219, %dma_wait3A_771, %add3A_770, %dma_wait3A_775, %dma_wait3A_776] : memref<50x4x128x8x128xf32, #tpu.memory_space<hbm>> -> memref<1x1x1x8x128xf32, #tpu.memory_space<hbm>>
    %dma_wait3A_778 = tpu.memref_squeeze %dma_wait3A_777 : memref<1x1x1x8x128xf32, #tpu.memory_space<hbm>> -> memref<8x128xf32, #tpu.memory_space<hbm>>
    %dma_wait3A_779 = arith.constant 0 : i32
    %dma_wait3A_780 = arith.constant 0 : i32
    %dma_wait3A_781 = tpu.memref_slice %arg4[%select_n3A_219, %dma_wait3A_771, %add3A_770, %dma_wait3A_779, %dma_wait3A_780] : memref<50x4x128x8x128xf32, #tpu.memory_space<hbm>> -> memref<1x1x1x8x128xf32, #tpu.memory_space<hbm>>
    %dma_wait3A_782 = tpu.memref_squeeze %dma_wait3A_781 : memref<1x1x1x8x128xf32, #tpu.memory_space<hbm>> -> memref<8x128xf32, #tpu.memory_space<hbm>>
    %dma_wait3A_783 = arith.constant 224 : i32
    %dma_wait3A_784 = arith.constant 0 : i32
    %dma_wait3A_785 = tpu.memref_slice %arg7[%dma_wait3A_783, %dma_wait3A_784] : memref<256x133xf32, #tpu.memory_space<vmem>> -> memref<8x128xf32, #tpu.memory_space<vmem>>
    tpu.wait_dma2 semaphore(%arg10 : memref<!tpu.dma_semaphore, #tpu.memory_space<semaphore_mem>>) src(%dma_wait3A_785 : memref<8x128xf32, #tpu.memory_space<vmem>>) dst(%dma_wait3A_782 : memref<8x128xf32, #tpu.memory_space<hbm>>)
    %mul3A_786 = arith.constant 8 : i32
    %mul3A_787 = arith.muli %select_n3A_235, %mul3A_786 : i32
    %add3A_788 = arith.constant 5 : i32
    %add3A_789 = arith.addi %mul3A_787, %add3A_788 : i32
    %dma_wait3A_790 = arith.constant 3 : i32
    %dma_wait3A_791 = arith.constant 232 : i32
    %dma_wait3A_792 = arith.constant 0 : i32
    %dma_wait3A_793 = tpu.memref_slice %arg7[%dma_wait3A_791, %dma_wait3A_792] : memref<256x133xf32, #tpu.memory_space<vmem>> -> memref<8x128xf32, #tpu.memory_space<vmem>>
    %dma_wait3A_794 = arith.constant 0 : i32
    %dma_wait3A_795 = arith.constant 0 : i32
    %dma_wait3A_796 = tpu.memref_slice %arg4[%select_n3A_219, %dma_wait3A_790, %add3A_789, %dma_wait3A_794, %dma_wait3A_795] : memref<50x4x128x8x128xf32, #tpu.memory_space<hbm>> -> memref<1x1x1x8x128xf32, #tpu.memory_space<hbm>>
    %dma_wait3A_797 = tpu.memref_squeeze %dma_wait3A_796 : memref<1x1x1x8x128xf32, #tpu.memory_space<hbm>> -> memref<8x128xf32, #tpu.memory_space<hbm>>
    %dma_wait3A_798 = arith.constant 0 : i32
    %dma_wait3A_799 = arith.constant 0 : i32
    %dma_wait3A_800 = tpu.memref_slice %arg4[%select_n3A_219, %dma_wait3A_790, %add3A_789, %dma_wait3A_798, %dma_wait3A_799] : memref<50x4x128x8x128xf32, #tpu.memory_space<hbm>> -> memref<1x1x1x8x128xf32, #tpu.memory_space<hbm>>
    %dma_wait3A_801 = tpu.memref_squeeze %dma_wait3A_800 : memref<1x1x1x8x128xf32, #tpu.memory_space<hbm>> -> memref<8x128xf32, #tpu.memory_space<hbm>>
    %dma_wait3A_802 = arith.constant 232 : i32
    %dma_wait3A_803 = arith.constant 0 : i32
    %dma_wait3A_804 = tpu.memref_slice %arg7[%dma_wait3A_802, %dma_wait3A_803] : memref<256x133xf32, #tpu.memory_space<vmem>> -> memref<8x128xf32, #tpu.memory_space<vmem>>
    tpu.wait_dma2 semaphore(%arg10 : memref<!tpu.dma_semaphore, #tpu.memory_space<semaphore_mem>>) src(%dma_wait3A_804 : memref<8x128xf32, #tpu.memory_space<vmem>>) dst(%dma_wait3A_801 : memref<8x128xf32, #tpu.memory_space<hbm>>)
    %mul3A_805 = arith.constant 8 : i32
    %mul3A_806 = arith.muli %select_n3A_235, %mul3A_805 : i32
    %add3A_807 = arith.constant 6 : i32
    %add3A_808 = arith.addi %mul3A_806, %add3A_807 : i32
    %dma_wait3A_809 = arith.constant 3 : i32
    %dma_wait3A_810 = arith.constant 240 : i32
    %dma_wait3A_811 = arith.constant 0 : i32
    %dma_wait3A_812 = tpu.memref_slice %arg7[%dma_wait3A_810, %dma_wait3A_811] : memref<256x133xf32, #tpu.memory_space<vmem>> -> memref<8x128xf32, #tpu.memory_space<vmem>>
    %dma_wait3A_813 = arith.constant 0 : i32
    %dma_wait3A_814 = arith.constant 0 : i32
    %dma_wait3A_815 = tpu.memref_slice %arg4[%select_n3A_219, %dma_wait3A_809, %add3A_808, %dma_wait3A_813, %dma_wait3A_814] : memref<50x4x128x8x128xf32, #tpu.memory_space<hbm>> -> memref<1x1x1x8x128xf32, #tpu.memory_space<hbm>>
    %dma_wait3A_816 = tpu.memref_squeeze %dma_wait3A_815 : memref<1x1x1x8x128xf32, #tpu.memory_space<hbm>> -> memref<8x128xf32, #tpu.memory_space<hbm>>
    %dma_wait3A_817 = arith.constant 0 : i32
    %dma_wait3A_818 = arith.constant 0 : i32
    %dma_wait3A_819 = tpu.memref_slice %arg4[%select_n3A_219, %dma_wait3A_809, %add3A_808, %dma_wait3A_817, %dma_wait3A_818] : memref<50x4x128x8x128xf32, #tpu.memory_space<hbm>> -> memref<1x1x1x8x128xf32, #tpu.memory_space<hbm>>
    %dma_wait3A_820 = tpu.memref_squeeze %dma_wait3A_819 : memref<1x1x1x8x128xf32, #tpu.memory_space<hbm>> -> memref<8x128xf32, #tpu.memory_space<hbm>>
    %dma_wait3A_821 = arith.constant 240 : i32
    %dma_wait3A_822 = arith.constant 0 : i32
    %dma_wait3A_823 = tpu.memref_slice %arg7[%dma_wait3A_821, %dma_wait3A_822] : memref<256x133xf32, #tpu.memory_space<vmem>> -> memref<8x128xf32, #tpu.memory_space<vmem>>
    tpu.wait_dma2 semaphore(%arg10 : memref<!tpu.dma_semaphore, #tpu.memory_space<semaphore_mem>>) src(%dma_wait3A_823 : memref<8x128xf32, #tpu.memory_space<vmem>>) dst(%dma_wait3A_820 : memref<8x128xf32, #tpu.memory_space<hbm>>)
    %mul3A_824 = arith.constant 8 : i32
    %mul3A_825 = arith.muli %select_n3A_235, %mul3A_824 : i32
    %add3A_826 = arith.constant 7 : i32
    %add3A_827 = arith.addi %mul3A_825, %add3A_826 : i32
    %dma_wait3A_828 = arith.constant 3 : i32
    %dma_wait3A_829 = arith.constant 248 : i32
    %dma_wait3A_830 = arith.constant 0 : i32
    %dma_wait3A_831 = tpu.memref_slice %arg7[%dma_wait3A_829, %dma_wait3A_830] : memref<256x133xf32, #tpu.memory_space<vmem>> -> memref<8x128xf32, #tpu.memory_space<vmem>>
    %dma_wait3A_832 = arith.constant 0 : i32
    %dma_wait3A_833 = arith.constant 0 : i32
    %dma_wait3A_834 = tpu.memref_slice %arg4[%select_n3A_219, %dma_wait3A_828, %add3A_827, %dma_wait3A_832, %dma_wait3A_833] : memref<50x4x128x8x128xf32, #tpu.memory_space<hbm>> -> memref<1x1x1x8x128xf32, #tpu.memory_space<hbm>>
    %dma_wait3A_835 = tpu.memref_squeeze %dma_wait3A_834 : memref<1x1x1x8x128xf32, #tpu.memory_space<hbm>> -> memref<8x128xf32, #tpu.memory_space<hbm>>
    %dma_wait3A_836 = arith.constant 0 : i32
    %dma_wait3A_837 = arith.constant 0 : i32
    %dma_wait3A_838 = tpu.memref_slice %arg4[%select_n3A_219, %dma_wait3A_828, %add3A_827, %dma_wait3A_836, %dma_wait3A_837] : memref<50x4x128x8x128xf32, #tpu.memory_space<hbm>> -> memref<1x1x1x8x128xf32, #tpu.memory_space<hbm>>
    %dma_wait3A_839 = tpu.memref_squeeze %dma_wait3A_838 : memref<1x1x1x8x128xf32, #tpu.memory_space<hbm>> -> memref<8x128xf32, #tpu.memory_space<hbm>>
    %dma_wait3A_840 = arith.constant 248 : i32
    %dma_wait3A_841 = arith.constant 0 : i32
    %dma_wait3A_842 = tpu.memref_slice %arg7[%dma_wait3A_840, %dma_wait3A_841] : memref<256x133xf32, #tpu.memory_space<vmem>> -> memref<8x128xf32, #tpu.memory_space<vmem>>
    tpu.wait_dma2 semaphore(%arg10 : memref<!tpu.dma_semaphore, #tpu.memory_space<semaphore_mem>>) src(%dma_wait3A_842 : memref<8x128xf32, #tpu.memory_space<vmem>>) dst(%dma_wait3A_839 : memref<8x128xf32, #tpu.memory_space<hbm>>)
    return
  }
}

</mosaic_0001>

<sc_bundles>
// kernel: kernel.3.cloned.1.call-start
scs
__scs_entry_jumppad:
0x0: {  	(pc) =	sbr.rel $0x88, $3  }
0x1: {  	(tag) =	ssettag $0x0;
	lr =	simm.s32 $0x1  }
0x2: {  	[smem:$0x3F9F] =	sst lr;
	_ =	strace $0xD0000000  }
0x3: {  	_ = 	snop  }
0x4: {  	_ = 	snop  }
0x5: {  	_ = 	snop  }
0x6: {  	_ = 	snop  }
0x7: {  	_ = 	snop  }
__scs_overlays_trampoline_lowered:
0x8: {  	[smem:$0x3FAE] =	sst s0  }
0x9: {  	[smem:$0x3FAF] =	sst s1  }
0xa: {  	[smem:$0x3FB0] =	sst s2  }
0xb: {  	[smem:$0x3FB1] =	sst s3  }
0xc: {  	[smem:$0x3FB2] =	sst s4  }
0xd: {  	[smem:$0x3FB3] =	sst s5  }
0xe: {  	[smem:$0x3FB4] =	sst s6  }
0xf: {  	[smem:$0x3FB5] =	sst s7  }
0x10: {  	[smem:$0x3FB6] =	sst s8  }
0x11: {  	[smem:$0x3FB7] =	sst s9;
	s0 =	simm.s32 @!p0 $0x0  }
0x12: {  	s1 =	sld [smem:$0x3F9D];
	s0 =	simm.s32 @p0 $0x1  }
0x13: {  	[smem:$0x3FB8] =	sst s0;
	s0 =	simm.s32 @!p1 $0x0  }
0x14: {  	s2 =	sld [smem:$0x3F9C];
	s0 =	simm.s32 @p1 $0x1  }
0x15: {  	[smem:$0x3FB9] =	sst s0;
	s0 =	simm.s32 @!p2 $0x0  }
0x16: {  	s3 =	sld [smem:$0x3FDB];
	s0 =	simm.s32 @p2 $0x1  }
0x17: {  	s4 =	simm.s32 $0x1BF5;
	[smem:$0x3FBB] =	sst s0  }
0x18: {  	s0 =	sld [smem:$0x3F9E];
	_ =	swait.ge [sflag:s4], $0x0  }
0x19: {  	s7 =	sld [smem:$0x3F9F]  }
0x1a: {  	s8 =	sadd.s32 $0xFFFFE003, lr  }
0x1b: {  	s9 =	sadd.s32 $0xFFFFFEF7, lr;
	s5 =	simm.s32 $0xFFFFFFFF;
	p2 =	slt.u32 s8, $0xFFFFF086  }
0x1c: {  	p1 =	slt.u32 s9, $0xF7A;
	s5 =	simm.s32 @!p2 $0x0  }
0x1d: {  	s5 =	simm.s32 @p1 $0x1;
	p0 =	seq.s32 s7, s2  }
0x1e: {  	s7 =	smul.u32 @!p0 $0xF7A, s2;
	p2 =	seq.s32 @!p0 s5, $0x0  }
0x1f: {  	s9 =	smul.u32 $0xF7A, s1;
	s8 =	simm.s32 @!p0 $0x1BF5;
	p2 =	por !p2, p0  }
0x20: {  	[sflag:s8] =	ssyncset.s32 @!p0 $0xFFFFF086;
	s6 =	sadd.s32 @!p0 s3, s7;
	s7 =	simm.s32 @!p0 $0x108  }
0x21: {  	s3 =	sadd.s32 s3, s9;
	s6 =	sadd.s32 @!p0 $0x88, s6;
	s7 =	simm.s32 @p2 $0x1082  }
0x22: {  	[simem:s7], [sflag:s8] =	dma.local @!p0 [hbm:s6], $0xF7A  }
0x23: {  	s9 =	sor.u32 $0xD0000000, s2;
	s6 =	simm.s32 $0x108;
	_ =	swait.ge @!p0 [sflag:s8], $0x0  }
0x24: {  	s3 =	sadd.s32 $0x88, s3;
	s6 =	simm.s32 @!p1 $0x1082;
	[sflag:s4] =	ssyncset.s32 $0xFFFFF086  }
0x25: {  	[simem:s6], [sflag:s4] =	dma.local [hbm:s3], $0xF7A  }
0x26: {  	[smem:$0x3F9F] =	sst s1;
	(tag) =	ssettag s2;
	_ =	strace s9  }
0x27: {  	s1 =	sld [smem:$0x3FAF]  }
0x28: {  	s2 =	sld [smem:$0x3FB0]  }
0x29: {  	s4 =	sld [smem:$0x3FB2]  }
0x2a: {  	p0 =	seq.s32 s5, $0x0;
	s5 =	sld [smem:$0x3FB3]  }
0x2b: {  	s6 =	sld [smem:$0x3FB4]  }
0x2c: {  	s7 =	sld [smem:$0x3FB5]  }
0x2d: {  	s3 =	simm.s32 $0x108;
	s8 =	sld [smem:$0x3FB6]  }
0x2e: {  	s3 =	simm.s32 @!p0 $0x1082;
	s9 =	sld [smem:$0x3FB7]  }
0x2f: {  	lr =	sadd.s32 s0, s3;
	s0 =	sld [smem:$0x3FAE]  }
0x30: {  	s3 =	sld [smem:$0x3FB1]  }
0x31: {  	[smem:$0x3FBA] =	sst s10  }
0x32: {  	s10 =	sld [smem:$0x3FB8];
	_ =	sdelay $0x3  }
0x33: {  	p0 =	seq.s32 s10, $0x1;
	s10 =	sld [smem:$0x3FBA];
	_ =	sdelay $0x3  }
0x34: {  	[smem:$0x3FBA] =	sst s10  }
0x35: {  	s10 =	sld [smem:$0x3FB9];
	_ =	sdelay $0x3  }
0x36: {  	p1 =	seq.s32 s10, $0x1;
	s10 =	sld [smem:$0x3FBA];
	_ =	sdelay $0x3  }
0x37: {  	[smem:$0x3FBA] =	sst s10  }
0x38: {  	s10 =	sld [smem:$0x3FBB]  }
0x39: {  	_ = 	snop;
	(pc) =	sbr.ind lr, $3  }
0x3a: {  	_ = 	snop  }
0x3b: {  	_ = 	snop  }
0x3c: {  	p2 =	seq.s32 s10, $0x1;
	s10 =	sld [smem:$0x3FBA]  }
0x3d: {  	_ =	shalt  }
0x3e: {  	_ =	shalt  }
0x3f: {  	_ =	shalt  }
0x40: {  	_ =	shalt  }
0x41: {  	_ =	shalt  }
0x42: {  	_ =	shalt  }
0x43: {  	_ =	shalt  }
0x44: {  	_ =	shalt  }
0x45: {  	_ =	shalt  }
0x46: {  	_ =	shalt  }
0x47: {  	_ =	shalt  }
0x48: {  	_ =	shalt  }
0x49: {  	_ =	shalt  }
0x4a: {  	_ =	shalt  }
0x4b: {  	_ =	shalt  }
0x4c: {  	_ =	shalt  }
0x4d: {  	_ =	shalt  }
0x4e: {  	_ =	shalt  }
0x4f: {  	_ =	shalt  }
0x50: {  	_ =	shalt  }
0x51: {  	_ =	shalt  }
0x52: {  	_ =	shalt  }
0x53: {  	_ =	shalt  }
0x54: {  	_ =	shalt  }
0x55: {  	_ =	shalt  }
0x56: {  	_ =	shalt  }
0x57: {  	_ =	shalt  }
0x58: {  	_ =	shalt  }
0x59: {  	_ =	shalt  }
0x5a: {  	_ =	shalt  }
0x5b: {  	_ =	shalt  }
0x5c: {  	_ =	shalt  }
0x5d: {  	_ =	shalt  }
0x5e: {  	_ =	shalt  }
0x5f: {  	_ =	shalt  }
0x60: {  	_ =	shalt  }
0x61: {  	_ =	shalt  }
0x62: {  	_ =	shalt  }
0x63: {  	_ =	shalt  }
0x64: {  	_ =	shalt  }
0x65: {  	_ =	shalt  }
0x66: {  	_ =	shalt  }
0x67: {  	_ =	shalt  }
0x68: {  	_ =	shalt  }
0x69: {  	_ =	shalt  }
0x6a: {  	_ =	shalt  }
0x6b: {  	_ =	shalt  }
0x6c: {  	_ =	shalt  }
0x6d: {  	_ =	shalt  }
0x6e: {  	_ =	shalt  }
0x6f: {  	_ =	shalt  }
0x70: {  	_ =	shalt  }
0x71: {  	_ =	shalt  }
0x72: {  	_ =	shalt  }
0x73: {  	_ =	shalt  }
0x74: {  	_ =	shalt  }
0x75: {  	_ =	shalt  }
0x76: {  	_ =	shalt  }
0x77: {  	_ =	shalt  }
0x78: {  	_ =	shalt  }
0x79: {  	_ =	shalt  }
0x7a: {  	_ =	shalt  }
0x7b: {  	_ =	shalt  }
0x7c: {  	_ =	shalt  }
0x7d: {  	_ =	shalt  }
0x7e: {  	_ =	shalt  }
0x7f: {  	_ =	shalt  }
0x80: {  	_ =	shalt  }
0x81: {  	_ =	shalt  }
0x82: {  	_ =	shalt  }
0x83: {  	_ =	shalt  }
0x84: {  	_ =	shalt  }
0x85: {  	_ =	shalt  }
0x86: {  	_ =	shalt  }
0x87: {  	_ =	shalt  }
.Lfunc_end0:
.L_simem_size_0:
called_computation_lowered:
.L_overlay_start_0:
0x88: {  	s2 =	sld [smem:$0x3FD9]  }
0x89: {  	s3 =	sld [smem:$0x3FFE];
	_ =	sdelay $0x1  }
0x8a: {  	s1 =	srdreg.scid  }
0x8b: {  	s0 =	sand.u32 $0x1, s1  }
0x8c: {  	s17 =	sshll.u32 s0, $0xA;
	s2 =	sadd.s32 s3, s2  }
0x8d: {  	s2 =	sadd.s32 s2, s17  }
0x8e: {  	[smem:$0x3FC6] =	sst s2  }
0x8f: {  	_ = 	snop  }
0x90: {  	s2 =	sld [smem:$0x3FD0];
	(tm) =	ssettm $0x1  }
0x91: {  	s18 =	sld [smem:$0x3FFB];
	_ =	sdelay $0x3  }
0x92: {  	_ =	strace s18  }
0x93: {  	s3 =	sld [smem:$0x3FFC];
	_ =	sdelay $0x3  }
0x94: {  	_ =	strace s3  }
0x95: {  	s3 =	sld [smem:$0x3FFD];
	_ =	sdelay $0x3  }
0x96: {  	_ =	strace s3  }
0x97: {  	_ =	strace $0x8FFFFFFF  }
0x98: {  	s19 =	sld [smem:$0x3FDB];
	_ =	sdelay $0x1  }
0x99: {  	s4 =	simm.s32 $_scs_section_size  }
0x9a: {  	s5 =	simm.s32 $_size__tile_overlayer_lowered;
	s6 =	simm.s32 $_tile_overlayer_lowered  }
0x9b: {  	s22 =	simm.s32 $0x1BFF;
	s21 =	sshll.u32 s6, $0x1;
	s3 =	sadd.s32 s4, s19  }
0x9c: {  	s7 =	simm.s32 $0x0;
	s20 =	sshll.u32 s5, $0x1;
	s5 =	sadd.s32 s21, s3  }
0x9d: {  	[timem:s7], [sflag:s22] =	dma.local [hbm:s5], s20  }
0x9e: {  	_ =	swait.ge [sflag:s22], s20  }
0x9f: {  	s4 =	ssub.s32 $0x0, s20;
	[sflag:s22] =	ssyncset.done $0x0  }
0xa0: {  	[sflag:s22] =	ssyncadd.s32 s4;
	_ =	sdelay $0x1  }
0xa1: {  	s23 =	simm.s32 $0x1B8B  }
0xa2: {  	_ =	swait.ge [sflag:s23], $0x1  }
0xa3: {  	[sflag:s23] =	ssyncset.done $0x0  }
0xa4: {  	s25 =	simm.s32 $0x1B8E;
	s24 =	sld [smem:$0x3FFE];
	[sflag:s23] =	ssyncadd.s32 $0xFFFFFFFF  }
0xa5: {  	s26 =	simm.s32 $execute0_lowered;
	[smem:$0x3FD2] =	sst s25  }
0xa6: {  	s5 =	sshll.u32 s26, $0x1;
	_ =	strace $0x80000046;
	[dreg:$0x1] =	wrdreg $0xFFFFFFFF  }
0xa7: {  	s28 =	simm.s32 $_size_execute0_lowered;
	s3 =	sadd.s32 s3, s5;
	[dreg:$0x0] =	wrdreg $0x0  }
0xa8: {  	s5 =	sshll.u32 s28, $0x1;
	[dreg:$0x2] =	wrdreg s3  }
0xa9: {  	[dreg:$0x3] =	wrdreg s5  }
0xaa: {  	[dreg:$0x4] =	wrdreg $0xC0  }
0xab: {  	_ =	task [dreg:s7], $0x5FFFF  }
0xac: {  	[dreg:$0x1] =	wrdreg $0xFFFFFFFF  }
0xad: {  	[dreg:$0x0] =	wrdreg $0x60  }
0xae: {  	[dreg:$0x2] =	wrdreg s24  }
0xaf: {  	[dreg:$0x3] =	wrdreg s2  }
0xb0: {  	[dreg:$0x4] =	wrdreg $0x9  }
0xb1: {  	_ =	task.clear_ibuf [dreg:s7], $0x5FFFF;
	_ =	strace $0x90000046  }
0xb2: {  	s29 =	simm.s32 $0x9;
	_ =	strace $0x80000048  }
0xb3: {  	_ =	swait.ge [sflag:s29], $0x1  }
0xb4: {  	[sflag:s29] =	ssyncadd.s32 $0xFFFFFFFF  }
0xb5: {  	_ =	strace $0x90000048  }
0xb6: {  	_ =	sfence  }
0xb7: {  	s30 =	sld [smem:$0x0];
	_ =	sdelay $0x2  }
0xb8: {  	s31 =	sshll.u32 s1, $0xD;
	s1 =	sshrl.u32 s1, $0x2  }
0xb9: {  	s3 =	sand.u32 $0x4000, s31;
	s1 =	sadd.s32 s1, s30  }
0xba: {  	s0 =	sor.u32 s3, s0;
	s1 =	sshll.u32 s1, $0x11  }
0xbb: {  	s0 =	sor.u32 s1, s0  }
0xbc: {  	s0 =	sadd.s32 $0x8F2B, s0  }
0xbd: {  	[sflag:s0] =	ssyncadd.remote.s32 $0x1  }
0xbe: {  	_ =	sfence.sel $0xFFFF  }
0xbf: {  	[dreg:$0x0] =	wrdreg $0xFFFFFFFF;
	(pc) =	sbr.abs _section_cstart, $3  }
0xc0: {  	[dreg:$0x1] =	wrdreg $0xFFFFFFFF  }
0xc1: {  	_ =	task.clear_ibuf [dreg:s7], $0x2FFFF;
	_ =	strace $0x9FFFFFFF  }
0xc2: {  	(tm) =	ssettm $0x7FFFFFFF  }
0xc3: {  	_ =	shalt  }
tec
execute0_lowered:
.L_overlay_start_1:
0x0: {  	(tag) =	ssettag $0x1  }
0x1: {  	v0 =	vimm.s32 $0x25B8;
	vm0 =	vcmask $0x300;
	vm14 =	vcmask $0x704  }
0x2: {  	vm13 =	vcmask $0xB08;
	vm12 =	vcmask $0xF0C;
	vm11 =	vcmask $0x1310  }
0x3: {  	vm10 =	vcmask $0x1714;
	vm9 =	vcmask $0x1B18;
	vm8 =	vcmask $0x1F1C  }
0x4: {  	vm7 =	vcmask $0x2320;
	vm6 =	vcmask $0x2724;
	vm5 =	vcmask $0x2B28  }
0x5: {  	vm4 =	vcmask $0x2F2C;
	vm2 =	vcmask $0x3330;
	vm3 =	vcmask $0x3734  }
0x6: {  	vm1 =	vcmask $0x3B38;
	v1 =	vimm.s32 $0x25B9;
	v2 =	vimm.s32 $0x25BA  }
0x7: {  	v3 =	vimm.s32 $0x25BB;
	v4 =	vimm.s32 $0x25BC;
	v5 =	vimm.s32 $0x25BD  }
0x8: {  	v6 =	vimm.s32 $0x25BE;
	v7 =	vimm.s32 $0x25BF;
	v8 =	vimm.s32 $0x69B8  }
0x9: {  	v9 =	vimm.s32 $0x69B9;
	v10 =	vimm.s32 $0x69BA;
	v11 =	vimm.s32 $0x69BB  }
0xa: {  	v12 =	vimm.s32 $0x69BC;
	v13 =	vimm.s32 $0x69BD;
	v14 =	vimm.s32 $0x69BE  }
0xb: {  	v15 =	vimm.s32 $0x69BF;
	v16 =	vimm.s32 $0x0;
	v0 =	vsel vm0, $0x0, v0  }
0xc: {  	v1 =	vsel vm0, $0x1, v1;
	v2 =	vsel vm0, $0x2, v2;
	v3 =	vsel vm0, $0x3, v3  }
0xd: {  	v4 =	vsel vm0, $0x4, v4;
	v5 =	vsel vm0, $0x5, v5;
	v6 =	vsel vm0, $0x6, v6  }
0xe: {  	v7 =	vsel vm0, $0x7, v7;
	v8 =	vsel vm0, $0x4400, v8;
	v9 =	vsel vm0, $0x4401, v9  }
0xf: {  	v10 =	vsel vm0, $0x4402, v10;
	v11 =	vsel vm0, $0x4403, v11;
	v12 =	vsel vm0, $0x4404, v12  }
0x10: {  	v13 =	vsel vm0, $0x4405, v13;
	v14 =	vsel vm0, $0x4406, v14;
	v15 =	vsel vm0, $0x4407, v15  }
0x11: {  	v16 =	vsel vm0, $0x3, v16;
	v0 =	vsel vm14, $0x88, v0;
	v1 =	vsel vm14, $0x89, v1  }
0x12: {  	v2 =	vsel vm14, $0x8A, v2;
	v3 =	vsel vm14, $0x8B, v3;
	v4 =	vsel vm14, $0x8C, v4  }
0x13: {  	v5 =	vsel vm14, $0x8D, v5;
	v6 =	vsel vm14, $0x8E, v6;
	v7 =	vsel vm14, $0x8F, v7  }
0x14: {  	v8 =	vsel vm14, $0x4488, v8;
	v9 =	vsel vm14, $0x4489, v9;
	v10 =	vsel vm14, $0x448A, v10  }
0x15: {  	v11 =	vsel vm14, $0x448B, v11;
	v12 =	vsel vm14, $0x448C, v12;
	v13 =	vsel vm14, $0x448D, v13  }
0x16: {  	v14 =	vsel vm14, $0x448E, v14;
	v15 =	vsel vm14, $0x448F, v15;
	v0 =	vsel vm13, $0x110, v0  }
0x17: {  	v1 =	vsel vm13, $0x111, v1;
	v2 =	vsel vm13, $0x112, v2;
	v3 =	vsel vm13, $0x113, v3  }
0x18: {  	v4 =	vsel vm13, $0x114, v4;
	v5 =	vsel vm13, $0x115, v5;
	v6 =	vsel vm13, $0x116, v6  }
0x19: {  	v7 =	vsel vm13, $0x117, v7;
	v8 =	vsel vm13, $0x4510, v8;
	v9 =	vsel vm13, $0x4511, v9  }
0x1a: {  	v10 =	vsel vm13, $0x4512, v10;
	v11 =	vsel vm13, $0x4513, v11;
	v12 =	vsel vm13, $0x4514, v12  }
0x1b: {  	v13 =	vsel vm13, $0x4515, v13;
	v14 =	vsel vm13, $0x4516, v14;
	v15 =	vsel vm13, $0x4517, v15  }
0x1c: {  	v0 =	vsel vm12, $0x198, v0;
	v1 =	vsel vm12, $0x199, v1;
	v2 =	vsel vm12, $0x19A, v2  }
0x1d: {  	v3 =	vsel vm12, $0x19B, v3;
	v4 =	vsel vm12, $0x19C, v4;
	v5 =	vsel vm12, $0x19D, v5  }
0x1e: {  	v6 =	vsel vm12, $0x19E, v6;
	v7 =	vsel vm12, $0x19F, v7;
	v8 =	vsel vm12, $0x4598, v8  }
0x1f: {  	v9 =	vsel vm12, $0x4599, v9;
	v10 =	vsel vm12, $0x459A, v10;
	v11 =	vsel vm12, $0x459B, v11  }
0x20: {  	v12 =	vsel vm12, $0x459C, v12;
	v13 =	vsel vm12, $0x459D, v13;
	v14 =	vsel vm12, $0x459E, v14  }
0x21: {  	v15 =	vsel vm12, $0x459F, v15;
	v0 =	vsel vm11, $0x220, v0;
	v1 =	vsel vm11, $0x221, v1  }
0x22: {  	v2 =	vsel vm11, $0x222, v2;
	v3 =	vsel vm11, $0x223, v3;
	v4 =	vsel vm11, $0x224, v4  }
0x23: {  	v5 =	vsel vm11, $0x225, v5;
	v6 =	vsel vm11, $0x226, v6;
	v7 =	vsel vm11, $0x227, v7  }
0x24: {  	v8 =	vsel vm11, $0x4620, v8;
	v9 =	vsel vm11, $0x4621, v9;
	v10 =	vsel vm11, $0x4622, v10  }
0x25: {  	v11 =	vsel vm11, $0x4623, v11;
	v12 =	vsel vm11, $0x4624, v12;
	v13 =	vsel vm11, $0x4625, v13  }
0x26: {  	v14 =	vsel vm11, $0x4626, v14;
	v15 =	vsel vm11, $0x4627, v15;
	v0 =	vsel vm10, $0x2A8, v0  }
0x27: {  	v1 =	vsel vm10, $0x2A9, v1;
	v2 =	vsel vm10, $0x2AA, v2;
	v3 =	vsel vm10, $0x2AB, v3  }
0x28: {  	v4 =	vsel vm10, $0x2AC, v4;
	v5 =	vsel vm10, $0x2AD, v5;
	v6 =	vsel vm10, $0x2AE, v6  }
0x29: {  	v7 =	vsel vm10, $0x2AF, v7;
	v8 =	vsel vm10, $0x46A8, v8;
	v9 =	vsel vm10, $0x46A9, v9  }
0x2a: {  	v10 =	vsel vm10, $0x46AA, v10;
	v11 =	vsel vm10, $0x46AB, v11;
	v12 =	vsel vm10, $0x46AC, v12  }
0x2b: {  	v13 =	vsel vm10, $0x46AD, v13;
	v14 =	vsel vm10, $0x46AE, v14;
	v15 =	vsel vm10, $0x46AF, v15  }
0x2c: {  	v0 =	vsel vm9, $0x330, v0;
	v1 =	vsel vm9, $0x331, v1;
	v2 =	vsel vm9, $0x332, v2  }
0x2d: {  	v3 =	vsel vm9, $0x333, v3;
	v4 =	vsel vm9, $0x334, v4;
	v5 =	vsel vm9, $0x335, v5  }
0x2e: {  	v6 =	vsel vm9, $0x336, v6;
	v7 =	vsel vm9, $0x337, v7;
	v8 =	vsel vm9, $0x4730, v8  }
0x2f: {  	v9 =	vsel vm9, $0x4731, v9;
	v10 =	vsel vm9, $0x4732, v10;
	v11 =	vsel vm9, $0x4733, v11  }
0x30: {  	v12 =	vsel vm9, $0x4734, v12;
	v13 =	vsel vm9, $0x4735, v13;
	v14 =	vsel vm9, $0x4736, v14  }
0x31: {  	v15 =	vsel vm9, $0x4737, v15;
	v0 =	vsel vm8, $0x3B8, v0;
	v1 =	vsel vm8, $0x3B9, v1  }
0x32: {  	v2 =	vsel vm8, $0x3BA, v2;
	v3 =	vsel vm8, $0x3BB, v3;
	v4 =	vsel vm8, $0x3BC, v4  }
0x33: {  	v5 =	vsel vm8, $0x3BD, v5;
	v6 =	vsel vm8, $0x3BE, v6;
	v7 =	vsel vm8, $0x3BF, v7  }
0x34: {  	v8 =	vsel vm8, $0x47B8, v8;
	v9 =	vsel vm8, $0x47B9, v9;
	v10 =	vsel vm8, $0x47BA, v10  }
0x35: {  	v11 =	vsel vm8, $0x47BB, v11;
	v12 =	vsel vm8, $0x47BC, v12;
	v13 =	vsel vm8, $0x47BD, v13  }
0x36: {  	v14 =	vsel vm8, $0x47BE, v14;
	v15 =	vsel vm8, $0x47BF, v15;
	v0 =	vsel vm7, $0x2200, v0  }
0x37: {  	v1 =	vsel vm7, $0x2201, v1;
	v2 =	vsel vm7, $0x2202, v2;
	v3 =	vsel vm7, $0x2203, v3  }
0x38: {  	v4 =	vsel vm7, $0x2204, v4;
	v5 =	vsel vm7, $0x2205, v5;
	v6 =	vsel vm7, $0x2206, v6  }
0x39: {  	v7 =	vsel vm7, $0x2207, v7;
	v8 =	vsel vm7, $0x6600, v8;
	v9 =	vsel vm7, $0x6601, v9  }
0x3a: {  	v10 =	vsel vm7, $0x6602, v10;
	v11 =	vsel vm7, $0x6603, v11;
	v12 =	vsel vm7, $0x6604, v12  }
0x3b: {  	v13 =	vsel vm7, $0x6605, v13;
	v14 =	vsel vm7, $0x6606, v14;
	v15 =	vsel vm7, $0x6607, v15  }
0x3c: {  	v0 =	vsel vm6, $0x2288, v0;
	v1 =	vsel vm6, $0x2289, v1;
	v2 =	vsel vm6, $0x228A, v2  }
0x3d: {  	v3 =	vsel vm6, $0x228B, v3;
	v4 =	vsel vm6, $0x228C, v4;
	v5 =	vsel vm6, $0x228D, v5  }
0x3e: {  	v6 =	vsel vm6, $0x228E, v6;
	v7 =	vsel vm6, $0x228F, v7;
	v8 =	vsel vm6, $0x6688, v8  }
0x3f: {  	v9 =	vsel vm6, $0x6689, v9;
	v10 =	vsel vm6, $0x668A, v10;
	v11 =	vsel vm6, $0x668B, v11  }
0x40: {  	v12 =	vsel vm6, $0x668C, v12;
	v13 =	vsel vm6, $0x668D, v13;
	v14 =	vsel vm6, $0x668E, v14  }
0x41: {  	v15 =	vsel vm6, $0x668F, v15;
	v0 =	vsel vm5, $0x2310, v0;
	v1 =	vsel vm5, $0x2311, v1  }
0x42: {  	v2 =	vsel vm5, $0x2312, v2;
	v3 =	vsel vm5, $0x2313, v3;
	v4 =	vsel vm5, $0x2314, v4  }
0x43: {  	v5 =	vsel vm5, $0x2315, v5;
	v6 =	vsel vm5, $0x2316, v6;
	v7 =	vsel vm5, $0x2317, v7  }
0x44: {  	v8 =	vsel vm5, $0x6710, v8;
	v9 =	vsel vm5, $0x6711, v9;
	v10 =	vsel vm5, $0x6712, v10  }
0x45: {  	v11 =	vsel vm5, $0x6713, v11;
	v12 =	vsel vm5, $0x6714, v12;
	v13 =	vsel vm5, $0x6715, v13  }
0x46: {  	v14 =	vsel vm5, $0x6716, v14;
	v15 =	vsel vm5, $0x6717, v15;
	v0 =	vsel vm4, $0x2398, v0  }
0x47: {  	v1 =	vsel vm4, $0x2399, v1;
	v2 =	vsel vm4, $0x239A, v2;
	v3 =	vsel vm4, $0x239B, v3  }
0x48: {  	v4 =	vsel vm4, $0x239C, v4;
	v5 =	vsel vm4, $0x239D, v5;
	v6 =	vsel vm4, $0x239E, v6  }
0x49: {  	v7 =	vsel vm4, $0x239F, v7;
	v8 =	vsel vm4, $0x6798, v8;
	v9 =	vsel vm4, $0x6799, v9  }
0x4a: {  	v10 =	vsel vm4, $0x679A, v10;
	v11 =	vsel vm4, $0x679B, v11;
	v12 =	vsel vm4, $0x679C, v12  }
0x4b: {  	v13 =	vsel vm4, $0x679D, v13;
	v14 =	vsel vm4, $0x679E, v14;
	v15 =	vsel vm4, $0x679F, v15  }
0x4c: {  	v0 =	vsel vm2, $0x2420, v0;
	v1 =	vsel vm2, $0x2421, v1;
	v2 =	vsel vm2, $0x2422, v2  }
0x4d: {  	s0 =	srdreg.scid;
	v3 =	vsel vm2, $0x2423, v3;
	v4 =	vsel vm2, $0x2424, v4;
	v5 =	vsel vm2, $0x2425, v5  }
0x4e: {  	s1 =	stileid.u32;
	s6 =	rddreg [dreg:$0x0];
	v6 =	vsel vm2, $0x2426, v6;
	v7 =	vsel vm2, $0x2427, v7;
	v8 =	vsel vm2, $0x6820, v8  }
0x4f: {  	s2 =	rddreg [dreg:$0x1];
	s29 =	simm.s32 $0x1;
	s30 =	simm.s32 $0x2;
	v9 =	vsel vm2, $0x6821, v9;
	v10 =	vsel vm2, $0x6822, v10;
	v11 =	vsel vm2, $0x6823, v11  }
0x50: {  	s31 =	simm.s32 $0x3;
	s14 =	simm.s32 $0x184D8;
	s15 =	simm.s32 $0x18560;
	v12 =	vsel vm2, $0x6824, v12;
	v13 =	vsel vm2, $0x6825, v13;
	v14 =	vsel vm2, $0x6826, v14  }
0x51: {  	s16 =	simm.s32 $0x185E8;
	s0 =	sand.u32 $0x1, s0;
	s1 =	sshll.u32 s1, $0x1;
	v15 =	vsel vm2, $0x6827, v15;
	v0 =	vsel vm3, $0x24A8, v0;
	v1 =	vsel vm3, $0x24A9, v1  }
0x52: {  	s17 =	simm.s32 $0x18670;
	s18 =	simm.s32 $0x186F8;
	s1 =	sor.u32 s0, s1;
	v2 =	vsel vm3, $0x24AA, v2;
	v3 =	vsel vm3, $0x24AB, v3;
	v4 =	vsel vm3, $0x24AC, v4  }
0x53: {  	s19 =	simm.s32 $0x18EF0;
	s20 =	simm.s32 $0x18F78;
	s3 =	smul.u32 $0x6400, s1;
	v5 =	vsel vm3, $0x24AD, v5;
	v6 =	vsel vm3, $0x24AE, v6;
	v7 =	vsel vm3, $0x24AF, v7  }
0x54: {  	s8 =	sadd.s32 $0x8000, s2;
	s0 =	ssub.s32 $0x2, s0;
	s4 =	smul.u32 $0x2400, s1;
	v8 =	vsel vm3, $0x68A8, v8;
	v9 =	vsel vm3, $0x68A9, v9;
	v10 =	vsel vm3, $0x68AA, v10  }
0x55: {  	s9 =	sadd.s32 $0xC000, s2;
	s11 =	sadd.s32 $0x680, s6;
	s26 =	sshrl.u32 s0, $0x1;
	v11 =	vsel vm3, $0x68AB, v11;
	v12 =	vsel vm3, $0x68AC, v12;
	v13 =	vsel vm3, $0x68AD, v13  }
0x56: {  	s0 =	ssub.s32 s0, s26;
	s5 =	sand.u32 $0xFC000, s3;
	s4 =	sand.u32 $0x3C00, s4;
	v14 =	vsel vm3, $0x68AE, v14;
	v15 =	vsel vm3, $0x68AF, v15;
	v0 =	vsel vm1, $0x2530, v0  }
0x57: {  	s3 =	simm.s32 $0x0;
	s0 =	smax.u32 s0, $0x1;
	s4 =	sor.u32 s4, s5;
	v1 =	vsel vm1, $0x2531, v1;
	v2 =	vsel vm1, $0x2532, v2;
	v3 =	vsel vm1, $0x2533, v3  }
0x58: {  	[smem:$0x7FF] =	sst s3;
	s5 =	smul.u32 $0x19, s1;
	s4 =	sshrl.u32 s4, $0x3;
	v4 =	vsel vm1, $0x2534, v4;
	v5 =	vsel vm1, $0x2535, v5;
	v6 =	vsel vm1, $0x2536, v6  }
0x59: {  	s1 =	simm.s32 $0x10800;
	_ =	strace $0x80000047;
	s7 =	sadd.s32 s4, s6;
	v7 =	vsel vm1, $0x2537, v7;
	v8 =	vsel vm1, $0x6930, v8;
	v9 =	vsel vm1, $0x6931, v9  }
0x5a: {  	[dreg:$0x4] =	wrdreg s0;
	s0 =	simm.s32 $0x0;
	s28 =	sadd.s32 $0x600, s7;
	v10 =	vsel vm1, $0x6932, v10;
	v11 =	vsel vm1, $0x6933, v11;
	v12 =	vsel vm1, $0x6934, v12  }
0x5b: {  	s4 =	sadd.s32 $0xF42A00, s6;
	s7 =	sadd.s32 $0x4000, s2;
	[dreg:$0x3] =	wrdreg s28;
	v13 =	vsel vm1, $0x6935, v13;
	v14 =	vsel vm1, $0x6936, v14;
	v15 =	vsel vm1, $0x6937, v15  }
.LBB2_1:
0x5c: {  	[dreg:$0x5] =	wrdreg s0  }
0x5d: {  	s6 =	rddreg [dreg:$0x3];
	s24 =	simm.s32 $0x4  }
0x5e: {  	[tilespmem:s3], [sflag:$0x4] =	stream.linear.gather [hbm4b:s6+s3], $0x400, $0x38;
	[tilespmem:$0x19000] =	vst v63  }
0x5f: {  	_ =	swait.ge [sflag:s24], $0x400  }
0x60: {  	[sflag:s24] =	ssyncset.done $0x0  }
0x61: {  	s10 =	simm.s32 $0x800;
	s6 =	simm.s32 $0x80;
	[sflag:s24] =	ssyncadd.s32 $0xFFFFFC00  }
0x62: {  	[tilespmem:s10], [sflag:$0x1] =	stream.indirect.gather [hbm4b:s4+s6], $0x20, s3, s6, $0xb8;
	[tilespmem:$0x19000] =	vst v63  }
0x63: {  	s25 =	simm.s32 $0x1800  }
0x64: {  	[tilespmem:s25], [sflag:$0x1] =	stream.indirect.gather [hbm4b:s4+s6], $0x20, s6, s6, $0xb8;
	[tilespmem:$0x19000] =	vst v63  }
0x65: {  	s26 =	simm.s32 $0x100;
	s12 =	simm.s32 $0x2800  }
0x66: {  	[tilespmem:s12], [sflag:$0x1] =	stream.indirect.gather [hbm4b:s4+s6], $0x20, s26, s6, $0xb8;
	[tilespmem:$0x19000] =	vst v63  }
0x67: {  	s28 =	simm.s32 $0x180;
	s0 =	simm.s32 $0x3800  }
0x68: {  	[tilespmem:s0], [sflag:$0x1] =	stream.indirect.gather [hbm4b:s4+s6], $0x20, s28, s6, $0xb8;
	[tilespmem:$0x19000] =	vst v63  }
0x69: {  	s13 =	simm.s32 $0x200;
	s21 =	simm.s32 $0x4800  }
0x6a: {  	[tilespmem:s21], [sflag:$0x1] =	stream.indirect.gather [hbm4b:s4+s6], $0x20, s13, s6, $0xb8;
	[tilespmem:$0x19000] =	vst v63  }
0x6b: {  	s22 =	simm.s32 $0x280;
	s23 =	simm.s32 $0x5800  }
0x6c: {  	[tilespmem:s23], [sflag:$0x1] =	stream.indirect.gather [hbm4b:s4+s6], $0x20, s22, s6, $0xb8;
	[tilespmem:$0x19000] =	vst v63  }
0x6d: {  	s24 =	simm.s32 $0x300;
	s25 =	simm.s32 $0x6800  }
0x6e: {  	[tilespmem:s25], [sflag:$0x1] =	stream.indirect.gather [hbm4b:s4+s6], $0x20, s24, s6, $0xb8;
	[tilespmem:$0x19000] =	vst v63  }
0x6f: {  	s26 =	simm.s32 $0x380;
	s28 =	simm.s32 $0x7800  }
0x70: {  	[tilespmem:s28], [sflag:$0x1] =	stream.indirect.gather [hbm4b:s4+s6], $0x20, s26, s6, $0xb8;
	[tilespmem:$0x19000] =	vst v63  }
0x71: {  	p0 =	por $0x0, $0x0;
	s6 =	simm.s32 $0x0  }
.LBB2_2:
0x72: {  	s21 =	sadd.s32 $0x1, s6;
	p1 =	seq.s32 s6, $0x18  }
0x73: {  	s10 =	sand.u32 @!p1 $0x1, s21  }
0x74: {  	s22 =	sadd.s32 s5, s6;
	p2 =	seq.s32 @!p1 s10, $0x1  }
0x75: {  	s10 =	sshll.u32 @!p1 s22, $0x7;
	p3 =	por !p2, p1  }
0x76: {  	s23 =	sadd.s32 @!p3 s11, s10;
	s24 =	simm.s32 @!p3 $0x0;
	s25 =	simm.s32 @!p3 $0x400  }
0x77: {  	[tilespmem:s25], [sflag:$0x4] =	stream.linear.gather @!p3 [hbm4b:s23+s24], $0x400, $0x38;
	[tilespmem:$0x19000] =	vst v63  }
0x78: {  	s23 =	simm.s32 @!p3 $0x4  }
0x79: {  	_ =	swait.ge @!p3 [sflag:s23], $0x400  }
0x7a: {  	[sflag:s23] =	ssyncset.done @!p3 $0x0  }
0x7b: {  	s24 =	simm.s32 @!p3 $0x8800;
	[sflag:s23] =	ssyncadd.s32 @!p3 $0xFFFFFC00;
	s23 =	simm.s32 @!p3 $0x80  }
0x7c: {  	[tilespmem:s24], [sflag:$0x2] =	stream.indirect.gather @!p3 [hbm4b:s4+s23], $0x20, s25, s23, $0xb8;
	[tilespmem:$0x19000] =	vst v63  }
0x7d: {  	s24 =	simm.s32 @!p3 $0x480;
	s25 =	simm.s32 @!p3 $0x9800  }
0x7e: {  	[tilespmem:s25], [sflag:$0x2] =	stream.indirect.gather @!p3 [hbm4b:s4+s23], $0x20, s24, s23, $0xb8;
	[tilespmem:$0x19000] =	vst v63  }
0x7f: {  	s24 =	simm.s32 @!p3 $0x500;
	s25 =	simm.s32 @!p3 $0xA800  }
0x80: {  	[tilespmem:s25], [sflag:$0x2] =	stream.indirect.gather @!p3 [hbm4b:s4+s23], $0x20, s24, s23, $0xb8;
	[tilespmem:$0x19000] =	vst v63  }
0x81: {  	s24 =	simm.s32 @!p3 $0x580;
	s25 =	simm.s32 @!p3 $0xB800  }
0x82: {  	[tilespmem:s25], [sflag:$0x2] =	stream.indirect.gather @!p3 [hbm4b:s4+s23], $0x20, s24, s23, $0xb8;
	[tilespmem:$0x19000] =	vst v63  }
0x83: {  	s24 =	simm.s32 @!p3 $0x600;
	s25 =	simm.s32 @!p3 $0xC800  }
0x84: {  	[tilespmem:s25], [sflag:$0x2] =	stream.indirect.gather @!p3 [hbm4b:s4+s23], $0x20, s24, s23, $0xb8;
	[tilespmem:$0x19000] =	vst v63  }
0x85: {  	s24 =	simm.s32 @!p3 $0x680;
	s25 =	simm.s32 @!p3 $0xD800  }
0x86: {  	[tilespmem:s25], [sflag:$0x2] =	stream.indirect.gather @!p3 [hbm4b:s4+s23], $0x20, s24, s23, $0xb8;
	[tilespmem:$0x19000] =	vst v63  }
0x87: {  	s24 =	simm.s32 @!p3 $0x700;
	s25 =	simm.s32 @!p3 $0xE800  }
0x88: {  	[tilespmem:s25], [sflag:$0x2] =	stream.indirect.gather @!p3 [hbm4b:s4+s23], $0x20, s24, s23, $0xb8;
	[tilespmem:$0x19000] =	vst v63  }
0x89: {  	p2 =	por p2, p1;
	s24 =	simm.s32 @!p3 $0x780;
	s25 =	simm.s32 @!p3 $0xF800  }
0x8a: {  	[tilespmem:s25], [sflag:$0x2] =	stream.indirect.gather @!p3 [hbm4b:s4+s23], $0x20, s24, s23, $0xb8;
	[tilespmem:$0x19000] =	vst v63  }
0x8b: {  	s10 =	sadd.s32 @!p2 s11, s10;
	s23 =	simm.s32 @!p2 $0x0  }
0x8c: {  	[tilespmem:s23], [sflag:$0x4] =	stream.linear.gather @!p2 [hbm4b:s10+s23], $0x400, $0x38;
	[tilespmem:$0x19000] =	vst v63  }
0x8d: {  	s10 =	simm.s32 @!p2 $0x4  }
0x8e: {  	_ =	swait.ge @!p2 [sflag:s10], $0x400  }
0x8f: {  	[sflag:s10] =	ssyncset.done @!p2 $0x0  }
0x90: {  	s24 =	simm.s32 @!p2 $0x800;
	[sflag:s10] =	ssyncadd.s32 @!p2 $0xFFFFFC00;
	s10 =	simm.s32 @!p2 $0x80  }
0x91: {  	[tilespmem:s24], [sflag:$0x1] =	stream.indirect.gather @!p2 [hbm4b:s4+s10], $0x20, s23, s10, $0xb8;
	[tilespmem:$0x19000] =	vst v63  }
0x92: {  	s23 =	simm.s32 @!p2 $0x1800  }
0x93: {  	[tilespmem:s23], [sflag:$0x1] =	stream.indirect.gather @!p2 [hbm4b:s4+s10], $0x20, s10, s10, $0xb8;
	[tilespmem:$0x19000] =	vst v63  }
0x94: {  	s24 =	simm.s32 @!p2 $0x2800;
	s23 =	simm.s32 @!p2 $0x100  }
0x95: {  	[tilespmem:s24], [sflag:$0x1] =	stream.indirect.gather @!p2 [hbm4b:s4+s10], $0x20, s23, s10, $0xb8;
	[tilespmem:$0x19000] =	vst v63  }
0x96: {  	s23 =	simm.s32 @!p2 $0x180;
	s24 =	simm.s32 @!p2 $0x3800  }
0x97: {  	[tilespmem:s24], [sflag:$0x1] =	stream.indirect.gather @!p2 [hbm4b:s4+s10], $0x20, s23, s10, $0xb8;
	[tilespmem:$0x19000] =	vst v63  }
0x98: {  	s23 =	simm.s32 @!p2 $0x200;
	s24 =	simm.s32 @!p2 $0x4800  }
0x99: {  	[tilespmem:s24], [sflag:$0x1] =	stream.indirect.gather @!p2 [hbm4b:s4+s10], $0x20, s23, s10, $0xb8;
	[tilespmem:$0x19000] =	vst v63  }
0x9a: {  	s23 =	simm.s32 @!p2 $0x280;
	s24 =	simm.s32 @!p2 $0x5800  }
0x9b: {  	[tilespmem:s24], [sflag:$0x1] =	stream.indirect.gather @!p2 [hbm4b:s4+s10], $0x20, s23, s10, $0xb8;
	[tilespmem:$0x19000] =	vst v63  }
0x9c: {  	s23 =	simm.s32 @!p2 $0x300;
	s24 =	simm.s32 @!p2 $0x6800  }
0x9d: {  	[tilespmem:s24], [sflag:$0x1] =	stream.indirect.gather @!p2 [hbm4b:s4+s10], $0x20, s23, s10, $0xb8;
	[tilespmem:$0x19000] =	vst v63  }
0x9e: {  	s23 =	simm.s32 @!p2 $0x380;
	s24 =	simm.s32 @!p2 $0x7800  }
0x9f: {  	[tilespmem:s24], [sflag:$0x1] =	stream.indirect.gather @!p2 [hbm4b:s4+s10], $0x20, s23, s10, $0xb8;
	[tilespmem:$0x19000] =	vst v63  }
0xa0: {  	s10 =	sand.u32 @!p1 $0x1, s6  }
0xa1: {  	p2 =	seq.s32 @!p1 s10, $0x0  }
0xa2: {  	p1 =	por p1, p2  }
.Ltmp0:
0xa3: {  	_ = 	snop;
	(pc) =	sbr.rel @p1 .LBB2_4-.Ltmp0, $1  }
0xa4: {  	_ =	sdelay $0x3  }
0xa5: {  	_ =	swait.ge [sflag:s30], $0x1000  }
0xa6: {  	[sflag:s30] =	ssyncset.done $0x0  }
0xa7: {  	[sflag:s30] =	ssyncadd.s32 $0xFFFFF000  }
0xa8: {  	_ =	swait.ge [sflag:s30], $0x1000  }
0xa9: {  	[sflag:s30] =	ssyncset.done $0x0  }
0xaa: {  	[sflag:s30] =	ssyncadd.s32 $0xFFFFF000  }
0xab: {  	_ =	swait.ge [sflag:s30], $0x1000  }
0xac: {  	[sflag:s30] =	ssyncset.done $0x0  }
0xad: {  	[sflag:s30] =	ssyncadd.s32 $0xFFFFF000  }
0xae: {  	_ =	swait.ge [sflag:s30], $0x1000  }
0xaf: {  	[sflag:s30] =	ssyncset.done $0x0  }
0xb0: {  	[sflag:s30] =	ssyncadd.s32 $0xFFFFF000  }
0xb1: {  	_ =	swait.ge [sflag:s30], $0x1000  }
0xb2: {  	[sflag:s30] =	ssyncset.done $0x0  }
0xb3: {  	[sflag:s30] =	ssyncadd.s32 $0xFFFFF000  }
0xb4: {  	_ =	swait.ge [sflag:s30], $0x1000  }
0xb5: {  	[sflag:s30] =	ssyncset.done $0x0  }
0xb6: {  	[sflag:s30] =	ssyncadd.s32 $0xFFFFF000  }
0xb7: {  	_ =	swait.ge [sflag:s30], $0x1000  }
.Ltmp1:
0xb8: {  	[sflag:s30] =	ssyncset.done $0x0;
	(pc) =	sbr.rel .LBB2_5-.Ltmp1, $4  }
0xb9: {  	[sflag:s30] =	ssyncadd.s32 $0xFFFFF000  }
0xba: {  	_ =	swait.ge [sflag:s30], $0x1000  }
0xbb: {  	[sflag:s30] =	ssyncset.done $0x0  }
0xbc: {  	[sflag:s30] =	ssyncadd.s32 $0xFFFFF000  }
.LBB2_4:
0xbd: {  	_ =	swait.ge [sflag:s29], $0x1000  }
0xbe: {  	[sflag:s29] =	ssyncset.done $0x0  }
0xbf: {  	[sflag:s29] =	ssyncadd.s32 $0xFFFFF000  }
0xc0: {  	_ =	swait.ge [sflag:s29], $0x1000  }
0xc1: {  	[sflag:s29] =	ssyncset.done $0x0  }
0xc2: {  	[sflag:s29] =	ssyncadd.s32 $0xFFFFF000  }
0xc3: {  	_ =	swait.ge [sflag:s29], $0x1000  }
0xc4: {  	[sflag:s29] =	ssyncset.done $0x0  }
0xc5: {  	[sflag:s29] =	ssyncadd.s32 $0xFFFFF000  }
0xc6: {  	_ =	swait.ge [sflag:s29], $0x1000  }
0xc7: {  	[sflag:s29] =	ssyncset.done $0x0  }
0xc8: {  	[sflag:s29] =	ssyncadd.s32 $0xFFFFF000  }
0xc9: {  	_ =	swait.ge [sflag:s29], $0x1000  }
0xca: {  	[sflag:s29] =	ssyncset.done $0x0  }
0xcb: {  	[sflag:s29] =	ssyncadd.s32 $0xFFFFF000  }
0xcc: {  	_ =	swait.ge [sflag:s29], $0x1000  }
0xcd: {  	[sflag:s29] =	ssyncset.done $0x0  }
0xce: {  	[sflag:s29] =	ssyncadd.s32 $0xFFFFF000  }
0xcf: {  	p1 =	seq.s32 s6, $0x0;
	_ =	swait.ge [sflag:s29], $0x1000  }
.Ltmp2:
0xd0: {  	[sflag:s29] =	ssyncset.done $0x0;
	(pc) =	sbr.rel @p1 .LBB2_6-.Ltmp2, $4  }
0xd1: {  	[sflag:s29] =	ssyncadd.s32 $0xFFFFF000  }
0xd2: {  	_ =	swait.ge [sflag:s29], $0x1000  }
0xd3: {  	[sflag:s29] =	ssyncset.done $0x0  }
0xd4: {  	[sflag:s29] =	ssyncadd.s32 $0xFFFFF000  }
.LBB2_5:
0xd5: {  	_ =	swait.ge [sflag:s31], $0x400  }
0xd6: {  	[sflag:s31] =	ssyncset.done $0x0  }
0xd7: {  	[sflag:s31] =	ssyncadd.s32 $0xFFFFFC00  }
0xd8: {  	_ =	swait.ge [sflag:s31], $0x400  }
0xd9: {  	[sflag:s31] =	ssyncset.done $0x0  }
0xda: {  	[sflag:s31] =	ssyncadd.s32 $0xFFFFFC00  }
0xdb: {  	_ =	swait.ge [sflag:s31], $0x400  }
0xdc: {  	[sflag:s31] =	ssyncset.done $0x0  }
0xdd: {  	[sflag:s31] =	ssyncadd.s32 $0xFFFFFC00  }
0xde: {  	_ =	swait.ge [sflag:s31], $0x400  }
0xdf: {  	[sflag:s31] =	ssyncset.done $0x0  }
0xe0: {  	[sflag:s31] =	ssyncadd.s32 $0xFFFFFC00  }
0xe1: {  	_ =	swait.ge [sflag:s31], $0x400  }
0xe2: {  	[sflag:s31] =	ssyncset.done $0x0  }
0xe3: {  	[sflag:s31] =	ssyncadd.s32 $0xFFFFFC00  }
0xe4: {  	_ =	swait.ge [sflag:s31], $0x400  }
0xe5: {  	[sflag:s31] =	ssyncset.done $0x0  }
0xe6: {  	[sflag:s31] =	ssyncadd.s32 $0xFFFFFC00  }
0xe7: {  	_ =	swait.ge [sflag:s31], $0x400  }
0xe8: {  	[sflag:s31] =	ssyncset.done $0x0  }
0xe9: {  	[sflag:s31] =	ssyncadd.s32 $0xFFFFFC00  }
0xea: {  	_ =	swait.ge [sflag:s31], $0x400  }
0xeb: {  	[sflag:s31] =	ssyncset.done $0x0  }
0xec: {  	[sflag:s31] =	ssyncadd.s32 $0xFFFFFC00  }
0xed: {  	_ =	swait.ge [sflag:s31], $0x400  }
0xee: {  	[sflag:s31] =	ssyncset.done $0x0  }
0xef: {  	[sflag:s31] =	ssyncadd.s32 $0xFFFFFC00  }
0xf0: {  	_ =	swait.ge [sflag:s31], $0x400  }
0xf1: {  	[sflag:s31] =	ssyncset.done $0x0  }
0xf2: {  	[sflag:s31] =	ssyncadd.s32 $0xFFFFFC00  }
0xf3: {  	_ =	swait.ge [sflag:s31], $0x400  }
0xf4: {  	[sflag:s31] =	ssyncset.done $0x0  }
0xf5: {  	[sflag:s31] =	ssyncadd.s32 $0xFFFFFC00  }
0xf6: {  	_ =	swait.ge [sflag:s31], $0x400  }
0xf7: {  	[sflag:s31] =	ssyncset.done $0x0  }
0xf8: {  	[sflag:s31] =	ssyncadd.s32 $0xFFFFFC00  }
0xf9: {  	_ =	swait.ge [sflag:s31], $0x400  }
0xfa: {  	[sflag:s31] =	ssyncset.done $0x0  }
0xfb: {  	[sflag:s31] =	ssyncadd.s32 $0xFFFFFC00  }
0xfc: {  	_ =	swait.ge [sflag:s31], $0x400  }
0xfd: {  	[sflag:s31] =	ssyncset.done $0x0  }
0xfe: {  	[sflag:s31] =	ssyncadd.s32 $0xFFFFFC00  }
0xff: {  	_ =	swait.ge [sflag:s31], $0x400  }
0x100: {  	[sflag:s31] =	ssyncset.done $0x0  }
0x101: {  	[sflag:s31] =	ssyncadd.s32 $0xFFFFFC00  }
0x102: {  	_ =	swait.ge [sflag:s31], $0x400  }
0x103: {  	[sflag:s31] =	ssyncset.done $0x0  }
0x104: {  	[sflag:s31] =	ssyncadd.s32 $0xFFFFFC00  }
0x105: {  	_ =	swait.ge [sflag:s31], $0x400  }
0x106: {  	[sflag:s31] =	ssyncset.done $0x0  }
0x107: {  	[sflag:s31] =	ssyncadd.s32 $0xFFFFFC00  }
0x108: {  	_ =	swait.ge [sflag:s31], $0x400  }
0x109: {  	[sflag:s31] =	ssyncset.done $0x0  }
0x10a: {  	[sflag:s31] =	ssyncadd.s32 $0xFFFFFC00  }
0x10b: {  	_ =	swait.ge [sflag:s31], $0x400  }
0x10c: {  	[sflag:s31] =	ssyncset.done $0x0  }
0x10d: {  	[sflag:s31] =	ssyncadd.s32 $0xFFFFFC00  }
0x10e: {  	_ =	swait.ge [sflag:s31], $0x400  }
0x10f: {  	[sflag:s31] =	ssyncset.done $0x0  }
0x110: {  	[sflag:s31] =	ssyncadd.s32 $0xFFFFFC00  }
0x111: {  	_ =	swait.ge [sflag:s31], $0x400  }
0x112: {  	[sflag:s31] =	ssyncset.done $0x0  }
0x113: {  	[sflag:s31] =	ssyncadd.s32 $0xFFFFFC00  }
0x114: {  	_ =	swait.ge [sflag:s31], $0x400  }
0x115: {  	[sflag:s31] =	ssyncset.done $0x0  }
0x116: {  	[sflag:s31] =	ssyncadd.s32 $0xFFFFFC00  }
0x117: {  	_ =	swait.ge [sflag:s31], $0x400  }
0x118: {  	[sflag:s31] =	ssyncset.done $0x0  }
0x119: {  	[sflag:s31] =	ssyncadd.s32 $0xFFFFFC00  }
0x11a: {  	_ =	swait.ge [sflag:s31], $0x400  }
0x11b: {  	[sflag:s31] =	ssyncset.done $0x0  }
0x11c: {  	[sflag:s31] =	ssyncadd.s32 $0xFFFFFC00  }
0x11d: {  	_ =	swait.ge [sflag:s31], $0x400  }
0x11e: {  	[sflag:s31] =	ssyncset.done $0x0  }
0x11f: {  	[sflag:s31] =	ssyncadd.s32 $0xFFFFFC00  }
0x120: {  	_ =	swait.ge [sflag:s31], $0x400  }
0x121: {  	[sflag:s31] =	ssyncset.done $0x0  }
0x122: {  	[sflag:s31] =	ssyncadd.s32 $0xFFFFFC00  }
0x123: {  	_ =	swait.ge [sflag:s31], $0x400  }
0x124: {  	[sflag:s31] =	ssyncset.done $0x0  }
0x125: {  	[sflag:s31] =	ssyncadd.s32 $0xFFFFFC00  }
0x126: {  	_ =	swait.ge [sflag:s31], $0x400  }
0x127: {  	[sflag:s31] =	ssyncset.done $0x0  }
0x128: {  	[sflag:s31] =	ssyncadd.s32 $0xFFFFFC00  }
0x129: {  	_ =	swait.ge [sflag:s31], $0x400  }
0x12a: {  	[sflag:s31] =	ssyncset.done $0x0  }
0x12b: {  	[sflag:s31] =	ssyncadd.s32 $0xFFFFFC00  }
0x12c: {  	_ =	swait.ge [sflag:s31], $0x400  }
0x12d: {  	[sflag:s31] =	ssyncset.done $0x0  }
0x12e: {  	[sflag:s31] =	ssyncadd.s32 $0xFFFFFC00  }
0x12f: {  	_ =	swait.ge [sflag:s31], $0x400  }
0x130: {  	[sflag:s31] =	ssyncset.done $0x0  }
0x131: {  	[sflag:s31] =	ssyncadd.s32 $0xFFFFFC00  }
0x132: {  	_ =	swait.ge [sflag:s31], $0x400  }
0x133: {  	[sflag:s31] =	ssyncset.done $0x0  }
0x134: {  	[sflag:s31] =	ssyncadd.s32 $0xFFFFFC00  }
.LBB2_6:
0x135: {  	s6 =	simm.s32 $0x1  }
0x136: {  	s6 =	simm.s32 @!p0 $0x0  }
0x137: {  	s6 =	sshll.u32 s6, $0xF  }
0x138: {  	s24 =	simm.s32 $0x0;
	s23 =	sor.u32 $0x900, s6  }
.LBB2_7:
0x139: {  	s6 =	sshll.u32 s24, $0x3  }
0x13a: {  	s25 =	simm.s32 $0x0;
	v17 =	vmov s6  }
0x13b: {  	v18 =	vmov s25;
	v17 =	vmul.u32 $0x88, v17  }
0x13c: {  	v18 =	vshrl.u32 v18, $0x3  }
0x13d: {  	v32 =	vbroadcast v17, $0x0;
	v17 =	vshll.u32 v18, v16  }
0x13e: {  	v19 =	vbroadcast v17, $0x0  }
0x13f: {  	v18 =	vadd.s32 v0, v32  }
0x140: {  	v20 =	vld [tilespmem:s23+$0xFFFFFF00];
	v17 =	vadd.s32 v8, v32;
	v21 =	vadd.s32 v18, v19  }
0x141: {  	v22 =	vld [tilespmem:s23+$0xFFFFFF10];
	s26 =	simm.s32 $0x1;
	v23 =	vadd.s32 v17, v19  }
0x142: {  	v19 =	vmov s26  }
0x143: {  	v19 =	vshrl.u32 v19, $0x3  }
0x144: {  	v19 =	vshll.u32 v19, v16  }
0x145: {  	[tilespmem:v21+s1+$0x0] =	vst.idx.msk $0xffff, v20;
	v21 =	vbroadcast v19, $0x0  }
0x146: {  	v19 =	vadd.s32 v1, v32;
	[tilespmem:v23+s1+$0x0] =	vst.idx.msk $0xffff, v22  }
0x147: {  	v20 =	vadd.s32 v9, v32;
	v22 =	vld [tilespmem:s23+$0xFFFFFF20];
	v23 =	vadd.s32 v19, v21  }
0x148: {  	s28 =	simm.s32 $0x2;
	v24 =	vld [tilespmem:s23+$0xFFFFFF30];
	v25 =	vadd.s32 v20, v21  }
0x149: {  	v21 =	vmov s28  }
0x14a: {  	v21 =	vshrl.u32 v21, $0x3  }
0x14b: {  	v21 =	vshll.u32 v21, v16  }
0x14c: {  	[tilespmem:v23+s1+$0x0] =	vst.idx.msk $0xffff, v22;
	v23 =	vbroadcast v21, $0x0  }
0x14d: {  	v21 =	vadd.s32 v2, v32;
	[tilespmem:v25+s1+$0x0] =	vst.idx.msk $0xffff, v24  }
0x14e: {  	v22 =	vadd.s32 v10, v32;
	v24 =	vld [tilespmem:s23+$0xFFFFFF40];
	v25 =	vadd.s32 v21, v23  }
0x14f: {  	s0 =	simm.s32 $0x3;
	v26 =	vld [tilespmem:s23+$0xFFFFFF50];
	v27 =	vadd.s32 v22, v23  }
0x150: {  	v23 =	vmov s0  }
0x151: {  	v23 =	vshrl.u32 v23, $0x3  }
0x152: {  	v23 =	vshll.u32 v23, v16  }
0x153: {  	[tilespmem:v25+s1+$0x0] =	vst.idx.msk $0xffff, v24;
	v25 =	vbroadcast v23, $0x0  }
0x154: {  	v23 =	vadd.s32 v3, v32;
	[tilespmem:v27+s1+$0x0] =	vst.idx.msk $0xffff, v26  }
0x155: {  	v24 =	vadd.s32 v11, v32;
	v26 =	vld [tilespmem:s23+$0xFFFFFF60];
	v27 =	vadd.s32 v23, v25  }
0x156: {  	s10 =	simm.s32 $0x4;
	v28 =	vld [tilespmem:s23+$0xFFFFFF70];
	v29 =	vadd.s32 v24, v25  }
0x157: {  	v25 =	vmov s10  }
0x158: {  	v25 =	vshrl.u32 v25, $0x3  }
0x159: {  	v25 =	vshll.u32 v25, v16  }
0x15a: {  	[tilespmem:v27+s1+$0x0] =	vst.idx.msk $0xffff, v26;
	v27 =	vbroadcast v25, $0x0  }
0x15b: {  	v25 =	vadd.s32 v4, v32;
	[tilespmem:v29+s1+$0x0] =	vst.idx.msk $0xffff, v28  }
0x15c: {  	v26 =	vadd.s32 v12, v32;
	v28 =	vld [tilespmem:s23+$0xFFFFFF80];
	v29 =	vadd.s32 v25, v27  }
0x15d: {  	s12 =	simm.s32 $0x5;
	v30 =	vld [tilespmem:s23+$0xFFFFFF90];
	v31 =	vadd.s32 v26, v27  }
0x15e: {  	v27 =	vmov s12  }
0x15f: {  	v27 =	vshrl.u32 v27, $0x3  }
0x160: {  	v27 =	vshll.u32 v27, v16  }
0x161: {  	[tilespmem:v29+s1+$0x0] =	vst.idx.msk $0xffff, v28;
	v29 =	vbroadcast v27, $0x0  }
0x162: {  	v27 =	vadd.s32 v5, v32;
	[tilespmem:v31+s1+$0x0] =	vst.idx.msk $0xffff, v30  }
0x163: {  	v28 =	vadd.s32 v13, v32;
	v30 =	vld [tilespmem:s23+$0xFFFFFFA0];
	v31 =	vadd.s32 v27, v29  }
0x164: {  	s13 =	simm.s32 $0x6;
	v33 =	vld [tilespmem:s23+$0xFFFFFFB0];
	v34 =	vadd.s32 v28, v29  }
0x165: {  	v29 =	vmov s13  }
0x166: {  	v29 =	vshrl.u32 v29, $0x3  }
0x167: {  	v29 =	vshll.u32 v29, v16  }
0x168: {  	[tilespmem:v31+s1+$0x0] =	vst.idx.msk $0xffff, v30;
	v31 =	vbroadcast v29, $0x0  }
0x169: {  	v29 =	vadd.s32 v6, v32;
	[tilespmem:v34+s1+$0x0] =	vst.idx.msk $0xffff, v33  }
0x16a: {  	v30 =	vadd.s32 v14, v32;
	v33 =	vld [tilespmem:s23+$0xFFFFFFC0];
	v61 =	vadd.s32 v29, v31  }
0x16b: {  	s25 =	simm.s32 $0x7;
	v35 =	vld [tilespmem:s23+$0xFFFFFFD0];
	v36 =	vadd.s32 v30, v31  }
0x16c: {  	v31 =	vmov s25  }
0x16d: {  	v31 =	vshrl.u32 v31, $0x3  }
0x16e: {  	v31 =	vshll.u32 v31, v16  }
0x16f: {  	v62 =	vbroadcast v31, $0x0;
	[tilespmem:v61+s1+$0x0] =	vst.idx.msk $0xffff, v33  }
0x170: {  	v31 =	vadd.s32 v7, v32;
	[tilespmem:v36+s1+$0x0] =	vst.idx.msk $0xffff, v35  }
0x171: {  	v32 =	vadd.s32 v15, v32;
	v63 =	vadd.s32 v31, v62;
	v34 =	vld [tilespmem:s23+$0xFFFFFFE0]  }
0x172: {  	s26 =	simm.s32 $0x8;
	v33 =	vadd.s32 v32, v62;
	v36 =	vld [tilespmem:s23+$0xFFFFFFF0]  }
0x173: {  	v37 =	vmov s26  }
0x174: {  	v37 =	vshrl.u32 v37, $0x3  }
0x175: {  	v37 =	vshll.u32 v37, v16  }
0x176: {  	v40 =	vbroadcast v37, $0x0;
	[tilespmem:v63+s1+$0x0] =	vst.idx.msk $0xffff, v34  }
0x177: {  	[tilespmem:v33+s1+$0x0] =	vst.idx.msk $0xffff, v36  }
0x178: {  	v41 =	vadd.s32 v18, v40;
	v33 =	vld [tilespmem:s23+$0x0]  }
0x179: {  	s28 =	simm.s32 $0x9;
	v34 =	vadd.s32 v17, v40;
	v36 =	vld [tilespmem:s23+$0x10]  }
0x17a: {  	v42 =	vmov s28  }
0x17b: {  	v37 =	vshrl.u32 v42, $0x3  }
0x17c: {  	v37 =	vshll.u32 v37, v16  }
0x17d: {  	v43 =	vbroadcast v37, $0x0;
	[tilespmem:v41+s1+$0x0] =	vst.idx.msk $0xffff, v33  }
0x17e: {  	[tilespmem:v34+s1+$0x0] =	vst.idx.msk $0xffff, v36  }
0x17f: {  	v44 =	vadd.s32 v19, v43;
	v34 =	vld [tilespmem:s23+$0x20]  }
0x180: {  	s0 =	simm.s32 $0xA;
	v33 =	vadd.s32 v20, v43;
	v36 =	vld [tilespmem:s23+$0x30]  }
0x181: {  	v45 =	vmov s0  }
0x182: {  	v37 =	vshrl.u32 v45, $0x3  }
0x183: {  	v37 =	vshll.u32 v37, v16  }
0x184: {  	v46 =	vbroadcast v37, $0x0;
	[tilespmem:v44+s1+$0x0] =	vst.idx.msk $0xffff, v34  }
0x185: {  	[tilespmem:v33+s1+$0x0] =	vst.idx.msk $0xffff, v36  }
0x186: {  	v47 =	vadd.s32 v21, v46;
	v33 =	vld [tilespmem:s23+$0x40]  }
0x187: {  	s10 =	simm.s32 $0xB;
	v34 =	vadd.s32 v22, v46;
	v36 =	vld [tilespmem:s23+$0x50]  }
0x188: {  	v48 =	vmov s10  }
0x189: {  	v37 =	vshrl.u32 v48, $0x3  }
0x18a: {  	v37 =	vshll.u32 v37, v16  }
0x18b: {  	v49 =	vbroadcast v37, $0x0;
	[tilespmem:v47+s1+$0x0] =	vst.idx.msk $0xffff, v33  }
0x18c: {  	[tilespmem:v34+s1+$0x0] =	vst.idx.msk $0xffff, v36  }
0x18d: {  	v50 =	vadd.s32 v23, v49;
	v34 =	vld [tilespmem:s23+$0x60]  }
0x18e: {  	s12 =	simm.s32 $0xC;
	v33 =	vadd.s32 v24, v49;
	v36 =	vld [tilespmem:s23+$0x70]  }
0x18f: {  	v51 =	vmov s12  }
0x190: {  	v37 =	vshrl.u32 v51, $0x3  }
0x191: {  	v37 =	vshll.u32 v37, v16  }
0x192: {  	v52 =	vbroadcast v37, $0x0;
	[tilespmem:v50+s1+$0x0] =	vst.idx.msk $0xffff, v34  }
0x193: {  	[tilespmem:v33+s1+$0x0] =	vst.idx.msk $0xffff, v36  }
0x194: {  	v53 =	vadd.s32 v25, v52;
	v33 =	vld [tilespmem:s23+$0x80]  }
0x195: {  	s13 =	simm.s32 $0xD;
	v34 =	vadd.s32 v26, v52;
	v36 =	vld [tilespmem:s23+$0x90]  }
0x196: {  	v54 =	vmov s13  }
0x197: {  	v37 =	vshrl.u32 v54, $0x3  }
0x198: {  	v37 =	vshll.u32 v37, v16  }
0x199: {  	v55 =	vbroadcast v37, $0x0;
	[tilespmem:v53+s1+$0x0] =	vst.idx.msk $0xffff, v33  }
0x19a: {  	[tilespmem:v34+s1+$0x0] =	vst.idx.msk $0xffff, v36  }
0x19b: {  	v56 =	vadd.s32 v27, v55;
	v34 =	vld [tilespmem:s23+$0xA0]  }
0x19c: {  	s25 =	simm.s32 $0xE;
	v33 =	vadd.s32 v28, v55;
	v36 =	vld [tilespmem:s23+$0xB0]  }
0x19d: {  	v57 =	vmov s25  }
0x19e: {  	v37 =	vshrl.u32 v57, $0x3  }
0x19f: {  	v37 =	vshll.u32 v37, v16  }
0x1a0: {  	v58 =	vbroadcast v37, $0x0;
	[tilespmem:v56+s1+$0x0] =	vst.idx.msk $0xffff, v34  }
0x1a1: {  	[tilespmem:v33+s1+$0x0] =	vst.idx.msk $0xffff, v36  }
0x1a2: {  	v59 =	vadd.s32 v29, v58;
	v33 =	vld [tilespmem:s23+$0xC0]  }
0x1a3: {  	s26 =	simm.s32 $0xF;
	v34 =	vadd.s32 v30, v58;
	v36 =	vld [tilespmem:s23+$0xD0]  }
0x1a4: {  	v60 =	vmov s26  }
0x1a5: {  	v37 =	vshrl.u32 v60, $0x3  }
0x1a6: {  	v37 =	vshll.u32 v37, v16  }
0x1a7: {  	v61 =	vbroadcast v37, $0x0;
	[tilespmem:v59+s1+$0x0] =	vst.idx.msk $0xffff, v33  }
0x1a8: {  	[tilespmem:v34+s1+$0x0] =	vst.idx.msk $0xffff, v36  }
0x1a9: {  	v37 =	vadd.s32 v31, v61;
	v36 =	vld [tilespmem:s23+$0xE0]  }
0x1aa: {  	s28 =	simm.s32 $0x10  }
0x1ab: {  	v62 =	vmov s28;
	v35 =	vadd.s32 v32, v61;
	v33 =	vld [tilespmem:s23+$0xF0]  }
0x1ac: {  	v63 =	vshrl.u32 v62, $0x3  }
0x1ad: {  	v34 =	vshll.u32 v63, v16  }
0x1ae: {  	s6 =	simm.s32 $0x2F;
	s10 =	smov.u32 s23;
	s25 =	simm.s32 $0x1F;
	v34 =	vbroadcast v34, $0x0;
	[tilespmem:v37+s1+$0x0] =	vst.idx.msk $0xffff, v36  }
.LBB2_8:
0x1af: {  	p1 =	sne.s32 s6, $0x7F  }
0x1b0: {  	[tilespmem:v35+s1+$0x0] =	vst.idx.msk $0xffff, v33;
	s10 =	sadd.s32 $0x200, s10;
	s26 =	smov.u32 s6;
	s6 =	sadd.s32 $0x10, s6  }
0x1b1: {  	v33 =	vld [tilespmem:s10+$0xFFFFFF00];
	v35 =	vadd.s32 v18, v34  }
0x1b2: {  	s28 =	sadd.s32 $0xFFFFFFF2, s25;
	v34 =	vadd.s32 v17, v34;
	v36 =	vld [tilespmem:s10+$0xFFFFFF10]  }
0x1b3: {  	v37 =	vmov s28  }
0x1b4: {  	v37 =	vshrl.u32 v37, $0x3  }
0x1b5: {  	v37 =	vshll.u32 v37, v16  }
0x1b6: {  	[tilespmem:v35+s1+$0x0] =	vst.idx.msk $0xffff, v33;
	v33 =	vbroadcast v37, $0x0  }
0x1b7: {  	[tilespmem:v34+s1+$0x0] =	vst.idx.msk $0xffff, v36  }
0x1b8: {  	v34 =	vld [tilespmem:s10+$0xFFFFFF20];
	v35 =	vadd.s32 v19, v33  }
0x1b9: {  	s28 =	sadd.s32 $0xFFFFFFF3, s25;
	v33 =	vadd.s32 v20, v33;
	v36 =	vld [tilespmem:s10+$0xFFFFFF30]  }
0x1ba: {  	v37 =	vmov s28  }
0x1bb: {  	v37 =	vshrl.u32 v37, $0x3  }
0x1bc: {  	v37 =	vshll.u32 v37, v16  }
0x1bd: {  	[tilespmem:v35+s1+$0x0] =	vst.idx.msk $0xffff, v34;
	v34 =	vbroadcast v37, $0x0  }
0x1be: {  	[tilespmem:v33+s1+$0x0] =	vst.idx.msk $0xffff, v36  }
0x1bf: {  	v33 =	vld [tilespmem:s10+$0xFFFFFF40];
	v35 =	vadd.s32 v21, v34  }
0x1c0: {  	s28 =	sadd.s32 $0xFFFFFFF4, s25;
	v34 =	vadd.s32 v22, v34;
	v36 =	vld [tilespmem:s10+$0xFFFFFF50]  }
0x1c1: {  	v37 =	vmov s28  }
0x1c2: {  	v37 =	vshrl.u32 v37, $0x3  }
0x1c3: {  	v37 =	vshll.u32 v37, v16  }
0x1c4: {  	[tilespmem:v35+s1+$0x0] =	vst.idx.msk $0xffff, v33;
	v33 =	vbroadcast v37, $0x0  }
0x1c5: {  	[tilespmem:v34+s1+$0x0] =	vst.idx.msk $0xffff, v36  }
0x1c6: {  	v34 =	vld [tilespmem:s10+$0xFFFFFF60];
	v35 =	vadd.s32 v23, v33  }
0x1c7: {  	s28 =	sadd.s32 $0xFFFFFFF5, s25;
	v33 =	vadd.s32 v24, v33;
	v36 =	vld [tilespmem:s10+$0xFFFFFF70]  }
0x1c8: {  	v37 =	vmov s28  }
0x1c9: {  	v37 =	vshrl.u32 v37, $0x3  }
0x1ca: {  	v37 =	vshll.u32 v37, v16  }
0x1cb: {  	[tilespmem:v35+s1+$0x0] =	vst.idx.msk $0xffff, v34;
	v34 =	vbroadcast v37, $0x0  }
0x1cc: {  	[tilespmem:v33+s1+$0x0] =	vst.idx.msk $0xffff, v36  }
0x1cd: {  	v33 =	vld [tilespmem:s10+$0xFFFFFF80];
	v35 =	vadd.s32 v25, v34  }
0x1ce: {  	s28 =	sadd.s32 $0xFFFFFFF6, s25;
	v34 =	vadd.s32 v26, v34;
	v36 =	vld [tilespmem:s10+$0xFFFFFF90]  }
0x1cf: {  	v37 =	vmov s28  }
0x1d0: {  	v37 =	vshrl.u32 v37, $0x3  }
0x1d1: {  	v37 =	vshll.u32 v37, v16  }
0x1d2: {  	[tilespmem:v35+s1+$0x0] =	vst.idx.msk $0xffff, v33;
	v33 =	vbroadcast v37, $0x0  }
0x1d3: {  	[tilespmem:v34+s1+$0x0] =	vst.idx.msk $0xffff, v36  }
0x1d4: {  	v34 =	vld [tilespmem:s10+$0xFFFFFFA0];
	v35 =	vadd.s32 v27, v33  }
0x1d5: {  	s28 =	sadd.s32 $0xFFFFFFF7, s25;
	v33 =	vadd.s32 v28, v33;
	v36 =	vld [tilespmem:s10+$0xFFFFFFB0]  }
0x1d6: {  	v37 =	vmov s28  }
0x1d7: {  	v37 =	vshrl.u32 v37, $0x3  }
0x1d8: {  	v37 =	vshll.u32 v37, v16  }
0x1d9: {  	[tilespmem:v35+s1+$0x0] =	vst.idx.msk $0xffff, v34;
	v34 =	vbroadcast v37, $0x0  }
0x1da: {  	[tilespmem:v33+s1+$0x0] =	vst.idx.msk $0xffff, v36  }
0x1db: {  	v33 =	vld [tilespmem:s10+$0xFFFFFFC0];
	v35 =	vadd.s32 v29, v34  }
0x1dc: {  	s28 =	sadd.s32 $0xFFFFFFF8, s25;
	v34 =	vadd.s32 v30, v34;
	v36 =	vld [tilespmem:s10+$0xFFFFFFD0]  }
0x1dd: {  	v37 =	vmov s28  }
0x1de: {  	v37 =	vshrl.u32 v37, $0x3  }
0x1df: {  	v37 =	vshll.u32 v37, v16  }
0x1e0: {  	[tilespmem:v35+s1+$0x0] =	vst.idx.msk $0xffff, v33;
	v33 =	vbroadcast v37, $0x0  }
0x1e1: {  	[tilespmem:v34+s1+$0x0] =	vst.idx.msk $0xffff, v36  }
0x1e2: {  	v34 =	vld [tilespmem:s10+$0xFFFFFFE0];
	v35 =	vadd.s32 v31, v33  }
0x1e3: {  	s28 =	sadd.s32 $0xFFFFFFF9, s25;
	v33 =	vadd.s32 v32, v33;
	v36 =	vld [tilespmem:s10+$0xFFFFFFF0]  }
0x1e4: {  	v37 =	vmov s28  }
0x1e5: {  	v37 =	vshrl.u32 v37, $0x3  }
0x1e6: {  	v37 =	vshll.u32 v37, v16  }
0x1e7: {  	[tilespmem:v35+s1+$0x0] =	vst.idx.msk $0xffff, v34;
	v34 =	vbroadcast v37, $0x0  }
0x1e8: {  	[tilespmem:v33+s1+$0x0] =	vst.idx.msk $0xffff, v36  }
0x1e9: {  	v33 =	vld [tilespmem:s10+$0x0];
	v35 =	vadd.s32 v18, v34  }
0x1ea: {  	s28 =	sadd.s32 $0xFFFFFFFA, s25;
	v34 =	vadd.s32 v17, v34;
	v36 =	vld [tilespmem:s10+$0x10]  }
0x1eb: {  	v37 =	vmov s28  }
0x1ec: {  	v37 =	vshrl.u32 v37, $0x3  }
0x1ed: {  	v37 =	vshll.u32 v37, v16  }
0x1ee: {  	[tilespmem:v35+s1+$0x0] =	vst.idx.msk $0xffff, v33;
	v33 =	vbroadcast v37, $0x0  }
0x1ef: {  	[tilespmem:v34+s1+$0x0] =	vst.idx.msk $0xffff, v36  }
0x1f0: {  	v34 =	vld [tilespmem:s10+$0x20];
	v35 =	vadd.s32 v19, v33  }
0x1f1: {  	s28 =	sadd.s32 $0xFFFFFFFB, s25;
	v33 =	vadd.s32 v20, v33;
	v36 =	vld [tilespmem:s10+$0x30]  }
0x1f2: {  	v37 =	vmov s28  }
0x1f3: {  	v37 =	vshrl.u32 v37, $0x3  }
0x1f4: {  	v37 =	vshll.u32 v37, v16  }
0x1f5: {  	[tilespmem:v35+s1+$0x0] =	vst.idx.msk $0xffff, v34;
	v34 =	vbroadcast v37, $0x0  }
0x1f6: {  	[tilespmem:v33+s1+$0x0] =	vst.idx.msk $0xffff, v36  }
0x1f7: {  	v33 =	vld [tilespmem:s10+$0x40];
	v35 =	vadd.s32 v21, v34  }
0x1f8: {  	s28 =	sadd.s32 $0xFFFFFFFC, s25;
	v34 =	vadd.s32 v22, v34;
	v36 =	vld [tilespmem:s10+$0x50]  }
0x1f9: {  	v37 =	vmov s28  }
0x1fa: {  	v37 =	vshrl.u32 v37, $0x3  }
0x1fb: {  	v37 =	vshll.u32 v37, v16  }
0x1fc: {  	[tilespmem:v35+s1+$0x0] =	vst.idx.msk $0xffff, v33;
	v33 =	vbroadcast v37, $0x0  }
0x1fd: {  	[tilespmem:v34+s1+$0x0] =	vst.idx.msk $0xffff, v36  }
0x1fe: {  	v34 =	vld [tilespmem:s10+$0x60];
	v35 =	vadd.s32 v23, v33  }
0x1ff: {  	s28 =	sadd.s32 $0xFFFFFFFD, s25;
	v33 =	vadd.s32 v24, v33;
	v36 =	vld [tilespmem:s10+$0x70]  }
0x200: {  	v37 =	vmov s28  }
0x201: {  	v37 =	vshrl.u32 v37, $0x3  }
0x202: {  	v37 =	vshll.u32 v37, v16  }
0x203: {  	[tilespmem:v35+s1+$0x0] =	vst.idx.msk $0xffff, v34;
	v34 =	vbroadcast v37, $0x0  }
0x204: {  	[tilespmem:v33+s1+$0x0] =	vst.idx.msk $0xffff, v36  }
0x205: {  	v33 =	vld [tilespmem:s10+$0x80];
	v35 =	vadd.s32 v25, v34  }
0x206: {  	s28 =	sadd.s32 $0xFFFFFFFE, s25;
	v34 =	vadd.s32 v26, v34;
	v36 =	vld [tilespmem:s10+$0x90]  }
0x207: {  	v37 =	vmov s28  }
0x208: {  	v37 =	vshrl.u32 v37, $0x3  }
0x209: {  	v37 =	vshll.u32 v37, v16  }
0x20a: {  	[tilespmem:v35+s1+$0x0] =	vst.idx.msk $0xffff, v33;
	v33 =	vbroadcast v37, $0x0  }
0x20b: {  	[tilespmem:v34+s1+$0x0] =	vst.idx.msk $0xffff, v36  }
0x20c: {  	v34 =	vld [tilespmem:s10+$0xA0];
	v35 =	vadd.s32 v27, v33  }
0x20d: {  	s28 =	sadd.s32 $0xFFFFFFFF, s25;
	v33 =	vadd.s32 v28, v33;
	v36 =	vld [tilespmem:s10+$0xB0]  }
0x20e: {  	v37 =	vmov s28  }
0x20f: {  	v37 =	vshrl.u32 v37, $0x3  }
0x210: {  	v37 =	vshll.u32 v37, v16  }
0x211: {  	[tilespmem:v35+s1+$0x0] =	vst.idx.msk $0xffff, v34;
	v34 =	vbroadcast v37, $0x0  }
0x212: {  	[tilespmem:v33+s1+$0x0] =	vst.idx.msk $0xffff, v36  }
0x213: {  	v33 =	vld [tilespmem:s10+$0xC0];
	v35 =	vadd.s32 v29, v34  }
0x214: {  	v34 =	vadd.s32 v30, v34;
	v36 =	vld [tilespmem:s10+$0xD0]  }
0x215: {  	v37 =	vmov s25;
	s25 =	smov.u32 s26  }
0x216: {  	v37 =	vshrl.u32 v37, $0x3  }
0x217: {  	v37 =	vshll.u32 v37, v16  }
0x218: {  	[tilespmem:v35+s1+$0x0] =	vst.idx.msk $0xffff, v33;
	v35 =	vbroadcast v37, $0x0  }
0x219: {  	[tilespmem:v34+s1+$0x0] =	vst.idx.msk $0xffff, v36  }
0x21a: {  	v36 =	vld [tilespmem:s10+$0xE0];
	v37 =	vadd.s32 v31, v35  }
.Ltmp3:
0x21b: {  	s26 =	sadd.s32 $0xFFFFFFF1, s25;
	v35 =	vadd.s32 v32, v35;
	v33 =	vld [tilespmem:s10+$0xF0];
	(pc) =	sbr.rel @p1 .LBB2_8-.Ltmp3, $4  }
0x21c: {  	v34 =	vmov s26  }
0x21d: {  	v34 =	vshrl.u32 v34, $0x3  }
0x21e: {  	v34 =	vshll.u32 v34, v16  }
0x21f: {  	v34 =	vbroadcast v34, $0x0;
	[tilespmem:v37+s1+$0x0] =	vst.idx.msk $0xffff, v36  }
0x220: {  	_ =	sdelay $0x3  }
0x221: {  	[tilespmem:v35+s1+$0x0] =	vst.idx.msk $0xffff, v33;
	s6 =	sadd.s32 $0x200, s10  }
0x222: {  	v33 =	vld [tilespmem:s6+$0xFFFFFF00];
	v56 =	vadd.s32 v18, v34  }
0x223: {  	s12 =	sadd.s32 $0xFFFFFFF2, s25;
	v36 =	vld [tilespmem:s6+$0xFFFFFF10];
	v57 =	vadd.s32 v17, v34  }
0x224: {  	v37 =	vmov s12  }
0x225: {  	v37 =	vshrl.u32 v37, $0x3  }
0x226: {  	v37 =	vshll.u32 v37, v16  }
0x227: {  	v58 =	vbroadcast v37, $0x0;
	[tilespmem:v56+s1+$0x0] =	vst.idx.msk $0xffff, v33  }
0x228: {  	[tilespmem:v57+s1+$0x0] =	vst.idx.msk $0xffff, v36  }
0x229: {  	v59 =	vadd.s32 v19, v58;
	v34 =	vld [tilespmem:s6+$0xFFFFFF20]  }
0x22a: {  	s13 =	sadd.s32 $0xFFFFFFF3, s25;
	v33 =	vadd.s32 v20, v58;
	v36 =	vld [tilespmem:s6+$0xFFFFFF30]  }
0x22b: {  	v60 =	vmov s13  }
0x22c: {  	v37 =	vshrl.u32 v60, $0x3  }
0x22d: {  	v37 =	vshll.u32 v37, v16  }
0x22e: {  	v61 =	vbroadcast v37, $0x0;
	[tilespmem:v59+s1+$0x0] =	vst.idx.msk $0xffff, v34  }
0x22f: {  	[tilespmem:v33+s1+$0x0] =	vst.idx.msk $0xffff, v36  }
0x230: {  	v62 =	vadd.s32 v21, v61;
	v33 =	vld [tilespmem:s6+$0xFFFFFF40]  }
0x231: {  	s26 =	sadd.s32 $0xFFFFFFF4, s25;
	v34 =	vadd.s32 v22, v61;
	v36 =	vld [tilespmem:s6+$0xFFFFFF50]  }
0x232: {  	v63 =	vmov s26  }
0x233: {  	v37 =	vshrl.u32 v63, $0x3  }
0x234: {  	v37 =	vshll.u32 v37, v16  }
0x235: {  	v40 =	vbroadcast v37, $0x0;
	[tilespmem:v62+s1+$0x0] =	vst.idx.msk $0xffff, v33  }
0x236: {  	[tilespmem:v34+s1+$0x0] =	vst.idx.msk $0xffff, v36  }
0x237: {  	v41 =	vadd.s32 v23, v40;
	v34 =	vld [tilespmem:s6+$0xFFFFFF60]  }
0x238: {  	s28 =	sadd.s32 $0xFFFFFFF5, s25;
	v33 =	vadd.s32 v24, v40;
	v36 =	vld [tilespmem:s6+$0xFFFFFF70]  }
0x239: {  	v42 =	vmov s28  }
0x23a: {  	v37 =	vshrl.u32 v42, $0x3  }
0x23b: {  	v37 =	vshll.u32 v37, v16  }
0x23c: {  	v43 =	vbroadcast v37, $0x0;
	[tilespmem:v41+s1+$0x0] =	vst.idx.msk $0xffff, v34  }
0x23d: {  	[tilespmem:v33+s1+$0x0] =	vst.idx.msk $0xffff, v36  }
0x23e: {  	v44 =	vadd.s32 v25, v43;
	v33 =	vld [tilespmem:s6+$0xFFFFFF80]  }
0x23f: {  	s0 =	sadd.s32 $0xFFFFFFF6, s25;
	v34 =	vadd.s32 v26, v43;
	v36 =	vld [tilespmem:s6+$0xFFFFFF90]  }
0x240: {  	v45 =	vmov s0  }
0x241: {  	v37 =	vshrl.u32 v45, $0x3  }
0x242: {  	v37 =	vshll.u32 v37, v16  }
0x243: {  	v46 =	vbroadcast v37, $0x0;
	[tilespmem:v44+s1+$0x0] =	vst.idx.msk $0xffff, v33  }
0x244: {  	[tilespmem:v34+s1+$0x0] =	vst.idx.msk $0xffff, v36  }
0x245: {  	v47 =	vadd.s32 v27, v46;
	v34 =	vld [tilespmem:s6+$0xFFFFFFA0]  }
0x246: {  	s12 =	sadd.s32 $0xFFFFFFF7, s25;
	v33 =	vadd.s32 v28, v46;
	v36 =	vld [tilespmem:s6+$0xFFFFFFB0]  }
0x247: {  	v48 =	vmov s12  }
0x248: {  	v37 =	vshrl.u32 v48, $0x3  }
0x249: {  	v37 =	vshll.u32 v37, v16  }
0x24a: {  	v49 =	vbroadcast v37, $0x0;
	[tilespmem:v47+s1+$0x0] =	vst.idx.msk $0xffff, v34  }
0x24b: {  	[tilespmem:v33+s1+$0x0] =	vst.idx.msk $0xffff, v36  }
0x24c: {  	v50 =	vadd.s32 v29, v49;
	v33 =	vld [tilespmem:s6+$0xFFFFFFC0]  }
0x24d: {  	s13 =	sadd.s32 $0xFFFFFFF8, s25;
	v34 =	vadd.s32 v30, v49;
	v36 =	vld [tilespmem:s6+$0xFFFFFFD0]  }
0x24e: {  	v51 =	vmov s13  }
0x24f: {  	v37 =	vshrl.u32 v51, $0x3  }
0x250: {  	v37 =	vshll.u32 v37, v16  }
0x251: {  	v52 =	vbroadcast v37, $0x0;
	[tilespmem:v50+s1+$0x0] =	vst.idx.msk $0xffff, v33  }
0x252: {  	[tilespmem:v34+s1+$0x0] =	vst.idx.msk $0xffff, v36  }
0x253: {  	v53 =	vadd.s32 v31, v52;
	v34 =	vld [tilespmem:s6+$0xFFFFFFE0]  }
0x254: {  	s26 =	sadd.s32 $0xFFFFFFF9, s25;
	v33 =	vadd.s32 v32, v52;
	v36 =	vld [tilespmem:s6+$0xFFFFFFF0]  }
0x255: {  	v54 =	vmov s26  }
0x256: {  	v37 =	vshrl.u32 v54, $0x3  }
0x257: {  	v37 =	vshll.u32 v37, v16  }
0x258: {  	v55 =	vbroadcast v37, $0x0;
	[tilespmem:v53+s1+$0x0] =	vst.idx.msk $0xffff, v34  }
0x259: {  	[tilespmem:v33+s1+$0x0] =	vst.idx.msk $0xffff, v36  }
0x25a: {  	v18 =	vadd.s32 v18, v55;
	v33 =	vld [tilespmem:s6+$0x0]  }
0x25b: {  	s28 =	sadd.s32 $0xFFFFFFFA, s25;
	v17 =	vadd.s32 v17, v55;
	v35 =	vld [tilespmem:s6+$0x10]  }
0x25c: {  	v56 =	vmov s28  }
0x25d: {  	v34 =	vshrl.u32 v56, $0x3  }
0x25e: {  	v34 =	vshll.u32 v34, v16  }
0x25f: {  	[tilespmem:v18+s1+$0x0] =	vst.idx.msk $0xffff, v33;
	v18 =	vbroadcast v34, $0x0  }
0x260: {  	[tilespmem:v17+s1+$0x0] =	vst.idx.msk $0xffff, v35  }
0x261: {  	v17 =	vld [tilespmem:s6+$0x20];
	v19 =	vadd.s32 v19, v18  }
0x262: {  	s0 =	sadd.s32 $0xFFFFFFFB, s25;
	v33 =	vld [tilespmem:s6+$0x30];
	v18 =	vadd.s32 v20, v18  }
0x263: {  	v57 =	vmov s0  }
0x264: {  	v20 =	vshrl.u32 v57, $0x3  }
0x265: {  	v20 =	vshll.u32 v20, v16  }
0x266: {  	[tilespmem:v19+s1+$0x0] =	vst.idx.msk $0xffff, v17;
	v17 =	vbroadcast v20, $0x0  }
0x267: {  	[tilespmem:v18+s1+$0x0] =	vst.idx.msk $0xffff, v33  }
0x268: {  	v18 =	vld [tilespmem:s6+$0x40];
	v19 =	vadd.s32 v21, v17  }
0x269: {  	s12 =	sadd.s32 $0xFFFFFFFC, s25;
	v58 =	vld [tilespmem:s6+$0x50];
	v17 =	vadd.s32 v22, v17  }
0x26a: {  	v59 =	vmov s12  }
0x26b: {  	v21 =	vshrl.u32 v59, $0x3  }
0x26c: {  	v21 =	vshll.u32 v21, v16  }
0x26d: {  	[tilespmem:v19+s1+$0x0] =	vst.idx.msk $0xffff, v18;
	v18 =	vbroadcast v21, $0x0  }
0x26e: {  	[tilespmem:v17+s1+$0x0] =	vst.idx.msk $0xffff, v58  }
0x26f: {  	v17 =	vld [tilespmem:s6+$0x60];
	v19 =	vadd.s32 v23, v18  }
0x270: {  	s13 =	sadd.s32 $0xFFFFFFFD, s25;
	v20 =	vld [tilespmem:s6+$0x70];
	v18 =	vadd.s32 v24, v18  }
0x271: {  	v60 =	vmov s13  }
0x272: {  	v21 =	vshrl.u32 v60, $0x3  }
0x273: {  	v21 =	vshll.u32 v21, v16  }
0x274: {  	[tilespmem:v19+s1+$0x0] =	vst.idx.msk $0xffff, v17;
	v17 =	vbroadcast v21, $0x0  }
0x275: {  	[tilespmem:v18+s1+$0x0] =	vst.idx.msk $0xffff, v20  }
0x276: {  	v18 =	vld [tilespmem:s6+$0x80];
	v19 =	vadd.s32 v25, v17  }
0x277: {  	s26 =	sadd.s32 $0xFFFFFFFE, s25;
	v20 =	vld [tilespmem:s6+$0x90];
	v17 =	vadd.s32 v26, v17  }
0x278: {  	v61 =	vmov s26  }
0x279: {  	v21 =	vshrl.u32 v61, $0x3  }
0x27a: {  	v21 =	vshll.u32 v21, v16  }
0x27b: {  	[tilespmem:v19+s1+$0x0] =	vst.idx.msk $0xffff, v18;
	v18 =	vbroadcast v21, $0x0  }
0x27c: {  	[tilespmem:v17+s1+$0x0] =	vst.idx.msk $0xffff, v20  }
0x27d: {  	v17 =	vld [tilespmem:s6+$0xA0];
	v19 =	vadd.s32 v27, v18  }
0x27e: {  	s28 =	sadd.s32 $0xFFFFFFFF, s25;
	v20 =	vld [tilespmem:s6+$0xB0];
	v18 =	vadd.s32 v28, v18  }
0x27f: {  	v62 =	vmov s28  }
0x280: {  	v21 =	vshrl.u32 v62, $0x3  }
0x281: {  	v21 =	vshll.u32 v21, v16  }
0x282: {  	[tilespmem:v19+s1+$0x0] =	vst.idx.msk $0xffff, v17;
	v17 =	vbroadcast v21, $0x0  }
0x283: {  	[tilespmem:v18+s1+$0x0] =	vst.idx.msk $0xffff, v20  }
0x284: {  	v18 =	vld [tilespmem:s6+$0xC0];
	v19 =	vadd.s32 v29, v17  }
0x285: {  	v20 =	vld [tilespmem:s6+$0xD0];
	v17 =	vadd.s32 v30, v17  }
0x286: {  	v63 =	vmov s25  }
0x287: {  	v21 =	vshrl.u32 v63, $0x3  }
0x288: {  	v21 =	vshll.u32 v21, v16  }
0x289: {  	[tilespmem:v19+s1+$0x0] =	vst.idx.msk $0xffff, v18;
	v18 =	vbroadcast v21, $0x0  }
0x28a: {  	[tilespmem:v17+s1+$0x0] =	vst.idx.msk $0xffff, v20  }
0x28b: {  	s24 =	sadd.s32 $0x1, s24;
	v17 =	vld [tilespmem:s6+$0xE0];
	v19 =	vadd.s32 v31, v18  }
0x28c: {  	p1 =	sne.s32 s24, $0x8;
	v20 =	vld [tilespmem:s6+$0xF0];
	v18 =	vadd.s32 v32, v18  }
.Ltmp4:
0x28d: {  	_ = 	snop;
	(pc) =	sbr.rel @p1 .LBB2_7-.Ltmp4, $3  }
0x28e: {  	_ =	sdelay $0x1  }
0x28f: {  	[tilespmem:v19+s1+$0x0] =	vst.idx.msk $0xffff, v17  }
0x290: {  	s23 =	sadd.s32 $0x1000, s23;
	[tilespmem:v18+s1+$0x0] =	vst.idx.msk $0xffff, v20  }
0x291: {  	s6 =	sshll.u32 s22, $0xD;
	s10 =	sshll.u32 s22, $0xF  }
0x292: {  	s6 =	sand.u32 $0x1E000, s6;
	s10 =	sand.u32 $0x7FF80000, s10  }
0x293: {  	s6 =	sor.u32 s6, s10  }
0x294: {  	s22 =	sshrl.u32 s6, $0x3  }
0x295: {  	s6 =	sadd.s32 s2, s22  }
0x296: {  	[hbm4b:s6+s3] =	stream.linear.scatter [tilespmem:s1], [sflag:$0x3], $0x80, $0x38;
	[tilespmem:$0x19000] =	vst v63  }
0x297: {  	s12 =	simm.s32 $0x10888;
	s0 =	sadd.s32 $0x10, s6  }
0x298: {  	[hbm4b:s0+s3] =	stream.linear.scatter [tilespmem:s12], [sflag:$0x3], $0x80, $0x38;
	[tilespmem:$0x19000] =	vst v63  }
0x299: {  	s13 =	simm.s32 $0x10910;
	s12 =	sadd.s32 $0x20, s6  }
0x29a: {  	[hbm4b:s12+s3] =	stream.linear.scatter [tilespmem:s13], [sflag:$0x3], $0x80, $0x38;
	[tilespmem:$0x19000] =	vst v63  }
0x29b: {  	s24 =	simm.s32 $0x10998;
	s23 =	sadd.s32 $0x30, s6  }
0x29c: {  	[hbm4b:s23+s3] =	stream.linear.scatter [tilespmem:s24], [sflag:$0x3], $0x80, $0x38;
	[tilespmem:$0x19000] =	vst v63  }
0x29d: {  	s26 =	simm.s32 $0x10A20;
	s25 =	sadd.s32 $0x40, s6  }
0x29e: {  	[hbm4b:s25+s3] =	stream.linear.scatter [tilespmem:s26], [sflag:$0x3], $0x80, $0x38;
	[tilespmem:$0x19000] =	vst v63  }
0x29f: {  	s28 =	sadd.s32 $0x50, s6;
	s0 =	simm.s32 $0x10AA8  }
0x2a0: {  	[hbm4b:s28+s3] =	stream.linear.scatter [tilespmem:s0], [sflag:$0x3], $0x80, $0x38;
	[tilespmem:$0x19000] =	vst v63  }
0x2a1: {  	s12 =	sadd.s32 $0x60, s6;
	s13 =	simm.s32 $0x10B30  }
0x2a2: {  	[hbm4b:s12+s3] =	stream.linear.scatter [tilespmem:s13], [sflag:$0x3], $0x80, $0x38;
	[tilespmem:$0x19000] =	vst v63  }
0x2a3: {  	s6 =	sadd.s32 $0x70, s6;
	s23 =	simm.s32 $0x10BB8  }
0x2a4: {  	[hbm4b:s6+s3] =	stream.linear.scatter [tilespmem:s23], [sflag:$0x3], $0x80, $0x38;
	[tilespmem:$0x19000] =	vst v63  }
0x2a5: {  	s23 =	sor.u32 $0x80, s22  }
0x2a6: {  	s24 =	simm.s32 $0x10C40;
	s6 =	sadd.s32 s2, s23  }
0x2a7: {  	[hbm4b:s6+s3] =	stream.linear.scatter [tilespmem:s24], [sflag:$0x3], $0x80, $0x38;
	[tilespmem:$0x19000] =	vst v63  }
0x2a8: {  	s26 =	simm.s32 $0x10CC8;
	s25 =	sadd.s32 $0x10, s6  }
0x2a9: {  	[hbm4b:s25+s3] =	stream.linear.scatter [tilespmem:s26], [sflag:$0x3], $0x80, $0x38;
	[tilespmem:$0x19000] =	vst v63  }
0x2aa: {  	s0 =	simm.s32 $0x10D50;
	s28 =	sadd.s32 $0x20, s6  }
0x2ab: {  	[hbm4b:s28+s3] =	stream.linear.scatter [tilespmem:s0], [sflag:$0x3], $0x80, $0x38;
	[tilespmem:$0x19000] =	vst v63  }
0x2ac: {  	s13 =	sadd.s32 $0x30, s6;
	s24 =	simm.s32 $0x10DD8  }
0x2ad: {  	[hbm4b:s13+s3] =	stream.linear.scatter [tilespmem:s24], [sflag:$0x3], $0x80, $0x38;
	[tilespmem:$0x19000] =	vst v63  }
0x2ae: {  	s25 =	sadd.s32 $0x40, s6;
	s26 =	simm.s32 $0x10E60  }
0x2af: {  	[hbm4b:s25+s3] =	stream.linear.scatter [tilespmem:s26], [sflag:$0x3], $0x80, $0x38;
	[tilespmem:$0x19000] =	vst v63  }
0x2b0: {  	s28 =	sadd.s32 $0x50, s6;
	s0 =	simm.s32 $0x10EE8  }
0x2b1: {  	[hbm4b:s28+s3] =	stream.linear.scatter [tilespmem:s0], [sflag:$0x3], $0x80, $0x38;
	[tilespmem:$0x19000] =	vst v63  }
0x2b2: {  	s13 =	sadd.s32 $0x60, s6;
	s24 =	simm.s32 $0x10F70  }
0x2b3: {  	[hbm4b:s13+s3] =	stream.linear.scatter [tilespmem:s24], [sflag:$0x3], $0x80, $0x38;
	[tilespmem:$0x19000] =	vst v63  }
0x2b4: {  	s6 =	sadd.s32 $0x70, s6;
	s25 =	simm.s32 $0x10FF8;
	s24 =	sor.u32 $0x100, s22  }
0x2b5: {  	[hbm4b:s6+s3] =	stream.linear.scatter [tilespmem:s25], [sflag:$0x3], $0x80, $0x38;
	[tilespmem:$0x19000] =	vst v63  }
0x2b6: {  	s26 =	simm.s32 $0x11080;
	s6 =	sadd.s32 s2, s24  }
0x2b7: {  	[hbm4b:s6+s3] =	stream.linear.scatter [tilespmem:s26], [sflag:$0x3], $0x80, $0x38;
	[tilespmem:$0x19000] =	vst v63  }
0x2b8: {  	s0 =	simm.s32 $0x11108;
	s28 =	sadd.s32 $0x10, s6  }
0x2b9: {  	[hbm4b:s28+s3] =	stream.linear.scatter [tilespmem:s0], [sflag:$0x3], $0x80, $0x38;
	[tilespmem:$0x19000] =	vst v63  }
0x2ba: {  	s13 =	simm.s32 $0x11190;
	s12 =	sadd.s32 $0x20, s6  }
0x2bb: {  	[hbm4b:s12+s3] =	stream.linear.scatter [tilespmem:s13], [sflag:$0x3], $0x80, $0x38;
	[tilespmem:$0x19000] =	vst v63  }
0x2bc: {  	s25 =	sadd.s32 $0x30, s6;
	s26 =	simm.s32 $0x11218  }
0x2bd: {  	[hbm4b:s25+s3] =	stream.linear.scatter [tilespmem:s26], [sflag:$0x3], $0x80, $0x38;
	[tilespmem:$0x19000] =	vst v63  }
0x2be: {  	s28 =	sadd.s32 $0x40, s6;
	s0 =	simm.s32 $0x112A0  }
0x2bf: {  	[hbm4b:s28+s3] =	stream.linear.scatter [tilespmem:s0], [sflag:$0x3], $0x80, $0x38;
	[tilespmem:$0x19000] =	vst v63  }
0x2c0: {  	s13 =	sadd.s32 $0x50, s6;
	s25 =	simm.s32 $0x11328  }
0x2c1: {  	[hbm4b:s13+s3] =	stream.linear.scatter [tilespmem:s25], [sflag:$0x3], $0x80, $0x38;
	[tilespmem:$0x19000] =	vst v63  }
0x2c2: {  	s26 =	sadd.s32 $0x60, s6;
	s28 =	simm.s32 $0x113B0  }
0x2c3: {  	[hbm4b:s26+s3] =	stream.linear.scatter [tilespmem:s28], [sflag:$0x3], $0x80, $0x38;
	[tilespmem:$0x19000] =	vst v63  }
0x2c4: {  	s6 =	sadd.s32 $0x70, s6;
	s0 =	simm.s32 $0x11438;
	s25 =	sor.u32 $0x180, s22  }
0x2c5: {  	[hbm4b:s6+s3] =	stream.linear.scatter [tilespmem:s0], [sflag:$0x3], $0x80, $0x38;
	[tilespmem:$0x19000] =	vst v63  }
0x2c6: {  	s12 =	simm.s32 $0x114C0;
	s6 =	sadd.s32 s2, s25  }
0x2c7: {  	[hbm4b:s6+s3] =	stream.linear.scatter [tilespmem:s12], [sflag:$0x3], $0x80, $0x38;
	[tilespmem:$0x19000] =	vst v63  }
0x2c8: {  	s26 =	simm.s32 $0x11548;
	s13 =	sadd.s32 $0x10, s6  }
0x2c9: {  	[hbm4b:s13+s3] =	stream.linear.scatter [tilespmem:s26], [sflag:$0x3], $0x80, $0x38;
	[tilespmem:$0x19000] =	vst v63  }
0x2ca: {  	s0 =	simm.s32 $0x115D0;
	s28 =	sadd.s32 $0x20, s6  }
0x2cb: {  	[hbm4b:s28+s3] =	stream.linear.scatter [tilespmem:s0], [sflag:$0x3], $0x80, $0x38;
	[tilespmem:$0x19000] =	vst v63  }
0x2cc: {  	s13 =	sadd.s32 $0x30, s6;
	s26 =	simm.s32 $0x11658  }
0x2cd: {  	[hbm4b:s13+s3] =	stream.linear.scatter [tilespmem:s26], [sflag:$0x3], $0x80, $0x38;
	[tilespmem:$0x19000] =	vst v63  }
0x2ce: {  	s28 =	sadd.s32 $0x40, s6;
	s0 =	simm.s32 $0x116E0  }
0x2cf: {  	[hbm4b:s28+s3] =	stream.linear.scatter [tilespmem:s0], [sflag:$0x3], $0x80, $0x38;
	[tilespmem:$0x19000] =	vst v63  }
0x2d0: {  	s13 =	sadd.s32 $0x50, s6;
	s26 =	simm.s32 $0x11768  }
0x2d1: {  	[hbm4b:s13+s3] =	stream.linear.scatter [tilespmem:s26], [sflag:$0x3], $0x80, $0x38;
	[tilespmem:$0x19000] =	vst v63  }
0x2d2: {  	s28 =	sadd.s32 $0x60, s6;
	s0 =	simm.s32 $0x117F0  }
0x2d3: {  	[hbm4b:s28+s3] =	stream.linear.scatter [tilespmem:s0], [sflag:$0x3], $0x80, $0x38;
	[tilespmem:$0x19000] =	vst v63  }
0x2d4: {  	s12 =	simm.s32 $0x11878;
	s6 =	sadd.s32 $0x70, s6;
	s26 =	sor.u32 $0x200, s22  }
0x2d5: {  	[hbm4b:s6+s3] =	stream.linear.scatter [tilespmem:s12], [sflag:$0x3], $0x80, $0x38;
	[tilespmem:$0x19000] =	vst v63  }
0x2d6: {  	s13 =	simm.s32 $0x11900;
	s6 =	sadd.s32 s2, s26  }
0x2d7: {  	[hbm4b:s6+s3] =	stream.linear.scatter [tilespmem:s13], [sflag:$0x3], $0x80, $0x38;
	[tilespmem:$0x19000] =	vst v63  }
0x2d8: {  	s0 =	simm.s32 $0x11988;
	s28 =	sadd.s32 $0x10, s6  }
0x2d9: {  	[hbm4b:s28+s3] =	stream.linear.scatter [tilespmem:s0], [sflag:$0x3], $0x80, $0x38;
	[tilespmem:$0x19000] =	vst v63  }
0x2da: {  	s12 =	sadd.s32 $0x20, s6;
	s13 =	simm.s32 $0x11A10  }
0x2db: {  	[hbm4b:s12+s3] =	stream.linear.scatter [tilespmem:s13], [sflag:$0x3], $0x80, $0x38;
	[tilespmem:$0x19000] =	vst v63  }
0x2dc: {  	s28 =	sadd.s32 $0x30, s6;
	s0 =	simm.s32 $0x11A98  }
0x2dd: {  	[hbm4b:s28+s3] =	stream.linear.scatter [tilespmem:s0], [sflag:$0x3], $0x80, $0x38;
	[tilespmem:$0x19000] =	vst v63  }
0x2de: {  	s12 =	sadd.s32 $0x40, s6;
	s13 =	simm.s32 $0x11B20  }
0x2df: {  	[hbm4b:s12+s3] =	stream.linear.scatter [tilespmem:s13], [sflag:$0x3], $0x80, $0x38;
	[tilespmem:$0x19000] =	vst v63  }
0x2e0: {  	s28 =	sadd.s32 $0x50, s6;
	s0 =	simm.s32 $0x11BA8  }
0x2e1: {  	[hbm4b:s28+s3] =	stream.linear.scatter [tilespmem:s0], [sflag:$0x3], $0x80, $0x38;
	[tilespmem:$0x19000] =	vst v63  }
0x2e2: {  	s13 =	sadd.s32 $0x60, s6;
	s28 =	simm.s32 $0x11C30  }
0x2e3: {  	[hbm4b:s13+s3] =	stream.linear.scatter [tilespmem:s28], [sflag:$0x3], $0x80, $0x38;
	[tilespmem:$0x19000] =	vst v63  }
0x2e4: {  	s6 =	sadd.s32 $0x70, s6;
	s0 =	simm.s32 $0x11CB8;
	s28 =	sor.u32 $0x280, s22  }
0x2e5: {  	[hbm4b:s6+s3] =	stream.linear.scatter [tilespmem:s0], [sflag:$0x3], $0x80, $0x38;
	[tilespmem:$0x19000] =	vst v63  }
0x2e6: {  	s12 =	simm.s32 $0x11D40;
	s6 =	sadd.s32 s2, s28  }
0x2e7: {  	[hbm4b:s6+s3] =	stream.linear.scatter [tilespmem:s12], [sflag:$0x3], $0x80, $0x38;
	[tilespmem:$0x19000] =	vst v63  }
0x2e8: {  	s0 =	simm.s32 $0x11DC8;
	s13 =	sadd.s32 $0x10, s6  }
0x2e9: {  	[hbm4b:s13+s3] =	stream.linear.scatter [tilespmem:s0], [sflag:$0x3], $0x80, $0x38;
	[tilespmem:$0x19000] =	vst v63  }
0x2ea: {  	s13 =	sadd.s32 $0x20, s6;
	s0 =	simm.s32 $0x11E50  }
0x2eb: {  	[hbm4b:s13+s3] =	stream.linear.scatter [tilespmem:s0], [sflag:$0x3], $0x80, $0x38;
	[tilespmem:$0x19000] =	vst v63  }
0x2ec: {  	s13 =	sadd.s32 $0x30, s6;
	s0 =	simm.s32 $0x11ED8  }
0x2ed: {  	[hbm4b:s13+s3] =	stream.linear.scatter [tilespmem:s0], [sflag:$0x3], $0x80, $0x38;
	[tilespmem:$0x19000] =	vst v63  }
0x2ee: {  	s13 =	sadd.s32 $0x40, s6;
	s0 =	simm.s32 $0x11F60  }
0x2ef: {  	[hbm4b:s13+s3] =	stream.linear.scatter [tilespmem:s0], [sflag:$0x3], $0x80, $0x38;
	[tilespmem:$0x19000] =	vst v63  }
0x2f0: {  	s13 =	sadd.s32 $0x50, s6;
	s0 =	simm.s32 $0x11FE8  }
0x2f1: {  	[hbm4b:s13+s3] =	stream.linear.scatter [tilespmem:s0], [sflag:$0x3], $0x80, $0x38;
	[tilespmem:$0x19000] =	vst v63  }
0x2f2: {  	s13 =	sadd.s32 $0x60, s6;
	s0 =	simm.s32 $0x12070  }
0x2f3: {  	[hbm4b:s13+s3] =	stream.linear.scatter [tilespmem:s0], [sflag:$0x3], $0x80, $0x38;
	[tilespmem:$0x19000] =	vst v63  }
0x2f4: {  	s12 =	simm.s32 $0x120F8;
	s6 =	sadd.s32 $0x70, s6  }
0x2f5: {  	[hbm4b:s6+s3] =	stream.linear.scatter [tilespmem:s12], [sflag:$0x3], $0x80, $0x38;
	[tilespmem:$0x19000] =	vst v63  }
0x2f6: {  	s6 =	sor.u32 $0x300, s22  }
0x2f7: {  	s13 =	simm.s32 $0x12180;
	s10 =	sadd.s32 s2, s6  }
0x2f8: {  	[hbm4b:s10+s3] =	stream.linear.scatter [tilespmem:s13], [sflag:$0x3], $0x80, $0x38;
	[tilespmem:$0x19000] =	vst v63  }
0x2f9: {  	s0 =	sadd.s32 $0x10, s10;
	s13 =	simm.s32 $0x12208  }
0x2fa: {  	[hbm4b:s0+s3] =	stream.linear.scatter [tilespmem:s13], [sflag:$0x3], $0x80, $0x38;
	[tilespmem:$0x19000] =	vst v63  }
0x2fb: {  	s13 =	sadd.s32 $0x20, s10;
	s0 =	simm.s32 $0x12290  }
0x2fc: {  	[hbm4b:s13+s3] =	stream.linear.scatter [tilespmem:s0], [sflag:$0x3], $0x80, $0x38;
	[tilespmem:$0x19000] =	vst v63  }
0x2fd: {  	s13 =	sadd.s32 $0x30, s10;
	s0 =	simm.s32 $0x12318  }
0x2fe: {  	[hbm4b:s13+s3] =	stream.linear.scatter [tilespmem:s0], [sflag:$0x3], $0x80, $0x38;
	[tilespmem:$0x19000] =	vst v63  }
0x2ff: {  	s13 =	sadd.s32 $0x40, s10;
	s0 =	simm.s32 $0x123A0  }
0x300: {  	[hbm4b:s13+s3] =	stream.linear.scatter [tilespmem:s0], [sflag:$0x3], $0x80, $0x38;
	[tilespmem:$0x19000] =	vst v63  }
0x301: {  	s13 =	sadd.s32 $0x50, s10;
	s0 =	simm.s32 $0x12428  }
0x302: {  	[hbm4b:s13+s3] =	stream.linear.scatter [tilespmem:s0], [sflag:$0x3], $0x80, $0x38;
	[tilespmem:$0x19000] =	vst v63  }
0x303: {  	s13 =	sadd.s32 $0x60, s10;
	s0 =	simm.s32 $0x124B0  }
0x304: {  	[hbm4b:s13+s3] =	stream.linear.scatter [tilespmem:s0], [sflag:$0x3], $0x80, $0x38;
	[tilespmem:$0x19000] =	vst v63  }
0x305: {  	s10 =	sadd.s32 $0x70, s10;
	s13 =	simm.s32 $0x12538  }
0x306: {  	[hbm4b:s10+s3] =	stream.linear.scatter [tilespmem:s13], [sflag:$0x3], $0x80, $0x38;
	[tilespmem:$0x19000] =	vst v63  }
0x307: {  	s10 =	sor.u32 $0x380, s22  }
0x308: {  	s0 =	simm.s32 $0x125C0;
	s12 =	sadd.s32 s2, s10  }
0x309: {  	[hbm4b:s12+s3] =	stream.linear.scatter [tilespmem:s0], [sflag:$0x3], $0x80, $0x38;
	[tilespmem:$0x19000] =	vst v63  }
0x30a: {  	s13 =	sadd.s32 $0x10, s12;
	s0 =	simm.s32 $0x12648  }
0x30b: {  	[hbm4b:s13+s3] =	stream.linear.scatter [tilespmem:s0], [sflag:$0x3], $0x80, $0x38;
	[tilespmem:$0x19000] =	vst v63  }
0x30c: {  	s13 =	sadd.s32 $0x20, s12;
	s0 =	simm.s32 $0x126D0  }
0x30d: {  	[hbm4b:s13+s3] =	stream.linear.scatter [tilespmem:s0], [sflag:$0x3], $0x80, $0x38;
	[tilespmem:$0x19000] =	vst v63  }
0x30e: {  	s13 =	sadd.s32 $0x30, s12;
	s0 =	simm.s32 $0x12758  }
0x30f: {  	[hbm4b:s13+s3] =	stream.linear.scatter [tilespmem:s0], [sflag:$0x3], $0x80, $0x38;
	[tilespmem:$0x19000] =	vst v63  }
0x310: {  	s13 =	sadd.s32 $0x40, s12;
	s0 =	simm.s32 $0x127E0  }
0x311: {  	[hbm4b:s13+s3] =	stream.linear.scatter [tilespmem:s0], [sflag:$0x3], $0x80, $0x38;
	[tilespmem:$0x19000] =	vst v63  }
0x312: {  	s13 =	sadd.s32 $0x50, s12;
	s0 =	simm.s32 $0x12868  }
0x313: {  	[hbm4b:s13+s3] =	stream.linear.scatter [tilespmem:s0], [sflag:$0x3], $0x80, $0x38;
	[tilespmem:$0x19000] =	vst v63  }
0x314: {  	s13 =	sadd.s32 $0x60, s12;
	s0 =	simm.s32 $0x128F0  }
0x315: {  	[hbm4b:s13+s3] =	stream.linear.scatter [tilespmem:s0], [sflag:$0x3], $0x80, $0x38;
	[tilespmem:$0x19000] =	vst v63  }
0x316: {  	s12 =	sadd.s32 $0x70, s12;
	s13 =	simm.s32 $0x12978  }
0x317: {  	[hbm4b:s12+s3] =	stream.linear.scatter [tilespmem:s13], [sflag:$0x3], $0x80, $0x38;
	[tilespmem:$0x19000] =	vst v63  }
0x318: {  	s12 =	sadd.s32 s22, s7;
	s13 =	simm.s32 $0x12A00  }
0x319: {  	[hbm4b:s12+s3] =	stream.linear.scatter [tilespmem:s13], [sflag:$0x3], $0x80, $0x38;
	[tilespmem:$0x19000] =	vst v63  }
0x31a: {  	s0 =	simm.s32 $0x12A88;
	s13 =	sadd.s32 $0x10, s12  }
0x31b: {  	[hbm4b:s13+s3] =	stream.linear.scatter [tilespmem:s0], [sflag:$0x3], $0x80, $0x38;
	[tilespmem:$0x19000] =	vst v63  }
0x31c: {  	s13 =	sadd.s32 $0x20, s12;
	s0 =	simm.s32 $0x12B10  }
0x31d: {  	[hbm4b:s13+s3] =	stream.linear.scatter [tilespmem:s0], [sflag:$0x3], $0x80, $0x38;
	[tilespmem:$0x19000] =	vst v63  }
0x31e: {  	s13 =	sadd.s32 $0x30, s12;
	s0 =	simm.s32 $0x12B98  }
0x31f: {  	[hbm4b:s13+s3] =	stream.linear.scatter [tilespmem:s0], [sflag:$0x3], $0x80, $0x38;
	[tilespmem:$0x19000] =	vst v63  }
0x320: {  	s13 =	sadd.s32 $0x40, s12;
	s0 =	simm.s32 $0x12C20  }
0x321: {  	[hbm4b:s13+s3] =	stream.linear.scatter [tilespmem:s0], [sflag:$0x3], $0x80, $0x38;
	[tilespmem:$0x19000] =	vst v63  }
0x322: {  	s13 =	sadd.s32 $0x50, s12;
	s0 =	simm.s32 $0x12CA8  }
0x323: {  	[hbm4b:s13+s3] =	stream.linear.scatter [tilespmem:s0], [sflag:$0x3], $0x80, $0x38;
	[tilespmem:$0x19000] =	vst v63  }
0x324: {  	s13 =	sadd.s32 $0x60, s12;
	s0 =	simm.s32 $0x12D30  }
0x325: {  	[hbm4b:s13+s3] =	stream.linear.scatter [tilespmem:s0], [sflag:$0x3], $0x80, $0x38;
	[tilespmem:$0x19000] =	vst v63  }
0x326: {  	s12 =	sadd.s32 $0x70, s12;
	s13 =	simm.s32 $0x12DB8  }
0x327: {  	[hbm4b:s12+s3] =	stream.linear.scatter [tilespmem:s13], [sflag:$0x3], $0x80, $0x38;
	[tilespmem:$0x19000] =	vst v63  }
0x328: {  	s12 =	sadd.s32 s23, s7;
	s13 =	simm.s32 $0x12E40  }
0x329: {  	[hbm4b:s12+s3] =	stream.linear.scatter [tilespmem:s13], [sflag:$0x3], $0x80, $0x38;
	[tilespmem:$0x19000] =	vst v63  }
0x32a: {  	s0 =	simm.s32 $0x12EC8;
	s13 =	sadd.s32 $0x10, s12  }
0x32b: {  	[hbm4b:s13+s3] =	stream.linear.scatter [tilespmem:s0], [sflag:$0x3], $0x80, $0x38;
	[tilespmem:$0x19000] =	vst v63  }
0x32c: {  	s13 =	sadd.s32 $0x20, s12;
	s0 =	simm.s32 $0x12F50  }
0x32d: {  	[hbm4b:s13+s3] =	stream.linear.scatter [tilespmem:s0], [sflag:$0x3], $0x80, $0x38;
	[tilespmem:$0x19000] =	vst v63  }
0x32e: {  	s13 =	sadd.s32 $0x30, s12;
	s0 =	simm.s32 $0x12FD8  }
0x32f: {  	[hbm4b:s13+s3] =	stream.linear.scatter [tilespmem:s0], [sflag:$0x3], $0x80, $0x38;
	[tilespmem:$0x19000] =	vst v63  }
0x330: {  	s13 =	sadd.s32 $0x40, s12;
	s0 =	simm.s32 $0x13060  }
0x331: {  	[hbm4b:s13+s3] =	stream.linear.scatter [tilespmem:s0], [sflag:$0x3], $0x80, $0x38;
	[tilespmem:$0x19000] =	vst v63  }
0x332: {  	s13 =	sadd.s32 $0x50, s12;
	s0 =	simm.s32 $0x130E8  }
0x333: {  	[hbm4b:s13+s3] =	stream.linear.scatter [tilespmem:s0], [sflag:$0x3], $0x80, $0x38;
	[tilespmem:$0x19000] =	vst v63  }
0x334: {  	s13 =	sadd.s32 $0x60, s12;
	s0 =	simm.s32 $0x13170  }
0x335: {  	[hbm4b:s13+s3] =	stream.linear.scatter [tilespmem:s0], [sflag:$0x3], $0x80, $0x38;
	[tilespmem:$0x19000] =	vst v63  }
0x336: {  	s12 =	sadd.s32 $0x70, s12;
	s13 =	simm.s32 $0x131F8  }
0x337: {  	[hbm4b:s12+s3] =	stream.linear.scatter [tilespmem:s13], [sflag:$0x3], $0x80, $0x38;
	[tilespmem:$0x19000] =	vst v63  }
0x338: {  	s12 =	sadd.s32 s24, s7;
	s13 =	simm.s32 $0x13280  }
0x339: {  	[hbm4b:s12+s3] =	stream.linear.scatter [tilespmem:s13], [sflag:$0x3], $0x80, $0x38;
	[tilespmem:$0x19000] =	vst v63  }
0x33a: {  	s0 =	simm.s32 $0x13308;
	s13 =	sadd.s32 $0x10, s12  }
0x33b: {  	[hbm4b:s13+s3] =	stream.linear.scatter [tilespmem:s0], [sflag:$0x3], $0x80, $0x38;
	[tilespmem:$0x19000] =	vst v63  }
0x33c: {  	s13 =	sadd.s32 $0x20, s12;
	s0 =	simm.s32 $0x13390  }
0x33d: {  	[hbm4b:s13+s3] =	stream.linear.scatter [tilespmem:s0], [sflag:$0x3], $0x80, $0x38;
	[tilespmem:$0x19000] =	vst v63  }
0x33e: {  	s13 =	sadd.s32 $0x30, s12;
	s0 =	simm.s32 $0x13418  }
0x33f: {  	[hbm4b:s13+s3] =	stream.linear.scatter [tilespmem:s0], [sflag:$0x3], $0x80, $0x38;
	[tilespmem:$0x19000] =	vst v63  }
0x340: {  	s13 =	sadd.s32 $0x40, s12;
	s0 =	simm.s32 $0x134A0  }
0x341: {  	[hbm4b:s13+s3] =	stream.linear.scatter [tilespmem:s0], [sflag:$0x3], $0x80, $0x38;
	[tilespmem:$0x19000] =	vst v63  }
0x342: {  	s13 =	sadd.s32 $0x50, s12;
	s0 =	simm.s32 $0x13528  }
0x343: {  	[hbm4b:s13+s3] =	stream.linear.scatter [tilespmem:s0], [sflag:$0x3], $0x80, $0x38;
	[tilespmem:$0x19000] =	vst v63  }
0x344: {  	s13 =	sadd.s32 $0x60, s12;
	s0 =	simm.s32 $0x135B0  }
0x345: {  	[hbm4b:s13+s3] =	stream.linear.scatter [tilespmem:s0], [sflag:$0x3], $0x80, $0x38;
	[tilespmem:$0x19000] =	vst v63  }
0x346: {  	s12 =	sadd.s32 $0x70, s12;
	s13 =	simm.s32 $0x13638  }
0x347: {  	[hbm4b:s12+s3] =	stream.linear.scatter [tilespmem:s13], [sflag:$0x3], $0x80, $0x38;
	[tilespmem:$0x19000] =	vst v63  }
0x348: {  	s12 =	sadd.s32 s25, s7;
	s13 =	simm.s32 $0x136C0  }
0x349: {  	[hbm4b:s12+s3] =	stream.linear.scatter [tilespmem:s13], [sflag:$0x3], $0x80, $0x38;
	[tilespmem:$0x19000] =	vst v63  }
0x34a: {  	s0 =	simm.s32 $0x13748;
	s13 =	sadd.s32 $0x10, s12  }
0x34b: {  	[hbm4b:s13+s3] =	stream.linear.scatter [tilespmem:s0], [sflag:$0x3], $0x80, $0x38;
	[tilespmem:$0x19000] =	vst v63  }
0x34c: {  	s13 =	sadd.s32 $0x20, s12;
	s0 =	simm.s32 $0x137D0  }
0x34d: {  	[hbm4b:s13+s3] =	stream.linear.scatter [tilespmem:s0], [sflag:$0x3], $0x80, $0x38;
	[tilespmem:$0x19000] =	vst v63  }
0x34e: {  	s13 =	sadd.s32 $0x30, s12;
	s0 =	simm.s32 $0x13858  }
0x34f: {  	[hbm4b:s13+s3] =	stream.linear.scatter [tilespmem:s0], [sflag:$0x3], $0x80, $0x38;
	[tilespmem:$0x19000] =	vst v63  }
0x350: {  	s13 =	sadd.s32 $0x40, s12;
	s0 =	simm.s32 $0x138E0  }
0x351: {  	[hbm4b:s13+s3] =	stream.linear.scatter [tilespmem:s0], [sflag:$0x3], $0x80, $0x38;
	[tilespmem:$0x19000] =	vst v63  }
0x352: {  	s13 =	sadd.s32 $0x50, s12;
	s0 =	simm.s32 $0x13968  }
0x353: {  	[hbm4b:s13+s3] =	stream.linear.scatter [tilespmem:s0], [sflag:$0x3], $0x80, $0x38;
	[tilespmem:$0x19000] =	vst v63  }
0x354: {  	s13 =	sadd.s32 $0x60, s12;
	s0 =	simm.s32 $0x139F0  }
0x355: {  	[hbm4b:s13+s3] =	stream.linear.scatter [tilespmem:s0], [sflag:$0x3], $0x80, $0x38;
	[tilespmem:$0x19000] =	vst v63  }
0x356: {  	s12 =	sadd.s32 $0x70, s12;
	s13 =	simm.s32 $0x13A78  }
0x357: {  	[hbm4b:s12+s3] =	stream.linear.scatter [tilespmem:s13], [sflag:$0x3], $0x80, $0x38;
	[tilespmem:$0x19000] =	vst v63  }
0x358: {  	s12 =	sadd.s32 s26, s7;
	s13 =	simm.s32 $0x13B00  }
0x359: {  	[hbm4b:s12+s3] =	stream.linear.scatter [tilespmem:s13], [sflag:$0x3], $0x80, $0x38;
	[tilespmem:$0x19000] =	vst v63  }
0x35a: {  	s0 =	simm.s32 $0x13B88;
	s13 =	sadd.s32 $0x10, s12  }
0x35b: {  	[hbm4b:s13+s3] =	stream.linear.scatter [tilespmem:s0], [sflag:$0x3], $0x80, $0x38;
	[tilespmem:$0x19000] =	vst v63  }
0x35c: {  	s13 =	sadd.s32 $0x20, s12;
	s0 =	simm.s32 $0x13C10  }
0x35d: {  	[hbm4b:s13+s3] =	stream.linear.scatter [tilespmem:s0], [sflag:$0x3], $0x80, $0x38;
	[tilespmem:$0x19000] =	vst v63  }
0x35e: {  	s13 =	sadd.s32 $0x30, s12;
	s0 =	simm.s32 $0x13C98  }
0x35f: {  	[hbm4b:s13+s3] =	stream.linear.scatter [tilespmem:s0], [sflag:$0x3], $0x80, $0x38;
	[tilespmem:$0x19000] =	vst v63  }
0x360: {  	s13 =	sadd.s32 $0x40, s12;
	s0 =	simm.s32 $0x13D20  }
0x361: {  	[hbm4b:s13+s3] =	stream.linear.scatter [tilespmem:s0], [sflag:$0x3], $0x80, $0x38;
	[tilespmem:$0x19000] =	vst v63  }
0x362: {  	s13 =	sadd.s32 $0x50, s12;
	s0 =	simm.s32 $0x13DA8  }
0x363: {  	[hbm4b:s13+s3] =	stream.linear.scatter [tilespmem:s0], [sflag:$0x3], $0x80, $0x38;
	[tilespmem:$0x19000] =	vst v63  }
0x364: {  	s13 =	sadd.s32 $0x60, s12;
	s0 =	simm.s32 $0x13E30  }
0x365: {  	[hbm4b:s13+s3] =	stream.linear.scatter [tilespmem:s0], [sflag:$0x3], $0x80, $0x38;
	[tilespmem:$0x19000] =	vst v63  }
0x366: {  	s12 =	sadd.s32 $0x70, s12;
	s13 =	simm.s32 $0x13EB8  }
0x367: {  	[hbm4b:s12+s3] =	stream.linear.scatter [tilespmem:s13], [sflag:$0x3], $0x80, $0x38;
	[tilespmem:$0x19000] =	vst v63  }
0x368: {  	s12 =	sadd.s32 s28, s7;
	s13 =	simm.s32 $0x13F40  }
0x369: {  	[hbm4b:s12+s3] =	stream.linear.scatter [tilespmem:s13], [sflag:$0x3], $0x80, $0x38;
	[tilespmem:$0x19000] =	vst v63  }
0x36a: {  	s0 =	simm.s32 $0x13FC8;
	s13 =	sadd.s32 $0x10, s12  }
0x36b: {  	[hbm4b:s13+s3] =	stream.linear.scatter [tilespmem:s0], [sflag:$0x3], $0x80, $0x38;
	[tilespmem:$0x19000] =	vst v63  }
0x36c: {  	s13 =	sadd.s32 $0x20, s12;
	s0 =	simm.s32 $0x14050  }
0x36d: {  	[hbm4b:s13+s3] =	stream.linear.scatter [tilespmem:s0], [sflag:$0x3], $0x80, $0x38;
	[tilespmem:$0x19000] =	vst v63  }
0x36e: {  	s13 =	sadd.s32 $0x30, s12;
	s0 =	simm.s32 $0x140D8  }
0x36f: {  	[hbm4b:s13+s3] =	stream.linear.scatter [tilespmem:s0], [sflag:$0x3], $0x80, $0x38;
	[tilespmem:$0x19000] =	vst v63  }
0x370: {  	s13 =	sadd.s32 $0x40, s12;
	s0 =	simm.s32 $0x14160  }
0x371: {  	[hbm4b:s13+s3] =	stream.linear.scatter [tilespmem:s0], [sflag:$0x3], $0x80, $0x38;
	[tilespmem:$0x19000] =	vst v63  }
0x372: {  	s13 =	sadd.s32 $0x50, s12;
	s0 =	simm.s32 $0x141E8  }
0x373: {  	[hbm4b:s13+s3] =	stream.linear.scatter [tilespmem:s0], [sflag:$0x3], $0x80, $0x38;
	[tilespmem:$0x19000] =	vst v63  }
0x374: {  	s13 =	sadd.s32 $0x60, s12;
	s0 =	simm.s32 $0x14270  }
0x375: {  	[hbm4b:s13+s3] =	stream.linear.scatter [tilespmem:s0], [sflag:$0x3], $0x80, $0x38;
	[tilespmem:$0x19000] =	vst v63  }
0x376: {  	s12 =	sadd.s32 $0x70, s12;
	s13 =	simm.s32 $0x142F8  }
0x377: {  	[hbm4b:s12+s3] =	stream.linear.scatter [tilespmem:s13], [sflag:$0x3], $0x80, $0x38;
	[tilespmem:$0x19000] =	vst v63  }
0x378: {  	s12 =	sadd.s32 s6, s7;
	s13 =	simm.s32 $0x14380  }
0x379: {  	[hbm4b:s12+s3] =	stream.linear.scatter [tilespmem:s13], [sflag:$0x3], $0x80, $0x38;
	[tilespmem:$0x19000] =	vst v63  }
0x37a: {  	s0 =	simm.s32 $0x14408;
	s13 =	sadd.s32 $0x10, s12  }
0x37b: {  	[hbm4b:s13+s3] =	stream.linear.scatter [tilespmem:s0], [sflag:$0x3], $0x80, $0x38;
	[tilespmem:$0x19000] =	vst v63  }
0x37c: {  	s13 =	sadd.s32 $0x20, s12;
	s0 =	simm.s32 $0x14490  }
0x37d: {  	[hbm4b:s13+s3] =	stream.linear.scatter [tilespmem:s0], [sflag:$0x3], $0x80, $0x38;
	[tilespmem:$0x19000] =	vst v63  }
0x37e: {  	s13 =	sadd.s32 $0x30, s12;
	s0 =	simm.s32 $0x14518  }
0x37f: {  	[hbm4b:s13+s3] =	stream.linear.scatter [tilespmem:s0], [sflag:$0x3], $0x80, $0x38;
	[tilespmem:$0x19000] =	vst v63  }
0x380: {  	s13 =	sadd.s32 $0x40, s12;
	s0 =	simm.s32 $0x145A0  }
0x381: {  	[hbm4b:s13+s3] =	stream.linear.scatter [tilespmem:s0], [sflag:$0x3], $0x80, $0x38;
	[tilespmem:$0x19000] =	vst v63  }
0x382: {  	s13 =	sadd.s32 $0x50, s12;
	s0 =	simm.s32 $0x14628  }
0x383: {  	[hbm4b:s13+s3] =	stream.linear.scatter [tilespmem:s0], [sflag:$0x3], $0x80, $0x38;
	[tilespmem:$0x19000] =	vst v63  }
0x384: {  	s13 =	sadd.s32 $0x60, s12;
	s0 =	simm.s32 $0x146B0  }
0x385: {  	[hbm4b:s13+s3] =	stream.linear.scatter [tilespmem:s0], [sflag:$0x3], $0x80, $0x38;
	[tilespmem:$0x19000] =	vst v63  }
0x386: {  	s12 =	sadd.s32 $0x70, s12;
	s13 =	simm.s32 $0x14738  }
0x387: {  	[hbm4b:s12+s3] =	stream.linear.scatter [tilespmem:s13], [sflag:$0x3], $0x80, $0x38;
	[tilespmem:$0x19000] =	vst v63  }
0x388: {  	s12 =	sadd.s32 s10, s7;
	s13 =	simm.s32 $0x147C0  }
0x389: {  	[hbm4b:s12+s3] =	stream.linear.scatter [tilespmem:s13], [sflag:$0x3], $0x80, $0x38;
	[tilespmem:$0x19000] =	vst v63  }
0x38a: {  	s0 =	simm.s32 $0x14848;
	s13 =	sadd.s32 $0x10, s12  }
0x38b: {  	[hbm4b:s13+s3] =	stream.linear.scatter [tilespmem:s0], [sflag:$0x3], $0x80, $0x38;
	[tilespmem:$0x19000] =	vst v63  }
0x38c: {  	s13 =	sadd.s32 $0x20, s12;
	s0 =	simm.s32 $0x148D0  }
0x38d: {  	[hbm4b:s13+s3] =	stream.linear.scatter [tilespmem:s0], [sflag:$0x3], $0x80, $0x38;
	[tilespmem:$0x19000] =	vst v63  }
0x38e: {  	s13 =	sadd.s32 $0x30, s12;
	s0 =	simm.s32 $0x14958  }
0x38f: {  	[hbm4b:s13+s3] =	stream.linear.scatter [tilespmem:s0], [sflag:$0x3], $0x80, $0x38;
	[tilespmem:$0x19000] =	vst v63  }
0x390: {  	s13 =	sadd.s32 $0x40, s12;
	s0 =	simm.s32 $0x149E0  }
0x391: {  	[hbm4b:s13+s3] =	stream.linear.scatter [tilespmem:s0], [sflag:$0x3], $0x80, $0x38;
	[tilespmem:$0x19000] =	vst v63  }
0x392: {  	s13 =	sadd.s32 $0x50, s12;
	s0 =	simm.s32 $0x14A68  }
0x393: {  	[hbm4b:s13+s3] =	stream.linear.scatter [tilespmem:s0], [sflag:$0x3], $0x80, $0x38;
	[tilespmem:$0x19000] =	vst v63  }
0x394: {  	s13 =	sadd.s32 $0x60, s12;
	s0 =	simm.s32 $0x14AF0  }
0x395: {  	[hbm4b:s13+s3] =	stream.linear.scatter [tilespmem:s0], [sflag:$0x3], $0x80, $0x38;
	[tilespmem:$0x19000] =	vst v63  }
0x396: {  	s12 =	sadd.s32 $0x70, s12;
	s13 =	simm.s32 $0x14B78  }
0x397: {  	[hbm4b:s12+s3] =	stream.linear.scatter [tilespmem:s13], [sflag:$0x3], $0x80, $0x38;
	[tilespmem:$0x19000] =	vst v63  }
0x398: {  	s12 =	sadd.s32 s22, s8;
	s13 =	simm.s32 $0x14C00  }
0x399: {  	[hbm4b:s12+s3] =	stream.linear.scatter [tilespmem:s13], [sflag:$0x3], $0x80, $0x38;
	[tilespmem:$0x19000] =	vst v63  }
0x39a: {  	s0 =	simm.s32 $0x14C88;
	s13 =	sadd.s32 $0x10, s12  }
0x39b: {  	[hbm4b:s13+s3] =	stream.linear.scatter [tilespmem:s0], [sflag:$0x3], $0x80, $0x38;
	[tilespmem:$0x19000] =	vst v63  }
0x39c: {  	s13 =	sadd.s32 $0x20, s12;
	s0 =	simm.s32 $0x14D10  }
0x39d: {  	[hbm4b:s13+s3] =	stream.linear.scatter [tilespmem:s0], [sflag:$0x3], $0x80, $0x38;
	[tilespmem:$0x19000] =	vst v63  }
0x39e: {  	s13 =	sadd.s32 $0x30, s12;
	s0 =	simm.s32 $0x14D98  }
0x39f: {  	[hbm4b:s13+s3] =	stream.linear.scatter [tilespmem:s0], [sflag:$0x3], $0x80, $0x38;
	[tilespmem:$0x19000] =	vst v63  }
0x3a0: {  	s13 =	sadd.s32 $0x40, s12;
	s0 =	simm.s32 $0x14E20  }
0x3a1: {  	[hbm4b:s13+s3] =	stream.linear.scatter [tilespmem:s0], [sflag:$0x3], $0x80, $0x38;
	[tilespmem:$0x19000] =	vst v63  }
0x3a2: {  	s13 =	sadd.s32 $0x50, s12;
	s0 =	simm.s32 $0x14EA8  }
0x3a3: {  	[hbm4b:s13+s3] =	stream.linear.scatter [tilespmem:s0], [sflag:$0x3], $0x80, $0x38;
	[tilespmem:$0x19000] =	vst v63  }
0x3a4: {  	s13 =	sadd.s32 $0x60, s12;
	s0 =	simm.s32 $0x14F30  }
0x3a5: {  	[hbm4b:s13+s3] =	stream.linear.scatter [tilespmem:s0], [sflag:$0x3], $0x80, $0x38;
	[tilespmem:$0x19000] =	vst v63  }
0x3a6: {  	s12 =	sadd.s32 $0x70, s12;
	s13 =	simm.s32 $0x14FB8  }
0x3a7: {  	[hbm4b:s12+s3] =	stream.linear.scatter [tilespmem:s13], [sflag:$0x3], $0x80, $0x38;
	[tilespmem:$0x19000] =	vst v63  }
0x3a8: {  	s12 =	sadd.s32 s23, s8;
	s13 =	simm.s32 $0x15040  }
0x3a9: {  	[hbm4b:s12+s3] =	stream.linear.scatter [tilespmem:s13], [sflag:$0x3], $0x80, $0x38;
	[tilespmem:$0x19000] =	vst v63  }
0x3aa: {  	s0 =	simm.s32 $0x150C8;
	s13 =	sadd.s32 $0x10, s12  }
0x3ab: {  	[hbm4b:s13+s3] =	stream.linear.scatter [tilespmem:s0], [sflag:$0x3], $0x80, $0x38;
	[tilespmem:$0x19000] =	vst v63  }
0x3ac: {  	s13 =	sadd.s32 $0x20, s12;
	s0 =	simm.s32 $0x15150  }
0x3ad: {  	[hbm4b:s13+s3] =	stream.linear.scatter [tilespmem:s0], [sflag:$0x3], $0x80, $0x38;
	[tilespmem:$0x19000] =	vst v63  }
0x3ae: {  	s13 =	sadd.s32 $0x30, s12;
	s0 =	simm.s32 $0x151D8  }
0x3af: {  	[hbm4b:s13+s3] =	stream.linear.scatter [tilespmem:s0], [sflag:$0x3], $0x80, $0x38;
	[tilespmem:$0x19000] =	vst v63  }
0x3b0: {  	s13 =	sadd.s32 $0x40, s12;
	s0 =	simm.s32 $0x15260  }
0x3b1: {  	[hbm4b:s13+s3] =	stream.linear.scatter [tilespmem:s0], [sflag:$0x3], $0x80, $0x38;
	[tilespmem:$0x19000] =	vst v63  }
0x3b2: {  	s13 =	sadd.s32 $0x50, s12;
	s0 =	simm.s32 $0x152E8  }
0x3b3: {  	[hbm4b:s13+s3] =	stream.linear.scatter [tilespmem:s0], [sflag:$0x3], $0x80, $0x38;
	[tilespmem:$0x19000] =	vst v63  }
0x3b4: {  	s13 =	sadd.s32 $0x60, s12;
	s0 =	simm.s32 $0x15370  }
0x3b5: {  	[hbm4b:s13+s3] =	stream.linear.scatter [tilespmem:s0], [sflag:$0x3], $0x80, $0x38;
	[tilespmem:$0x19000] =	vst v63  }
0x3b6: {  	s12 =	sadd.s32 $0x70, s12;
	s13 =	simm.s32 $0x153F8  }
0x3b7: {  	[hbm4b:s12+s3] =	stream.linear.scatter [tilespmem:s13], [sflag:$0x3], $0x80, $0x38;
	[tilespmem:$0x19000] =	vst v63  }
0x3b8: {  	s12 =	sadd.s32 s24, s8;
	s13 =	simm.s32 $0x15480  }
0x3b9: {  	[hbm4b:s12+s3] =	stream.linear.scatter [tilespmem:s13], [sflag:$0x3], $0x80, $0x38;
	[tilespmem:$0x19000] =	vst v63  }
0x3ba: {  	s0 =	simm.s32 $0x15508;
	s13 =	sadd.s32 $0x10, s12  }
0x3bb: {  	[hbm4b:s13+s3] =	stream.linear.scatter [tilespmem:s0], [sflag:$0x3], $0x80, $0x38;
	[tilespmem:$0x19000] =	vst v63  }
0x3bc: {  	s13 =	sadd.s32 $0x20, s12;
	s0 =	simm.s32 $0x15590  }
0x3bd: {  	[hbm4b:s13+s3] =	stream.linear.scatter [tilespmem:s0], [sflag:$0x3], $0x80, $0x38;
	[tilespmem:$0x19000] =	vst v63  }
0x3be: {  	s13 =	sadd.s32 $0x30, s12;
	s0 =	simm.s32 $0x15618  }
0x3bf: {  	[hbm4b:s13+s3] =	stream.linear.scatter [tilespmem:s0], [sflag:$0x3], $0x80, $0x38;
	[tilespmem:$0x19000] =	vst v63  }
0x3c0: {  	s13 =	sadd.s32 $0x40, s12;
	s0 =	simm.s32 $0x156A0  }
0x3c1: {  	[hbm4b:s13+s3] =	stream.linear.scatter [tilespmem:s0], [sflag:$0x3], $0x80, $0x38;
	[tilespmem:$0x19000] =	vst v63  }
0x3c2: {  	s13 =	sadd.s32 $0x50, s12;
	s0 =	simm.s32 $0x15728  }
0x3c3: {  	[hbm4b:s13+s3] =	stream.linear.scatter [tilespmem:s0], [sflag:$0x3], $0x80, $0x38;
	[tilespmem:$0x19000] =	vst v63  }
0x3c4: {  	s13 =	sadd.s32 $0x60, s12;
	s0 =	simm.s32 $0x157B0  }
0x3c5: {  	[hbm4b:s13+s3] =	stream.linear.scatter [tilespmem:s0], [sflag:$0x3], $0x80, $0x38;
	[tilespmem:$0x19000] =	vst v63  }
0x3c6: {  	s12 =	sadd.s32 $0x70, s12;
	s13 =	simm.s32 $0x15838  }
0x3c7: {  	[hbm4b:s12+s3] =	stream.linear.scatter [tilespmem:s13], [sflag:$0x3], $0x80, $0x38;
	[tilespmem:$0x19000] =	vst v63  }
0x3c8: {  	s12 =	sadd.s32 s25, s8;
	s13 =	simm.s32 $0x158C0  }
0x3c9: {  	[hbm4b:s12+s3] =	stream.linear.scatter [tilespmem:s13], [sflag:$0x3], $0x80, $0x38;
	[tilespmem:$0x19000] =	vst v63  }
0x3ca: {  	s0 =	simm.s32 $0x15948;
	s13 =	sadd.s32 $0x10, s12  }
0x3cb: {  	[hbm4b:s13+s3] =	stream.linear.scatter [tilespmem:s0], [sflag:$0x3], $0x80, $0x38;
	[tilespmem:$0x19000] =	vst v63  }
0x3cc: {  	s13 =	sadd.s32 $0x20, s12;
	s0 =	simm.s32 $0x159D0  }
0x3cd: {  	[hbm4b:s13+s3] =	stream.linear.scatter [tilespmem:s0], [sflag:$0x3], $0x80, $0x38;
	[tilespmem:$0x19000] =	vst v63  }
0x3ce: {  	s13 =	sadd.s32 $0x30, s12;
	s0 =	simm.s32 $0x15A58  }
0x3cf: {  	[hbm4b:s13+s3] =	stream.linear.scatter [tilespmem:s0], [sflag:$0x3], $0x80, $0x38;
	[tilespmem:$0x19000] =	vst v63  }
0x3d0: {  	s13 =	sadd.s32 $0x40, s12;
	s0 =	simm.s32 $0x15AE0  }
0x3d1: {  	[hbm4b:s13+s3] =	stream.linear.scatter [tilespmem:s0], [sflag:$0x3], $0x80, $0x38;
	[tilespmem:$0x19000] =	vst v63  }
0x3d2: {  	s13 =	sadd.s32 $0x50, s12;
	s0 =	simm.s32 $0x15B68  }
0x3d3: {  	[hbm4b:s13+s3] =	stream.linear.scatter [tilespmem:s0], [sflag:$0x3], $0x80, $0x38;
	[tilespmem:$0x19000] =	vst v63  }
0x3d4: {  	s13 =	sadd.s32 $0x60, s12;
	s0 =	simm.s32 $0x15BF0  }
0x3d5: {  	[hbm4b:s13+s3] =	stream.linear.scatter [tilespmem:s0], [sflag:$0x3], $0x80, $0x38;
	[tilespmem:$0x19000] =	vst v63  }
0x3d6: {  	s12 =	sadd.s32 $0x70, s12;
	s13 =	simm.s32 $0x15C78  }
0x3d7: {  	[hbm4b:s12+s3] =	stream.linear.scatter [tilespmem:s13], [sflag:$0x3], $0x80, $0x38;
	[tilespmem:$0x19000] =	vst v63  }
0x3d8: {  	s12 =	sadd.s32 s26, s8;
	s13 =	simm.s32 $0x15D00  }
0x3d9: {  	[hbm4b:s12+s3] =	stream.linear.scatter [tilespmem:s13], [sflag:$0x3], $0x80, $0x38;
	[tilespmem:$0x19000] =	vst v63  }
0x3da: {  	s0 =	simm.s32 $0x15D88;
	s13 =	sadd.s32 $0x10, s12  }
0x3db: {  	[hbm4b:s13+s3] =	stream.linear.scatter [tilespmem:s0], [sflag:$0x3], $0x80, $0x38;
	[tilespmem:$0x19000] =	vst v63  }
0x3dc: {  	s13 =	sadd.s32 $0x20, s12;
	s0 =	simm.s32 $0x15E10  }
0x3dd: {  	[hbm4b:s13+s3] =	stream.linear.scatter [tilespmem:s0], [sflag:$0x3], $0x80, $0x38;
	[tilespmem:$0x19000] =	vst v63  }
0x3de: {  	s13 =	sadd.s32 $0x30, s12;
	s0 =	simm.s32 $0x15E98  }
0x3df: {  	[hbm4b:s13+s3] =	stream.linear.scatter [tilespmem:s0], [sflag:$0x3], $0x80, $0x38;
	[tilespmem:$0x19000] =	vst v63  }
0x3e0: {  	s13 =	sadd.s32 $0x40, s12;
	s0 =	simm.s32 $0x15F20  }
0x3e1: {  	[hbm4b:s13+s3] =	stream.linear.scatter [tilespmem:s0], [sflag:$0x3], $0x80, $0x38;
	[tilespmem:$0x19000] =	vst v63  }
0x3e2: {  	s13 =	sadd.s32 $0x50, s12;
	s0 =	simm.s32 $0x15FA8  }
0x3e3: {  	[hbm4b:s13+s3] =	stream.linear.scatter [tilespmem:s0], [sflag:$0x3], $0x80, $0x38;
	[tilespmem:$0x19000] =	vst v63  }
0x3e4: {  	s13 =	sadd.s32 $0x60, s12;
	s0 =	simm.s32 $0x16030  }
0x3e5: {  	[hbm4b:s13+s3] =	stream.linear.scatter [tilespmem:s0], [sflag:$0x3], $0x80, $0x38;
	[tilespmem:$0x19000] =	vst v63  }
0x3e6: {  	s12 =	sadd.s32 $0x70, s12;
	s13 =	simm.s32 $0x160B8  }
0x3e7: {  	[hbm4b:s12+s3] =	stream.linear.scatter [tilespmem:s13], [sflag:$0x3], $0x80, $0x38;
	[tilespmem:$0x19000] =	vst v63  }
0x3e8: {  	s12 =	sadd.s32 s28, s8;
	s13 =	simm.s32 $0x16140  }
0x3e9: {  	[hbm4b:s12+s3] =	stream.linear.scatter [tilespmem:s13], [sflag:$0x3], $0x80, $0x38;
	[tilespmem:$0x19000] =	vst v63  }
0x3ea: {  	s0 =	simm.s32 $0x161C8;
	s13 =	sadd.s32 $0x10, s12  }
0x3eb: {  	[hbm4b:s13+s3] =	stream.linear.scatter [tilespmem:s0], [sflag:$0x3], $0x80, $0x38;
	[tilespmem:$0x19000] =	vst v63  }
0x3ec: {  	s13 =	sadd.s32 $0x20, s12;
	s0 =	simm.s32 $0x16250  }
0x3ed: {  	[hbm4b:s13+s3] =	stream.linear.scatter [tilespmem:s0], [sflag:$0x3], $0x80, $0x38;
	[tilespmem:$0x19000] =	vst v63  }
0x3ee: {  	s13 =	sadd.s32 $0x30, s12;
	s0 =	simm.s32 $0x162D8  }
0x3ef: {  	[hbm4b:s13+s3] =	stream.linear.scatter [tilespmem:s0], [sflag:$0x3], $0x80, $0x38;
	[tilespmem:$0x19000] =	vst v63  }
0x3f0: {  	s13 =	sadd.s32 $0x40, s12;
	s0 =	simm.s32 $0x16360  }
0x3f1: {  	[hbm4b:s13+s3] =	stream.linear.scatter [tilespmem:s0], [sflag:$0x3], $0x80, $0x38;
	[tilespmem:$0x19000] =	vst v63  }
0x3f2: {  	s13 =	sadd.s32 $0x50, s12;
	s0 =	simm.s32 $0x163E8  }
0x3f3: {  	[hbm4b:s13+s3] =	stream.linear.scatter [tilespmem:s0], [sflag:$0x3], $0x80, $0x38;
	[tilespmem:$0x19000] =	vst v63  }
0x3f4: {  	s13 =	sadd.s32 $0x60, s12;
	s0 =	simm.s32 $0x16470  }
0x3f5: {  	[hbm4b:s13+s3] =	stream.linear.scatter [tilespmem:s0], [sflag:$0x3], $0x80, $0x38;
	[tilespmem:$0x19000] =	vst v63  }
0x3f6: {  	s12 =	sadd.s32 $0x70, s12;
	s13 =	simm.s32 $0x164F8  }
0x3f7: {  	[hbm4b:s12+s3] =	stream.linear.scatter [tilespmem:s13], [sflag:$0x3], $0x80, $0x38;
	[tilespmem:$0x19000] =	vst v63  }
0x3f8: {  	s12 =	sadd.s32 s6, s8;
	s13 =	simm.s32 $0x16580  }
0x3f9: {  	[hbm4b:s12+s3] =	stream.linear.scatter [tilespmem:s13], [sflag:$0x3], $0x80, $0x38;
	[tilespmem:$0x19000] =	vst v63  }
0x3fa: {  	s0 =	simm.s32 $0x16608;
	s13 =	sadd.s32 $0x10, s12  }
0x3fb: {  	[hbm4b:s13+s3] =	stream.linear.scatter [tilespmem:s0], [sflag:$0x3], $0x80, $0x38;
	[tilespmem:$0x19000] =	vst v63  }
0x3fc: {  	s13 =	sadd.s32 $0x20, s12;
	s0 =	simm.s32 $0x16690  }
0x3fd: {  	[hbm4b:s13+s3] =	stream.linear.scatter [tilespmem:s0], [sflag:$0x3], $0x80, $0x38;
	[tilespmem:$0x19000] =	vst v63  }
0x3fe: {  	s13 =	sadd.s32 $0x30, s12;
	s0 =	simm.s32 $0x16718  }
0x3ff: {  	[hbm4b:s13+s3] =	stream.linear.scatter [tilespmem:s0], [sflag:$0x3], $0x80, $0x38;
	[tilespmem:$0x19000] =	vst v63  }
0x400: {  	s13 =	sadd.s32 $0x40, s12;
	s0 =	simm.s32 $0x167A0  }
0x401: {  	[hbm4b:s13+s3] =	stream.linear.scatter [tilespmem:s0], [sflag:$0x3], $0x80, $0x38;
	[tilespmem:$0x19000] =	vst v63  }
0x402: {  	s13 =	sadd.s32 $0x50, s12;
	s0 =	simm.s32 $0x16828  }
0x403: {  	[hbm4b:s13+s3] =	stream.linear.scatter [tilespmem:s0], [sflag:$0x3], $0x80, $0x38;
	[tilespmem:$0x19000] =	vst v63  }
0x404: {  	s13 =	sadd.s32 $0x60, s12;
	s0 =	simm.s32 $0x168B0  }
0x405: {  	[hbm4b:s13+s3] =	stream.linear.scatter [tilespmem:s0], [sflag:$0x3], $0x80, $0x38;
	[tilespmem:$0x19000] =	vst v63  }
0x406: {  	s12 =	sadd.s32 $0x70, s12;
	s13 =	simm.s32 $0x16938  }
0x407: {  	[hbm4b:s12+s3] =	stream.linear.scatter [tilespmem:s13], [sflag:$0x3], $0x80, $0x38;
	[tilespmem:$0x19000] =	vst v63  }
0x408: {  	s12 =	sadd.s32 s10, s8;
	s13 =	simm.s32 $0x169C0  }
0x409: {  	[hbm4b:s12+s3] =	stream.linear.scatter [tilespmem:s13], [sflag:$0x3], $0x80, $0x38;
	[tilespmem:$0x19000] =	vst v63  }
0x40a: {  	s0 =	simm.s32 $0x16A48;
	s13 =	sadd.s32 $0x10, s12  }
0x40b: {  	[hbm4b:s13+s3] =	stream.linear.scatter [tilespmem:s0], [sflag:$0x3], $0x80, $0x38;
	[tilespmem:$0x19000] =	vst v63  }
0x40c: {  	s13 =	sadd.s32 $0x20, s12;
	s0 =	simm.s32 $0x16AD0  }
0x40d: {  	[hbm4b:s13+s3] =	stream.linear.scatter [tilespmem:s0], [sflag:$0x3], $0x80, $0x38;
	[tilespmem:$0x19000] =	vst v63  }
0x40e: {  	s13 =	sadd.s32 $0x30, s12;
	s0 =	simm.s32 $0x16B58  }
0x40f: {  	[hbm4b:s13+s3] =	stream.linear.scatter [tilespmem:s0], [sflag:$0x3], $0x80, $0x38;
	[tilespmem:$0x19000] =	vst v63  }
0x410: {  	s13 =	sadd.s32 $0x40, s12;
	s0 =	simm.s32 $0x16BE0  }
0x411: {  	[hbm4b:s13+s3] =	stream.linear.scatter [tilespmem:s0], [sflag:$0x3], $0x80, $0x38;
	[tilespmem:$0x19000] =	vst v63  }
0x412: {  	s13 =	sadd.s32 $0x50, s12;
	s0 =	simm.s32 $0x16C68  }
0x413: {  	[hbm4b:s13+s3] =	stream.linear.scatter [tilespmem:s0], [sflag:$0x3], $0x80, $0x38;
	[tilespmem:$0x19000] =	vst v63  }
0x414: {  	s13 =	sadd.s32 $0x60, s12;
	s0 =	simm.s32 $0x16CF0  }
0x415: {  	[hbm4b:s13+s3] =	stream.linear.scatter [tilespmem:s0], [sflag:$0x3], $0x80, $0x38;
	[tilespmem:$0x19000] =	vst v63  }
0x416: {  	s12 =	sadd.s32 $0x70, s12;
	s13 =	simm.s32 $0x16D78  }
0x417: {  	[hbm4b:s12+s3] =	stream.linear.scatter [tilespmem:s13], [sflag:$0x3], $0x80, $0x38;
	[tilespmem:$0x19000] =	vst v63  }
0x418: {  	s12 =	sadd.s32 s22, s9;
	s22 =	simm.s32 $0x16E00  }
0x419: {  	[hbm4b:s12+s3] =	stream.linear.scatter [tilespmem:s22], [sflag:$0x3], $0x80, $0x38;
	[tilespmem:$0x19000] =	vst v63  }
0x41a: {  	s0 =	sadd.s32 $0x10, s12;
	s22 =	simm.s32 $0x16E88  }
0x41b: {  	[hbm4b:s0+s3] =	stream.linear.scatter [tilespmem:s22], [sflag:$0x3], $0x80, $0x38;
	[tilespmem:$0x19000] =	vst v63  }
0x41c: {  	s0 =	sadd.s32 $0x20, s12;
	s22 =	simm.s32 $0x16F10  }
0x41d: {  	[hbm4b:s0+s3] =	stream.linear.scatter [tilespmem:s22], [sflag:$0x3], $0x80, $0x38;
	[tilespmem:$0x19000] =	vst v63  }
0x41e: {  	s0 =	sadd.s32 $0x30, s12;
	s22 =	simm.s32 $0x16F98  }
0x41f: {  	[hbm4b:s0+s3] =	stream.linear.scatter [tilespmem:s22], [sflag:$0x3], $0x80, $0x38;
	[tilespmem:$0x19000] =	vst v63  }
0x420: {  	s0 =	sadd.s32 $0x40, s12;
	s22 =	simm.s32 $0x17020  }
0x421: {  	[hbm4b:s0+s3] =	stream.linear.scatter [tilespmem:s22], [sflag:$0x3], $0x80, $0x38;
	[tilespmem:$0x19000] =	vst v63  }
0x422: {  	s0 =	sadd.s32 $0x50, s12;
	s22 =	simm.s32 $0x170A8  }
0x423: {  	[hbm4b:s0+s3] =	stream.linear.scatter [tilespmem:s22], [sflag:$0x3], $0x80, $0x38;
	[tilespmem:$0x19000] =	vst v63  }
0x424: {  	s0 =	sadd.s32 $0x60, s12;
	s22 =	simm.s32 $0x17130  }
0x425: {  	[hbm4b:s0+s3] =	stream.linear.scatter [tilespmem:s22], [sflag:$0x3], $0x80, $0x38;
	[tilespmem:$0x19000] =	vst v63  }
0x426: {  	s12 =	sadd.s32 $0x70, s12;
	s22 =	simm.s32 $0x171B8  }
0x427: {  	[hbm4b:s12+s3] =	stream.linear.scatter [tilespmem:s22], [sflag:$0x3], $0x80, $0x38;
	[tilespmem:$0x19000] =	vst v63  }
0x428: {  	s13 =	simm.s32 $0x17240;
	s12 =	sadd.s32 s23, s9  }
0x429: {  	[hbm4b:s12+s3] =	stream.linear.scatter [tilespmem:s13], [sflag:$0x3], $0x80, $0x38;
	[tilespmem:$0x19000] =	vst v63  }
0x42a: {  	s23 =	simm.s32 $0x172C8;
	s22 =	sadd.s32 $0x10, s12  }
0x42b: {  	[hbm4b:s22+s3] =	stream.linear.scatter [tilespmem:s23], [sflag:$0x3], $0x80, $0x38;
	[tilespmem:$0x19000] =	vst v63  }
0x42c: {  	s22 =	sadd.s32 $0x20, s12;
	s23 =	simm.s32 $0x17350  }
0x42d: {  	[hbm4b:s22+s3] =	stream.linear.scatter [tilespmem:s23], [sflag:$0x3], $0x80, $0x38;
	[tilespmem:$0x19000] =	vst v63  }
0x42e: {  	s22 =	sadd.s32 $0x30, s12;
	s23 =	simm.s32 $0x173D8  }
0x42f: {  	[hbm4b:s22+s3] =	stream.linear.scatter [tilespmem:s23], [sflag:$0x3], $0x80, $0x38;
	[tilespmem:$0x19000] =	vst v63  }
0x430: {  	s22 =	sadd.s32 $0x40, s12;
	s23 =	simm.s32 $0x17460  }
0x431: {  	[hbm4b:s22+s3] =	stream.linear.scatter [tilespmem:s23], [sflag:$0x3], $0x80, $0x38;
	[tilespmem:$0x19000] =	vst v63  }
0x432: {  	s22 =	sadd.s32 $0x50, s12;
	s23 =	simm.s32 $0x174E8  }
0x433: {  	[hbm4b:s22+s3] =	stream.linear.scatter [tilespmem:s23], [sflag:$0x3], $0x80, $0x38;
	[tilespmem:$0x19000] =	vst v63  }
0x434: {  	s22 =	sadd.s32 $0x60, s12;
	s23 =	simm.s32 $0x17570  }
0x435: {  	[hbm4b:s22+s3] =	stream.linear.scatter [tilespmem:s23], [sflag:$0x3], $0x80, $0x38;
	[tilespmem:$0x19000] =	vst v63  }
0x436: {  	s13 =	simm.s32 $0x175F8;
	s12 =	sadd.s32 $0x70, s12  }
0x437: {  	[hbm4b:s12+s3] =	stream.linear.scatter [tilespmem:s13], [sflag:$0x3], $0x80, $0x38;
	[tilespmem:$0x19000] =	vst v63  }
0x438: {  	s22 =	simm.s32 $0x17680;
	s12 =	sadd.s32 s24, s9  }
0x439: {  	[hbm4b:s12+s3] =	stream.linear.scatter [tilespmem:s22], [sflag:$0x3], $0x80, $0x38;
	[tilespmem:$0x19000] =	vst v63  }
0x43a: {  	s24 =	simm.s32 $0x17708;
	s23 =	sadd.s32 $0x10, s12  }
0x43b: {  	[hbm4b:s23+s3] =	stream.linear.scatter [tilespmem:s24], [sflag:$0x3], $0x80, $0x38;
	[tilespmem:$0x19000] =	vst v63  }
0x43c: {  	s0 =	sadd.s32 $0x20, s12;
	s22 =	simm.s32 $0x17790  }
0x43d: {  	[hbm4b:s0+s3] =	stream.linear.scatter [tilespmem:s22], [sflag:$0x3], $0x80, $0x38;
	[tilespmem:$0x19000] =	vst v63  }
0x43e: {  	s23 =	sadd.s32 $0x30, s12;
	s24 =	simm.s32 $0x17818  }
0x43f: {  	[hbm4b:s23+s3] =	stream.linear.scatter [tilespmem:s24], [sflag:$0x3], $0x80, $0x38;
	[tilespmem:$0x19000] =	vst v63  }
0x440: {  	s0 =	sadd.s32 $0x40, s12;
	s22 =	simm.s32 $0x178A0  }
0x441: {  	[hbm4b:s0+s3] =	stream.linear.scatter [tilespmem:s22], [sflag:$0x3], $0x80, $0x38;
	[tilespmem:$0x19000] =	vst v63  }
0x442: {  	s23 =	sadd.s32 $0x50, s12;
	s24 =	simm.s32 $0x17928  }
0x443: {  	[hbm4b:s23+s3] =	stream.linear.scatter [tilespmem:s24], [sflag:$0x3], $0x80, $0x38;
	[tilespmem:$0x19000] =	vst v63  }
0x444: {  	s22 =	sadd.s32 $0x60, s12;
	s23 =	simm.s32 $0x179B0  }
0x445: {  	[hbm4b:s22+s3] =	stream.linear.scatter [tilespmem:s23], [sflag:$0x3], $0x80, $0x38;
	[tilespmem:$0x19000] =	vst v63  }
0x446: {  	s12 =	sadd.s32 $0x70, s12;
	s24 =	simm.s32 $0x17A38  }
0x447: {  	[hbm4b:s12+s3] =	stream.linear.scatter [tilespmem:s24], [sflag:$0x3], $0x80, $0x38;
	[tilespmem:$0x19000] =	vst v63  }
0x448: {  	s13 =	simm.s32 $0x17AC0;
	s12 =	sadd.s32 s25, s9  }
0x449: {  	[hbm4b:s12+s3] =	stream.linear.scatter [tilespmem:s13], [sflag:$0x3], $0x80, $0x38;
	[tilespmem:$0x19000] =	vst v63  }
0x44a: {  	s23 =	simm.s32 $0x17B48;
	s22 =	sadd.s32 $0x10, s12  }
0x44b: {  	[hbm4b:s22+s3] =	stream.linear.scatter [tilespmem:s23], [sflag:$0x3], $0x80, $0x38;
	[tilespmem:$0x19000] =	vst v63  }
0x44c: {  	s25 =	simm.s32 $0x17BD0;
	s24 =	sadd.s32 $0x20, s12  }
0x44d: {  	[hbm4b:s24+s3] =	stream.linear.scatter [tilespmem:s25], [sflag:$0x3], $0x80, $0x38;
	[tilespmem:$0x19000] =	vst v63  }
0x44e: {  	s22 =	sadd.s32 $0x30, s12;
	s23 =	simm.s32 $0x17C58  }
0x44f: {  	[hbm4b:s22+s3] =	stream.linear.scatter [tilespmem:s23], [sflag:$0x3], $0x80, $0x38;
	[tilespmem:$0x19000] =	vst v63  }
0x450: {  	s24 =	sadd.s32 $0x40, s12;
	s25 =	simm.s32 $0x17CE0  }
0x451: {  	[hbm4b:s24+s3] =	stream.linear.scatter [tilespmem:s25], [sflag:$0x3], $0x80, $0x38;
	[tilespmem:$0x19000] =	vst v63  }
0x452: {  	s22 =	sadd.s32 $0x50, s12;
	s23 =	simm.s32 $0x17D68  }
0x453: {  	[hbm4b:s22+s3] =	stream.linear.scatter [tilespmem:s23], [sflag:$0x3], $0x80, $0x38;
	[tilespmem:$0x19000] =	vst v63  }
0x454: {  	s24 =	sadd.s32 $0x60, s12;
	s25 =	simm.s32 $0x17DF0  }
0x455: {  	[hbm4b:s24+s3] =	stream.linear.scatter [tilespmem:s25], [sflag:$0x3], $0x80, $0x38;
	[tilespmem:$0x19000] =	vst v63  }
0x456: {  	s13 =	simm.s32 $0x17E78;
	s12 =	sadd.s32 $0x70, s12  }
0x457: {  	[hbm4b:s12+s3] =	stream.linear.scatter [tilespmem:s13], [sflag:$0x3], $0x80, $0x38;
	[tilespmem:$0x19000] =	vst v63  }
0x458: {  	s22 =	simm.s32 $0x17F00;
	s12 =	sadd.s32 s26, s9  }
0x459: {  	[hbm4b:s12+s3] =	stream.linear.scatter [tilespmem:s22], [sflag:$0x3], $0x80, $0x38;
	[tilespmem:$0x19000] =	vst v63  }
0x45a: {  	s24 =	simm.s32 $0x17F88;
	s23 =	sadd.s32 $0x10, s12  }
0x45b: {  	[hbm4b:s23+s3] =	stream.linear.scatter [tilespmem:s24], [sflag:$0x3], $0x80, $0x38;
	[tilespmem:$0x19000] =	vst v63  }
0x45c: {  	s26 =	simm.s32 $0x18010;
	s25 =	sadd.s32 $0x20, s12  }
0x45d: {  	[hbm4b:s25+s3] =	stream.linear.scatter [tilespmem:s26], [sflag:$0x3], $0x80, $0x38;
	[tilespmem:$0x19000] =	vst v63  }
0x45e: {  	s0 =	sadd.s32 $0x30, s12;
	s22 =	simm.s32 $0x18098  }
0x45f: {  	[hbm4b:s0+s3] =	stream.linear.scatter [tilespmem:s22], [sflag:$0x3], $0x80, $0x38;
	[tilespmem:$0x19000] =	vst v63  }
0x460: {  	s23 =	sadd.s32 $0x40, s12;
	s24 =	simm.s32 $0x18120  }
0x461: {  	[hbm4b:s23+s3] =	stream.linear.scatter [tilespmem:s24], [sflag:$0x3], $0x80, $0x38;
	[tilespmem:$0x19000] =	vst v63  }
0x462: {  	s25 =	sadd.s32 $0x50, s12;
	s26 =	simm.s32 $0x181A8  }
0x463: {  	[hbm4b:s25+s3] =	stream.linear.scatter [tilespmem:s26], [sflag:$0x3], $0x80, $0x38;
	[tilespmem:$0x19000] =	vst v63  }
0x464: {  	s22 =	sadd.s32 $0x60, s12;
	s23 =	simm.s32 $0x18230  }
0x465: {  	[hbm4b:s22+s3] =	stream.linear.scatter [tilespmem:s23], [sflag:$0x3], $0x80, $0x38;
	[tilespmem:$0x19000] =	vst v63  }
0x466: {  	s12 =	sadd.s32 $0x70, s12;
	s24 =	simm.s32 $0x182B8  }
0x467: {  	[hbm4b:s12+s3] =	stream.linear.scatter [tilespmem:s24], [sflag:$0x3], $0x80, $0x38;
	[tilespmem:$0x19000] =	vst v63  }
0x468: {  	s25 =	simm.s32 $0x18340;
	s12 =	sadd.s32 s28, s9  }
0x469: {  	[hbm4b:s12+s3] =	stream.linear.scatter [tilespmem:s25], [sflag:$0x3], $0x80, $0x38;
	[tilespmem:$0x19000] =	vst v63  }
0x46a: {  	s28 =	simm.s32 $0x183C8;
	s26 =	sadd.s32 $0x10, s12  }
0x46b: {  	[hbm4b:s26+s3] =	stream.linear.scatter [tilespmem:s28], [sflag:$0x3], $0x80, $0x38;
	[tilespmem:$0x19000] =	vst v63  }
0x46c: {  	s22 =	simm.s32 $0x18450;
	s0 =	sadd.s32 $0x20, s12  }
0x46d: {  	[hbm4b:s0+s3] =	stream.linear.scatter [tilespmem:s22], [sflag:$0x3], $0x80, $0x38;
	[tilespmem:$0x19000] =	vst v63  }
0x46e: {  	s23 =	sadd.s32 $0x30, s12  }
0x46f: {  	[hbm4b:s23+s3] =	stream.linear.scatter [tilespmem:s14], [sflag:$0x3], $0x80, $0x38;
	[tilespmem:$0x19000] =	vst v63  }
0x470: {  	s24 =	sadd.s32 $0x40, s12  }
0x471: {  	[hbm4b:s24+s3] =	stream.linear.scatter [tilespmem:s15], [sflag:$0x3], $0x80, $0x38;
	[tilespmem:$0x19000] =	vst v63  }
0x472: {  	s25 =	sadd.s32 $0x50, s12  }
0x473: {  	[hbm4b:s25+s3] =	stream.linear.scatter [tilespmem:s16], [sflag:$0x3], $0x80, $0x38;
	[tilespmem:$0x19000] =	vst v63  }
0x474: {  	s26 =	sadd.s32 $0x60, s12  }
0x475: {  	[hbm4b:s26+s3] =	stream.linear.scatter [tilespmem:s17], [sflag:$0x3], $0x80, $0x38;
	[tilespmem:$0x19000] =	vst v63  }
0x476: {  	s12 =	sadd.s32 $0x70, s12  }
0x477: {  	[hbm4b:s12+s3] =	stream.linear.scatter [tilespmem:s18], [sflag:$0x3], $0x80, $0x38;
	[tilespmem:$0x19000] =	vst v63  }
0x478: {  	s6 =	sadd.s32 s6, s9;
	s28 =	simm.s32 $0x18780  }
0x479: {  	[hbm4b:s6+s3] =	stream.linear.scatter [tilespmem:s28], [sflag:$0x3], $0x80, $0x38;
	[tilespmem:$0x19000] =	vst v63  }
0x47a: {  	s13 =	simm.s32 $0x18808;
	s0 =	sadd.s32 $0x10, s6  }
0x47b: {  	[hbm4b:s0+s3] =	stream.linear.scatter [tilespmem:s13], [sflag:$0x3], $0x80, $0x38;
	[tilespmem:$0x19000] =	vst v63  }
0x47c: {  	s22 =	sadd.s32 $0x20, s6;
	s23 =	simm.s32 $0x18890  }
0x47d: {  	[hbm4b:s22+s3] =	stream.linear.scatter [tilespmem:s23], [sflag:$0x3], $0x80, $0x38;
	[tilespmem:$0x19000] =	vst v63  }
0x47e: {  	s24 =	sadd.s32 $0x30, s6;
	s25 =	simm.s32 $0x18918  }
0x47f: {  	[hbm4b:s24+s3] =	stream.linear.scatter [tilespmem:s25], [sflag:$0x3], $0x80, $0x38;
	[tilespmem:$0x19000] =	vst v63  }
0x480: {  	s26 =	sadd.s32 $0x40, s6;
	s28 =	simm.s32 $0x189A0  }
0x481: {  	[hbm4b:s26+s3] =	stream.linear.scatter [tilespmem:s28], [sflag:$0x3], $0x80, $0x38;
	[tilespmem:$0x19000] =	vst v63  }
0x482: {  	s13 =	sadd.s32 $0x50, s6;
	s22 =	simm.s32 $0x18A28  }
0x483: {  	[hbm4b:s13+s3] =	stream.linear.scatter [tilespmem:s22], [sflag:$0x3], $0x80, $0x38;
	[tilespmem:$0x19000] =	vst v63  }
0x484: {  	s23 =	sadd.s32 $0x60, s6;
	s24 =	simm.s32 $0x18AB0  }
0x485: {  	[hbm4b:s23+s3] =	stream.linear.scatter [tilespmem:s24], [sflag:$0x3], $0x80, $0x38;
	[tilespmem:$0x19000] =	vst v63  }
0x486: {  	s6 =	sadd.s32 $0x70, s6;
	s25 =	simm.s32 $0x18B38  }
0x487: {  	[hbm4b:s6+s3] =	stream.linear.scatter [tilespmem:s25], [sflag:$0x3], $0x80, $0x38;
	[tilespmem:$0x19000] =	vst v63  }
0x488: {  	s26 =	simm.s32 $0x18BC0;
	s6 =	sadd.s32 s10, s9  }
0x489: {  	[hbm4b:s6+s3] =	stream.linear.scatter [tilespmem:s26], [sflag:$0x3], $0x80, $0x38;
	[tilespmem:$0x19000] =	vst v63  }
0x48a: {  	s28 =	simm.s32 $0x18C48;
	s10 =	sadd.s32 $0x10, s6  }
0x48b: {  	[hbm4b:s10+s3] =	stream.linear.scatter [tilespmem:s28], [sflag:$0x3], $0x80, $0x38;
	[tilespmem:$0x19000] =	vst v63  }
0x48c: {  	s12 =	simm.s32 $0x18CD0;
	s0 =	sadd.s32 $0x20, s6  }
0x48d: {  	[hbm4b:s0+s3] =	stream.linear.scatter [tilespmem:s12], [sflag:$0x3], $0x80, $0x38;
	[tilespmem:$0x19000] =	vst v63  }
0x48e: {  	s22 =	simm.s32 $0x18D58;
	s13 =	sadd.s32 $0x30, s6  }
0x48f: {  	[hbm4b:s13+s3] =	stream.linear.scatter [tilespmem:s22], [sflag:$0x3], $0x80, $0x38;
	[tilespmem:$0x19000] =	vst v63  }
0x490: {  	s24 =	simm.s32 $0x18DE0;
	s23 =	sadd.s32 $0x40, s6  }
0x491: {  	[hbm4b:s23+s3] =	stream.linear.scatter [tilespmem:s24], [sflag:$0x3], $0x80, $0x38;
	[tilespmem:$0x19000] =	vst v63  }
0x492: {  	p1 =	sne.s32 s21, $0x19;
	s25 =	sadd.s32 $0x50, s6;
	s26 =	simm.s32 $0x18E68  }
0x493: {  	[hbm4b:s25+s3] =	stream.linear.scatter [tilespmem:s26], [sflag:$0x3], $0x80, $0x38;
	[tilespmem:$0x19000] =	vst v63  }
.Ltmp5:
0x494: {  	s28 =	sadd.s32 $0x60, s6;
	(pc) =	sbr.rel @p1 .LBB2_2-.Ltmp5, $4  }
0x495: {  	[hbm4b:s28+s3] =	stream.linear.scatter [tilespmem:s19], [sflag:$0x3], $0x80, $0x38;
	[tilespmem:$0x19000] =	vst v63  }
0x496: {  	s6 =	sadd.s32 $0x70, s6  }
0x497: {  	[hbm4b:s6+s3] =	stream.linear.scatter [tilespmem:s20], [sflag:$0x3], $0x80, $0x38;
	[tilespmem:$0x19000] =	vst v63  }
0x498: {  	p0 =	por !p0, !p0;
	s6 =	smov.u32 s21  }
0x499: {  	_ =	swait.ge [sflag:s31], $0x400  }
0x49a: {  	[sflag:s31] =	ssyncset.done $0x0  }
0x49b: {  	[sflag:s31] =	ssyncadd.s32 $0xFFFFFC00  }
0x49c: {  	_ =	swait.ge [sflag:s31], $0x400  }
0x49d: {  	[sflag:s31] =	ssyncset.done $0x0  }
0x49e: {  	[sflag:s31] =	ssyncadd.s32 $0xFFFFFC00  }
0x49f: {  	_ =	swait.ge [sflag:s31], $0x400  }
0x4a0: {  	[sflag:s31] =	ssyncset.done $0x0  }
0x4a1: {  	[sflag:s31] =	ssyncadd.s32 $0xFFFFFC00  }
0x4a2: {  	_ =	swait.ge [sflag:s31], $0x400  }
0x4a3: {  	[sflag:s31] =	ssyncset.done $0x0  }
0x4a4: {  	[sflag:s31] =	ssyncadd.s32 $0xFFFFFC00  }
0x4a5: {  	_ =	swait.ge [sflag:s31], $0x400  }
0x4a6: {  	[sflag:s31] =	ssyncset.done $0x0  }
0x4a7: {  	[sflag:s31] =	ssyncadd.s32 $0xFFFFFC00  }
0x4a8: {  	_ =	swait.ge [sflag:s31], $0x400  }
0x4a9: {  	[sflag:s31] =	ssyncset.done $0x0  }
0x4aa: {  	[sflag:s31] =	ssyncadd.s32 $0xFFFFFC00  }
0x4ab: {  	_ =	swait.ge [sflag:s31], $0x400  }
0x4ac: {  	[sflag:s31] =	ssyncset.done $0x0  }
0x4ad: {  	[sflag:s31] =	ssyncadd.s32 $0xFFFFFC00  }
0x4ae: {  	_ =	swait.ge [sflag:s31], $0x400  }
0x4af: {  	[sflag:s31] =	ssyncset.done $0x0  }
0x4b0: {  	[sflag:s31] =	ssyncadd.s32 $0xFFFFFC00  }
0x4b1: {  	_ =	swait.ge [sflag:s31], $0x400  }
0x4b2: {  	[sflag:s31] =	ssyncset.done $0x0  }
0x4b3: {  	[sflag:s31] =	ssyncadd.s32 $0xFFFFFC00  }
0x4b4: {  	_ =	swait.ge [sflag:s31], $0x400  }
0x4b5: {  	[sflag:s31] =	ssyncset.done $0x0  }
0x4b6: {  	[sflag:s31] =	ssyncadd.s32 $0xFFFFFC00  }
0x4b7: {  	_ =	swait.ge [sflag:s31], $0x400  }
0x4b8: {  	[sflag:s31] =	ssyncset.done $0x0  }
0x4b9: {  	[sflag:s31] =	ssyncadd.s32 $0xFFFFFC00  }
0x4ba: {  	_ =	swait.ge [sflag:s31], $0x400  }
0x4bb: {  	[sflag:s31] =	ssyncset.done $0x0  }
0x4bc: {  	[sflag:s31] =	ssyncadd.s32 $0xFFFFFC00  }
0x4bd: {  	_ =	swait.ge [sflag:s31], $0x400  }
0x4be: {  	[sflag:s31] =	ssyncset.done $0x0  }
0x4bf: {  	[sflag:s31] =	ssyncadd.s32 $0xFFFFFC00  }
0x4c0: {  	_ =	swait.ge [sflag:s31], $0x400  }
0x4c1: {  	[sflag:s31] =	ssyncset.done $0x0  }
0x4c2: {  	[sflag:s31] =	ssyncadd.s32 $0xFFFFFC00  }
0x4c3: {  	_ =	swait.ge [sflag:s31], $0x400  }
0x4c4: {  	[sflag:s31] =	ssyncset.done $0x0  }
0x4c5: {  	[sflag:s31] =	ssyncadd.s32 $0xFFFFFC00  }
0x4c6: {  	_ =	swait.ge [sflag:s31], $0x400  }
0x4c7: {  	[sflag:s31] =	ssyncset.done $0x0  }
0x4c8: {  	[sflag:s31] =	ssyncadd.s32 $0xFFFFFC00  }
0x4c9: {  	_ =	swait.ge [sflag:s31], $0x400  }
0x4ca: {  	[sflag:s31] =	ssyncset.done $0x0  }
0x4cb: {  	[sflag:s31] =	ssyncadd.s32 $0xFFFFFC00  }
0x4cc: {  	_ =	swait.ge [sflag:s31], $0x400  }
0x4cd: {  	[sflag:s31] =	ssyncset.done $0x0  }
0x4ce: {  	[sflag:s31] =	ssyncadd.s32 $0xFFFFFC00  }
0x4cf: {  	_ =	swait.ge [sflag:s31], $0x400  }
0x4d0: {  	[sflag:s31] =	ssyncset.done $0x0  }
0x4d1: {  	[sflag:s31] =	ssyncadd.s32 $0xFFFFFC00  }
0x4d2: {  	_ =	swait.ge [sflag:s31], $0x400  }
0x4d3: {  	[sflag:s31] =	ssyncset.done $0x0  }
0x4d4: {  	[sflag:s31] =	ssyncadd.s32 $0xFFFFFC00  }
0x4d5: {  	_ =	swait.ge [sflag:s31], $0x400  }
0x4d6: {  	[sflag:s31] =	ssyncset.done $0x0  }
0x4d7: {  	[sflag:s31] =	ssyncadd.s32 $0xFFFFFC00  }
0x4d8: {  	_ =	swait.ge [sflag:s31], $0x400  }
0x4d9: {  	[sflag:s31] =	ssyncset.done $0x0  }
0x4da: {  	[sflag:s31] =	ssyncadd.s32 $0xFFFFFC00  }
0x4db: {  	_ =	swait.ge [sflag:s31], $0x400  }
0x4dc: {  	[sflag:s31] =	ssyncset.done $0x0  }
0x4dd: {  	[sflag:s31] =	ssyncadd.s32 $0xFFFFFC00  }
0x4de: {  	_ =	swait.ge [sflag:s31], $0x400  }
0x4df: {  	[sflag:s31] =	ssyncset.done $0x0  }
0x4e0: {  	[sflag:s31] =	ssyncadd.s32 $0xFFFFFC00  }
0x4e1: {  	_ =	swait.ge [sflag:s31], $0x400  }
0x4e2: {  	[sflag:s31] =	ssyncset.done $0x0  }
0x4e3: {  	[sflag:s31] =	ssyncadd.s32 $0xFFFFFC00  }
0x4e4: {  	_ =	swait.ge [sflag:s31], $0x400  }
0x4e5: {  	[sflag:s31] =	ssyncset.done $0x0  }
0x4e6: {  	[sflag:s31] =	ssyncadd.s32 $0xFFFFFC00  }
0x4e7: {  	_ =	swait.ge [sflag:s31], $0x400  }
0x4e8: {  	[sflag:s31] =	ssyncset.done $0x0  }
0x4e9: {  	[sflag:s31] =	ssyncadd.s32 $0xFFFFFC00  }
0x4ea: {  	_ =	swait.ge [sflag:s31], $0x400  }
0x4eb: {  	[sflag:s31] =	ssyncset.done $0x0  }
0x4ec: {  	[sflag:s31] =	ssyncadd.s32 $0xFFFFFC00  }
0x4ed: {  	_ =	swait.ge [sflag:s31], $0x400  }
0x4ee: {  	[sflag:s31] =	ssyncset.done $0x0  }
0x4ef: {  	[sflag:s31] =	ssyncadd.s32 $0xFFFFFC00  }
0x4f0: {  	_ =	swait.ge [sflag:s31], $0x400  }
0x4f1: {  	[sflag:s31] =	ssyncset.done $0x0  }
0x4f2: {  	[sflag:s31] =	ssyncadd.s32 $0xFFFFFC00  }
0x4f3: {  	_ =	swait.ge [sflag:s31], $0x400  }
0x4f4: {  	[sflag:s31] =	ssyncset.done $0x0  }
0x4f5: {  	[sflag:s31] =	ssyncadd.s32 $0xFFFFFC00  }
0x4f6: {  	_ =	swait.ge [sflag:s31], $0x400  }
0x4f7: {  	s0 =	rddreg [dreg:$0x5]  }
0x4f8: {  	s6 =	rddreg [dreg:$0x4];
	s0 =	sadd.s32 $0x1, s0  }
0x4f9: {  	p0 =	sne.s32 s0, s6  }
.Ltmp6:
0x4fa: {  	_ = 	snop;
	(pc) =	sbr.rel @p0 .LBB2_1-.Ltmp6, $3  }
0x4fb: {  	_ =	sdelay $0x1  }
0x4fc: {  	[sflag:s31] =	ssyncset.done $0x0  }
0x4fd: {  	[sflag:s31] =	ssyncadd.s32 $0xFFFFFC00  }
0x4fe: {  	_ =	sfence.sel $0x180000  }
0x4ff: {  	[bflag:$0x0] =	sbarrier.arrive $0xFFFF  }
0x500: {  	_ =	strace $0x90000047  }
0x501: {  	s0 =	stileid.u32;
	[bflag:$0x2] =	sbarrier.arrive $0xFFFF  }
0x502: {  	p0 =	sne.s32 s0, $0x0;
	s0 =	rddreg [dreg:$0x2]  }
0x503: {  	s0 =	sadd.s32 @!p0 $0x100000, s0  }
0x504: {  	[sflag:s0] =	ssyncadd.tile.s32 @!p0 $0x1;
	_ =	shalt  }
.Lfunc_end2:
_tile_overlayer_lowered:
.L_overlay_start_2:
0x505: {  	(tag) =	ssettag $0x2  }
0x506: {  	s0 =	rddreg [dreg:$0x0];
	s2 =	stileid.u32  }
0x507: {  	s1 =	rddreg [dreg:$0x1];
	p0 =	sne.s32 s2, $0x0  }
0x508: {  	s3 =	rddreg [dreg:$0x2];
	[bflag:$0x3] =	sbarrier.arrive $0xFFFF;
	s2 =	simm.s32 @!p0 $0x1C04  }
0x509: {  	[timem:s3], [sflag:s2] =	dma.local @!p0 [hbm:s0], s1  }
0x50a: {  	s0 =	simm.s32 @!p0 $0x4  }
0x50b: {  	_ =	swait.ge @!p0 [sflag:s0], s1  }
0x50c: {  	s1 =	ssub.s32 @!p0 $0x0, s1;
	[sflag:s0] =	ssyncset.done @!p0 $0x0  }
0x50d: {  	[sflag:s0] =	ssyncadd.s32 @!p0 s1  }
0x50e: {  	[bflag:$0x3] =	sbarrier.arrive $0xFFFF  }
0x50f: {  	_ =	shalt  }

</sc_bundles>
